<compile_context>
chip_gen: v7x
topology: tpu7x:2x2x1
jax: 0.10.2.dev20260603
libtpu: 0.0.44.dev20260713+nightly
codegen_flags: <defaults>
</compile_context>

<pallas_src>
import functools

import jax
import jax.numpy as jnp
from jax import lax
from jax.experimental import pallas as pl
from jax.experimental.pallas import tpu as pltpu
from jax.experimental.pallas import tpu_sc as plsc

_N = 10000
_E = 160000
_IN = 256
_H = 512
_OUT = 256

_R = 1000
_G = _N // _R

_NS = 16
_NC = 2
_CHUNK = 128
_PCHUNK = 128
_PROP_CH = 80
_EPAD = _NS * _PROP_CH * _PCHUNK
_DEG_CH = _EPAD // (_NC * _NS * _CHUNK)
_RB = 624
_RL = 640
_NPAD = 10016



def _mesh():
    return plsc.VectorSubcoreMesh(core_axis_name="c", subcore_axis_name="s")


@functools.cache
def _deg():
    @functools.partial(
        pl.kernel,
        out_type=jax.ShapeDtypeStruct((_NC * _N, 128), jnp.float32),
        mesh=_mesh(),
        scratch_types=[
            pltpu.VMEM((_CHUNK,), jnp.int32),
            pltpu.VMEM((_CHUNK, 128), jnp.float32),
            pltpu.VMEM_SHARED((_NPAD, 128), jnp.float32),
        ],
    )
    def deg_kernel(dst_hbm, zeros_hbm, ones_hbm, out_hbm, idx_v, ones_v, deg_sh):
        c = lax.axis_index("c")
        s = lax.axis_index("s")
        r0 = s * _RB
        pltpu.sync_copy(zeros_hbm, deg_sh.at[pl.ds(r0, _RL)])
        pltpu.sync_copy(ones_hbm, ones_v)
        plsc.subcore_barrier()
        base = (c * _NS + s) * (_DEG_CH * _CHUNK)

        def chunk(k, carry):
            b = base + k * _CHUNK
            pltpu.sync_copy(dst_hbm.at[pl.ds(b, _CHUNK)], idx_v)
            pltpu.sync_copy(ones_v, deg_sh.at[idx_v], add=True)
            return carry

        lax.fori_loop(0, _DEG_CH, chunk, 0)
        plsc.subcore_barrier()
        pltpu.sync_copy(deg_sh.at[pl.ds(r0, _RL)],
                        out_hbm.at[pl.ds(c * _N + r0, _RL)])

    return deg_kernel


_NBUF = 2
_HALF = _PROP_CH // 2


@functools.cache
def _prop(n_slices):
    spc = n_slices // _NC

    @functools.partial(
        pl.kernel,
        out_type=jax.ShapeDtypeStruct((n_slices * _N, 128), jnp.float32),
        mesh=_mesh(),
        scratch_types=[
            pltpu.VMEM((_HALF, _PCHUNK), jnp.int32),
            pltpu.VMEM((_HALF, _PCHUNK), jnp.int32),
            pltpu.VMEM((_NBUF, _PCHUNK, 128), jnp.float32),
            pltpu.VMEM_SHARED((_NPAD, 128), jnp.float32),
        ] + [pltpu.SemaphoreType.DMA] * _NBUF,
    )
    def prop(srcadj_hbm, dst_hbm, z_hbm, out_hbm, srcv2, dstv2, rows2,
             acc_sh, *sems):
        c = lax.axis_index("c")
        s = lax.axis_index("s")
        r0 = s * _RB
        for j in range(spc):
            q = c * spc + j
            pltpu.sync_copy(z_hbm.at[pl.ds(q * _N + r0, _RL)],
                            acc_sh.at[pl.ds(r0, _RL)])
            plsc.subcore_barrier()

            for half in range(2):
                ch0 = half * _HALF
                pltpu.sync_copy(
                    srcadj_hbm.at[pl.ds((q * _NS + s) * _PROP_CH + ch0,
                                        _HALF)], srcv2)
                pltpu.sync_copy(
                    dst_hbm.at[pl.ds(s * _PROP_CH + ch0, _HALF)], dstv2)

                def duo(t, carry):
                    k0 = t * _NBUF
                    descs = [
                        pltpu.async_copy(z_hbm.at[srcv2.at[k0 + b]],
                                         rows2.at[b], sems[b])
                        for b in range(_NBUF)
                    ]
                    for b in range(_NBUF):
                        descs[b].wait()
                        pltpu.sync_copy(rows2.at[b],
                                        acc_sh.at[dstv2.at[k0 + b]],
                                        add=True)
                    return carry

                lax.fori_loop(0, _HALF // _NBUF, duo, 0)

            plsc.subcore_barrier()
            pltpu.sync_copy(acc_sh.at[pl.ds(r0, _RL)],
                            out_hbm.at[pl.ds(q * _N + r0, _RL)])
            plsc.subcore_barrier()

    return prop



def _dinv_block(deg_ref):
    d = deg_ref[0, :, 0] + deg_ref[1, :, 0] + 1.0
    return lax.rsqrt(d)


def _pre1_body(x_ref, deg_ref, we_ref, be_ref, wc_ref, out_ref):
    h0 = jnp.dot(x_ref[...], we_ref[...],
                 preferred_element_type=jnp.float32) + be_ref[...]
    z = jnp.dot(h0, wc_ref[...], preferred_element_type=jnp.float32)
    z = z * _dinv_block(deg_ref)[:, None]
    for q in range(4):
        out_ref[q] = z[:, q * 128:(q + 1) * 128]


def _pre1(x, deg3, w_enc, b_enc, wc1):
    return pl.pallas_call(
        _pre1_body,
        grid=(_G,),
        in_specs=[
            pl.BlockSpec((_R, _IN), lambda i: (i, 0)),
            pl.BlockSpec((2, _R, 128), lambda i: (0, i, 0)),
            pl.BlockSpec((_IN, _H), lambda i: (0, 0)),
            pl.BlockSpec((1, _H), lambda i: (0, 0)),
            pl.BlockSpec((_H, _H), lambda i: (0, 0)),
        ],
        out_specs=pl.BlockSpec((4, _R, 128), lambda i: (0, i, 0)),
        out_shape=jax.ShapeDtypeStruct((4, _N, 128), jnp.float32),
    )(x, deg3, w_enc, b_enc, wc1)


def _make_post(n_slices):
    hs = n_slices * 128

    def body(w_ref, deg_ref, b_ref, u_ref, stats_ref, sum_ref, sq_ref):
        i = pl.program_id(0)
        u = jnp.concatenate([w_ref[q] for q in range(n_slices)], axis=1)
        u = u * _dinv_block(deg_ref)[:, None] + b_ref[...]
        u_ref[...] = u

        @pl.when(i == 0)
        def _():
            sum_ref[...] = jnp.zeros_like(sum_ref)
            sq_ref[...] = jnp.zeros_like(sq_ref)

        sum_ref[...] = sum_ref[...] + jnp.sum(u, axis=0, keepdims=True)
        sq_ref[...] = sq_ref[...] + jnp.sum(u * u, axis=0, keepdims=True)

        @pl.when(i == _G - 1)
        def _():
            stats_ref[0:1, :] = sum_ref[...]
            stats_ref[1:2, :] = sq_ref[...]

    def post(w3d, deg3, b):
        return pl.pallas_call(
            body,
            grid=(_G,),
            in_specs=[
                pl.BlockSpec((n_slices, _R, 128), lambda i: (0, i, 0)),
                pl.BlockSpec((2, _R, 128), lambda i: (0, i, 0)),
                pl.BlockSpec((1, hs), lambda i: (0, 0)),
            ],
            out_specs=[
                pl.BlockSpec((_R, hs), lambda i: (i, 0)),
                pl.BlockSpec((2, hs), lambda i: (0, 0)),
            ],
            out_shape=[
                jax.ShapeDtypeStruct((_N, hs), jnp.float32),
                jax.ShapeDtypeStruct((2, hs), jnp.float32),
            ],
            scratch_shapes=[
                pltpu.VMEM((1, hs), jnp.float32),
                pltpu.VMEM((1, hs), jnp.float32),
            ],
        )(w3d, deg3, b)

    return post


_post4 = _make_post(4)
_post2 = _make_post(2)


def _make_pre(h_in, n_slices):

    def body(u_ref, st_ref, g_ref, bt_ref, deg_ref, w_ref, out_ref):
        st = st_ref[...]
        m = st[0:1, :] * (1.0 / _N)
        var = st[1:2, :] * (1.0 / _N) - m * m
        sc = g_ref[...] * lax.rsqrt(var + 1e-5)
        h = jnp.maximum((u_ref[...] - m) * sc + bt_ref[...], 0.0)
        z = jnp.dot(h, w_ref[...], preferred_element_type=jnp.float32)
        z = z * _dinv_block(deg_ref)[:, None]
        for q in range(n_slices):
            out_ref[q] = z[:, q * 128:(q + 1) * 128]

    def pre(u, st, g, bt, deg3, w):
        return pl.pallas_call(
            body,
            grid=(_G,),
            in_specs=[
                pl.BlockSpec((_R, h_in), lambda i: (i, 0)),
                pl.BlockSpec((2, h_in), lambda i: (0, 0)),
                pl.BlockSpec((1, h_in), lambda i: (0, 0)),
                pl.BlockSpec((1, h_in), lambda i: (0, 0)),
                pl.BlockSpec((2, _R, 128), lambda i: (0, i, 0)),
                pl.BlockSpec((h_in, n_slices * 128), lambda i: (0, 0)),
            ],
            out_specs=pl.BlockSpec((n_slices, _R, 128), lambda i: (0, i, 0)),
            out_shape=jax.ShapeDtypeStruct((n_slices, _N, 128), jnp.float32),
        )(u, st, g, bt, deg3, w)

    return pre


_pre2 = _make_pre(_H, 4)
_pre3 = _make_pre(_H, 2)


def _final_body(u_ref, st_ref, g_ref, bt_ref,
                we1_ref, be1_ref, we2t_ref, be2_ref,
                wm1_ref, bm1_ref, wm2t_ref, bm2_ref,
                wf1_ref, bf1_ref, wf2_ref, bf2_ref,
                emb_ref, ge_ref, e_ref, m_ref, f_ref, csum_ref):
    i = pl.program_id(0)
    st = st_ref[...]
    mean = st[0:1, :] * (1.0 / _N)
    var = st[1:2, :] * (1.0 / _N) - mean * mean
    sc = g_ref[...] * lax.rsqrt(var + 1e-5)
    h3 = (u_ref[...] - mean) * sc + bt_ref[...]
    emb_ref[...] = h3

    @pl.when(i == 0)
    def _():
        csum_ref[...] = jnp.zeros_like(csum_ref)

    csum_ref[...] = csum_ref[...] + jnp.sum(h3, axis=0, keepdims=True)

    @pl.when(i == _G - 1)
    def _():
        ge = csum_ref[...] * (1.0 / _N)
        ge_ref[...] = ge
        ae = jnp.maximum(jnp.dot(ge, we1_ref[...],
                                 preferred_element_type=jnp.float32)
                         + be1_ref[...], 0.0)
        e_ref[...] = jax.nn.sigmoid(
            jnp.sum(ae * we2t_ref[...], axis=1, keepdims=True) + be2_ref[...])
        am = jnp.maximum(jnp.dot(ge, wm1_ref[...],
                                 preferred_element_type=jnp.float32)
                         + bm1_ref[...], 0.0)
        m_ref[...] = jax.nn.sigmoid(
            jnp.sum(am * wm2t_ref[...], axis=1, keepdims=True) + bm2_ref[...])
        af = jnp.maximum(jnp.dot(ge, wf1_ref[...],
                                 preferred_element_type=jnp.float32)
                         + bf1_ref[...], 0.0)
        f_ref[...] = jnp.dot(af, wf2_ref[...],
                             preferred_element_type=jnp.float32) + bf2_ref[...]


def _final(u3, st3, g3, bt3, we1, be1, we2t, be2, wm1, bm1, wm2t, bm2,
           wf1, bf1, wf2, bf2):
    hh = _OUT // 2

    def full(shape):
        return pl.BlockSpec(shape, lambda i: tuple(0 for _ in shape))

    return pl.pallas_call(
        _final_body,
        grid=(_G,),
        in_specs=[
            pl.BlockSpec((_R, _OUT), lambda i: (i, 0)),
            full((2, _OUT)), full((1, _OUT)), full((1, _OUT)),
            full((_OUT, hh)), full((1, hh)), full((1, hh)), full((1, 1)),
            full((_OUT, hh)), full((1, hh)), full((1, hh)), full((1, 1)),
            full((_OUT, hh)), full((1, hh)), full((hh, 6)), full((1, 6)),
        ],
        out_specs=[
            pl.BlockSpec((_R, _OUT), lambda i: (i, 0)),
            full((1, _OUT)), full((1, 1)), full((1, 1)), full((1, 6)),
        ],
        out_shape=[
            jax.ShapeDtypeStruct((_N, _OUT), jnp.float32),
            jax.ShapeDtypeStruct((1, _OUT), jnp.float32),
            jax.ShapeDtypeStruct((1, 1), jnp.float32),
            jax.ShapeDtypeStruct((1, 1), jnp.float32),
            jax.ShapeDtypeStruct((1, 6), jnp.float32),
        ],
        scratch_shapes=[pltpu.VMEM((1, _OUT), jnp.float32)],
    )(u3, st3, g3, bt3, we1, be1, we2t, be2, wm1, bm1, wm2t, bm2,
      wf1, bf1, wf2, bf2)



def kernel(x, edge_index, W_enc, b_enc, Wc1, bc1, g1, beta1, Wc2, bc2, g2,
           beta2, Wc3, bc3, g3, beta3, We1, be1, We2, be2, Wm1, bm1, Wm2,
           bm2, Wf1, bf1, Wf2, bf2):
    pad = _EPAD - _E
    src_p = jnp.concatenate([edge_index[0], jnp.zeros((pad,), jnp.int32)])
    dst_p = jnp.concatenate([edge_index[1], jnp.full((pad,), _N, jnp.int32)])
    dst2 = dst_p.reshape(_NS * _PROP_CH, _PCHUNK)
    off = jnp.arange(4, dtype=jnp.int32)[:, None] * _N
    srcadj4 = (src_p[None, :] + off).reshape(4 * _NS * _PROP_CH, _PCHUNK)
    srcadj2 = (src_p[None, :] + off[:2]).reshape(2 * _NS * _PROP_CH, _PCHUNK)
    zeros0 = jnp.zeros((_RL, 128), jnp.float32)
    ones0 = jnp.ones((_CHUNK, 128), jnp.float32)

    def row(v):
        return v.reshape(1, -1)

    deg2 = _deg()(dst_p, zeros0, ones0)
    deg3 = deg2.reshape(2, _N, 128)

    z1 = _pre1(x, deg3, W_enc, row(b_enc), Wc1)
    w1 = _prop(4)(srcadj4, dst2, z1.reshape(4 * _N, 128))
    u1, st1 = _post4(w1.reshape(4, _N, 128), deg3, row(bc1))

    z2 = _pre2(u1, st1, row(g1), row(beta1), deg3, Wc2)
    w2 = _prop(4)(srcadj4, dst2, z2.reshape(4 * _N, 128))
    u2, st2 = _post4(w2.reshape(4, _N, 128), deg3, row(bc2))

    z3 = _pre3(u2, st2, row(g2), row(beta2), deg3, Wc3)
    w3 = _prop(2)(srcadj2, dst2, z3.reshape(2 * _N, 128))
    u3, st3 = _post2(w3.reshape(2, _N, 128), deg3, row(bc3))

    emb, ge, e, m, f = _final(
        u3, st3, row(g3), row(beta3),
        We1, row(be1), We2.reshape(1, -1), row(be2),
        Wm1, row(bm1), Wm2.reshape(1, -1), row(bm2),
        Wf1, row(bf1), Wf2, row(bf2))
    return (emb, ge, e, m, f)

# --- scband reference (transcript-rebuilt; emitter-appended) ---
"""Pipeline reference for scband-ethical-gnn-64776696758654 (READ-ONLY COPY).

The authoritative reference and input builder live on the scoring server;
editing this copy changes nothing except your own understanding.
"""

import jax, jax.numpy as jnp
import numpy as np

N = 10000
E = 160000
IN = 256
H = 512
OUT = 256


def _glorot(key, shape):
    return jax.random.normal(key, shape, jnp.float32) / np.sqrt(shape[0])


def setup_inputs(seed: int = 0) -> dict:
    key = jax.random.key(seed)
    ks = jax.random.split(key, 16)
    inp = {}
    inp['x'] = jax.random.normal(ks[0], (N, IN), jnp.float32)
    inp['edge_index'] = jax.random.randint(ks[1], (2, E), 0, N, dtype=jnp.int32)
    # node encoder
    inp['W_enc'] = _glorot(ks[2], (IN, H)); inp['b_enc'] = jnp.zeros((H,), jnp.float32)
    # GCN layers
    inp['Wc1'] = _glorot(ks[3], (H, H)); inp['bc1'] = jnp.zeros((H,), jnp.float32)
    inp['g1'] = jnp.ones((H,), jnp.float32); inp['beta1'] = jnp.zeros((H,), jnp.float32)
    inp['Wc2'] = _glorot(ks[4], (H, H)); inp['bc2'] = jnp.zeros((H,), jnp.float32)
    inp['g2'] = jnp.ones((H,), jnp.float32); inp['beta2'] = jnp.zeros((H,), jnp.float32)
    inp['Wc3'] = _glorot(ks[5], (H, OUT)); inp['bc3'] = jnp.zeros((OUT,), jnp.float32)
    inp['g3'] = jnp.ones((OUT,), jnp.float32); inp['beta3'] = jnp.zeros((OUT,), jnp.float32)
    # ethics scorer
    inp['We1'] = _glorot(ks[6], (OUT, OUT // 2)); inp['be1'] = jnp.zeros((OUT // 2,), jnp.float32)
    inp['We2'] = _glorot(ks[7], (OUT // 2, 1)); inp['be2'] = jnp.zeros((1,), jnp.float32)
    # manipulation scorer
    inp['Wm1'] = _glorot(ks[8], (OUT, OUT // 2)); inp['bm1'] = jnp.zeros((OUT // 2,), jnp.float32)
    inp['Wm2'] = _glorot(ks[9], (OUT // 2, 1)); inp['bm2'] = jnp.zeros((1,), jnp.float32)
    # moral foundation classifier
    inp['Wf1'] = _glorot(ks[10], (OUT, OUT // 2)); inp['bf1'] = jnp.zeros((OUT // 2,), jnp.float32)
    inp['Wf2'] = _glorot(ks[11], (OUT // 2, 6)); inp['bf2'] = jnp.zeros((6,), jnp.float32)
    return inp


def _gcn(x, src, dst, W, b, n):
    # PyG GCNConv: x @ W, symmetric deg normalization over (A + I), then + bias
    h = x @ W
    deg = jnp.zeros((n,), h.dtype).at[dst].add(1.0)
    dinv = jnp.where(deg > 0, jax.lax.rsqrt(deg), 0.0)
    norm = dinv[src] * dinv[dst]
    out = jnp.zeros_like(h).at[dst].add(h[src] * norm[:, None])
    return out + b


def _bn(x, g, b):
    m = x.mean(axis=0)
    v = x.var(axis=0)
    return g * (x - m) * jax.lax.rsqrt(v + 1e-5) + b


def reference(x, edge_index, W_enc, b_enc, Wc1, bc1, g1, beta1, Wc2, bc2, g2, beta2, Wc3, bc3, g3, beta3, We1, be1, We2, be2, Wm1, bm1, Wm2, bm2, Wf1, bf1, Wf2, bf2):
    n = x.shape[0]
    loop = jnp.arange(n, dtype=edge_index.dtype)
    src = jnp.concatenate([edge_index[0], loop])
    dst = jnp.concatenate([edge_index[1], loop])
    h = x @ W_enc + b_enc
    h = _gcn(h, src, dst, Wc1, bc1, n)
    h = _bn(h, g1, beta1)
    h = jax.nn.relu(h)  # dropout = identity in eval
    h = _gcn(h, src, dst, Wc2, bc2, n)
    h = _bn(h, g2, beta2)
    h = jax.nn.relu(h)
    h = _gcn(h, src, dst, Wc3, bc3, n)
    h = _bn(h, g3, beta3)
    node_embeddings = h
    graph_embedding = h.mean(axis=0, keepdims=True)
    e = jax.nn.sigmoid(jax.nn.relu(graph_embedding @ We1 + be1) @ We2 + be2)
    m = jax.nn.sigmoid(jax.nn.relu(graph_embedding @ Wm1 + bm1) @ Wm2 + bm2)
    f = jax.nn.relu(graph_embedding @ Wf1 + bf1) @ Wf2 + bf2
    return (node_embeddings, graph_embedding, e, m, f)

if __name__ == "__main__":
    import jax
    _d = setup_inputs()
    print(jax.jit(kernel)(*tuple(_d.values())))

</pallas_src>

<mosaic_0001>
#map = affine_map<(d0, d1) -> (0, 0)>
module attributes {stable_mosaic.version = 14 : i64} {
  func.func @prop(%arg0: i32, %arg1: i32, %arg2: memref<5120x128xi32, #tpu.memory_space<hbm>>, %arg3: memref<1280x128xi32, #tpu.memory_space<hbm>>, %arg4: memref<40000x128xf32, #tpu.memory_space<hbm>>, %arg5: memref<40000x128xf32, #tpu.memory_space<hbm>>, %arg6: memref<40x128xi32, #tpu.memory_space<vmem>>, %arg7: memref<40x128xi32, #tpu.memory_space<vmem>>, %arg8: memref<2x128x128xf32, #tpu.memory_space<vmem>>, %arg9: memref<10016x128xf32, #tpu.memory_space<vmem_shared>>, %arg10: memref<!tpu.dma_semaphore, #tpu.memory_space<semaphore_mem>>, %arg11: memref<!tpu.dma_semaphore, #tpu.memory_space<semaphore_mem>>) attributes {dimension_semantics = [#tpu.dimension_semantics<core_parallel>, #tpu.dimension_semantics<subcore_parallel>], iteration_bounds = array<i64: 2, 16>, scalar_prefetch = 0 : i64, scratch_operands = 6 : i64, tpu.core_type = #tpu.core_type<sc_vector_subcore>, window_params = [{transform_indices = #map}, {transform_indices = #map}, {transform_indices = #map}, {transform_indices = #map}]} {
    %mul3A = arith.constant 624 : i32
    %mul3A_0 = arith.muli %arg1, %mul3A : i32
    %mul3A_1 = arith.constant 2 : i32
    %mul3A_2 = arith.muli %arg0, %mul3A_1 : i32
    %add3A = arith.constant 0 : i32
    %add3A_3 = arith.addi %mul3A_2, %add3A : i32
    %mul3A_4 = arith.constant 10000 : i32
    %mul3A_5 = arith.muli %add3A_3, %mul3A_4 : i32
    %add3A_6 = arith.addi %mul3A_5, %mul3A_0 : i32
    "tpu.region"() ({
      %run_scoped3A = tpu.sem_alloc : memref<!tpu.dma_semaphore, #tpu.memory_space<semaphore_mem>>
      %dma_start3A = arith.constant 0 : i32
      %dma_start3A_92 = tpu.memref_slice %arg9[%mul3A_0, %dma_start3A] : memref<10016x128xf32, #tpu.memory_space<vmem_shared>> -> memref<640x128xf32, #tpu.memory_space<vmem_shared>>
      %dma_start3A_93 = arith.constant 0 : i32
      %dma_start3A_94 = tpu.memref_slice %arg4[%add3A_6, %dma_start3A_93] : memref<40000x128xf32, #tpu.memory_space<hbm>> -> memref<640x128xf32, #tpu.memory_space<hbm>>
      tpu.enqueue_dma source(%dma_start3A_94 : memref<640x128xf32, #tpu.memory_space<hbm>>) target(%dma_start3A_92 : memref<640x128xf32, #tpu.memory_space<vmem_shared>>) target_semaphore(%run_scoped3A : memref<!tpu.dma_semaphore, #tpu.memory_space<semaphore_mem>>)
      %dma_wait3A = arith.constant 0 : i32
      %dma_wait3A_95 = tpu.memref_slice %arg9[%mul3A_0, %dma_wait3A] : memref<10016x128xf32, #tpu.memory_space<vmem_shared>> -> memref<640x128xf32, #tpu.memory_space<vmem_shared>>
      %dma_wait3A_96 = arith.constant 0 : i32
      %dma_wait3A_97 = tpu.memref_slice %arg4[%add3A_6, %dma_wait3A_96] : memref<40000x128xf32, #tpu.memory_space<hbm>> -> memref<640x128xf32, #tpu.memory_space<hbm>>
      tpu.wait_dma2 semaphore(%run_scoped3A : memref<!tpu.dma_semaphore, #tpu.memory_space<semaphore_mem>>) src(%dma_wait3A_97 : memref<640x128xf32, #tpu.memory_space<hbm>>) dst(%dma_wait3A_95 : memref<640x128xf32, #tpu.memory_space<vmem_shared>>)
      tpu.yield
    }) : () -> ()
    %barrier3A = arith.constant 0 : index
    tpu.barrier barrier_id(%barrier3A)
    %mul3A_7 = arith.constant 16 : i32
    %mul3A_8 = arith.muli %add3A_3, %mul3A_7 : i32
    %add3A_9 = arith.addi %mul3A_8, %arg1 : i32
    %mul3A_10 = arith.constant 80 : i32
    %mul3A_11 = arith.muli %add3A_9, %mul3A_10 : i32
    %add3A_12 = arith.constant 0 : i32
    %add3A_13 = arith.addi %mul3A_11, %add3A_12 : i32
    "tpu.region"() ({
      %run_scoped3A = tpu.sem_alloc : memref<!tpu.dma_semaphore, #tpu.memory_space<semaphore_mem>>
      %dma_start3A = arith.constant 0 : i32
      %dma_start3A_92 = tpu.memref_slice %arg2[%add3A_13, %dma_start3A] : memref<5120x128xi32, #tpu.memory_space<hbm>> -> memref<40x128xi32, #tpu.memory_space<hbm>>
      %dma_start3A_93 = arith.constant 0 : i32
      %dma_start3A_94 = tpu.memref_slice %arg2[%add3A_13, %dma_start3A_93] : memref<5120x128xi32, #tpu.memory_space<hbm>> -> memref<40x128xi32, #tpu.memory_space<hbm>>
      tpu.enqueue_dma source(%dma_start3A_94 : memref<40x128xi32, #tpu.memory_space<hbm>>) target(%arg6 : memref<40x128xi32, #tpu.memory_space<vmem>>) target_semaphore(%run_scoped3A : memref<!tpu.dma_semaphore, #tpu.memory_space<semaphore_mem>>)
      %dma_wait3A = arith.constant 0 : i32
      %dma_wait3A_95 = tpu.memref_slice %arg2[%add3A_13, %dma_wait3A] : memref<5120x128xi32, #tpu.memory_space<hbm>> -> memref<40x128xi32, #tpu.memory_space<hbm>>
      %dma_wait3A_96 = arith.constant 0 : i32
      %dma_wait3A_97 = tpu.memref_slice %arg2[%add3A_13, %dma_wait3A_96] : memref<5120x128xi32, #tpu.memory_space<hbm>> -> memref<40x128xi32, #tpu.memory_space<hbm>>
      tpu.wait_dma2 semaphore(%run_scoped3A : memref<!tpu.dma_semaphore, #tpu.memory_space<semaphore_mem>>) src(%dma_wait3A_97 : memref<40x128xi32, #tpu.memory_space<hbm>>) dst(%arg6 : memref<40x128xi32, #tpu.memory_space<vmem>>)
      tpu.yield
    }) : () -> ()
    %mul3A_14 = arith.constant 80 : i32
    %mul3A_15 = arith.muli %arg1, %mul3A_14 : i32
    %add3A_16 = arith.constant 0 : i32
    %add3A_17 = arith.addi %mul3A_15, %add3A_16 : i32
    "tpu.region"() ({
      %run_scoped3A = tpu.sem_alloc : memref<!tpu.dma_semaphore, #tpu.memory_space<semaphore_mem>>
      %dma_start3A = arith.constant 0 : i32
      %dma_start3A_92 = tpu.memref_slice %arg3[%add3A_17, %dma_start3A] : memref<1280x128xi32, #tpu.memory_space<hbm>> -> memref<40x128xi32, #tpu.memory_space<hbm>>
      %dma_start3A_93 = arith.constant 0 : i32
      %dma_start3A_94 = tpu.memref_slice %arg3[%add3A_17, %dma_start3A_93] : memref<1280x128xi32, #tpu.memory_space<hbm>> -> memref<40x128xi32, #tpu.memory_space<hbm>>
      tpu.enqueue_dma source(%dma_start3A_94 : memref<40x128xi32, #tpu.memory_space<hbm>>) target(%arg7 : memref<40x128xi32, #tpu.memory_space<vmem>>) target_semaphore(%run_scoped3A : memref<!tpu.dma_semaphore, #tpu.memory_space<semaphore_mem>>)
      %dma_wait3A = arith.constant 0 : i32
      %dma_wait3A_95 = tpu.memref_slice %arg3[%add3A_17, %dma_wait3A] : memref<1280x128xi32, #tpu.memory_space<hbm>> -> memref<40x128xi32, #tpu.memory_space<hbm>>
      %dma_wait3A_96 = arith.constant 0 : i32
      %dma_wait3A_97 = tpu.memref_slice %arg3[%add3A_17, %dma_wait3A_96] : memref<1280x128xi32, #tpu.memory_space<hbm>> -> memref<40x128xi32, #tpu.memory_space<hbm>>
      tpu.wait_dma2 semaphore(%run_scoped3A : memref<!tpu.dma_semaphore, #tpu.memory_space<semaphore_mem>>) src(%dma_wait3A_97 : memref<40x128xi32, #tpu.memory_space<hbm>>) dst(%arg7 : memref<40x128xi32, #tpu.memory_space<vmem>>)
      tpu.yield
    }) : () -> ()
    %scan3A = arith.constant 0 : i32
    %scan3A_18 = arith.constant 0 : i32
    %scan3A_19 = arith.constant 20 : i32
    %scan3A_20 = arith.addi %scan3A_18, %scan3A_19 : i32
    %scan3A_21 = arith.constant 1 : i32
    scf.for %scan3A_92 = %scan3A_18 to %scan3A_20 step %scan3A_21  : i32 {
      %mul3A_93 = arith.constant 2 : i32
      %mul3A_94 = arith.muli %scan3A_92, %mul3A_93 : i32
      %add3A_95 = arith.constant 0 : i32
      %add3A_96 = arith.addi %mul3A_94, %add3A_95 : i32
      %dma_start3A = arith.constant 0 : i32
      %dma_start3A_97 = arith.constant 0 : i32
      %dma_start3A_98 = arith.constant 0 : i32
      %dma_start3A_99 = tpu.memref_slice %arg8[%dma_start3A, %dma_start3A_97, %dma_start3A_98] : memref<2x128x128xf32, #tpu.memory_space<vmem>> -> memref<1x128x128xf32, #tpu.memory_space<vmem>>
      %dma_start3A_100 = tpu.memref_squeeze %dma_start3A_99 : memref<1x128x128xf32, #tpu.memory_space<vmem>> -> memref<128x128xf32, #tpu.memory_space<vmem>>
      %dma_start3A_101 = arith.constant 0 : i32
      %dma_start3A_102 = tpu.memref_slice %arg6[%add3A_96, %dma_start3A_101] : memref<40x128xi32, #tpu.memory_space<vmem>> -> memref<1x128xi32, #tpu.memory_space<vmem>>
      %dma_start3A_103 = tpu.memref_squeeze %dma_start3A_102 : memref<1x128xi32, #tpu.memory_space<vmem>> -> memref<128xi32, #tpu.memory_space<vmem>>
      %dma_start3A_104 = arith.constant 0 : i32
      %dma_start3A_105 = arith.constant 0 : i32
      %dma_start3A_106 = tpu.memref_slice %arg4[%dma_start3A_104, %dma_start3A_105] : memref<40000x128xf32, #tpu.memory_space<hbm>> -> memref<40000x128xf32, #tpu.memory_space<hbm>>
      tpu.enqueue_indirect_dma source(%dma_start3A_106 : memref<40000x128xf32, #tpu.memory_space<hbm>>) target(%dma_start3A_100 : memref<128x128xf32, #tpu.memory_space<vmem>>) offsets(%dma_start3A_103 : memref<128xi32, #tpu.memory_space<vmem>>) semaphore(%arg10 : memref<!tpu.dma_semaphore, #tpu.memory_space<semaphore_mem>>)
      %add3A_107 = arith.constant 1 : i32
      %add3A_108 = arith.addi %mul3A_94, %add3A_107 : i32
      %dma_start3A_109 = arith.constant 1 : i32
      %dma_start3A_110 = arith.constant 0 : i32
      %dma_start3A_111 = arith.constant 0 : i32
      %dma_start3A_112 = tpu.memref_slice %arg8[%dma_start3A_109, %dma_start3A_110, %dma_start3A_111] : memref<2x128x128xf32, #tpu.memory_space<vmem>> -> memref<1x128x128xf32, #tpu.memory_space<vmem>>
      %dma_start3A_113 = tpu.memref_squeeze %dma_start3A_112 : memref<1x128x128xf32, #tpu.memory_space<vmem>> -> memref<128x128xf32, #tpu.memory_space<vmem>>
      %dma_start3A_114 = arith.constant 0 : i32
      %dma_start3A_115 = tpu.memref_slice %arg6[%add3A_108, %dma_start3A_114] : memref<40x128xi32, #tpu.memory_space<vmem>> -> memref<1x128xi32, #tpu.memory_space<vmem>>
      %dma_start3A_116 = tpu.memref_squeeze %dma_start3A_115 : memref<1x128xi32, #tpu.memory_space<vmem>> -> memref<128xi32, #tpu.memory_space<vmem>>
      %dma_start3A_117 = arith.constant 0 : i32
      %dma_start3A_118 = arith.constant 0 : i32
      %dma_start3A_119 = tpu.memref_slice %arg4[%dma_start3A_117, %dma_start3A_118] : memref<40000x128xf32, #tpu.memory_space<hbm>> -> memref<40000x128xf32, #tpu.memory_space<hbm>>
      tpu.enqueue_indirect_dma source(%dma_start3A_119 : memref<40000x128xf32, #tpu.memory_space<hbm>>) target(%dma_start3A_113 : memref<128x128xf32, #tpu.memory_space<vmem>>) offsets(%dma_start3A_116 : memref<128xi32, #tpu.memory_space<vmem>>) semaphore(%arg11 : memref<!tpu.dma_semaphore, #tpu.memory_space<semaphore_mem>>)
      %dma_wait3A = arith.constant 0 : i32
      %dma_wait3A_120 = arith.constant 0 : i32
      %dma_wait3A_121 = arith.constant 0 : i32
      %dma_wait3A_122 = tpu.memref_slice %arg8[%dma_wait3A, %dma_wait3A_120, %dma_wait3A_121] : memref<2x128x128xf32, #tpu.memory_space<vmem>> -> memref<1x128x128xf32, #tpu.memory_space<vmem>>
      %dma_wait3A_123 = tpu.memref_squeeze %dma_wait3A_122 : memref<1x128x128xf32, #tpu.memory_space<vmem>> -> memref<128x128xf32, #tpu.memory_space<vmem>>
      %dma_wait3A_124 = arith.constant 0 : i32
      %dma_wait3A_125 = tpu.memref_slice %arg6[%add3A_96, %dma_wait3A_124] : memref<40x128xi32, #tpu.memory_space<vmem>> -> memref<1x128xi32, #tpu.memory_space<vmem>>
      %dma_wait3A_126 = tpu.memref_squeeze %dma_wait3A_125 : memref<1x128xi32, #tpu.memory_space<vmem>> -> memref<128xi32, #tpu.memory_space<vmem>>
      %dma_wait3A_127 = arith.constant 0 : i32
      %dma_wait3A_128 = arith.constant 0 : i32
      %dma_wait3A_129 = tpu.memref_slice %arg4[%dma_wait3A_127, %dma_wait3A_128] : memref<40000x128xf32, #tpu.memory_space<hbm>> -> memref<40000x128xf32, #tpu.memory_space<hbm>>
      tpu.wait_indirect_dma semaphore(%arg10 : memref<!tpu.dma_semaphore, #tpu.memory_space<semaphore_mem>>) src(%dma_wait3A_129 : memref<40000x128xf32, #tpu.memory_space<hbm>>) dst(%dma_wait3A_123 : memref<128x128xf32, #tpu.memory_space<vmem>>)
      %add3A_130 = arith.constant 0 : i32
      %add3A_131 = arith.addi %mul3A_94, %add3A_130 : i32
      %run_scoped3A = arith.constant 0 : i32
      "tpu.region"() ({
        %run_scoped3A_146 = tpu.sem_alloc : memref<!tpu.dma_semaphore, #tpu.memory_space<semaphore_mem>>
        %dma_start3A_147 = arith.constant 0 : i32
        %dma_start3A_148 = arith.constant 0 : i32
        %dma_start3A_149 = tpu.memref_slice %arg8[%run_scoped3A, %dma_start3A_147, %dma_start3A_148] : memref<2x128x128xf32, #tpu.memory_space<vmem>> -> memref<1x128x128xf32, #tpu.memory_space<vmem>>
        %dma_start3A_150 = tpu.memref_squeeze %dma_start3A_149 : memref<1x128x128xf32, #tpu.memory_space<vmem>> -> memref<128x128xf32, #tpu.memory_space<vmem>>
        %dma_start3A_151 = arith.constant 0 : i32
        %dma_start3A_152 = tpu.memref_slice %arg7[%add3A_131, %dma_start3A_151] : memref<40x128xi32, #tpu.memory_space<vmem>> -> memref<1x128xi32, #tpu.memory_space<vmem>>
        %dma_start3A_153 = tpu.memref_squeeze %dma_start3A_152 : memref<1x128xi32, #tpu.memory_space<vmem>> -> memref<128xi32, #tpu.memory_space<vmem>>
        %dma_start3A_154 = arith.constant 0 : i32
        %dma_start3A_155 = arith.constant 0 : i32
        %dma_start3A_156 = tpu.memref_slice %arg9[%dma_start3A_154, %dma_start3A_155] : memref<10016x128xf32, #tpu.memory_space<vmem_shared>> -> memref<10016x128xf32, #tpu.memory_space<vmem_shared>>
        tpu.enqueue_indirect_dma source(%dma_start3A_150 : memref<128x128xf32, #tpu.memory_space<vmem>>) target(%dma_start3A_156 : memref<10016x128xf32, #tpu.memory_space<vmem_shared>>) offsets(%dma_start3A_153 : memref<128xi32, #tpu.memory_space<vmem>>) semaphore(%run_scoped3A_146 : memref<!tpu.dma_semaphore, #tpu.memory_space<semaphore_mem>>) {add = true}
        %dma_wait3A_157 = arith.constant 0 : i32
        %dma_wait3A_158 = arith.constant 0 : i32
        %dma_wait3A_159 = tpu.memref_slice %arg8[%run_scoped3A, %dma_wait3A_157, %dma_wait3A_158] : memref<2x128x128xf32, #tpu.memory_space<vmem>> -> memref<1x128x128xf32, #tpu.memory_space<vmem>>
        %dma_wait3A_160 = tpu.memref_squeeze %dma_wait3A_159 : memref<1x128x128xf32, #tpu.memory_space<vmem>> -> memref<128x128xf32, #tpu.memory_space<vmem>>
        %dma_wait3A_161 = arith.constant 0 : i32
        %dma_wait3A_162 = tpu.memref_slice %arg7[%add3A_131, %dma_wait3A_161] : memref<40x128xi32, #tpu.memory_space<vmem>> -> memref<1x128xi32, #tpu.memory_space<vmem>>
        %dma_wait3A_163 = tpu.memref_squeeze %dma_wait3A_162 : memref<1x128xi32, #tpu.memory_space<vmem>> -> memref<128xi32, #tpu.memory_space<vmem>>
        %dma_wait3A_164 = arith.constant 0 : i32
        %dma_wait3A_165 = arith.constant 0 : i32
        %dma_wait3A_166 = tpu.memref_slice %arg9[%dma_wait3A_164, %dma_wait3A_165] : memref<10016x128xf32, #tpu.memory_space<vmem_shared>> -> memref<10016x128xf32, #tpu.memory_space<vmem_shared>>
        tpu.wait_indirect_dma semaphore(%run_scoped3A_146 : memref<!tpu.dma_semaphore, #tpu.memory_space<semaphore_mem>>) src(%dma_wait3A_160 : memref<128x128xf32, #tpu.memory_space<vmem>>) dst(%dma_wait3A_166 : memref<10016x128xf32, #tpu.memory_space<vmem_shared>>)
        tpu.yield
      }) : () -> ()
      %dma_wait3A_132 = arith.constant 1 : i32
      %dma_wait3A_133 = arith.constant 0 : i32
      %dma_wait3A_134 = arith.constant 0 : i32
      %dma_wait3A_135 = tpu.memref_slice %arg8[%dma_wait3A_132, %dma_wait3A_133, %dma_wait3A_134] : memref<2x128x128xf32, #tpu.memory_space<vmem>> -> memref<1x128x128xf32, #tpu.memory_space<vmem>>
      %dma_wait3A_136 = tpu.memref_squeeze %dma_wait3A_135 : memref<1x128x128xf32, #tpu.memory_space<vmem>> -> memref<128x128xf32, #tpu.memory_space<vmem>>
      %dma_wait3A_137 = arith.constant 0 : i32
      %dma_wait3A_138 = tpu.memref_slice %arg6[%add3A_108, %dma_wait3A_137] : memref<40x128xi32, #tpu.memory_space<vmem>> -> memref<1x128xi32, #tpu.memory_space<vmem>>
      %dma_wait3A_139 = tpu.memref_squeeze %dma_wait3A_138 : memref<1x128xi32, #tpu.memory_space<vmem>> -> memref<128xi32, #tpu.memory_space<vmem>>
      %dma_wait3A_140 = arith.constant 0 : i32
      %dma_wait3A_141 = arith.constant 0 : i32
      %dma_wait3A_142 = tpu.memref_slice %arg4[%dma_wait3A_140, %dma_wait3A_141] : memref<40000x128xf32, #tpu.memory_space<hbm>> -> memref<40000x128xf32, #tpu.memory_space<hbm>>
      tpu.wait_indirect_dma semaphore(%arg11 : memref<!tpu.dma_semaphore, #tpu.memory_space<semaphore_mem>>) src(%dma_wait3A_142 : memref<40000x128xf32, #tpu.memory_space<hbm>>) dst(%dma_wait3A_136 : memref<128x128xf32, #tpu.memory_space<vmem>>)
      %add3A_143 = arith.constant 1 : i32
      %add3A_144 = arith.addi %mul3A_94, %add3A_143 : i32
      %run_scoped3A_145 = arith.constant 1 : i32
      "tpu.region"() ({
        %run_scoped3A_146 = tpu.sem_alloc : memref<!tpu.dma_semaphore, #tpu.memory_space<semaphore_mem>>
        %dma_start3A_147 = arith.constant 0 : i32
        %dma_start3A_148 = arith.constant 0 : i32
        %dma_start3A_149 = tpu.memref_slice %arg8[%run_scoped3A_145, %dma_start3A_147, %dma_start3A_148] : memref<2x128x128xf32, #tpu.memory_space<vmem>> -> memref<1x128x128xf32, #tpu.memory_space<vmem>>
        %dma_start3A_150 = tpu.memref_squeeze %dma_start3A_149 : memref<1x128x128xf32, #tpu.memory_space<vmem>> -> memref<128x128xf32, #tpu.memory_space<vmem>>
        %dma_start3A_151 = arith.constant 0 : i32
        %dma_start3A_152 = tpu.memref_slice %arg7[%add3A_144, %dma_start3A_151] : memref<40x128xi32, #tpu.memory_space<vmem>> -> memref<1x128xi32, #tpu.memory_space<vmem>>
        %dma_start3A_153 = tpu.memref_squeeze %dma_start3A_152 : memref<1x128xi32, #tpu.memory_space<vmem>> -> memref<128xi32, #tpu.memory_space<vmem>>
        %dma_start3A_154 = arith.constant 0 : i32
        %dma_start3A_155 = arith.constant 0 : i32
        %dma_start3A_156 = tpu.memref_slice %arg9[%dma_start3A_154, %dma_start3A_155] : memref<10016x128xf32, #tpu.memory_space<vmem_shared>> -> memref<10016x128xf32, #tpu.memory_space<vmem_shared>>
        tpu.enqueue_indirect_dma source(%dma_start3A_150 : memref<128x128xf32, #tpu.memory_space<vmem>>) target(%dma_start3A_156 : memref<10016x128xf32, #tpu.memory_space<vmem_shared>>) offsets(%dma_start3A_153 : memref<128xi32, #tpu.memory_space<vmem>>) semaphore(%run_scoped3A_146 : memref<!tpu.dma_semaphore, #tpu.memory_space<semaphore_mem>>) {add = true}
        %dma_wait3A_157 = arith.constant 0 : i32
        %dma_wait3A_158 = arith.constant 0 : i32
        %dma_wait3A_159 = tpu.memref_slice %arg8[%run_scoped3A_145, %dma_wait3A_157, %dma_wait3A_158] : memref<2x128x128xf32, #tpu.memory_space<vmem>> -> memref<1x128x128xf32, #tpu.memory_space<vmem>>
        %dma_wait3A_160 = tpu.memref_squeeze %dma_wait3A_159 : memref<1x128x128xf32, #tpu.memory_space<vmem>> -> memref<128x128xf32, #tpu.memory_space<vmem>>
        %dma_wait3A_161 = arith.constant 0 : i32
        %dma_wait3A_162 = tpu.memref_slice %arg7[%add3A_144, %dma_wait3A_161] : memref<40x128xi32, #tpu.memory_space<vmem>> -> memref<1x128xi32, #tpu.memory_space<vmem>>
        %dma_wait3A_163 = tpu.memref_squeeze %dma_wait3A_162 : memref<1x128xi32, #tpu.memory_space<vmem>> -> memref<128xi32, #tpu.memory_space<vmem>>
        %dma_wait3A_164 = arith.constant 0 : i32
        %dma_wait3A_165 = arith.constant 0 : i32
        %dma_wait3A_166 = tpu.memref_slice %arg9[%dma_wait3A_164, %dma_wait3A_165] : memref<10016x128xf32, #tpu.memory_space<vmem_shared>> -> memref<10016x128xf32, #tpu.memory_space<vmem_shared>>
        tpu.wait_indirect_dma semaphore(%run_scoped3A_146 : memref<!tpu.dma_semaphore, #tpu.memory_space<semaphore_mem>>) src(%dma_wait3A_160 : memref<128x128xf32, #tpu.memory_space<vmem>>) dst(%dma_wait3A_166 : memref<10016x128xf32, #tpu.memory_space<vmem_shared>>)
        tpu.yield
      }) : () -> ()
    }
    %scan3A_22 = arith.constant 20 : i32
    %mul3A_23 = arith.constant 16 : i32
    %mul3A_24 = arith.muli %add3A_3, %mul3A_23 : i32
    %add3A_25 = arith.addi %mul3A_24, %arg1 : i32
    %mul3A_26 = arith.constant 80 : i32
    %mul3A_27 = arith.muli %add3A_25, %mul3A_26 : i32
    %add3A_28 = arith.constant 40 : i32
    %add3A_29 = arith.addi %mul3A_27, %add3A_28 : i32
    "tpu.region"() ({
      %run_scoped3A = tpu.sem_alloc : memref<!tpu.dma_semaphore, #tpu.memory_space<semaphore_mem>>
      %dma_start3A = arith.constant 0 : i32
      %dma_start3A_92 = tpu.memref_slice %arg2[%add3A_29, %dma_start3A] : memref<5120x128xi32, #tpu.memory_space<hbm>> -> memref<40x128xi32, #tpu.memory_space<hbm>>
      %dma_start3A_93 = arith.constant 0 : i32
      %dma_start3A_94 = tpu.memref_slice %arg2[%add3A_29, %dma_start3A_93] : memref<5120x128xi32, #tpu.memory_space<hbm>> -> memref<40x128xi32, #tpu.memory_space<hbm>>
      tpu.enqueue_dma source(%dma_start3A_94 : memref<40x128xi32, #tpu.memory_space<hbm>>) target(%arg6 : memref<40x128xi32, #tpu.memory_space<vmem>>) target_semaphore(%run_scoped3A : memref<!tpu.dma_semaphore, #tpu.memory_space<semaphore_mem>>)
      %dma_wait3A = arith.constant 0 : i32
      %dma_wait3A_95 = tpu.memref_slice %arg2[%add3A_29, %dma_wait3A] : memref<5120x128xi32, #tpu.memory_space<hbm>> -> memref<40x128xi32, #tpu.memory_space<hbm>>
      %dma_wait3A_96 = arith.constant 0 : i32
      %dma_wait3A_97 = tpu.memref_slice %arg2[%add3A_29, %dma_wait3A_96] : memref<5120x128xi32, #tpu.memory_space<hbm>> -> memref<40x128xi32, #tpu.memory_space<hbm>>
      tpu.wait_dma2 semaphore(%run_scoped3A : memref<!tpu.dma_semaphore, #tpu.memory_space<semaphore_mem>>) src(%dma_wait3A_97 : memref<40x128xi32, #tpu.memory_space<hbm>>) dst(%arg6 : memref<40x128xi32, #tpu.memory_space<vmem>>)
      tpu.yield
    }) : () -> ()
    %mul3A_30 = arith.constant 80 : i32
    %mul3A_31 = arith.muli %arg1, %mul3A_30 : i32
    %add3A_32 = arith.constant 40 : i32
    %add3A_33 = arith.addi %mul3A_31, %add3A_32 : i32
    "tpu.region"() ({
      %run_scoped3A = tpu.sem_alloc : memref<!tpu.dma_semaphore, #tpu.memory_space<semaphore_mem>>
      %dma_start3A = arith.constant 0 : i32
      %dma_start3A_92 = tpu.memref_slice %arg3[%add3A_33, %dma_start3A] : memref<1280x128xi32, #tpu.memory_space<hbm>> -> memref<40x128xi32, #tpu.memory_space<hbm>>
      %dma_start3A_93 = arith.constant 0 : i32
      %dma_start3A_94 = tpu.memref_slice %arg3[%add3A_33, %dma_start3A_93] : memref<1280x128xi32, #tpu.memory_space<hbm>> -> memref<40x128xi32, #tpu.memory_space<hbm>>
      tpu.enqueue_dma source(%dma_start3A_94 : memref<40x128xi32, #tpu.memory_space<hbm>>) target(%arg7 : memref<40x128xi32, #tpu.memory_space<vmem>>) target_semaphore(%run_scoped3A : memref<!tpu.dma_semaphore, #tpu.memory_space<semaphore_mem>>)
      %dma_wait3A = arith.constant 0 : i32
      %dma_wait3A_95 = tpu.memref_slice %arg3[%add3A_33, %dma_wait3A] : memref<1280x128xi32, #tpu.memory_space<hbm>> -> memref<40x128xi32, #tpu.memory_space<hbm>>
      %dma_wait3A_96 = arith.constant 0 : i32
      %dma_wait3A_97 = tpu.memref_slice %arg3[%add3A_33, %dma_wait3A_96] : memref<1280x128xi32, #tpu.memory_space<hbm>> -> memref<40x128xi32, #tpu.memory_space<hbm>>
      tpu.wait_dma2 semaphore(%run_scoped3A : memref<!tpu.dma_semaphore, #tpu.memory_space<semaphore_mem>>) src(%dma_wait3A_97 : memref<40x128xi32, #tpu.memory_space<hbm>>) dst(%arg7 : memref<40x128xi32, #tpu.memory_space<vmem>>)
      tpu.yield
    }) : () -> ()
    %scan3A_34 = arith.constant 0 : i32
    %scan3A_35 = arith.constant 0 : i32
    %scan3A_36 = arith.constant 20 : i32
    %scan3A_37 = arith.addi %scan3A_35, %scan3A_36 : i32
    %scan3A_38 = arith.constant 1 : i32
    scf.for %scan3A_92 = %scan3A_35 to %scan3A_37 step %scan3A_38  : i32 {
      %mul3A_93 = arith.constant 2 : i32
      %mul3A_94 = arith.muli %scan3A_92, %mul3A_93 : i32
      %add3A_95 = arith.constant 0 : i32
      %add3A_96 = arith.addi %mul3A_94, %add3A_95 : i32
      %dma_start3A = arith.constant 0 : i32
      %dma_start3A_97 = arith.constant 0 : i32
      %dma_start3A_98 = arith.constant 0 : i32
      %dma_start3A_99 = tpu.memref_slice %arg8[%dma_start3A, %dma_start3A_97, %dma_start3A_98] : memref<2x128x128xf32, #tpu.memory_space<vmem>> -> memref<1x128x128xf32, #tpu.memory_space<vmem>>
      %dma_start3A_100 = tpu.memref_squeeze %dma_start3A_99 : memref<1x128x128xf32, #tpu.memory_space<vmem>> -> memref<128x128xf32, #tpu.memory_space<vmem>>
      %dma_start3A_101 = arith.constant 0 : i32
      %dma_start3A_102 = tpu.memref_slice %arg6[%add3A_96, %dma_start3A_101] : memref<40x128xi32, #tpu.memory_space<vmem>> -> memref<1x128xi32, #tpu.memory_space<vmem>>
      %dma_start3A_103 = tpu.memref_squeeze %dma_start3A_102 : memref<1x128xi32, #tpu.memory_space<vmem>> -> memref<128xi32, #tpu.memory_space<vmem>>
      %dma_start3A_104 = arith.constant 0 : i32
      %dma_start3A_105 = arith.constant 0 : i32
      %dma_start3A_106 = tpu.memref_slice %arg4[%dma_start3A_104, %dma_start3A_105] : memref<40000x128xf32, #tpu.memory_space<hbm>> -> memref<40000x128xf32, #tpu.memory_space<hbm>>
      tpu.enqueue_indirect_dma source(%dma_start3A_106 : memref<40000x128xf32, #tpu.memory_space<hbm>>) target(%dma_start3A_100 : memref<128x128xf32, #tpu.memory_space<vmem>>) offsets(%dma_start3A_103 : memref<128xi32, #tpu.memory_space<vmem>>) semaphore(%arg10 : memref<!tpu.dma_semaphore, #tpu.memory_space<semaphore_mem>>)
      %add3A_107 = arith.constant 1 : i32
      %add3A_108 = arith.addi %mul3A_94, %add3A_107 : i32
      %dma_start3A_109 = arith.constant 1 : i32
      %dma_start3A_110 = arith.constant 0 : i32
      %dma_start3A_111 = arith.constant 0 : i32
      %dma_start3A_112 = tpu.memref_slice %arg8[%dma_start3A_109, %dma_start3A_110, %dma_start3A_111] : memref<2x128x128xf32, #tpu.memory_space<vmem>> -> memref<1x128x128xf32, #tpu.memory_space<vmem>>
      %dma_start3A_113 = tpu.memref_squeeze %dma_start3A_112 : memref<1x128x128xf32, #tpu.memory_space<vmem>> -> memref<128x128xf32, #tpu.memory_space<vmem>>
      %dma_start3A_114 = arith.constant 0 : i32
      %dma_start3A_115 = tpu.memref_slice %arg6[%add3A_108, %dma_start3A_114] : memref<40x128xi32, #tpu.memory_space<vmem>> -> memref<1x128xi32, #tpu.memory_space<vmem>>
      %dma_start3A_116 = tpu.memref_squeeze %dma_start3A_115 : memref<1x128xi32, #tpu.memory_space<vmem>> -> memref<128xi32, #tpu.memory_space<vmem>>
      %dma_start3A_117 = arith.constant 0 : i32
      %dma_start3A_118 = arith.constant 0 : i32
      %dma_start3A_119 = tpu.memref_slice %arg4[%dma_start3A_117, %dma_start3A_118] : memref<40000x128xf32, #tpu.memory_space<hbm>> -> memref<40000x128xf32, #tpu.memory_space<hbm>>
      tpu.enqueue_indirect_dma source(%dma_start3A_119 : memref<40000x128xf32, #tpu.memory_space<hbm>>) target(%dma_start3A_113 : memref<128x128xf32, #tpu.memory_space<vmem>>) offsets(%dma_start3A_116 : memref<128xi32, #tpu.memory_space<vmem>>) semaphore(%arg11 : memref<!tpu.dma_semaphore, #tpu.memory_space<semaphore_mem>>)
      %dma_wait3A = arith.constant 0 : i32
      %dma_wait3A_120 = arith.constant 0 : i32
      %dma_wait3A_121 = arith.constant 0 : i32
      %dma_wait3A_122 = tpu.memref_slice %arg8[%dma_wait3A, %dma_wait3A_120, %dma_wait3A_121] : memref<2x128x128xf32, #tpu.memory_space<vmem>> -> memref<1x128x128xf32, #tpu.memory_space<vmem>>
      %dma_wait3A_123 = tpu.memref_squeeze %dma_wait3A_122 : memref<1x128x128xf32, #tpu.memory_space<vmem>> -> memref<128x128xf32, #tpu.memory_space<vmem>>
      %dma_wait3A_124 = arith.constant 0 : i32
      %dma_wait3A_125 = tpu.memref_slice %arg6[%add3A_96, %dma_wait3A_124] : memref<40x128xi32, #tpu.memory_space<vmem>> -> memref<1x128xi32, #tpu.memory_space<vmem>>
      %dma_wait3A_126 = tpu.memref_squeeze %dma_wait3A_125 : memref<1x128xi32, #tpu.memory_space<vmem>> -> memref<128xi32, #tpu.memory_space<vmem>>
      %dma_wait3A_127 = arith.constant 0 : i32
      %dma_wait3A_128 = arith.constant 0 : i32
      %dma_wait3A_129 = tpu.memref_slice %arg4[%dma_wait3A_127, %dma_wait3A_128] : memref<40000x128xf32, #tpu.memory_space<hbm>> -> memref<40000x128xf32, #tpu.memory_space<hbm>>
      tpu.wait_indirect_dma semaphore(%arg10 : memref<!tpu.dma_semaphore, #tpu.memory_space<semaphore_mem>>) src(%dma_wait3A_129 : memref<40000x128xf32, #tpu.memory_space<hbm>>) dst(%dma_wait3A_123 : memref<128x128xf32, #tpu.memory_space<vmem>>)
      %add3A_130 = arith.constant 0 : i32
      %add3A_131 = arith.addi %mul3A_94, %add3A_130 : i32
      %run_scoped3A = arith.constant 0 : i32
      "tpu.region"() ({
        %run_scoped3A_146 = tpu.sem_alloc : memref<!tpu.dma_semaphore, #tpu.memory_space<semaphore_mem>>
        %dma_start3A_147 = arith.constant 0 : i32
        %dma_start3A_148 = arith.constant 0 : i32
        %dma_start3A_149 = tpu.memref_slice %arg8[%run_scoped3A, %dma_start3A_147, %dma_start3A_148] : memref<2x128x128xf32, #tpu.memory_space<vmem>> -> memref<1x128x128xf32, #tpu.memory_space<vmem>>
        %dma_start3A_150 = tpu.memref_squeeze %dma_start3A_149 : memref<1x128x128xf32, #tpu.memory_space<vmem>> -> memref<128x128xf32, #tpu.memory_space<vmem>>
        %dma_start3A_151 = arith.constant 0 : i32
        %dma_start3A_152 = tpu.memref_slice %arg7[%add3A_131, %dma_start3A_151] : memref<40x128xi32, #tpu.memory_space<vmem>> -> memref<1x128xi32, #tpu.memory_space<vmem>>
        %dma_start3A_153 = tpu.memref_squeeze %dma_start3A_152 : memref<1x128xi32, #tpu.memory_space<vmem>> -> memref<128xi32, #tpu.memory_space<vmem>>
        %dma_start3A_154 = arith.constant 0 : i32
        %dma_start3A_155 = arith.constant 0 : i32
        %dma_start3A_156 = tpu.memref_slice %arg9[%dma_start3A_154, %dma_start3A_155] : memref<10016x128xf32, #tpu.memory_space<vmem_shared>> -> memref<10016x128xf32, #tpu.memory_space<vmem_shared>>
        tpu.enqueue_indirect_dma source(%dma_start3A_150 : memref<128x128xf32, #tpu.memory_space<vmem>>) target(%dma_start3A_156 : memref<10016x128xf32, #tpu.memory_space<vmem_shared>>) offsets(%dma_start3A_153 : memref<128xi32, #tpu.memory_space<vmem>>) semaphore(%run_scoped3A_146 : memref<!tpu.dma_semaphore, #tpu.memory_space<semaphore_mem>>) {add = true}
        %dma_wait3A_157 = arith.constant 0 : i32
        %dma_wait3A_158 = arith.constant 0 : i32
        %dma_wait3A_159 = tpu.memref_slice %arg8[%run_scoped3A, %dma_wait3A_157, %dma_wait3A_158] : memref<2x128x128xf32, #tpu.memory_space<vmem>> -> memref<1x128x128xf32, #tpu.memory_space<vmem>>
        %dma_wait3A_160 = tpu.memref_squeeze %dma_wait3A_159 : memref<1x128x128xf32, #tpu.memory_space<vmem>> -> memref<128x128xf32, #tpu.memory_space<vmem>>
        %dma_wait3A_161 = arith.constant 0 : i32
        %dma_wait3A_162 = tpu.memref_slice %arg7[%add3A_131, %dma_wait3A_161] : memref<40x128xi32, #tpu.memory_space<vmem>> -> memref<1x128xi32, #tpu.memory_space<vmem>>
        %dma_wait3A_163 = tpu.memref_squeeze %dma_wait3A_162 : memref<1x128xi32, #tpu.memory_space<vmem>> -> memref<128xi32, #tpu.memory_space<vmem>>
        %dma_wait3A_164 = arith.constant 0 : i32
        %dma_wait3A_165 = arith.constant 0 : i32
        %dma_wait3A_166 = tpu.memref_slice %arg9[%dma_wait3A_164, %dma_wait3A_165] : memref<10016x128xf32, #tpu.memory_space<vmem_shared>> -> memref<10016x128xf32, #tpu.memory_space<vmem_shared>>
        tpu.wait_indirect_dma semaphore(%run_scoped3A_146 : memref<!tpu.dma_semaphore, #tpu.memory_space<semaphore_mem>>) src(%dma_wait3A_160 : memref<128x128xf32, #tpu.memory_space<vmem>>) dst(%dma_wait3A_166 : memref<10016x128xf32, #tpu.memory_space<vmem_shared>>)
        tpu.yield
      }) : () -> ()
      %dma_wait3A_132 = arith.constant 1 : i32
      %dma_wait3A_133 = arith.constant 0 : i32
      %dma_wait3A_134 = arith.constant 0 : i32
      %dma_wait3A_135 = tpu.memref_slice %arg8[%dma_wait3A_132, %dma_wait3A_133, %dma_wait3A_134] : memref<2x128x128xf32, #tpu.memory_space<vmem>> -> memref<1x128x128xf32, #tpu.memory_space<vmem>>
      %dma_wait3A_136 = tpu.memref_squeeze %dma_wait3A_135 : memref<1x128x128xf32, #tpu.memory_space<vmem>> -> memref<128x128xf32, #tpu.memory_space<vmem>>
      %dma_wait3A_137 = arith.constant 0 : i32
      %dma_wait3A_138 = tpu.memref_slice %arg6[%add3A_108, %dma_wait3A_137] : memref<40x128xi32, #tpu.memory_space<vmem>> -> memref<1x128xi32, #tpu.memory_space<vmem>>
      %dma_wait3A_139 = tpu.memref_squeeze %dma_wait3A_138 : memref<1x128xi32, #tpu.memory_space<vmem>> -> memref<128xi32, #tpu.memory_space<vmem>>
      %dma_wait3A_140 = arith.constant 0 : i32
      %dma_wait3A_141 = arith.constant 0 : i32
      %dma_wait3A_142 = tpu.memref_slice %arg4[%dma_wait3A_140, %dma_wait3A_141] : memref<40000x128xf32, #tpu.memory_space<hbm>> -> memref<40000x128xf32, #tpu.memory_space<hbm>>
      tpu.wait_indirect_dma semaphore(%arg11 : memref<!tpu.dma_semaphore, #tpu.memory_space<semaphore_mem>>) src(%dma_wait3A_142 : memref<40000x128xf32, #tpu.memory_space<hbm>>) dst(%dma_wait3A_136 : memref<128x128xf32, #tpu.memory_space<vmem>>)
      %add3A_143 = arith.constant 1 : i32
      %add3A_144 = arith.addi %mul3A_94, %add3A_143 : i32
      %run_scoped3A_145 = arith.constant 1 : i32
      "tpu.region"() ({
        %run_scoped3A_146 = tpu.sem_alloc : memref<!tpu.dma_semaphore, #tpu.memory_space<semaphore_mem>>
        %dma_start3A_147 = arith.constant 0 : i32
        %dma_start3A_148 = arith.constant 0 : i32
        %dma_start3A_149 = tpu.memref_slice %arg8[%run_scoped3A_145, %dma_start3A_147, %dma_start3A_148] : memref<2x128x128xf32, #tpu.memory_space<vmem>> -> memref<1x128x128xf32, #tpu.memory_space<vmem>>
        %dma_start3A_150 = tpu.memref_squeeze %dma_start3A_149 : memref<1x128x128xf32, #tpu.memory_space<vmem>> -> memref<128x128xf32, #tpu.memory_space<vmem>>
        %dma_start3A_151 = arith.constant 0 : i32
        %dma_start3A_152 = tpu.memref_slice %arg7[%add3A_144, %dma_start3A_151] : memref<40x128xi32, #tpu.memory_space<vmem>> -> memref<1x128xi32, #tpu.memory_space<vmem>>
        %dma_start3A_153 = tpu.memref_squeeze %dma_start3A_152 : memref<1x128xi32, #tpu.memory_space<vmem>> -> memref<128xi32, #tpu.memory_space<vmem>>
        %dma_start3A_154 = arith.constant 0 : i32
        %dma_start3A_155 = arith.constant 0 : i32
        %dma_start3A_156 = tpu.memref_slice %arg9[%dma_start3A_154, %dma_start3A_155] : memref<10016x128xf32, #tpu.memory_space<vmem_shared>> -> memref<10016x128xf32, #tpu.memory_space<vmem_shared>>
        tpu.enqueue_indirect_dma source(%dma_start3A_150 : memref<128x128xf32, #tpu.memory_space<vmem>>) target(%dma_start3A_156 : memref<10016x128xf32, #tpu.memory_space<vmem_shared>>) offsets(%dma_start3A_153 : memref<128xi32, #tpu.memory_space<vmem>>) semaphore(%run_scoped3A_146 : memref<!tpu.dma_semaphore, #tpu.memory_space<semaphore_mem>>) {add = true}
        %dma_wait3A_157 = arith.constant 0 : i32
        %dma_wait3A_158 = arith.constant 0 : i32
        %dma_wait3A_159 = tpu.memref_slice %arg8[%run_scoped3A_145, %dma_wait3A_157, %dma_wait3A_158] : memref<2x128x128xf32, #tpu.memory_space<vmem>> -> memref<1x128x128xf32, #tpu.memory_space<vmem>>
        %dma_wait3A_160 = tpu.memref_squeeze %dma_wait3A_159 : memref<1x128x128xf32, #tpu.memory_space<vmem>> -> memref<128x128xf32, #tpu.memory_space<vmem>>
        %dma_wait3A_161 = arith.constant 0 : i32
        %dma_wait3A_162 = tpu.memref_slice %arg7[%add3A_144, %dma_wait3A_161] : memref<40x128xi32, #tpu.memory_space<vmem>> -> memref<1x128xi32, #tpu.memory_space<vmem>>
        %dma_wait3A_163 = tpu.memref_squeeze %dma_wait3A_162 : memref<1x128xi32, #tpu.memory_space<vmem>> -> memref<128xi32, #tpu.memory_space<vmem>>
        %dma_wait3A_164 = arith.constant 0 : i32
        %dma_wait3A_165 = arith.constant 0 : i32
        %dma_wait3A_166 = tpu.memref_slice %arg9[%dma_wait3A_164, %dma_wait3A_165] : memref<10016x128xf32, #tpu.memory_space<vmem_shared>> -> memref<10016x128xf32, #tpu.memory_space<vmem_shared>>
        tpu.wait_indirect_dma semaphore(%run_scoped3A_146 : memref<!tpu.dma_semaphore, #tpu.memory_space<semaphore_mem>>) src(%dma_wait3A_160 : memref<128x128xf32, #tpu.memory_space<vmem>>) dst(%dma_wait3A_166 : memref<10016x128xf32, #tpu.memory_space<vmem_shared>>)
        tpu.yield
      }) : () -> ()
    }
    %scan3A_39 = arith.constant 20 : i32
    %barrier3A_40 = arith.constant 0 : index
    tpu.barrier barrier_id(%barrier3A_40)
    %mul3A_41 = arith.constant 10000 : i32
    %mul3A_42 = arith.muli %add3A_3, %mul3A_41 : i32
    %add3A_43 = arith.addi %mul3A_42, %mul3A_0 : i32
    "tpu.region"() ({
      %run_scoped3A = tpu.sem_alloc : memref<!tpu.dma_semaphore, #tpu.memory_space<semaphore_mem>>
      %dma_start3A = arith.constant 0 : i32
      %dma_start3A_92 = tpu.memref_slice %arg5[%add3A_43, %dma_start3A] : memref<40000x128xf32, #tpu.memory_space<hbm>> -> memref<640x128xf32, #tpu.memory_space<hbm>>
      %dma_start3A_93 = arith.constant 0 : i32
      %dma_start3A_94 = tpu.memref_slice %arg9[%mul3A_0, %dma_start3A_93] : memref<10016x128xf32, #tpu.memory_space<vmem_shared>> -> memref<640x128xf32, #tpu.memory_space<vmem_shared>>
      tpu.enqueue_dma source(%dma_start3A_94 : memref<640x128xf32, #tpu.memory_space<vmem_shared>>) target(%dma_start3A_92 : memref<640x128xf32, #tpu.memory_space<hbm>>) target_semaphore(%run_scoped3A : memref<!tpu.dma_semaphore, #tpu.memory_space<semaphore_mem>>)
      %dma_wait3A = arith.constant 0 : i32
      %dma_wait3A_95 = tpu.memref_slice %arg5[%add3A_43, %dma_wait3A] : memref<40000x128xf32, #tpu.memory_space<hbm>> -> memref<640x128xf32, #tpu.memory_space<hbm>>
      %dma_wait3A_96 = arith.constant 0 : i32
      %dma_wait3A_97 = tpu.memref_slice %arg9[%mul3A_0, %dma_wait3A_96] : memref<10016x128xf32, #tpu.memory_space<vmem_shared>> -> memref<640x128xf32, #tpu.memory_space<vmem_shared>>
      tpu.wait_dma2 semaphore(%run_scoped3A : memref<!tpu.dma_semaphore, #tpu.memory_space<semaphore_mem>>) src(%dma_wait3A_97 : memref<640x128xf32, #tpu.memory_space<vmem_shared>>) dst(%dma_wait3A_95 : memref<640x128xf32, #tpu.memory_space<hbm>>)
      tpu.yield
    }) : () -> ()
    %barrier3A_44 = arith.constant 0 : index
    tpu.barrier barrier_id(%barrier3A_44)
    %mul3A_45 = arith.constant 2 : i32
    %mul3A_46 = arith.muli %arg0, %mul3A_45 : i32
    %add3A_47 = arith.constant 1 : i32
    %add3A_48 = arith.addi %mul3A_46, %add3A_47 : i32
    %mul3A_49 = arith.constant 10000 : i32
    %mul3A_50 = arith.muli %add3A_48, %mul3A_49 : i32
    %add3A_51 = arith.addi %mul3A_50, %mul3A_0 : i32
    "tpu.region"() ({
      %run_scoped3A = tpu.sem_alloc : memref<!tpu.dma_semaphore, #tpu.memory_space<semaphore_mem>>
      %dma_start3A = arith.constant 0 : i32
      %dma_start3A_92 = tpu.memref_slice %arg9[%mul3A_0, %dma_start3A] : memref<10016x128xf32, #tpu.memory_space<vmem_shared>> -> memref<640x128xf32, #tpu.memory_space<vmem_shared>>
      %dma_start3A_93 = arith.constant 0 : i32
      %dma_start3A_94 = tpu.memref_slice %arg4[%add3A_51, %dma_start3A_93] : memref<40000x128xf32, #tpu.memory_space<hbm>> -> memref<640x128xf32, #tpu.memory_space<hbm>>
      tpu.enqueue_dma source(%dma_start3A_94 : memref<640x128xf32, #tpu.memory_space<hbm>>) target(%dma_start3A_92 : memref<640x128xf32, #tpu.memory_space<vmem_shared>>) target_semaphore(%run_scoped3A : memref<!tpu.dma_semaphore, #tpu.memory_space<semaphore_mem>>)
      %dma_wait3A = arith.constant 0 : i32
      %dma_wait3A_95 = tpu.memref_slice %arg9[%mul3A_0, %dma_wait3A] : memref<10016x128xf32, #tpu.memory_space<vmem_shared>> -> memref<640x128xf32, #tpu.memory_space<vmem_shared>>
      %dma_wait3A_96 = arith.constant 0 : i32
      %dma_wait3A_97 = tpu.memref_slice %arg4[%add3A_51, %dma_wait3A_96] : memref<40000x128xf32, #tpu.memory_space<hbm>> -> memref<640x128xf32, #tpu.memory_space<hbm>>
      tpu.wait_dma2 semaphore(%run_scoped3A : memref<!tpu.dma_semaphore, #tpu.memory_space<semaphore_mem>>) src(%dma_wait3A_97 : memref<640x128xf32, #tpu.memory_space<hbm>>) dst(%dma_wait3A_95 : memref<640x128xf32, #tpu.memory_space<vmem_shared>>)
      tpu.yield
    }) : () -> ()
    %barrier3A_52 = arith.constant 0 : index
    tpu.barrier barrier_id(%barrier3A_52)
    %mul3A_53 = arith.constant 16 : i32
    %mul3A_54 = arith.muli %add3A_48, %mul3A_53 : i32
    %add3A_55 = arith.addi %mul3A_54, %arg1 : i32
    %mul3A_56 = arith.constant 80 : i32
    %mul3A_57 = arith.muli %add3A_55, %mul3A_56 : i32
    %add3A_58 = arith.constant 0 : i32
    %add3A_59 = arith.addi %mul3A_57, %add3A_58 : i32
    "tpu.region"() ({
      %run_scoped3A = tpu.sem_alloc : memref<!tpu.dma_semaphore, #tpu.memory_space<semaphore_mem>>
      %dma_start3A = arith.constant 0 : i32
      %dma_start3A_92 = tpu.memref_slice %arg2[%add3A_59, %dma_start3A] : memref<5120x128xi32, #tpu.memory_space<hbm>> -> memref<40x128xi32, #tpu.memory_space<hbm>>
      %dma_start3A_93 = arith.constant 0 : i32
      %dma_start3A_94 = tpu.memref_slice %arg2[%add3A_59, %dma_start3A_93] : memref<5120x128xi32, #tpu.memory_space<hbm>> -> memref<40x128xi32, #tpu.memory_space<hbm>>
      tpu.enqueue_dma source(%dma_start3A_94 : memref<40x128xi32, #tpu.memory_space<hbm>>) target(%arg6 : memref<40x128xi32, #tpu.memory_space<vmem>>) target_semaphore(%run_scoped3A : memref<!tpu.dma_semaphore, #tpu.memory_space<semaphore_mem>>)
      %dma_wait3A = arith.constant 0 : i32
      %dma_wait3A_95 = tpu.memref_slice %arg2[%add3A_59, %dma_wait3A] : memref<5120x128xi32, #tpu.memory_space<hbm>> -> memref<40x128xi32, #tpu.memory_space<hbm>>
      %dma_wait3A_96 = arith.constant 0 : i32
      %dma_wait3A_97 = tpu.memref_slice %arg2[%add3A_59, %dma_wait3A_96] : memref<5120x128xi32, #tpu.memory_space<hbm>> -> memref<40x128xi32, #tpu.memory_space<hbm>>
      tpu.wait_dma2 semaphore(%run_scoped3A : memref<!tpu.dma_semaphore, #tpu.memory_space<semaphore_mem>>) src(%dma_wait3A_97 : memref<40x128xi32, #tpu.memory_space<hbm>>) dst(%arg6 : memref<40x128xi32, #tpu.memory_space<vmem>>)
      tpu.yield
    }) : () -> ()
    %mul3A_60 = arith.constant 80 : i32
    %mul3A_61 = arith.muli %arg1, %mul3A_60 : i32
    %add3A_62 = arith.constant 0 : i32
    %add3A_63 = arith.addi %mul3A_61, %add3A_62 : i32
    "tpu.region"() ({
      %run_scoped3A = tpu.sem_alloc : memref<!tpu.dma_semaphore, #tpu.memory_space<semaphore_mem>>
      %dma_start3A = arith.constant 0 : i32
      %dma_start3A_92 = tpu.memref_slice %arg3[%add3A_63, %dma_start3A] : memref<1280x128xi32, #tpu.memory_space<hbm>> -> memref<40x128xi32, #tpu.memory_space<hbm>>
      %dma_start3A_93 = arith.constant 0 : i32
      %dma_start3A_94 = tpu.memref_slice %arg3[%add3A_63, %dma_start3A_93] : memref<1280x128xi32, #tpu.memory_space<hbm>> -> memref<40x128xi32, #tpu.memory_space<hbm>>
      tpu.enqueue_dma source(%dma_start3A_94 : memref<40x128xi32, #tpu.memory_space<hbm>>) target(%arg7 : memref<40x128xi32, #tpu.memory_space<vmem>>) target_semaphore(%run_scoped3A : memref<!tpu.dma_semaphore, #tpu.memory_space<semaphore_mem>>)
      %dma_wait3A = arith.constant 0 : i32
      %dma_wait3A_95 = tpu.memref_slice %arg3[%add3A_63, %dma_wait3A] : memref<1280x128xi32, #tpu.memory_space<hbm>> -> memref<40x128xi32, #tpu.memory_space<hbm>>
      %dma_wait3A_96 = arith.constant 0 : i32
      %dma_wait3A_97 = tpu.memref_slice %arg3[%add3A_63, %dma_wait3A_96] : memref<1280x128xi32, #tpu.memory_space<hbm>> -> memref<40x128xi32, #tpu.memory_space<hbm>>
      tpu.wait_dma2 semaphore(%run_scoped3A : memref<!tpu.dma_semaphore, #tpu.memory_space<semaphore_mem>>) src(%dma_wait3A_97 : memref<40x128xi32, #tpu.memory_space<hbm>>) dst(%arg7 : memref<40x128xi32, #tpu.memory_space<vmem>>)
      tpu.yield
    }) : () -> ()
    %scan3A_64 = arith.constant 0 : i32
    %scan3A_65 = arith.constant 0 : i32
    %scan3A_66 = arith.constant 20 : i32
    %scan3A_67 = arith.addi %scan3A_65, %scan3A_66 : i32
    %scan3A_68 = arith.constant 1 : i32
    scf.for %scan3A_92 = %scan3A_65 to %scan3A_67 step %scan3A_68  : i32 {
      %mul3A_93 = arith.constant 2 : i32
      %mul3A_94 = arith.muli %scan3A_92, %mul3A_93 : i32
      %add3A_95 = arith.constant 0 : i32
      %add3A_96 = arith.addi %mul3A_94, %add3A_95 : i32
      %dma_start3A = arith.constant 0 : i32
      %dma_start3A_97 = arith.constant 0 : i32
      %dma_start3A_98 = arith.constant 0 : i32
      %dma_start3A_99 = tpu.memref_slice %arg8[%dma_start3A, %dma_start3A_97, %dma_start3A_98] : memref<2x128x128xf32, #tpu.memory_space<vmem>> -> memref<1x128x128xf32, #tpu.memory_space<vmem>>
      %dma_start3A_100 = tpu.memref_squeeze %dma_start3A_99 : memref<1x128x128xf32, #tpu.memory_space<vmem>> -> memref<128x128xf32, #tpu.memory_space<vmem>>
      %dma_start3A_101 = arith.constant 0 : i32
      %dma_start3A_102 = tpu.memref_slice %arg6[%add3A_96, %dma_start3A_101] : memref<40x128xi32, #tpu.memory_space<vmem>> -> memref<1x128xi32, #tpu.memory_space<vmem>>
      %dma_start3A_103 = tpu.memref_squeeze %dma_start3A_102 : memref<1x128xi32, #tpu.memory_space<vmem>> -> memref<128xi32, #tpu.memory_space<vmem>>
      %dma_start3A_104 = arith.constant 0 : i32
      %dma_start3A_105 = arith.constant 0 : i32
      %dma_start3A_106 = tpu.memref_slice %arg4[%dma_start3A_104, %dma_start3A_105] : memref<40000x128xf32, #tpu.memory_space<hbm>> -> memref<40000x128xf32, #tpu.memory_space<hbm>>
      tpu.enqueue_indirect_dma source(%dma_start3A_106 : memref<40000x128xf32, #tpu.memory_space<hbm>>) target(%dma_start3A_100 : memref<128x128xf32, #tpu.memory_space<vmem>>) offsets(%dma_start3A_103 : memref<128xi32, #tpu.memory_space<vmem>>) semaphore(%arg10 : memref<!tpu.dma_semaphore, #tpu.memory_space<semaphore_mem>>)
      %add3A_107 = arith.constant 1 : i32
      %add3A_108 = arith.addi %mul3A_94, %add3A_107 : i32
      %dma_start3A_109 = arith.constant 1 : i32
      %dma_start3A_110 = arith.constant 0 : i32
      %dma_start3A_111 = arith.constant 0 : i32
      %dma_start3A_112 = tpu.memref_slice %arg8[%dma_start3A_109, %dma_start3A_110, %dma_start3A_111] : memref<2x128x128xf32, #tpu.memory_space<vmem>> -> memref<1x128x128xf32, #tpu.memory_space<vmem>>
      %dma_start3A_113 = tpu.memref_squeeze %dma_start3A_112 : memref<1x128x128xf32, #tpu.memory_space<vmem>> -> memref<128x128xf32, #tpu.memory_space<vmem>>
      %dma_start3A_114 = arith.constant 0 : i32
      %dma_start3A_115 = tpu.memref_slice %arg6[%add3A_108, %dma_start3A_114] : memref<40x128xi32, #tpu.memory_space<vmem>> -> memref<1x128xi32, #tpu.memory_space<vmem>>
      %dma_start3A_116 = tpu.memref_squeeze %dma_start3A_115 : memref<1x128xi32, #tpu.memory_space<vmem>> -> memref<128xi32, #tpu.memory_space<vmem>>
      %dma_start3A_117 = arith.constant 0 : i32
      %dma_start3A_118 = arith.constant 0 : i32
      %dma_start3A_119 = tpu.memref_slice %arg4[%dma_start3A_117, %dma_start3A_118] : memref<40000x128xf32, #tpu.memory_space<hbm>> -> memref<40000x128xf32, #tpu.memory_space<hbm>>
      tpu.enqueue_indirect_dma source(%dma_start3A_119 : memref<40000x128xf32, #tpu.memory_space<hbm>>) target(%dma_start3A_113 : memref<128x128xf32, #tpu.memory_space<vmem>>) offsets(%dma_start3A_116 : memref<128xi32, #tpu.memory_space<vmem>>) semaphore(%arg11 : memref<!tpu.dma_semaphore, #tpu.memory_space<semaphore_mem>>)
      %dma_wait3A = arith.constant 0 : i32
      %dma_wait3A_120 = arith.constant 0 : i32
      %dma_wait3A_121 = arith.constant 0 : i32
      %dma_wait3A_122 = tpu.memref_slice %arg8[%dma_wait3A, %dma_wait3A_120, %dma_wait3A_121] : memref<2x128x128xf32, #tpu.memory_space<vmem>> -> memref<1x128x128xf32, #tpu.memory_space<vmem>>
      %dma_wait3A_123 = tpu.memref_squeeze %dma_wait3A_122 : memref<1x128x128xf32, #tpu.memory_space<vmem>> -> memref<128x128xf32, #tpu.memory_space<vmem>>
      %dma_wait3A_124 = arith.constant 0 : i32
      %dma_wait3A_125 = tpu.memref_slice %arg6[%add3A_96, %dma_wait3A_124] : memref<40x128xi32, #tpu.memory_space<vmem>> -> memref<1x128xi32, #tpu.memory_space<vmem>>
      %dma_wait3A_126 = tpu.memref_squeeze %dma_wait3A_125 : memref<1x128xi32, #tpu.memory_space<vmem>> -> memref<128xi32, #tpu.memory_space<vmem>>
      %dma_wait3A_127 = arith.constant 0 : i32
      %dma_wait3A_128 = arith.constant 0 : i32
      %dma_wait3A_129 = tpu.memref_slice %arg4[%dma_wait3A_127, %dma_wait3A_128] : memref<40000x128xf32, #tpu.memory_space<hbm>> -> memref<40000x128xf32, #tpu.memory_space<hbm>>
      tpu.wait_indirect_dma semaphore(%arg10 : memref<!tpu.dma_semaphore, #tpu.memory_space<semaphore_mem>>) src(%dma_wait3A_129 : memref<40000x128xf32, #tpu.memory_space<hbm>>) dst(%dma_wait3A_123 : memref<128x128xf32, #tpu.memory_space<vmem>>)
      %add3A_130 = arith.constant 0 : i32
      %add3A_131 = arith.addi %mul3A_94, %add3A_130 : i32
      %run_scoped3A = arith.constant 0 : i32
      "tpu.region"() ({
        %run_scoped3A_146 = tpu.sem_alloc : memref<!tpu.dma_semaphore, #tpu.memory_space<semaphore_mem>>
        %dma_start3A_147 = arith.constant 0 : i32
        %dma_start3A_148 = arith.constant 0 : i32
        %dma_start3A_149 = tpu.memref_slice %arg8[%run_scoped3A, %dma_start3A_147, %dma_start3A_148] : memref<2x128x128xf32, #tpu.memory_space<vmem>> -> memref<1x128x128xf32, #tpu.memory_space<vmem>>
        %dma_start3A_150 = tpu.memref_squeeze %dma_start3A_149 : memref<1x128x128xf32, #tpu.memory_space<vmem>> -> memref<128x128xf32, #tpu.memory_space<vmem>>
        %dma_start3A_151 = arith.constant 0 : i32
        %dma_start3A_152 = tpu.memref_slice %arg7[%add3A_131, %dma_start3A_151] : memref<40x128xi32, #tpu.memory_space<vmem>> -> memref<1x128xi32, #tpu.memory_space<vmem>>
        %dma_start3A_153 = tpu.memref_squeeze %dma_start3A_152 : memref<1x128xi32, #tpu.memory_space<vmem>> -> memref<128xi32, #tpu.memory_space<vmem>>
        %dma_start3A_154 = arith.constant 0 : i32
        %dma_start3A_155 = arith.constant 0 : i32
        %dma_start3A_156 = tpu.memref_slice %arg9[%dma_start3A_154, %dma_start3A_155] : memref<10016x128xf32, #tpu.memory_space<vmem_shared>> -> memref<10016x128xf32, #tpu.memory_space<vmem_shared>>
        tpu.enqueue_indirect_dma source(%dma_start3A_150 : memref<128x128xf32, #tpu.memory_space<vmem>>) target(%dma_start3A_156 : memref<10016x128xf32, #tpu.memory_space<vmem_shared>>) offsets(%dma_start3A_153 : memref<128xi32, #tpu.memory_space<vmem>>) semaphore(%run_scoped3A_146 : memref<!tpu.dma_semaphore, #tpu.memory_space<semaphore_mem>>) {add = true}
        %dma_wait3A_157 = arith.constant 0 : i32
        %dma_wait3A_158 = arith.constant 0 : i32
        %dma_wait3A_159 = tpu.memref_slice %arg8[%run_scoped3A, %dma_wait3A_157, %dma_wait3A_158] : memref<2x128x128xf32, #tpu.memory_space<vmem>> -> memref<1x128x128xf32, #tpu.memory_space<vmem>>
        %dma_wait3A_160 = tpu.memref_squeeze %dma_wait3A_159 : memref<1x128x128xf32, #tpu.memory_space<vmem>> -> memref<128x128xf32, #tpu.memory_space<vmem>>
        %dma_wait3A_161 = arith.constant 0 : i32
        %dma_wait3A_162 = tpu.memref_slice %arg7[%add3A_131, %dma_wait3A_161] : memref<40x128xi32, #tpu.memory_space<vmem>> -> memref<1x128xi32, #tpu.memory_space<vmem>>
        %dma_wait3A_163 = tpu.memref_squeeze %dma_wait3A_162 : memref<1x128xi32, #tpu.memory_space<vmem>> -> memref<128xi32, #tpu.memory_space<vmem>>
        %dma_wait3A_164 = arith.constant 0 : i32
        %dma_wait3A_165 = arith.constant 0 : i32
        %dma_wait3A_166 = tpu.memref_slice %arg9[%dma_wait3A_164, %dma_wait3A_165] : memref<10016x128xf32, #tpu.memory_space<vmem_shared>> -> memref<10016x128xf32, #tpu.memory_space<vmem_shared>>
        tpu.wait_indirect_dma semaphore(%run_scoped3A_146 : memref<!tpu.dma_semaphore, #tpu.memory_space<semaphore_mem>>) src(%dma_wait3A_160 : memref<128x128xf32, #tpu.memory_space<vmem>>) dst(%dma_wait3A_166 : memref<10016x128xf32, #tpu.memory_space<vmem_shared>>)
        tpu.yield
      }) : () -> ()
      %dma_wait3A_132 = arith.constant 1 : i32
      %dma_wait3A_133 = arith.constant 0 : i32
      %dma_wait3A_134 = arith.constant 0 : i32
      %dma_wait3A_135 = tpu.memref_slice %arg8[%dma_wait3A_132, %dma_wait3A_133, %dma_wait3A_134] : memref<2x128x128xf32, #tpu.memory_space<vmem>> -> memref<1x128x128xf32, #tpu.memory_space<vmem>>
      %dma_wait3A_136 = tpu.memref_squeeze %dma_wait3A_135 : memref<1x128x128xf32, #tpu.memory_space<vmem>> -> memref<128x128xf32, #tpu.memory_space<vmem>>
      %dma_wait3A_137 = arith.constant 0 : i32
      %dma_wait3A_138 = tpu.memref_slice %arg6[%add3A_108, %dma_wait3A_137] : memref<40x128xi32, #tpu.memory_space<vmem>> -> memref<1x128xi32, #tpu.memory_space<vmem>>
      %dma_wait3A_139 = tpu.memref_squeeze %dma_wait3A_138 : memref<1x128xi32, #tpu.memory_space<vmem>> -> memref<128xi32, #tpu.memory_space<vmem>>
      %dma_wait3A_140 = arith.constant 0 : i32
      %dma_wait3A_141 = arith.constant 0 : i32
      %dma_wait3A_142 = tpu.memref_slice %arg4[%dma_wait3A_140, %dma_wait3A_141] : memref<40000x128xf32, #tpu.memory_space<hbm>> -> memref<40000x128xf32, #tpu.memory_space<hbm>>
      tpu.wait_indirect_dma semaphore(%arg11 : memref<!tpu.dma_semaphore, #tpu.memory_space<semaphore_mem>>) src(%dma_wait3A_142 : memref<40000x128xf32, #tpu.memory_space<hbm>>) dst(%dma_wait3A_136 : memref<128x128xf32, #tpu.memory_space<vmem>>)
      %add3A_143 = arith.constant 1 : i32
      %add3A_144 = arith.addi %mul3A_94, %add3A_143 : i32
      %run_scoped3A_145 = arith.constant 1 : i32
      "tpu.region"() ({
        %run_scoped3A_146 = tpu.sem_alloc : memref<!tpu.dma_semaphore, #tpu.memory_space<semaphore_mem>>
        %dma_start3A_147 = arith.constant 0 : i32
        %dma_start3A_148 = arith.constant 0 : i32
        %dma_start3A_149 = tpu.memref_slice %arg8[%run_scoped3A_145, %dma_start3A_147, %dma_start3A_148] : memref<2x128x128xf32, #tpu.memory_space<vmem>> -> memref<1x128x128xf32, #tpu.memory_space<vmem>>
        %dma_start3A_150 = tpu.memref_squeeze %dma_start3A_149 : memref<1x128x128xf32, #tpu.memory_space<vmem>> -> memref<128x128xf32, #tpu.memory_space<vmem>>
        %dma_start3A_151 = arith.constant 0 : i32
        %dma_start3A_152 = tpu.memref_slice %arg7[%add3A_144, %dma_start3A_151] : memref<40x128xi32, #tpu.memory_space<vmem>> -> memref<1x128xi32, #tpu.memory_space<vmem>>
        %dma_start3A_153 = tpu.memref_squeeze %dma_start3A_152 : memref<1x128xi32, #tpu.memory_space<vmem>> -> memref<128xi32, #tpu.memory_space<vmem>>
        %dma_start3A_154 = arith.constant 0 : i32
        %dma_start3A_155 = arith.constant 0 : i32
        %dma_start3A_156 = tpu.memref_slice %arg9[%dma_start3A_154, %dma_start3A_155] : memref<10016x128xf32, #tpu.memory_space<vmem_shared>> -> memref<10016x128xf32, #tpu.memory_space<vmem_shared>>
        tpu.enqueue_indirect_dma source(%dma_start3A_150 : memref<128x128xf32, #tpu.memory_space<vmem>>) target(%dma_start3A_156 : memref<10016x128xf32, #tpu.memory_space<vmem_shared>>) offsets(%dma_start3A_153 : memref<128xi32, #tpu.memory_space<vmem>>) semaphore(%run_scoped3A_146 : memref<!tpu.dma_semaphore, #tpu.memory_space<semaphore_mem>>) {add = true}
        %dma_wait3A_157 = arith.constant 0 : i32
        %dma_wait3A_158 = arith.constant 0 : i32
        %dma_wait3A_159 = tpu.memref_slice %arg8[%run_scoped3A_145, %dma_wait3A_157, %dma_wait3A_158] : memref<2x128x128xf32, #tpu.memory_space<vmem>> -> memref<1x128x128xf32, #tpu.memory_space<vmem>>
        %dma_wait3A_160 = tpu.memref_squeeze %dma_wait3A_159 : memref<1x128x128xf32, #tpu.memory_space<vmem>> -> memref<128x128xf32, #tpu.memory_space<vmem>>
        %dma_wait3A_161 = arith.constant 0 : i32
        %dma_wait3A_162 = tpu.memref_slice %arg7[%add3A_144, %dma_wait3A_161] : memref<40x128xi32, #tpu.memory_space<vmem>> -> memref<1x128xi32, #tpu.memory_space<vmem>>
        %dma_wait3A_163 = tpu.memref_squeeze %dma_wait3A_162 : memref<1x128xi32, #tpu.memory_space<vmem>> -> memref<128xi32, #tpu.memory_space<vmem>>
        %dma_wait3A_164 = arith.constant 0 : i32
        %dma_wait3A_165 = arith.constant 0 : i32
        %dma_wait3A_166 = tpu.memref_slice %arg9[%dma_wait3A_164, %dma_wait3A_165] : memref<10016x128xf32, #tpu.memory_space<vmem_shared>> -> memref<10016x128xf32, #tpu.memory_space<vmem_shared>>
        tpu.wait_indirect_dma semaphore(%run_scoped3A_146 : memref<!tpu.dma_semaphore, #tpu.memory_space<semaphore_mem>>) src(%dma_wait3A_160 : memref<128x128xf32, #tpu.memory_space<vmem>>) dst(%dma_wait3A_166 : memref<10016x128xf32, #tpu.memory_space<vmem_shared>>)
        tpu.yield
      }) : () -> ()
    }
    %scan3A_69 = arith.constant 20 : i32
    %mul3A_70 = arith.constant 16 : i32
    %mul3A_71 = arith.muli %add3A_48, %mul3A_70 : i32
    %add3A_72 = arith.addi %mul3A_71, %arg1 : i32
    %mul3A_73 = arith.constant 80 : i32
    %mul3A_74 = arith.muli %add3A_72, %mul3A_73 : i32
    %add3A_75 = arith.constant 40 : i32
    %add3A_76 = arith.addi %mul3A_74, %add3A_75 : i32
    "tpu.region"() ({
      %run_scoped3A = tpu.sem_alloc : memref<!tpu.dma_semaphore, #tpu.memory_space<semaphore_mem>>
      %dma_start3A = arith.constant 0 : i32
      %dma_start3A_92 = tpu.memref_slice %arg2[%add3A_76, %dma_start3A] : memref<5120x128xi32, #tpu.memory_space<hbm>> -> memref<40x128xi32, #tpu.memory_space<hbm>>
      %dma_start3A_93 = arith.constant 0 : i32
      %dma_start3A_94 = tpu.memref_slice %arg2[%add3A_76, %dma_start3A_93] : memref<5120x128xi32, #tpu.memory_space<hbm>> -> memref<40x128xi32, #tpu.memory_space<hbm>>
      tpu.enqueue_dma source(%dma_start3A_94 : memref<40x128xi32, #tpu.memory_space<hbm>>) target(%arg6 : memref<40x128xi32, #tpu.memory_space<vmem>>) target_semaphore(%run_scoped3A : memref<!tpu.dma_semaphore, #tpu.memory_space<semaphore_mem>>)
      %dma_wait3A = arith.constant 0 : i32
      %dma_wait3A_95 = tpu.memref_slice %arg2[%add3A_76, %dma_wait3A] : memref<5120x128xi32, #tpu.memory_space<hbm>> -> memref<40x128xi32, #tpu.memory_space<hbm>>
      %dma_wait3A_96 = arith.constant 0 : i32
      %dma_wait3A_97 = tpu.memref_slice %arg2[%add3A_76, %dma_wait3A_96] : memref<5120x128xi32, #tpu.memory_space<hbm>> -> memref<40x128xi32, #tpu.memory_space<hbm>>
      tpu.wait_dma2 semaphore(%run_scoped3A : memref<!tpu.dma_semaphore, #tpu.memory_space<semaphore_mem>>) src(%dma_wait3A_97 : memref<40x128xi32, #tpu.memory_space<hbm>>) dst(%arg6 : memref<40x128xi32, #tpu.memory_space<vmem>>)
      tpu.yield
    }) : () -> ()
    %mul3A_77 = arith.constant 80 : i32
    %mul3A_78 = arith.muli %arg1, %mul3A_77 : i32
    %add3A_79 = arith.constant 40 : i32
    %add3A_80 = arith.addi %mul3A_78, %add3A_79 : i32
    "tpu.region"() ({
      %run_scoped3A = tpu.sem_alloc : memref<!tpu.dma_semaphore, #tpu.memory_space<semaphore_mem>>
      %dma_start3A = arith.constant 0 : i32
      %dma_start3A_92 = tpu.memref_slice %arg3[%add3A_80, %dma_start3A] : memref<1280x128xi32, #tpu.memory_space<hbm>> -> memref<40x128xi32, #tpu.memory_space<hbm>>
      %dma_start3A_93 = arith.constant 0 : i32
      %dma_start3A_94 = tpu.memref_slice %arg3[%add3A_80, %dma_start3A_93] : memref<1280x128xi32, #tpu.memory_space<hbm>> -> memref<40x128xi32, #tpu.memory_space<hbm>>
      tpu.enqueue_dma source(%dma_start3A_94 : memref<40x128xi32, #tpu.memory_space<hbm>>) target(%arg7 : memref<40x128xi32, #tpu.memory_space<vmem>>) target_semaphore(%run_scoped3A : memref<!tpu.dma_semaphore, #tpu.memory_space<semaphore_mem>>)
      %dma_wait3A = arith.constant 0 : i32
      %dma_wait3A_95 = tpu.memref_slice %arg3[%add3A_80, %dma_wait3A] : memref<1280x128xi32, #tpu.memory_space<hbm>> -> memref<40x128xi32, #tpu.memory_space<hbm>>
      %dma_wait3A_96 = arith.constant 0 : i32
      %dma_wait3A_97 = tpu.memref_slice %arg3[%add3A_80, %dma_wait3A_96] : memref<1280x128xi32, #tpu.memory_space<hbm>> -> memref<40x128xi32, #tpu.memory_space<hbm>>
      tpu.wait_dma2 semaphore(%run_scoped3A : memref<!tpu.dma_semaphore, #tpu.memory_space<semaphore_mem>>) src(%dma_wait3A_97 : memref<40x128xi32, #tpu.memory_space<hbm>>) dst(%arg7 : memref<40x128xi32, #tpu.memory_space<vmem>>)
      tpu.yield
    }) : () -> ()
    %scan3A_81 = arith.constant 0 : i32
    %scan3A_82 = arith.constant 0 : i32
    %scan3A_83 = arith.constant 20 : i32
    %scan3A_84 = arith.addi %scan3A_82, %scan3A_83 : i32
    %scan3A_85 = arith.constant 1 : i32
    scf.for %scan3A_92 = %scan3A_82 to %scan3A_84 step %scan3A_85  : i32 {
      %mul3A_93 = arith.constant 2 : i32
      %mul3A_94 = arith.muli %scan3A_92, %mul3A_93 : i32
      %add3A_95 = arith.constant 0 : i32
      %add3A_96 = arith.addi %mul3A_94, %add3A_95 : i32
      %dma_start3A = arith.constant 0 : i32
      %dma_start3A_97 = arith.constant 0 : i32
      %dma_start3A_98 = arith.constant 0 : i32
      %dma_start3A_99 = tpu.memref_slice %arg8[%dma_start3A, %dma_start3A_97, %dma_start3A_98] : memref<2x128x128xf32, #tpu.memory_space<vmem>> -> memref<1x128x128xf32, #tpu.memory_space<vmem>>
      %dma_start3A_100 = tpu.memref_squeeze %dma_start3A_99 : memref<1x128x128xf32, #tpu.memory_space<vmem>> -> memref<128x128xf32, #tpu.memory_space<vmem>>
      %dma_start3A_101 = arith.constant 0 : i32
      %dma_start3A_102 = tpu.memref_slice %arg6[%add3A_96, %dma_start3A_101] : memref<40x128xi32, #tpu.memory_space<vmem>> -> memref<1x128xi32, #tpu.memory_space<vmem>>
      %dma_start3A_103 = tpu.memref_squeeze %dma_start3A_102 : memref<1x128xi32, #tpu.memory_space<vmem>> -> memref<128xi32, #tpu.memory_space<vmem>>
      %dma_start3A_104 = arith.constant 0 : i32
      %dma_start3A_105 = arith.constant 0 : i32
      %dma_start3A_106 = tpu.memref_slice %arg4[%dma_start3A_104, %dma_start3A_105] : memref<40000x128xf32, #tpu.memory_space<hbm>> -> memref<40000x128xf32, #tpu.memory_space<hbm>>
      tpu.enqueue_indirect_dma source(%dma_start3A_106 : memref<40000x128xf32, #tpu.memory_space<hbm>>) target(%dma_start3A_100 : memref<128x128xf32, #tpu.memory_space<vmem>>) offsets(%dma_start3A_103 : memref<128xi32, #tpu.memory_space<vmem>>) semaphore(%arg10 : memref<!tpu.dma_semaphore, #tpu.memory_space<semaphore_mem>>)
      %add3A_107 = arith.constant 1 : i32
      %add3A_108 = arith.addi %mul3A_94, %add3A_107 : i32
      %dma_start3A_109 = arith.constant 1 : i32
      %dma_start3A_110 = arith.constant 0 : i32
      %dma_start3A_111 = arith.constant 0 : i32
      %dma_start3A_112 = tpu.memref_slice %arg8[%dma_start3A_109, %dma_start3A_110, %dma_start3A_111] : memref<2x128x128xf32, #tpu.memory_space<vmem>> -> memref<1x128x128xf32, #tpu.memory_space<vmem>>
      %dma_start3A_113 = tpu.memref_squeeze %dma_start3A_112 : memref<1x128x128xf32, #tpu.memory_space<vmem>> -> memref<128x128xf32, #tpu.memory_space<vmem>>
      %dma_start3A_114 = arith.constant 0 : i32
      %dma_start3A_115 = tpu.memref_slice %arg6[%add3A_108, %dma_start3A_114] : memref<40x128xi32, #tpu.memory_space<vmem>> -> memref<1x128xi32, #tpu.memory_space<vmem>>
      %dma_start3A_116 = tpu.memref_squeeze %dma_start3A_115 : memref<1x128xi32, #tpu.memory_space<vmem>> -> memref<128xi32, #tpu.memory_space<vmem>>
      %dma_start3A_117 = arith.constant 0 : i32
      %dma_start3A_118 = arith.constant 0 : i32
      %dma_start3A_119 = tpu.memref_slice %arg4[%dma_start3A_117, %dma_start3A_118] : memref<40000x128xf32, #tpu.memory_space<hbm>> -> memref<40000x128xf32, #tpu.memory_space<hbm>>
      tpu.enqueue_indirect_dma source(%dma_start3A_119 : memref<40000x128xf32, #tpu.memory_space<hbm>>) target(%dma_start3A_113 : memref<128x128xf32, #tpu.memory_space<vmem>>) offsets(%dma_start3A_116 : memref<128xi32, #tpu.memory_space<vmem>>) semaphore(%arg11 : memref<!tpu.dma_semaphore, #tpu.memory_space<semaphore_mem>>)
      %dma_wait3A = arith.constant 0 : i32
      %dma_wait3A_120 = arith.constant 0 : i32
      %dma_wait3A_121 = arith.constant 0 : i32
      %dma_wait3A_122 = tpu.memref_slice %arg8[%dma_wait3A, %dma_wait3A_120, %dma_wait3A_121] : memref<2x128x128xf32, #tpu.memory_space<vmem>> -> memref<1x128x128xf32, #tpu.memory_space<vmem>>
      %dma_wait3A_123 = tpu.memref_squeeze %dma_wait3A_122 : memref<1x128x128xf32, #tpu.memory_space<vmem>> -> memref<128x128xf32, #tpu.memory_space<vmem>>
      %dma_wait3A_124 = arith.constant 0 : i32
      %dma_wait3A_125 = tpu.memref_slice %arg6[%add3A_96, %dma_wait3A_124] : memref<40x128xi32, #tpu.memory_space<vmem>> -> memref<1x128xi32, #tpu.memory_space<vmem>>
      %dma_wait3A_126 = tpu.memref_squeeze %dma_wait3A_125 : memref<1x128xi32, #tpu.memory_space<vmem>> -> memref<128xi32, #tpu.memory_space<vmem>>
      %dma_wait3A_127 = arith.constant 0 : i32
      %dma_wait3A_128 = arith.constant 0 : i32
      %dma_wait3A_129 = tpu.memref_slice %arg4[%dma_wait3A_127, %dma_wait3A_128] : memref<40000x128xf32, #tpu.memory_space<hbm>> -> memref<40000x128xf32, #tpu.memory_space<hbm>>
      tpu.wait_indirect_dma semaphore(%arg10 : memref<!tpu.dma_semaphore, #tpu.memory_space<semaphore_mem>>) src(%dma_wait3A_129 : memref<40000x128xf32, #tpu.memory_space<hbm>>) dst(%dma_wait3A_123 : memref<128x128xf32, #tpu.memory_space<vmem>>)
      %add3A_130 = arith.constant 0 : i32
      %add3A_131 = arith.addi %mul3A_94, %add3A_130 : i32
      %run_scoped3A = arith.constant 0 : i32
      "tpu.region"() ({
        %run_scoped3A_146 = tpu.sem_alloc : memref<!tpu.dma_semaphore, #tpu.memory_space<semaphore_mem>>
        %dma_start3A_147 = arith.constant 0 : i32
        %dma_start3A_148 = arith.constant 0 : i32
        %dma_start3A_149 = tpu.memref_slice %arg8[%run_scoped3A, %dma_start3A_147, %dma_start3A_148] : memref<2x128x128xf32, #tpu.memory_space<vmem>> -> memref<1x128x128xf32, #tpu.memory_space<vmem>>
        %dma_start3A_150 = tpu.memref_squeeze %dma_start3A_149 : memref<1x128x128xf32, #tpu.memory_space<vmem>> -> memref<128x128xf32, #tpu.memory_space<vmem>>
        %dma_start3A_151 = arith.constant 0 : i32
        %dma_start3A_152 = tpu.memref_slice %arg7[%add3A_131, %dma_start3A_151] : memref<40x128xi32, #tpu.memory_space<vmem>> -> memref<1x128xi32, #tpu.memory_space<vmem>>
        %dma_start3A_153 = tpu.memref_squeeze %dma_start3A_152 : memref<1x128xi32, #tpu.memory_space<vmem>> -> memref<128xi32, #tpu.memory_space<vmem>>
        %dma_start3A_154 = arith.constant 0 : i32
        %dma_start3A_155 = arith.constant 0 : i32
        %dma_start3A_156 = tpu.memref_slice %arg9[%dma_start3A_154, %dma_start3A_155] : memref<10016x128xf32, #tpu.memory_space<vmem_shared>> -> memref<10016x128xf32, #tpu.memory_space<vmem_shared>>
        tpu.enqueue_indirect_dma source(%dma_start3A_150 : memref<128x128xf32, #tpu.memory_space<vmem>>) target(%dma_start3A_156 : memref<10016x128xf32, #tpu.memory_space<vmem_shared>>) offsets(%dma_start3A_153 : memref<128xi32, #tpu.memory_space<vmem>>) semaphore(%run_scoped3A_146 : memref<!tpu.dma_semaphore, #tpu.memory_space<semaphore_mem>>) {add = true}
        %dma_wait3A_157 = arith.constant 0 : i32
        %dma_wait3A_158 = arith.constant 0 : i32
        %dma_wait3A_159 = tpu.memref_slice %arg8[%run_scoped3A, %dma_wait3A_157, %dma_wait3A_158] : memref<2x128x128xf32, #tpu.memory_space<vmem>> -> memref<1x128x128xf32, #tpu.memory_space<vmem>>
        %dma_wait3A_160 = tpu.memref_squeeze %dma_wait3A_159 : memref<1x128x128xf32, #tpu.memory_space<vmem>> -> memref<128x128xf32, #tpu.memory_space<vmem>>
        %dma_wait3A_161 = arith.constant 0 : i32
        %dma_wait3A_162 = tpu.memref_slice %arg7[%add3A_131, %dma_wait3A_161] : memref<40x128xi32, #tpu.memory_space<vmem>> -> memref<1x128xi32, #tpu.memory_space<vmem>>
        %dma_wait3A_163 = tpu.memref_squeeze %dma_wait3A_162 : memref<1x128xi32, #tpu.memory_space<vmem>> -> memref<128xi32, #tpu.memory_space<vmem>>
        %dma_wait3A_164 = arith.constant 0 : i32
        %dma_wait3A_165 = arith.constant 0 : i32
        %dma_wait3A_166 = tpu.memref_slice %arg9[%dma_wait3A_164, %dma_wait3A_165] : memref<10016x128xf32, #tpu.memory_space<vmem_shared>> -> memref<10016x128xf32, #tpu.memory_space<vmem_shared>>
        tpu.wait_indirect_dma semaphore(%run_scoped3A_146 : memref<!tpu.dma_semaphore, #tpu.memory_space<semaphore_mem>>) src(%dma_wait3A_160 : memref<128x128xf32, #tpu.memory_space<vmem>>) dst(%dma_wait3A_166 : memref<10016x128xf32, #tpu.memory_space<vmem_shared>>)
        tpu.yield
      }) : () -> ()
      %dma_wait3A_132 = arith.constant 1 : i32
      %dma_wait3A_133 = arith.constant 0 : i32
      %dma_wait3A_134 = arith.constant 0 : i32
      %dma_wait3A_135 = tpu.memref_slice %arg8[%dma_wait3A_132, %dma_wait3A_133, %dma_wait3A_134] : memref<2x128x128xf32, #tpu.memory_space<vmem>> -> memref<1x128x128xf32, #tpu.memory_space<vmem>>
      %dma_wait3A_136 = tpu.memref_squeeze %dma_wait3A_135 : memref<1x128x128xf32, #tpu.memory_space<vmem>> -> memref<128x128xf32, #tpu.memory_space<vmem>>
      %dma_wait3A_137 = arith.constant 0 : i32
      %dma_wait3A_138 = tpu.memref_slice %arg6[%add3A_108, %dma_wait3A_137] : memref<40x128xi32, #tpu.memory_space<vmem>> -> memref<1x128xi32, #tpu.memory_space<vmem>>
      %dma_wait3A_139 = tpu.memref_squeeze %dma_wait3A_138 : memref<1x128xi32, #tpu.memory_space<vmem>> -> memref<128xi32, #tpu.memory_space<vmem>>
      %dma_wait3A_140 = arith.constant 0 : i32
      %dma_wait3A_141 = arith.constant 0 : i32
      %dma_wait3A_142 = tpu.memref_slice %arg4[%dma_wait3A_140, %dma_wait3A_141] : memref<40000x128xf32, #tpu.memory_space<hbm>> -> memref<40000x128xf32, #tpu.memory_space<hbm>>
      tpu.wait_indirect_dma semaphore(%arg11 : memref<!tpu.dma_semaphore, #tpu.memory_space<semaphore_mem>>) src(%dma_wait3A_142 : memref<40000x128xf32, #tpu.memory_space<hbm>>) dst(%dma_wait3A_136 : memref<128x128xf32, #tpu.memory_space<vmem>>)
      %add3A_143 = arith.constant 1 : i32
      %add3A_144 = arith.addi %mul3A_94, %add3A_143 : i32
      %run_scoped3A_145 = arith.constant 1 : i32
      "tpu.region"() ({
        %run_scoped3A_146 = tpu.sem_alloc : memref<!tpu.dma_semaphore, #tpu.memory_space<semaphore_mem>>
        %dma_start3A_147 = arith.constant 0 : i32
        %dma_start3A_148 = arith.constant 0 : i32
        %dma_start3A_149 = tpu.memref_slice %arg8[%run_scoped3A_145, %dma_start3A_147, %dma_start3A_148] : memref<2x128x128xf32, #tpu.memory_space<vmem>> -> memref<1x128x128xf32, #tpu.memory_space<vmem>>
        %dma_start3A_150 = tpu.memref_squeeze %dma_start3A_149 : memref<1x128x128xf32, #tpu.memory_space<vmem>> -> memref<128x128xf32, #tpu.memory_space<vmem>>
        %dma_start3A_151 = arith.constant 0 : i32
        %dma_start3A_152 = tpu.memref_slice %arg7[%add3A_144, %dma_start3A_151] : memref<40x128xi32, #tpu.memory_space<vmem>> -> memref<1x128xi32, #tpu.memory_space<vmem>>
        %dma_start3A_153 = tpu.memref_squeeze %dma_start3A_152 : memref<1x128xi32, #tpu.memory_space<vmem>> -> memref<128xi32, #tpu.memory_space<vmem>>
        %dma_start3A_154 = arith.constant 0 : i32
        %dma_start3A_155 = arith.constant 0 : i32
        %dma_start3A_156 = tpu.memref_slice %arg9[%dma_start3A_154, %dma_start3A_155] : memref<10016x128xf32, #tpu.memory_space<vmem_shared>> -> memref<10016x128xf32, #tpu.memory_space<vmem_shared>>
        tpu.enqueue_indirect_dma source(%dma_start3A_150 : memref<128x128xf32, #tpu.memory_space<vmem>>) target(%dma_start3A_156 : memref<10016x128xf32, #tpu.memory_space<vmem_shared>>) offsets(%dma_start3A_153 : memref<128xi32, #tpu.memory_space<vmem>>) semaphore(%run_scoped3A_146 : memref<!tpu.dma_semaphore, #tpu.memory_space<semaphore_mem>>) {add = true}
        %dma_wait3A_157 = arith.constant 0 : i32
        %dma_wait3A_158 = arith.constant 0 : i32
        %dma_wait3A_159 = tpu.memref_slice %arg8[%run_scoped3A_145, %dma_wait3A_157, %dma_wait3A_158] : memref<2x128x128xf32, #tpu.memory_space<vmem>> -> memref<1x128x128xf32, #tpu.memory_space<vmem>>
        %dma_wait3A_160 = tpu.memref_squeeze %dma_wait3A_159 : memref<1x128x128xf32, #tpu.memory_space<vmem>> -> memref<128x128xf32, #tpu.memory_space<vmem>>
        %dma_wait3A_161 = arith.constant 0 : i32
        %dma_wait3A_162 = tpu.memref_slice %arg7[%add3A_144, %dma_wait3A_161] : memref<40x128xi32, #tpu.memory_space<vmem>> -> memref<1x128xi32, #tpu.memory_space<vmem>>
        %dma_wait3A_163 = tpu.memref_squeeze %dma_wait3A_162 : memref<1x128xi32, #tpu.memory_space<vmem>> -> memref<128xi32, #tpu.memory_space<vmem>>
        %dma_wait3A_164 = arith.constant 0 : i32
        %dma_wait3A_165 = arith.constant 0 : i32
        %dma_wait3A_166 = tpu.memref_slice %arg9[%dma_wait3A_164, %dma_wait3A_165] : memref<10016x128xf32, #tpu.memory_space<vmem_shared>> -> memref<10016x128xf32, #tpu.memory_space<vmem_shared>>
        tpu.wait_indirect_dma semaphore(%run_scoped3A_146 : memref<!tpu.dma_semaphore, #tpu.memory_space<semaphore_mem>>) src(%dma_wait3A_160 : memref<128x128xf32, #tpu.memory_space<vmem>>) dst(%dma_wait3A_166 : memref<10016x128xf32, #tpu.memory_space<vmem_shared>>)
        tpu.yield
      }) : () -> ()
    }
    %scan3A_86 = arith.constant 20 : i32
    %barrier3A_87 = arith.constant 0 : index
    tpu.barrier barrier_id(%barrier3A_87)
    %mul3A_88 = arith.constant 10000 : i32
    %mul3A_89 = arith.muli %add3A_48, %mul3A_88 : i32
    %add3A_90 = arith.addi %mul3A_89, %mul3A_0 : i32
    "tpu.region"() ({
      %run_scoped3A = tpu.sem_alloc : memref<!tpu.dma_semaphore, #tpu.memory_space<semaphore_mem>>
      %dma_start3A = arith.constant 0 : i32
      %dma_start3A_92 = tpu.memref_slice %arg5[%add3A_90, %dma_start3A] : memref<40000x128xf32, #tpu.memory_space<hbm>> -> memref<640x128xf32, #tpu.memory_space<hbm>>
      %dma_start3A_93 = arith.constant 0 : i32
      %dma_start3A_94 = tpu.memref_slice %arg9[%mul3A_0, %dma_start3A_93] : memref<10016x128xf32, #tpu.memory_space<vmem_shared>> -> memref<640x128xf32, #tpu.memory_space<vmem_shared>>
      tpu.enqueue_dma source(%dma_start3A_94 : memref<640x128xf32, #tpu.memory_space<vmem_shared>>) target(%dma_start3A_92 : memref<640x128xf32, #tpu.memory_space<hbm>>) target_semaphore(%run_scoped3A : memref<!tpu.dma_semaphore, #tpu.memory_space<semaphore_mem>>)
      %dma_wait3A = arith.constant 0 : i32
      %dma_wait3A_95 = tpu.memref_slice %arg5[%add3A_90, %dma_wait3A] : memref<40000x128xf32, #tpu.memory_space<hbm>> -> memref<640x128xf32, #tpu.memory_space<hbm>>
      %dma_wait3A_96 = arith.constant 0 : i32
      %dma_wait3A_97 = tpu.memref_slice %arg9[%mul3A_0, %dma_wait3A_96] : memref<10016x128xf32, #tpu.memory_space<vmem_shared>> -> memref<640x128xf32, #tpu.memory_space<vmem_shared>>
      tpu.wait_dma2 semaphore(%run_scoped3A : memref<!tpu.dma_semaphore, #tpu.memory_space<semaphore_mem>>) src(%dma_wait3A_97 : memref<640x128xf32, #tpu.memory_space<vmem_shared>>) dst(%dma_wait3A_95 : memref<640x128xf32, #tpu.memory_space<hbm>>)
      tpu.yield
    }) : () -> ()
    %barrier3A_91 = arith.constant 0 : index
    tpu.barrier barrier_id(%barrier3A_91)
    return
  }
}

#map = affine_map<(d0, d1) -> (0)>
#map1 = affine_map<(d0, d1) -> (0, 0)>
module attributes {stable_mosaic.version = 14 : i64} {
  func.func @deg_kernel(%arg0: i32, %arg1: i32, %arg2: memref<163840xi32, #tpu.memory_space<hbm>>, %arg3: memref<640x128xf32, #tpu.memory_space<hbm>>, %arg4: memref<128x128xf32, #tpu.memory_space<hbm>>, %arg5: memref<20000x128xf32, #tpu.memory_space<hbm>>, %arg6: memref<128xi32, #tpu.memory_space<vmem>>, %arg7: memref<128x128xf32, #tpu.memory_space<vmem>>, %arg8: memref<10016x128xf32, #tpu.memory_space<vmem_shared>>) attributes {dimension_semantics = [#tpu.dimension_semantics<core_parallel>, #tpu.dimension_semantics<subcore_parallel>], iteration_bounds = array<i64: 2, 16>, scalar_prefetch = 0 : i64, scratch_operands = 3 : i64, tpu.core_type = #tpu.core_type<sc_vector_subcore>, window_params = [{transform_indices = #map}, {transform_indices = #map1}, {transform_indices = #map1}, {transform_indices = #map1}]} {
    %mul3A = arith.constant 624 : i32
    %mul3A_0 = arith.muli %arg1, %mul3A : i32
    "tpu.region"() ({
      %run_scoped3A = tpu.sem_alloc : memref<!tpu.dma_semaphore, #tpu.memory_space<semaphore_mem>>
      %dma_start3A = arith.constant 0 : i32
      %dma_start3A_14 = tpu.memref_slice %arg8[%mul3A_0, %dma_start3A] : memref<10016x128xf32, #tpu.memory_space<vmem_shared>> -> memref<640x128xf32, #tpu.memory_space<vmem_shared>>
      tpu.enqueue_dma source(%arg3 : memref<640x128xf32, #tpu.memory_space<hbm>>) target(%dma_start3A_14 : memref<640x128xf32, #tpu.memory_space<vmem_shared>>) target_semaphore(%run_scoped3A : memref<!tpu.dma_semaphore, #tpu.memory_space<semaphore_mem>>)
      %dma_wait3A = arith.constant 0 : i32
      %dma_wait3A_15 = tpu.memref_slice %arg8[%mul3A_0, %dma_wait3A] : memref<10016x128xf32, #tpu.memory_space<vmem_shared>> -> memref<640x128xf32, #tpu.memory_space<vmem_shared>>
      tpu.wait_dma2 semaphore(%run_scoped3A : memref<!tpu.dma_semaphore, #tpu.memory_space<semaphore_mem>>) src(%arg3 : memref<640x128xf32, #tpu.memory_space<hbm>>) dst(%dma_wait3A_15 : memref<640x128xf32, #tpu.memory_space<vmem_shared>>)
      tpu.yield
    }) : () -> ()
    "tpu.region"() ({
      %run_scoped3A = tpu.sem_alloc : memref<!tpu.dma_semaphore, #tpu.memory_space<semaphore_mem>>
      tpu.enqueue_dma source(%arg4 : memref<128x128xf32, #tpu.memory_space<hbm>>) target(%arg7 : memref<128x128xf32, #tpu.memory_space<vmem>>) target_semaphore(%run_scoped3A : memref<!tpu.dma_semaphore, #tpu.memory_space<semaphore_mem>>)
      tpu.wait_dma2 semaphore(%run_scoped3A : memref<!tpu.dma_semaphore, #tpu.memory_space<semaphore_mem>>) src(%arg4 : memref<128x128xf32, #tpu.memory_space<hbm>>) dst(%arg7 : memref<128x128xf32, #tpu.memory_space<vmem>>)
      tpu.yield
    }) : () -> ()
    %barrier3A = arith.constant 0 : index
    tpu.barrier barrier_id(%barrier3A)
    %mul3A_1 = arith.constant 16 : i32
    %mul3A_2 = arith.muli %arg0, %mul3A_1 : i32
    %add3A = arith.addi %mul3A_2, %arg1 : i32
    %mul3A_3 = arith.constant 5120 : i32
    %mul3A_4 = arith.muli %add3A, %mul3A_3 : i32
    %scan3A = arith.constant 0 : i32
    %scan3A_5 = arith.constant 0 : i32
    %scan3A_6 = arith.constant 40 : i32
    %scan3A_7 = arith.addi %scan3A_5, %scan3A_6 : i32
    %scan3A_8 = arith.constant 1 : i32
    scf.for %scan3A_14 = %scan3A_5 to %scan3A_7 step %scan3A_8  : i32 {
      %mul3A_15 = arith.constant 128 : i32
      %mul3A_16 = arith.muli %scan3A_14, %mul3A_15 : i32
      %add3A_17 = arith.addi %mul3A_4, %mul3A_16 : i32
      "tpu.region"() ({
        %run_scoped3A = tpu.sem_alloc : memref<!tpu.dma_semaphore, #tpu.memory_space<semaphore_mem>>
        %dma_start3A = tpu.memref_slice %arg2[%add3A_17] : memref<163840xi32, #tpu.memory_space<hbm>> -> memref<128xi32, #tpu.memory_space<hbm>>
        %dma_start3A_18 = tpu.memref_slice %arg2[%add3A_17] : memref<163840xi32, #tpu.memory_space<hbm>> -> memref<128xi32, #tpu.memory_space<hbm>>
        tpu.enqueue_dma source(%dma_start3A_18 : memref<128xi32, #tpu.memory_space<hbm>>) target(%arg6 : memref<128xi32, #tpu.memory_space<vmem>>) target_semaphore(%run_scoped3A : memref<!tpu.dma_semaphore, #tpu.memory_space<semaphore_mem>>)
        %dma_wait3A = tpu.memref_slice %arg2[%add3A_17] : memref<163840xi32, #tpu.memory_space<hbm>> -> memref<128xi32, #tpu.memory_space<hbm>>
        %dma_wait3A_19 = tpu.memref_slice %arg2[%add3A_17] : memref<163840xi32, #tpu.memory_space<hbm>> -> memref<128xi32, #tpu.memory_space<hbm>>
        tpu.wait_dma2 semaphore(%run_scoped3A : memref<!tpu.dma_semaphore, #tpu.memory_space<semaphore_mem>>) src(%dma_wait3A_19 : memref<128xi32, #tpu.memory_space<hbm>>) dst(%arg6 : memref<128xi32, #tpu.memory_space<vmem>>)
        tpu.yield
      }) : () -> ()
      "tpu.region"() ({
        %run_scoped3A = tpu.sem_alloc : memref<!tpu.dma_semaphore, #tpu.memory_space<semaphore_mem>>
        %dma_start3A = arith.constant 0 : i32
        %dma_start3A_18 = arith.constant 0 : i32
        %dma_start3A_19 = tpu.memref_slice %arg8[%dma_start3A, %dma_start3A_18] : memref<10016x128xf32, #tpu.memory_space<vmem_shared>> -> memref<10016x128xf32, #tpu.memory_space<vmem_shared>>
        tpu.enqueue_indirect_dma source(%arg7 : memref<128x128xf32, #tpu.memory_space<vmem>>) target(%dma_start3A_19 : memref<10016x128xf32, #tpu.memory_space<vmem_shared>>) offsets(%arg6 : memref<128xi32, #tpu.memory_space<vmem>>) semaphore(%run_scoped3A : memref<!tpu.dma_semaphore, #tpu.memory_space<semaphore_mem>>) {add = true}
        %dma_wait3A = arith.constant 0 : i32
        %dma_wait3A_20 = arith.constant 0 : i32
        %dma_wait3A_21 = tpu.memref_slice %arg8[%dma_wait3A, %dma_wait3A_20] : memref<10016x128xf32, #tpu.memory_space<vmem_shared>> -> memref<10016x128xf32, #tpu.memory_space<vmem_shared>>
        tpu.wait_indirect_dma semaphore(%run_scoped3A : memref<!tpu.dma_semaphore, #tpu.memory_space<semaphore_mem>>) src(%arg7 : memref<128x128xf32, #tpu.memory_space<vmem>>) dst(%dma_wait3A_21 : memref<10016x128xf32, #tpu.memory_space<vmem_shared>>)
        tpu.yield
      }) : () -> ()
    }
    %scan3A_9 = arith.constant 40 : i32
    %barrier3A_10 = arith.constant 0 : index
    tpu.barrier barrier_id(%barrier3A_10)
    %mul3A_11 = arith.constant 10000 : i32
    %mul3A_12 = arith.muli %arg0, %mul3A_11 : i32
    %add3A_13 = arith.addi %mul3A_12, %mul3A_0 : i32
    "tpu.region"() ({
      %run_scoped3A = tpu.sem_alloc : memref<!tpu.dma_semaphore, #tpu.memory_space<semaphore_mem>>
      %dma_start3A = arith.constant 0 : i32
      %dma_start3A_14 = tpu.memref_slice %arg5[%add3A_13, %dma_start3A] : memref<20000x128xf32, #tpu.memory_space<hbm>> -> memref<640x128xf32, #tpu.memory_space<hbm>>
      %dma_start3A_15 = arith.constant 0 : i32
      %dma_start3A_16 = tpu.memref_slice %arg8[%mul3A_0, %dma_start3A_15] : memref<10016x128xf32, #tpu.memory_space<vmem_shared>> -> memref<640x128xf32, #tpu.memory_space<vmem_shared>>
      tpu.enqueue_dma source(%dma_start3A_16 : memref<640x128xf32, #tpu.memory_space<vmem_shared>>) target(%dma_start3A_14 : memref<640x128xf32, #tpu.memory_space<hbm>>) target_semaphore(%run_scoped3A : memref<!tpu.dma_semaphore, #tpu.memory_space<semaphore_mem>>)
      %dma_wait3A = arith.constant 0 : i32
      %dma_wait3A_17 = tpu.memref_slice %arg5[%add3A_13, %dma_wait3A] : memref<20000x128xf32, #tpu.memory_space<hbm>> -> memref<640x128xf32, #tpu.memory_space<hbm>>
      %dma_wait3A_18 = arith.constant 0 : i32
      %dma_wait3A_19 = tpu.memref_slice %arg8[%mul3A_0, %dma_wait3A_18] : memref<10016x128xf32, #tpu.memory_space<vmem_shared>> -> memref<640x128xf32, #tpu.memory_space<vmem_shared>>
      tpu.wait_dma2 semaphore(%run_scoped3A : memref<!tpu.dma_semaphore, #tpu.memory_space<semaphore_mem>>) src(%dma_wait3A_19 : memref<640x128xf32, #tpu.memory_space<vmem_shared>>) dst(%dma_wait3A_17 : memref<640x128xf32, #tpu.memory_space<hbm>>)
      tpu.yield
    }) : () -> ()
    return
  }
}

#map = affine_map<(d0, d1) -> (0, 0)>
module attributes {stable_mosaic.version = 14 : i64} {
  func.func @prop(%arg0: i32, %arg1: i32, %arg2: memref<2560x128xi32, #tpu.memory_space<hbm>>, %arg3: memref<1280x128xi32, #tpu.memory_space<hbm>>, %arg4: memref<20000x128xf32, #tpu.memory_space<hbm>>, %arg5: memref<20000x128xf32, #tpu.memory_space<hbm>>, %arg6: memref<40x128xi32, #tpu.memory_space<vmem>>, %arg7: memref<40x128xi32, #tpu.memory_space<vmem>>, %arg8: memref<2x128x128xf32, #tpu.memory_space<vmem>>, %arg9: memref<10016x128xf32, #tpu.memory_space<vmem_shared>>, %arg10: memref<!tpu.dma_semaphore, #tpu.memory_space<semaphore_mem>>, %arg11: memref<!tpu.dma_semaphore, #tpu.memory_space<semaphore_mem>>) attributes {dimension_semantics = [#tpu.dimension_semantics<core_parallel>, #tpu.dimension_semantics<subcore_parallel>], iteration_bounds = array<i64: 2, 16>, scalar_prefetch = 0 : i64, scratch_operands = 6 : i64, tpu.core_type = #tpu.core_type<sc_vector_subcore>, window_params = [{transform_indices = #map}, {transform_indices = #map}, {transform_indices = #map}, {transform_indices = #map}]} {
    %mul3A = arith.constant 624 : i32
    %mul3A_0 = arith.muli %arg1, %mul3A : i32
    %mul3A_1 = arith.constant 1 : i32
    %mul3A_2 = arith.muli %arg0, %mul3A_1 : i32
    %add3A = arith.constant 0 : i32
    %add3A_3 = arith.addi %mul3A_2, %add3A : i32
    %mul3A_4 = arith.constant 10000 : i32
    %mul3A_5 = arith.muli %add3A_3, %mul3A_4 : i32
    %add3A_6 = arith.addi %mul3A_5, %mul3A_0 : i32
    "tpu.region"() ({
      %run_scoped3A = tpu.sem_alloc : memref<!tpu.dma_semaphore, #tpu.memory_space<semaphore_mem>>
      %dma_start3A = arith.constant 0 : i32
      %dma_start3A_45 = tpu.memref_slice %arg9[%mul3A_0, %dma_start3A] : memref<10016x128xf32, #tpu.memory_space<vmem_shared>> -> memref<640x128xf32, #tpu.memory_space<vmem_shared>>
      %dma_start3A_46 = arith.constant 0 : i32
      %dma_start3A_47 = tpu.memref_slice %arg4[%add3A_6, %dma_start3A_46] : memref<20000x128xf32, #tpu.memory_space<hbm>> -> memref<640x128xf32, #tpu.memory_space<hbm>>
      tpu.enqueue_dma source(%dma_start3A_47 : memref<640x128xf32, #tpu.memory_space<hbm>>) target(%dma_start3A_45 : memref<640x128xf32, #tpu.memory_space<vmem_shared>>) target_semaphore(%run_scoped3A : memref<!tpu.dma_semaphore, #tpu.memory_space<semaphore_mem>>)
      %dma_wait3A = arith.constant 0 : i32
      %dma_wait3A_48 = tpu.memref_slice %arg9[%mul3A_0, %dma_wait3A] : memref<10016x128xf32, #tpu.memory_space<vmem_shared>> -> memref<640x128xf32, #tpu.memory_space<vmem_shared>>
      %dma_wait3A_49 = arith.constant 0 : i32
      %dma_wait3A_50 = tpu.memref_slice %arg4[%add3A_6, %dma_wait3A_49] : memref<20000x128xf32, #tpu.memory_space<hbm>> -> memref<640x128xf32, #tpu.memory_space<hbm>>
      tpu.wait_dma2 semaphore(%run_scoped3A : memref<!tpu.dma_semaphore, #tpu.memory_space<semaphore_mem>>) src(%dma_wait3A_50 : memref<640x128xf32, #tpu.memory_space<hbm>>) dst(%dma_wait3A_48 : memref<640x128xf32, #tpu.memory_space<vmem_shared>>)
      tpu.yield
    }) : () -> ()
    %barrier3A = arith.constant 0 : index
    tpu.barrier barrier_id(%barrier3A)
    %mul3A_7 = arith.constant 16 : i32
    %mul3A_8 = arith.muli %add3A_3, %mul3A_7 : i32
    %add3A_9 = arith.addi %mul3A_8, %arg1 : i32
    %mul3A_10 = arith.constant 80 : i32
    %mul3A_11 = arith.muli %add3A_9, %mul3A_10 : i32
    %add3A_12 = arith.constant 0 : i32
    %add3A_13 = arith.addi %mul3A_11, %add3A_12 : i32
    "tpu.region"() ({
      %run_scoped3A = tpu.sem_alloc : memref<!tpu.dma_semaphore, #tpu.memory_space<semaphore_mem>>
      %dma_start3A = arith.constant 0 : i32
      %dma_start3A_45 = tpu.memref_slice %arg2[%add3A_13, %dma_start3A] : memref<2560x128xi32, #tpu.memory_space<hbm>> -> memref<40x128xi32, #tpu.memory_space<hbm>>
      %dma_start3A_46 = arith.constant 0 : i32
      %dma_start3A_47 = tpu.memref_slice %arg2[%add3A_13, %dma_start3A_46] : memref<2560x128xi32, #tpu.memory_space<hbm>> -> memref<40x128xi32, #tpu.memory_space<hbm>>
      tpu.enqueue_dma source(%dma_start3A_47 : memref<40x128xi32, #tpu.memory_space<hbm>>) target(%arg6 : memref<40x128xi32, #tpu.memory_space<vmem>>) target_semaphore(%run_scoped3A : memref<!tpu.dma_semaphore, #tpu.memory_space<semaphore_mem>>)
      %dma_wait3A = arith.constant 0 : i32
      %dma_wait3A_48 = tpu.memref_slice %arg2[%add3A_13, %dma_wait3A] : memref<2560x128xi32, #tpu.memory_space<hbm>> -> memref<40x128xi32, #tpu.memory_space<hbm>>
      %dma_wait3A_49 = arith.constant 0 : i32
      %dma_wait3A_50 = tpu.memref_slice %arg2[%add3A_13, %dma_wait3A_49] : memref<2560x128xi32, #tpu.memory_space<hbm>> -> memref<40x128xi32, #tpu.memory_space<hbm>>
      tpu.wait_dma2 semaphore(%run_scoped3A : memref<!tpu.dma_semaphore, #tpu.memory_space<semaphore_mem>>) src(%dma_wait3A_50 : memref<40x128xi32, #tpu.memory_space<hbm>>) dst(%arg6 : memref<40x128xi32, #tpu.memory_space<vmem>>)
      tpu.yield
    }) : () -> ()
    %mul3A_14 = arith.constant 80 : i32
    %mul3A_15 = arith.muli %arg1, %mul3A_14 : i32
    %add3A_16 = arith.constant 0 : i32
    %add3A_17 = arith.addi %mul3A_15, %add3A_16 : i32
    "tpu.region"() ({
      %run_scoped3A = tpu.sem_alloc : memref<!tpu.dma_semaphore, #tpu.memory_space<semaphore_mem>>
      %dma_start3A = arith.constant 0 : i32
      %dma_start3A_45 = tpu.memref_slice %arg3[%add3A_17, %dma_start3A] : memref<1280x128xi32, #tpu.memory_space<hbm>> -> memref<40x128xi32, #tpu.memory_space<hbm>>
      %dma_start3A_46 = arith.constant 0 : i32
      %dma_start3A_47 = tpu.memref_slice %arg3[%add3A_17, %dma_start3A_46] : memref<1280x128xi32, #tpu.memory_space<hbm>> -> memref<40x128xi32, #tpu.memory_space<hbm>>
      tpu.enqueue_dma source(%dma_start3A_47 : memref<40x128xi32, #tpu.memory_space<hbm>>) target(%arg7 : memref<40x128xi32, #tpu.memory_space<vmem>>) target_semaphore(%run_scoped3A : memref<!tpu.dma_semaphore, #tpu.memory_space<semaphore_mem>>)
      %dma_wait3A = arith.constant 0 : i32
      %dma_wait3A_48 = tpu.memref_slice %arg3[%add3A_17, %dma_wait3A] : memref<1280x128xi32, #tpu.memory_space<hbm>> -> memref<40x128xi32, #tpu.memory_space<hbm>>
      %dma_wait3A_49 = arith.constant 0 : i32
      %dma_wait3A_50 = tpu.memref_slice %arg3[%add3A_17, %dma_wait3A_49] : memref<1280x128xi32, #tpu.memory_space<hbm>> -> memref<40x128xi32, #tpu.memory_space<hbm>>
      tpu.wait_dma2 semaphore(%run_scoped3A : memref<!tpu.dma_semaphore, #tpu.memory_space<semaphore_mem>>) src(%dma_wait3A_50 : memref<40x128xi32, #tpu.memory_space<hbm>>) dst(%arg7 : memref<40x128xi32, #tpu.memory_space<vmem>>)
      tpu.yield
    }) : () -> ()
    %scan3A = arith.constant 0 : i32
    %scan3A_18 = arith.constant 0 : i32
    %scan3A_19 = arith.constant 20 : i32
    %scan3A_20 = arith.addi %scan3A_18, %scan3A_19 : i32
    %scan3A_21 = arith.constant 1 : i32
    scf.for %scan3A_45 = %scan3A_18 to %scan3A_20 step %scan3A_21  : i32 {
      %mul3A_46 = arith.constant 2 : i32
      %mul3A_47 = arith.muli %scan3A_45, %mul3A_46 : i32
      %add3A_48 = arith.constant 0 : i32
      %add3A_49 = arith.addi %mul3A_47, %add3A_48 : i32
      %dma_start3A = arith.constant 0 : i32
      %dma_start3A_50 = arith.constant 0 : i32
      %dma_start3A_51 = arith.constant 0 : i32
      %dma_start3A_52 = tpu.memref_slice %arg8[%dma_start3A, %dma_start3A_50, %dma_start3A_51] : memref<2x128x128xf32, #tpu.memory_space<vmem>> -> memref<1x128x128xf32, #tpu.memory_space<vmem>>
      %dma_start3A_53 = tpu.memref_squeeze %dma_start3A_52 : memref<1x128x128xf32, #tpu.memory_space<vmem>> -> memref<128x128xf32, #tpu.memory_space<vmem>>
      %dma_start3A_54 = arith.constant 0 : i32
      %dma_start3A_55 = tpu.memref_slice %arg6[%add3A_49, %dma_start3A_54] : memref<40x128xi32, #tpu.memory_space<vmem>> -> memref<1x128xi32, #tpu.memory_space<vmem>>
      %dma_start3A_56 = tpu.memref_squeeze %dma_start3A_55 : memref<1x128xi32, #tpu.memory_space<vmem>> -> memref<128xi32, #tpu.memory_space<vmem>>
      %dma_start3A_57 = arith.constant 0 : i32
      %dma_start3A_58 = arith.constant 0 : i32
      %dma_start3A_59 = tpu.memref_slice %arg4[%dma_start3A_57, %dma_start3A_58] : memref<20000x128xf32, #tpu.memory_space<hbm>> -> memref<20000x128xf32, #tpu.memory_space<hbm>>
      tpu.enqueue_indirect_dma source(%dma_start3A_59 : memref<20000x128xf32, #tpu.memory_space<hbm>>) target(%dma_start3A_53 : memref<128x128xf32, #tpu.memory_space<vmem>>) offsets(%dma_start3A_56 : memref<128xi32, #tpu.memory_space<vmem>>) semaphore(%arg10 : memref<!tpu.dma_semaphore, #tpu.memory_space<semaphore_mem>>)
      %add3A_60 = arith.constant 1 : i32
      %add3A_61 = arith.addi %mul3A_47, %add3A_60 : i32
      %dma_start3A_62 = arith.constant 1 : i32
      %dma_start3A_63 = arith.constant 0 : i32
      %dma_start3A_64 = arith.constant 0 : i32
      %dma_start3A_65 = tpu.memref_slice %arg8[%dma_start3A_62, %dma_start3A_63, %dma_start3A_64] : memref<2x128x128xf32, #tpu.memory_space<vmem>> -> memref<1x128x128xf32, #tpu.memory_space<vmem>>
      %dma_start3A_66 = tpu.memref_squeeze %dma_start3A_65 : memref<1x128x128xf32, #tpu.memory_space<vmem>> -> memref<128x128xf32, #tpu.memory_space<vmem>>
      %dma_start3A_67 = arith.constant 0 : i32
      %dma_start3A_68 = tpu.memref_slice %arg6[%add3A_61, %dma_start3A_67] : memref<40x128xi32, #tpu.memory_space<vmem>> -> memref<1x128xi32, #tpu.memory_space<vmem>>
      %dma_start3A_69 = tpu.memref_squeeze %dma_start3A_68 : memref<1x128xi32, #tpu.memory_space<vmem>> -> memref<128xi32, #tpu.memory_space<vmem>>
      %dma_start3A_70 = arith.constant 0 : i32
      %dma_start3A_71 = arith.constant 0 : i32
      %dma_start3A_72 = tpu.memref_slice %arg4[%dma_start3A_70, %dma_start3A_71] : memref<20000x128xf32, #tpu.memory_space<hbm>> -> memref<20000x128xf32, #tpu.memory_space<hbm>>
      tpu.enqueue_indirect_dma source(%dma_start3A_72 : memref<20000x128xf32, #tpu.memory_space<hbm>>) target(%dma_start3A_66 : memref<128x128xf32, #tpu.memory_space<vmem>>) offsets(%dma_start3A_69 : memref<128xi32, #tpu.memory_space<vmem>>) semaphore(%arg11 : memref<!tpu.dma_semaphore, #tpu.memory_space<semaphore_mem>>)
      %dma_wait3A = arith.constant 0 : i32
      %dma_wait3A_73 = arith.constant 0 : i32
      %dma_wait3A_74 = arith.constant 0 : i32
      %dma_wait3A_75 = tpu.memref_slice %arg8[%dma_wait3A, %dma_wait3A_73, %dma_wait3A_74] : memref<2x128x128xf32, #tpu.memory_space<vmem>> -> memref<1x128x128xf32, #tpu.memory_space<vmem>>
      %dma_wait3A_76 = tpu.memref_squeeze %dma_wait3A_75 : memref<1x128x128xf32, #tpu.memory_space<vmem>> -> memref<128x128xf32, #tpu.memory_space<vmem>>
      %dma_wait3A_77 = arith.constant 0 : i32
      %dma_wait3A_78 = tpu.memref_slice %arg6[%add3A_49, %dma_wait3A_77] : memref<40x128xi32, #tpu.memory_space<vmem>> -> memref<1x128xi32, #tpu.memory_space<vmem>>
      %dma_wait3A_79 = tpu.memref_squeeze %dma_wait3A_78 : memref<1x128xi32, #tpu.memory_space<vmem>> -> memref<128xi32, #tpu.memory_space<vmem>>
      %dma_wait3A_80 = arith.constant 0 : i32
      %dma_wait3A_81 = arith.constant 0 : i32
      %dma_wait3A_82 = tpu.memref_slice %arg4[%dma_wait3A_80, %dma_wait3A_81] : memref<20000x128xf32, #tpu.memory_space<hbm>> -> memref<20000x128xf32, #tpu.memory_space<hbm>>
      tpu.wait_indirect_dma semaphore(%arg10 : memref<!tpu.dma_semaphore, #tpu.memory_space<semaphore_mem>>) src(%dma_wait3A_82 : memref<20000x128xf32, #tpu.memory_space<hbm>>) dst(%dma_wait3A_76 : memref<128x128xf32, #tpu.memory_space<vmem>>)
      %add3A_83 = arith.constant 0 : i32
      %add3A_84 = arith.addi %mul3A_47, %add3A_83 : i32
      %run_scoped3A = arith.constant 0 : i32
      "tpu.region"() ({
        %run_scoped3A_99 = tpu.sem_alloc : memref<!tpu.dma_semaphore, #tpu.memory_space<semaphore_mem>>
        %dma_start3A_100 = arith.constant 0 : i32
        %dma_start3A_101 = arith.constant 0 : i32
        %dma_start3A_102 = tpu.memref_slice %arg8[%run_scoped3A, %dma_start3A_100, %dma_start3A_101] : memref<2x128x128xf32, #tpu.memory_space<vmem>> -> memref<1x128x128xf32, #tpu.memory_space<vmem>>
        %dma_start3A_103 = tpu.memref_squeeze %dma_start3A_102 : memref<1x128x128xf32, #tpu.memory_space<vmem>> -> memref<128x128xf32, #tpu.memory_space<vmem>>
        %dma_start3A_104 = arith.constant 0 : i32
        %dma_start3A_105 = tpu.memref_slice %arg7[%add3A_84, %dma_start3A_104] : memref<40x128xi32, #tpu.memory_space<vmem>> -> memref<1x128xi32, #tpu.memory_space<vmem>>
        %dma_start3A_106 = tpu.memref_squeeze %dma_start3A_105 : memref<1x128xi32, #tpu.memory_space<vmem>> -> memref<128xi32, #tpu.memory_space<vmem>>
        %dma_start3A_107 = arith.constant 0 : i32
        %dma_start3A_108 = arith.constant 0 : i32
        %dma_start3A_109 = tpu.memref_slice %arg9[%dma_start3A_107, %dma_start3A_108] : memref<10016x128xf32, #tpu.memory_space<vmem_shared>> -> memref<10016x128xf32, #tpu.memory_space<vmem_shared>>
        tpu.enqueue_indirect_dma source(%dma_start3A_103 : memref<128x128xf32, #tpu.memory_space<vmem>>) target(%dma_start3A_109 : memref<10016x128xf32, #tpu.memory_space<vmem_shared>>) offsets(%dma_start3A_106 : memref<128xi32, #tpu.memory_space<vmem>>) semaphore(%run_scoped3A_99 : memref<!tpu.dma_semaphore, #tpu.memory_space<semaphore_mem>>) {add = true}
        %dma_wait3A_110 = arith.constant 0 : i32
        %dma_wait3A_111 = arith.constant 0 : i32
        %dma_wait3A_112 = tpu.memref_slice %arg8[%run_scoped3A, %dma_wait3A_110, %dma_wait3A_111] : memref<2x128x128xf32, #tpu.memory_space<vmem>> -> memref<1x128x128xf32, #tpu.memory_space<vmem>>
        %dma_wait3A_113 = tpu.memref_squeeze %dma_wait3A_112 : memref<1x128x128xf32, #tpu.memory_space<vmem>> -> memref<128x128xf32, #tpu.memory_space<vmem>>
        %dma_wait3A_114 = arith.constant 0 : i32
        %dma_wait3A_115 = tpu.memref_slice %arg7[%add3A_84, %dma_wait3A_114] : memref<40x128xi32, #tpu.memory_space<vmem>> -> memref<1x128xi32, #tpu.memory_space<vmem>>
        %dma_wait3A_116 = tpu.memref_squeeze %dma_wait3A_115 : memref<1x128xi32, #tpu.memory_space<vmem>> -> memref<128xi32, #tpu.memory_space<vmem>>
        %dma_wait3A_117 = arith.constant 0 : i32
        %dma_wait3A_118 = arith.constant 0 : i32
        %dma_wait3A_119 = tpu.memref_slice %arg9[%dma_wait3A_117, %dma_wait3A_118] : memref<10016x128xf32, #tpu.memory_space<vmem_shared>> -> memref<10016x128xf32, #tpu.memory_space<vmem_shared>>
        tpu.wait_indirect_dma semaphore(%run_scoped3A_99 : memref<!tpu.dma_semaphore, #tpu.memory_space<semaphore_mem>>) src(%dma_wait3A_113 : memref<128x128xf32, #tpu.memory_space<vmem>>) dst(%dma_wait3A_119 : memref<10016x128xf32, #tpu.memory_space<vmem_shared>>)
        tpu.yield
      }) : () -> ()
      %dma_wait3A_85 = arith.constant 1 : i32
      %dma_wait3A_86 = arith.constant 0 : i32
      %dma_wait3A_87 = arith.constant 0 : i32
      %dma_wait3A_88 = tpu.memref_slice %arg8[%dma_wait3A_85, %dma_wait3A_86, %dma_wait3A_87] : memref<2x128x128xf32, #tpu.memory_space<vmem>> -> memref<1x128x128xf32, #tpu.memory_space<vmem>>
      %dma_wait3A_89 = tpu.memref_squeeze %dma_wait3A_88 : memref<1x128x128xf32, #tpu.memory_space<vmem>> -> memref<128x128xf32, #tpu.memory_space<vmem>>
      %dma_wait3A_90 = arith.constant 0 : i32
      %dma_wait3A_91 = tpu.memref_slice %arg6[%add3A_61, %dma_wait3A_90] : memref<40x128xi32, #tpu.memory_space<vmem>> -> memref<1x128xi32, #tpu.memory_space<vmem>>
      %dma_wait3A_92 = tpu.memref_squeeze %dma_wait3A_91 : memref<1x128xi32, #tpu.memory_space<vmem>> -> memref<128xi32, #tpu.memory_space<vmem>>
      %dma_wait3A_93 = arith.constant 0 : i32
      %dma_wait3A_94 = arith.constant 0 : i32
      %dma_wait3A_95 = tpu.memref_slice %arg4[%dma_wait3A_93, %dma_wait3A_94] : memref<20000x128xf32, #tpu.memory_space<hbm>> -> memref<20000x128xf32, #tpu.memory_space<hbm>>
      tpu.wait_indirect_dma semaphore(%arg11 : memref<!tpu.dma_semaphore, #tpu.memory_space<semaphore_mem>>) src(%dma_wait3A_95 : memref<20000x128xf32, #tpu.memory_space<hbm>>) dst(%dma_wait3A_89 : memref<128x128xf32, #tpu.memory_space<vmem>>)
      %add3A_96 = arith.constant 1 : i32
      %add3A_97 = arith.addi %mul3A_47, %add3A_96 : i32
      %run_scoped3A_98 = arith.constant 1 : i32
      "tpu.region"() ({
        %run_scoped3A_99 = tpu.sem_alloc : memref<!tpu.dma_semaphore, #tpu.memory_space<semaphore_mem>>
        %dma_start3A_100 = arith.constant 0 : i32
        %dma_start3A_101 = arith.constant 0 : i32
        %dma_start3A_102 = tpu.memref_slice %arg8[%run_scoped3A_98, %dma_start3A_100, %dma_start3A_101] : memref<2x128x128xf32, #tpu.memory_space<vmem>> -> memref<1x128x128xf32, #tpu.memory_space<vmem>>
        %dma_start3A_103 = tpu.memref_squeeze %dma_start3A_102 : memref<1x128x128xf32, #tpu.memory_space<vmem>> -> memref<128x128xf32, #tpu.memory_space<vmem>>
        %dma_start3A_104 = arith.constant 0 : i32
        %dma_start3A_105 = tpu.memref_slice %arg7[%add3A_97, %dma_start3A_104] : memref<40x128xi32, #tpu.memory_space<vmem>> -> memref<1x128xi32, #tpu.memory_space<vmem>>
        %dma_start3A_106 = tpu.memref_squeeze %dma_start3A_105 : memref<1x128xi32, #tpu.memory_space<vmem>> -> memref<128xi32, #tpu.memory_space<vmem>>
        %dma_start3A_107 = arith.constant 0 : i32
        %dma_start3A_108 = arith.constant 0 : i32
        %dma_start3A_109 = tpu.memref_slice %arg9[%dma_start3A_107, %dma_start3A_108] : memref<10016x128xf32, #tpu.memory_space<vmem_shared>> -> memref<10016x128xf32, #tpu.memory_space<vmem_shared>>
        tpu.enqueue_indirect_dma source(%dma_start3A_103 : memref<128x128xf32, #tpu.memory_space<vmem>>) target(%dma_start3A_109 : memref<10016x128xf32, #tpu.memory_space<vmem_shared>>) offsets(%dma_start3A_106 : memref<128xi32, #tpu.memory_space<vmem>>) semaphore(%run_scoped3A_99 : memref<!tpu.dma_semaphore, #tpu.memory_space<semaphore_mem>>) {add = true}
        %dma_wait3A_110 = arith.constant 0 : i32
        %dma_wait3A_111 = arith.constant 0 : i32
        %dma_wait3A_112 = tpu.memref_slice %arg8[%run_scoped3A_98, %dma_wait3A_110, %dma_wait3A_111] : memref<2x128x128xf32, #tpu.memory_space<vmem>> -> memref<1x128x128xf32, #tpu.memory_space<vmem>>
        %dma_wait3A_113 = tpu.memref_squeeze %dma_wait3A_112 : memref<1x128x128xf32, #tpu.memory_space<vmem>> -> memref<128x128xf32, #tpu.memory_space<vmem>>
        %dma_wait3A_114 = arith.constant 0 : i32
        %dma_wait3A_115 = tpu.memref_slice %arg7[%add3A_97, %dma_wait3A_114] : memref<40x128xi32, #tpu.memory_space<vmem>> -> memref<1x128xi32, #tpu.memory_space<vmem>>
        %dma_wait3A_116 = tpu.memref_squeeze %dma_wait3A_115 : memref<1x128xi32, #tpu.memory_space<vmem>> -> memref<128xi32, #tpu.memory_space<vmem>>
        %dma_wait3A_117 = arith.constant 0 : i32
        %dma_wait3A_118 = arith.constant 0 : i32
        %dma_wait3A_119 = tpu.memref_slice %arg9[%dma_wait3A_117, %dma_wait3A_118] : memref<10016x128xf32, #tpu.memory_space<vmem_shared>> -> memref<10016x128xf32, #tpu.memory_space<vmem_shared>>
        tpu.wait_indirect_dma semaphore(%run_scoped3A_99 : memref<!tpu.dma_semaphore, #tpu.memory_space<semaphore_mem>>) src(%dma_wait3A_113 : memref<128x128xf32, #tpu.memory_space<vmem>>) dst(%dma_wait3A_119 : memref<10016x128xf32, #tpu.memory_space<vmem_shared>>)
        tpu.yield
      }) : () -> ()
    }
    %scan3A_22 = arith.constant 20 : i32
    %mul3A_23 = arith.constant 16 : i32
    %mul3A_24 = arith.muli %add3A_3, %mul3A_23 : i32
    %add3A_25 = arith.addi %mul3A_24, %arg1 : i32
    %mul3A_26 = arith.constant 80 : i32
    %mul3A_27 = arith.muli %add3A_25, %mul3A_26 : i32
    %add3A_28 = arith.constant 40 : i32
    %add3A_29 = arith.addi %mul3A_27, %add3A_28 : i32
    "tpu.region"() ({
      %run_scoped3A = tpu.sem_alloc : memref<!tpu.dma_semaphore, #tpu.memory_space<semaphore_mem>>
      %dma_start3A = arith.constant 0 : i32
      %dma_start3A_45 = tpu.memref_slice %arg2[%add3A_29, %dma_start3A] : memref<2560x128xi32, #tpu.memory_space<hbm>> -> memref<40x128xi32, #tpu.memory_space<hbm>>
      %dma_start3A_46 = arith.constant 0 : i32
      %dma_start3A_47 = tpu.memref_slice %arg2[%add3A_29, %dma_start3A_46] : memref<2560x128xi32, #tpu.memory_space<hbm>> -> memref<40x128xi32, #tpu.memory_space<hbm>>
      tpu.enqueue_dma source(%dma_start3A_47 : memref<40x128xi32, #tpu.memory_space<hbm>>) target(%arg6 : memref<40x128xi32, #tpu.memory_space<vmem>>) target_semaphore(%run_scoped3A : memref<!tpu.dma_semaphore, #tpu.memory_space<semaphore_mem>>)
      %dma_wait3A = arith.constant 0 : i32
      %dma_wait3A_48 = tpu.memref_slice %arg2[%add3A_29, %dma_wait3A] : memref<2560x128xi32, #tpu.memory_space<hbm>> -> memref<40x128xi32, #tpu.memory_space<hbm>>
      %dma_wait3A_49 = arith.constant 0 : i32
      %dma_wait3A_50 = tpu.memref_slice %arg2[%add3A_29, %dma_wait3A_49] : memref<2560x128xi32, #tpu.memory_space<hbm>> -> memref<40x128xi32, #tpu.memory_space<hbm>>
      tpu.wait_dma2 semaphore(%run_scoped3A : memref<!tpu.dma_semaphore, #tpu.memory_space<semaphore_mem>>) src(%dma_wait3A_50 : memref<40x128xi32, #tpu.memory_space<hbm>>) dst(%arg6 : memref<40x128xi32, #tpu.memory_space<vmem>>)
      tpu.yield
    }) : () -> ()
    %mul3A_30 = arith.constant 80 : i32
    %mul3A_31 = arith.muli %arg1, %mul3A_30 : i32
    %add3A_32 = arith.constant 40 : i32
    %add3A_33 = arith.addi %mul3A_31, %add3A_32 : i32
    "tpu.region"() ({
      %run_scoped3A = tpu.sem_alloc : memref<!tpu.dma_semaphore, #tpu.memory_space<semaphore_mem>>
      %dma_start3A = arith.constant 0 : i32
      %dma_start3A_45 = tpu.memref_slice %arg3[%add3A_33, %dma_start3A] : memref<1280x128xi32, #tpu.memory_space<hbm>> -> memref<40x128xi32, #tpu.memory_space<hbm>>
      %dma_start3A_46 = arith.constant 0 : i32
      %dma_start3A_47 = tpu.memref_slice %arg3[%add3A_33, %dma_start3A_46] : memref<1280x128xi32, #tpu.memory_space<hbm>> -> memref<40x128xi32, #tpu.memory_space<hbm>>
      tpu.enqueue_dma source(%dma_start3A_47 : memref<40x128xi32, #tpu.memory_space<hbm>>) target(%arg7 : memref<40x128xi32, #tpu.memory_space<vmem>>) target_semaphore(%run_scoped3A : memref<!tpu.dma_semaphore, #tpu.memory_space<semaphore_mem>>)
      %dma_wait3A = arith.constant 0 : i32
      %dma_wait3A_48 = tpu.memref_slice %arg3[%add3A_33, %dma_wait3A] : memref<1280x128xi32, #tpu.memory_space<hbm>> -> memref<40x128xi32, #tpu.memory_space<hbm>>
      %dma_wait3A_49 = arith.constant 0 : i32
      %dma_wait3A_50 = tpu.memref_slice %arg3[%add3A_33, %dma_wait3A_49] : memref<1280x128xi32, #tpu.memory_space<hbm>> -> memref<40x128xi32, #tpu.memory_space<hbm>>
      tpu.wait_dma2 semaphore(%run_scoped3A : memref<!tpu.dma_semaphore, #tpu.memory_space<semaphore_mem>>) src(%dma_wait3A_50 : memref<40x128xi32, #tpu.memory_space<hbm>>) dst(%arg7 : memref<40x128xi32, #tpu.memory_space<vmem>>)
      tpu.yield
    }) : () -> ()
    %scan3A_34 = arith.constant 0 : i32
    %scan3A_35 = arith.constant 0 : i32
    %scan3A_36 = arith.constant 20 : i32
    %scan3A_37 = arith.addi %scan3A_35, %scan3A_36 : i32
    %scan3A_38 = arith.constant 1 : i32
    scf.for %scan3A_45 = %scan3A_35 to %scan3A_37 step %scan3A_38  : i32 {
      %mul3A_46 = arith.constant 2 : i32
      %mul3A_47 = arith.muli %scan3A_45, %mul3A_46 : i32
      %add3A_48 = arith.constant 0 : i32
      %add3A_49 = arith.addi %mul3A_47, %add3A_48 : i32
      %dma_start3A = arith.constant 0 : i32
      %dma_start3A_50 = arith.constant 0 : i32
      %dma_start3A_51 = arith.constant 0 : i32
      %dma_start3A_52 = tpu.memref_slice %arg8[%dma_start3A, %dma_start3A_50, %dma_start3A_51] : memref<2x128x128xf32, #tpu.memory_space<vmem>> -> memref<1x128x128xf32, #tpu.memory_space<vmem>>
      %dma_start3A_53 = tpu.memref_squeeze %dma_start3A_52 : memref<1x128x128xf32, #tpu.memory_space<vmem>> -> memref<128x128xf32, #tpu.memory_space<vmem>>
      %dma_start3A_54 = arith.constant 0 : i32
      %dma_start3A_55 = tpu.memref_slice %arg6[%add3A_49, %dma_start3A_54] : memref<40x128xi32, #tpu.memory_space<vmem>> -> memref<1x128xi32, #tpu.memory_space<vmem>>
      %dma_start3A_56 = tpu.memref_squeeze %dma_start3A_55 : memref<1x128xi32, #tpu.memory_space<vmem>> -> memref<128xi32, #tpu.memory_space<vmem>>
      %dma_start3A_57 = arith.constant 0 : i32
      %dma_start3A_58 = arith.constant 0 : i32
      %dma_start3A_59 = tpu.memref_slice %arg4[%dma_start3A_57, %dma_start3A_58] : memref<20000x128xf32, #tpu.memory_space<hbm>> -> memref<20000x128xf32, #tpu.memory_space<hbm>>
      tpu.enqueue_indirect_dma source(%dma_start3A_59 : memref<20000x128xf32, #tpu.memory_space<hbm>>) target(%dma_start3A_53 : memref<128x128xf32, #tpu.memory_space<vmem>>) offsets(%dma_start3A_56 : memref<128xi32, #tpu.memory_space<vmem>>) semaphore(%arg10 : memref<!tpu.dma_semaphore, #tpu.memory_space<semaphore_mem>>)
      %add3A_60 = arith.constant 1 : i32
      %add3A_61 = arith.addi %mul3A_47, %add3A_60 : i32
      %dma_start3A_62 = arith.constant 1 : i32
      %dma_start3A_63 = arith.constant 0 : i32
      %dma_start3A_64 = arith.constant 0 : i32
      %dma_start3A_65 = tpu.memref_slice %arg8[%dma_start3A_62, %dma_start3A_63, %dma_start3A_64] : memref<2x128x128xf32, #tpu.memory_space<vmem>> -> memref<1x128x128xf32, #tpu.memory_space<vmem>>
      %dma_start3A_66 = tpu.memref_squeeze %dma_start3A_65 : memref<1x128x128xf32, #tpu.memory_space<vmem>> -> memref<128x128xf32, #tpu.memory_space<vmem>>
      %dma_start3A_67 = arith.constant 0 : i32
      %dma_start3A_68 = tpu.memref_slice %arg6[%add3A_61, %dma_start3A_67] : memref<40x128xi32, #tpu.memory_space<vmem>> -> memref<1x128xi32, #tpu.memory_space<vmem>>
      %dma_start3A_69 = tpu.memref_squeeze %dma_start3A_68 : memref<1x128xi32, #tpu.memory_space<vmem>> -> memref<128xi32, #tpu.memory_space<vmem>>
      %dma_start3A_70 = arith.constant 0 : i32
      %dma_start3A_71 = arith.constant 0 : i32
      %dma_start3A_72 = tpu.memref_slice %arg4[%dma_start3A_70, %dma_start3A_71] : memref<20000x128xf32, #tpu.memory_space<hbm>> -> memref<20000x128xf32, #tpu.memory_space<hbm>>
      tpu.enqueue_indirect_dma source(%dma_start3A_72 : memref<20000x128xf32, #tpu.memory_space<hbm>>) target(%dma_start3A_66 : memref<128x128xf32, #tpu.memory_space<vmem>>) offsets(%dma_start3A_69 : memref<128xi32, #tpu.memory_space<vmem>>) semaphore(%arg11 : memref<!tpu.dma_semaphore, #tpu.memory_space<semaphore_mem>>)
      %dma_wait3A = arith.constant 0 : i32
      %dma_wait3A_73 = arith.constant 0 : i32
      %dma_wait3A_74 = arith.constant 0 : i32
      %dma_wait3A_75 = tpu.memref_slice %arg8[%dma_wait3A, %dma_wait3A_73, %dma_wait3A_74] : memref<2x128x128xf32, #tpu.memory_space<vmem>> -> memref<1x128x128xf32, #tpu.memory_space<vmem>>
      %dma_wait3A_76 = tpu.memref_squeeze %dma_wait3A_75 : memref<1x128x128xf32, #tpu.memory_space<vmem>> -> memref<128x128xf32, #tpu.memory_space<vmem>>
      %dma_wait3A_77 = arith.constant 0 : i32
      %dma_wait3A_78 = tpu.memref_slice %arg6[%add3A_49, %dma_wait3A_77] : memref<40x128xi32, #tpu.memory_space<vmem>> -> memref<1x128xi32, #tpu.memory_space<vmem>>
      %dma_wait3A_79 = tpu.memref_squeeze %dma_wait3A_78 : memref<1x128xi32, #tpu.memory_space<vmem>> -> memref<128xi32, #tpu.memory_space<vmem>>
      %dma_wait3A_80 = arith.constant 0 : i32
      %dma_wait3A_81 = arith.constant 0 : i32
      %dma_wait3A_82 = tpu.memref_slice %arg4[%dma_wait3A_80, %dma_wait3A_81] : memref<20000x128xf32, #tpu.memory_space<hbm>> -> memref<20000x128xf32, #tpu.memory_space<hbm>>
      tpu.wait_indirect_dma semaphore(%arg10 : memref<!tpu.dma_semaphore, #tpu.memory_space<semaphore_mem>>) src(%dma_wait3A_82 : memref<20000x128xf32, #tpu.memory_space<hbm>>) dst(%dma_wait3A_76 : memref<128x128xf32, #tpu.memory_space<vmem>>)
      %add3A_83 = arith.constant 0 : i32
      %add3A_84 = arith.addi %mul3A_47, %add3A_83 : i32
      %run_scoped3A = arith.constant 0 : i32
      "tpu.region"() ({
        %run_scoped3A_99 = tpu.sem_alloc : memref<!tpu.dma_semaphore, #tpu.memory_space<semaphore_mem>>
        %dma_start3A_100 = arith.constant 0 : i32
        %dma_start3A_101 = arith.constant 0 : i32
        %dma_start3A_102 = tpu.memref_slice %arg8[%run_scoped3A, %dma_start3A_100, %dma_start3A_101] : memref<2x128x128xf32, #tpu.memory_space<vmem>> -> memref<1x128x128xf32, #tpu.memory_space<vmem>>
        %dma_start3A_103 = tpu.memref_squeeze %dma_start3A_102 : memref<1x128x128xf32, #tpu.memory_space<vmem>> -> memref<128x128xf32, #tpu.memory_space<vmem>>
        %dma_start3A_104 = arith.constant 0 : i32
        %dma_start3A_105 = tpu.memref_slice %arg7[%add3A_84, %dma_start3A_104] : memref<40x128xi32, #tpu.memory_space<vmem>> -> memref<1x128xi32, #tpu.memory_space<vmem>>
        %dma_start3A_106 = tpu.memref_squeeze %dma_start3A_105 : memref<1x128xi32, #tpu.memory_space<vmem>> -> memref<128xi32, #tpu.memory_space<vmem>>
        %dma_start3A_107 = arith.constant 0 : i32
        %dma_start3A_108 = arith.constant 0 : i32
        %dma_start3A_109 = tpu.memref_slice %arg9[%dma_start3A_107, %dma_start3A_108] : memref<10016x128xf32, #tpu.memory_space<vmem_shared>> -> memref<10016x128xf32, #tpu.memory_space<vmem_shared>>
        tpu.enqueue_indirect_dma source(%dma_start3A_103 : memref<128x128xf32, #tpu.memory_space<vmem>>) target(%dma_start3A_109 : memref<10016x128xf32, #tpu.memory_space<vmem_shared>>) offsets(%dma_start3A_106 : memref<128xi32, #tpu.memory_space<vmem>>) semaphore(%run_scoped3A_99 : memref<!tpu.dma_semaphore, #tpu.memory_space<semaphore_mem>>) {add = true}
        %dma_wait3A_110 = arith.constant 0 : i32
        %dma_wait3A_111 = arith.constant 0 : i32
        %dma_wait3A_112 = tpu.memref_slice %arg8[%run_scoped3A, %dma_wait3A_110, %dma_wait3A_111] : memref<2x128x128xf32, #tpu.memory_space<vmem>> -> memref<1x128x128xf32, #tpu.memory_space<vmem>>
        %dma_wait3A_113 = tpu.memref_squeeze %dma_wait3A_112 : memref<1x128x128xf32, #tpu.memory_space<vmem>> -> memref<128x128xf32, #tpu.memory_space<vmem>>
        %dma_wait3A_114 = arith.constant 0 : i32
        %dma_wait3A_115 = tpu.memref_slice %arg7[%add3A_84, %dma_wait3A_114] : memref<40x128xi32, #tpu.memory_space<vmem>> -> memref<1x128xi32, #tpu.memory_space<vmem>>
        %dma_wait3A_116 = tpu.memref_squeeze %dma_wait3A_115 : memref<1x128xi32, #tpu.memory_space<vmem>> -> memref<128xi32, #tpu.memory_space<vmem>>
        %dma_wait3A_117 = arith.constant 0 : i32
        %dma_wait3A_118 = arith.constant 0 : i32
        %dma_wait3A_119 = tpu.memref_slice %arg9[%dma_wait3A_117, %dma_wait3A_118] : memref<10016x128xf32, #tpu.memory_space<vmem_shared>> -> memref<10016x128xf32, #tpu.memory_space<vmem_shared>>
        tpu.wait_indirect_dma semaphore(%run_scoped3A_99 : memref<!tpu.dma_semaphore, #tpu.memory_space<semaphore_mem>>) src(%dma_wait3A_113 : memref<128x128xf32, #tpu.memory_space<vmem>>) dst(%dma_wait3A_119 : memref<10016x128xf32, #tpu.memory_space<vmem_shared>>)
        tpu.yield
      }) : () -> ()
      %dma_wait3A_85 = arith.constant 1 : i32
      %dma_wait3A_86 = arith.constant 0 : i32
      %dma_wait3A_87 = arith.constant 0 : i32
      %dma_wait3A_88 = tpu.memref_slice %arg8[%dma_wait3A_85, %dma_wait3A_86, %dma_wait3A_87] : memref<2x128x128xf32, #tpu.memory_space<vmem>> -> memref<1x128x128xf32, #tpu.memory_space<vmem>>
      %dma_wait3A_89 = tpu.memref_squeeze %dma_wait3A_88 : memref<1x128x128xf32, #tpu.memory_space<vmem>> -> memref<128x128xf32, #tpu.memory_space<vmem>>
      %dma_wait3A_90 = arith.constant 0 : i32
      %dma_wait3A_91 = tpu.memref_slice %arg6[%add3A_61, %dma_wait3A_90] : memref<40x128xi32, #tpu.memory_space<vmem>> -> memref<1x128xi32, #tpu.memory_space<vmem>>
      %dma_wait3A_92 = tpu.memref_squeeze %dma_wait3A_91 : memref<1x128xi32, #tpu.memory_space<vmem>> -> memref<128xi32, #tpu.memory_space<vmem>>
      %dma_wait3A_93 = arith.constant 0 : i32
      %dma_wait3A_94 = arith.constant 0 : i32
      %dma_wait3A_95 = tpu.memref_slice %arg4[%dma_wait3A_93, %dma_wait3A_94] : memref<20000x128xf32, #tpu.memory_space<hbm>> -> memref<20000x128xf32, #tpu.memory_space<hbm>>
      tpu.wait_indirect_dma semaphore(%arg11 : memref<!tpu.dma_semaphore, #tpu.memory_space<semaphore_mem>>) src(%dma_wait3A_95 : memref<20000x128xf32, #tpu.memory_space<hbm>>) dst(%dma_wait3A_89 : memref<128x128xf32, #tpu.memory_space<vmem>>)
      %add3A_96 = arith.constant 1 : i32
      %add3A_97 = arith.addi %mul3A_47, %add3A_96 : i32
      %run_scoped3A_98 = arith.constant 1 : i32
      "tpu.region"() ({
        %run_scoped3A_99 = tpu.sem_alloc : memref<!tpu.dma_semaphore, #tpu.memory_space<semaphore_mem>>
        %dma_start3A_100 = arith.constant 0 : i32
        %dma_start3A_101 = arith.constant 0 : i32
        %dma_start3A_102 = tpu.memref_slice %arg8[%run_scoped3A_98, %dma_start3A_100, %dma_start3A_101] : memref<2x128x128xf32, #tpu.memory_space<vmem>> -> memref<1x128x128xf32, #tpu.memory_space<vmem>>
        %dma_start3A_103 = tpu.memref_squeeze %dma_start3A_102 : memref<1x128x128xf32, #tpu.memory_space<vmem>> -> memref<128x128xf32, #tpu.memory_space<vmem>>
        %dma_start3A_104 = arith.constant 0 : i32
        %dma_start3A_105 = tpu.memref_slice %arg7[%add3A_97, %dma_start3A_104] : memref<40x128xi32, #tpu.memory_space<vmem>> -> memref<1x128xi32, #tpu.memory_space<vmem>>
        %dma_start3A_106 = tpu.memref_squeeze %dma_start3A_105 : memref<1x128xi32, #tpu.memory_space<vmem>> -> memref<128xi32, #tpu.memory_space<vmem>>
        %dma_start3A_107 = arith.constant 0 : i32
        %dma_start3A_108 = arith.constant 0 : i32
        %dma_start3A_109 = tpu.memref_slice %arg9[%dma_start3A_107, %dma_start3A_108] : memref<10016x128xf32, #tpu.memory_space<vmem_shared>> -> memref<10016x128xf32, #tpu.memory_space<vmem_shared>>
        tpu.enqueue_indirect_dma source(%dma_start3A_103 : memref<128x128xf32, #tpu.memory_space<vmem>>) target(%dma_start3A_109 : memref<10016x128xf32, #tpu.memory_space<vmem_shared>>) offsets(%dma_start3A_106 : memref<128xi32, #tpu.memory_space<vmem>>) semaphore(%run_scoped3A_99 : memref<!tpu.dma_semaphore, #tpu.memory_space<semaphore_mem>>) {add = true}
        %dma_wait3A_110 = arith.constant 0 : i32
        %dma_wait3A_111 = arith.constant 0 : i32
        %dma_wait3A_112 = tpu.memref_slice %arg8[%run_scoped3A_98, %dma_wait3A_110, %dma_wait3A_111] : memref<2x128x128xf32, #tpu.memory_space<vmem>> -> memref<1x128x128xf32, #tpu.memory_space<vmem>>
        %dma_wait3A_113 = tpu.memref_squeeze %dma_wait3A_112 : memref<1x128x128xf32, #tpu.memory_space<vmem>> -> memref<128x128xf32, #tpu.memory_space<vmem>>
        %dma_wait3A_114 = arith.constant 0 : i32
        %dma_wait3A_115 = tpu.memref_slice %arg7[%add3A_97, %dma_wait3A_114] : memref<40x128xi32, #tpu.memory_space<vmem>> -> memref<1x128xi32, #tpu.memory_space<vmem>>
        %dma_wait3A_116 = tpu.memref_squeeze %dma_wait3A_115 : memref<1x128xi32, #tpu.memory_space<vmem>> -> memref<128xi32, #tpu.memory_space<vmem>>
        %dma_wait3A_117 = arith.constant 0 : i32
        %dma_wait3A_118 = arith.constant 0 : i32
        %dma_wait3A_119 = tpu.memref_slice %arg9[%dma_wait3A_117, %dma_wait3A_118] : memref<10016x128xf32, #tpu.memory_space<vmem_shared>> -> memref<10016x128xf32, #tpu.memory_space<vmem_shared>>
        tpu.wait_indirect_dma semaphore(%run_scoped3A_99 : memref<!tpu.dma_semaphore, #tpu.memory_space<semaphore_mem>>) src(%dma_wait3A_113 : memref<128x128xf32, #tpu.memory_space<vmem>>) dst(%dma_wait3A_119 : memref<10016x128xf32, #tpu.memory_space<vmem_shared>>)
        tpu.yield
      }) : () -> ()
    }
    %scan3A_39 = arith.constant 20 : i32
    %barrier3A_40 = arith.constant 0 : index
    tpu.barrier barrier_id(%barrier3A_40)
    %mul3A_41 = arith.constant 10000 : i32
    %mul3A_42 = arith.muli %add3A_3, %mul3A_41 : i32
    %add3A_43 = arith.addi %mul3A_42, %mul3A_0 : i32
    "tpu.region"() ({
      %run_scoped3A = tpu.sem_alloc : memref<!tpu.dma_semaphore, #tpu.memory_space<semaphore_mem>>
      %dma_start3A = arith.constant 0 : i32
      %dma_start3A_45 = tpu.memref_slice %arg5[%add3A_43, %dma_start3A] : memref<20000x128xf32, #tpu.memory_space<hbm>> -> memref<640x128xf32, #tpu.memory_space<hbm>>
      %dma_start3A_46 = arith.constant 0 : i32
      %dma_start3A_47 = tpu.memref_slice %arg9[%mul3A_0, %dma_start3A_46] : memref<10016x128xf32, #tpu.memory_space<vmem_shared>> -> memref<640x128xf32, #tpu.memory_space<vmem_shared>>
      tpu.enqueue_dma source(%dma_start3A_47 : memref<640x128xf32, #tpu.memory_space<vmem_shared>>) target(%dma_start3A_45 : memref<640x128xf32, #tpu.memory_space<hbm>>) target_semaphore(%run_scoped3A : memref<!tpu.dma_semaphore, #tpu.memory_space<semaphore_mem>>)
      %dma_wait3A = arith.constant 0 : i32
      %dma_wait3A_48 = tpu.memref_slice %arg5[%add3A_43, %dma_wait3A] : memref<20000x128xf32, #tpu.memory_space<hbm>> -> memref<640x128xf32, #tpu.memory_space<hbm>>
      %dma_wait3A_49 = arith.constant 0 : i32
      %dma_wait3A_50 = tpu.memref_slice %arg9[%mul3A_0, %dma_wait3A_49] : memref<10016x128xf32, #tpu.memory_space<vmem_shared>> -> memref<640x128xf32, #tpu.memory_space<vmem_shared>>
      tpu.wait_dma2 semaphore(%run_scoped3A : memref<!tpu.dma_semaphore, #tpu.memory_space<semaphore_mem>>) src(%dma_wait3A_50 : memref<640x128xf32, #tpu.memory_space<vmem_shared>>) dst(%dma_wait3A_48 : memref<640x128xf32, #tpu.memory_space<hbm>>)
      tpu.yield
    }) : () -> ()
    %barrier3A_44 = arith.constant 0 : index
    tpu.barrier barrier_id(%barrier3A_44)
    return
  }
}

#map = affine_map<(d0, d1) -> (0, 0)>
module attributes {stable_mosaic.version = 14 : i64} {
  func.func @prop(%arg0: i32, %arg1: i32, %arg2: memref<5120x128xi32, #tpu.memory_space<hbm>>, %arg3: memref<1280x128xi32, #tpu.memory_space<hbm>>, %arg4: memref<40000x128xf32, #tpu.memory_space<hbm>>, %arg5: memref<40000x128xf32, #tpu.memory_space<hbm>>, %arg6: memref<40x128xi32, #tpu.memory_space<vmem>>, %arg7: memref<40x128xi32, #tpu.memory_space<vmem>>, %arg8: memref<2x128x128xf32, #tpu.memory_space<vmem>>, %arg9: memref<10016x128xf32, #tpu.memory_space<vmem_shared>>, %arg10: memref<!tpu.dma_semaphore, #tpu.memory_space<semaphore_mem>>, %arg11: memref<!tpu.dma_semaphore, #tpu.memory_space<semaphore_mem>>) attributes {dimension_semantics = [#tpu.dimension_semantics<core_parallel>, #tpu.dimension_semantics<subcore_parallel>], iteration_bounds = array<i64: 2, 16>, scalar_prefetch = 0 : i64, scratch_operands = 6 : i64, tpu.core_type = #tpu.core_type<sc_vector_subcore>, window_params = [{transform_indices = #map}, {transform_indices = #map}, {transform_indices = #map}, {transform_indices = #map}]} {
    %mul3A = arith.constant 624 : i32
    %mul3A_0 = arith.muli %arg1, %mul3A : i32
    %mul3A_1 = arith.constant 2 : i32
    %mul3A_2 = arith.muli %arg0, %mul3A_1 : i32
    %add3A = arith.constant 0 : i32
    %add3A_3 = arith.addi %mul3A_2, %add3A : i32
    %mul3A_4 = arith.constant 10000 : i32
    %mul3A_5 = arith.muli %add3A_3, %mul3A_4 : i32
    %add3A_6 = arith.addi %mul3A_5, %mul3A_0 : i32
    "tpu.region"() ({
      %run_scoped3A = tpu.sem_alloc : memref<!tpu.dma_semaphore, #tpu.memory_space<semaphore_mem>>
      %dma_start3A = arith.constant 0 : i32
      %dma_start3A_92 = tpu.memref_slice %arg9[%mul3A_0, %dma_start3A] : memref<10016x128xf32, #tpu.memory_space<vmem_shared>> -> memref<640x128xf32, #tpu.memory_space<vmem_shared>>
      %dma_start3A_93 = arith.constant 0 : i32
      %dma_start3A_94 = tpu.memref_slice %arg4[%add3A_6, %dma_start3A_93] : memref<40000x128xf32, #tpu.memory_space<hbm>> -> memref<640x128xf32, #tpu.memory_space<hbm>>
      tpu.enqueue_dma source(%dma_start3A_94 : memref<640x128xf32, #tpu.memory_space<hbm>>) target(%dma_start3A_92 : memref<640x128xf32, #tpu.memory_space<vmem_shared>>) target_semaphore(%run_scoped3A : memref<!tpu.dma_semaphore, #tpu.memory_space<semaphore_mem>>)
      %dma_wait3A = arith.constant 0 : i32
      %dma_wait3A_95 = tpu.memref_slice %arg9[%mul3A_0, %dma_wait3A] : memref<10016x128xf32, #tpu.memory_space<vmem_shared>> -> memref<640x128xf32, #tpu.memory_space<vmem_shared>>
      %dma_wait3A_96 = arith.constant 0 : i32
      %dma_wait3A_97 = tpu.memref_slice %arg4[%add3A_6, %dma_wait3A_96] : memref<40000x128xf32, #tpu.memory_space<hbm>> -> memref<640x128xf32, #tpu.memory_space<hbm>>
      tpu.wait_dma2 semaphore(%run_scoped3A : memref<!tpu.dma_semaphore, #tpu.memory_space<semaphore_mem>>) src(%dma_wait3A_97 : memref<640x128xf32, #tpu.memory_space<hbm>>) dst(%dma_wait3A_95 : memref<640x128xf32, #tpu.memory_space<vmem_shared>>)
      tpu.yield
    }) : () -> ()
    %barrier3A = arith.constant 0 : index
    tpu.barrier barrier_id(%barrier3A)
    %mul3A_7 = arith.constant 16 : i32
    %mul3A_8 = arith.muli %add3A_3, %mul3A_7 : i32
    %add3A_9 = arith.addi %mul3A_8, %arg1 : i32
    %mul3A_10 = arith.constant 80 : i32
    %mul3A_11 = arith.muli %add3A_9, %mul3A_10 : i32
    %add3A_12 = arith.constant 0 : i32
    %add3A_13 = arith.addi %mul3A_11, %add3A_12 : i32
    "tpu.region"() ({
      %run_scoped3A = tpu.sem_alloc : memref<!tpu.dma_semaphore, #tpu.memory_space<semaphore_mem>>
      %dma_start3A = arith.constant 0 : i32
      %dma_start3A_92 = tpu.memref_slice %arg2[%add3A_13, %dma_start3A] : memref<5120x128xi32, #tpu.memory_space<hbm>> -> memref<40x128xi32, #tpu.memory_space<hbm>>
      %dma_start3A_93 = arith.constant 0 : i32
      %dma_start3A_94 = tpu.memref_slice %arg2[%add3A_13, %dma_start3A_93] : memref<5120x128xi32, #tpu.memory_space<hbm>> -> memref<40x128xi32, #tpu.memory_space<hbm>>
      tpu.enqueue_dma source(%dma_start3A_94 : memref<40x128xi32, #tpu.memory_space<hbm>>) target(%arg6 : memref<40x128xi32, #tpu.memory_space<vmem>>) target_semaphore(%run_scoped3A : memref<!tpu.dma_semaphore, #tpu.memory_space<semaphore_mem>>)
      %dma_wait3A = arith.constant 0 : i32
      %dma_wait3A_95 = tpu.memref_slice %arg2[%add3A_13, %dma_wait3A] : memref<5120x128xi32, #tpu.memory_space<hbm>> -> memref<40x128xi32, #tpu.memory_space<hbm>>
      %dma_wait3A_96 = arith.constant 0 : i32
      %dma_wait3A_97 = tpu.memref_slice %arg2[%add3A_13, %dma_wait3A_96] : memref<5120x128xi32, #tpu.memory_space<hbm>> -> memref<40x128xi32, #tpu.memory_space<hbm>>
      tpu.wait_dma2 semaphore(%run_scoped3A : memref<!tpu.dma_semaphore, #tpu.memory_space<semaphore_mem>>) src(%dma_wait3A_97 : memref<40x128xi32, #tpu.memory_space<hbm>>) dst(%arg6 : memref<40x128xi32, #tpu.memory_space<vmem>>)
      tpu.yield
    }) : () -> ()
    %mul3A_14 = arith.constant 80 : i32
    %mul3A_15 = arith.muli %arg1, %mul3A_14 : i32
    %add3A_16 = arith.constant 0 : i32
    %add3A_17 = arith.addi %mul3A_15, %add3A_16 : i32
    "tpu.region"() ({
      %run_scoped3A = tpu.sem_alloc : memref<!tpu.dma_semaphore, #tpu.memory_space<semaphore_mem>>
      %dma_start3A = arith.constant 0 : i32
      %dma_start3A_92 = tpu.memref_slice %arg3[%add3A_17, %dma_start3A] : memref<1280x128xi32, #tpu.memory_space<hbm>> -> memref<40x128xi32, #tpu.memory_space<hbm>>
      %dma_start3A_93 = arith.constant 0 : i32
      %dma_start3A_94 = tpu.memref_slice %arg3[%add3A_17, %dma_start3A_93] : memref<1280x128xi32, #tpu.memory_space<hbm>> -> memref<40x128xi32, #tpu.memory_space<hbm>>
      tpu.enqueue_dma source(%dma_start3A_94 : memref<40x128xi32, #tpu.memory_space<hbm>>) target(%arg7 : memref<40x128xi32, #tpu.memory_space<vmem>>) target_semaphore(%run_scoped3A : memref<!tpu.dma_semaphore, #tpu.memory_space<semaphore_mem>>)
      %dma_wait3A = arith.constant 0 : i32
      %dma_wait3A_95 = tpu.memref_slice %arg3[%add3A_17, %dma_wait3A] : memref<1280x128xi32, #tpu.memory_space<hbm>> -> memref<40x128xi32, #tpu.memory_space<hbm>>
      %dma_wait3A_96 = arith.constant 0 : i32
      %dma_wait3A_97 = tpu.memref_slice %arg3[%add3A_17, %dma_wait3A_96] : memref<1280x128xi32, #tpu.memory_space<hbm>> -> memref<40x128xi32, #tpu.memory_space<hbm>>
      tpu.wait_dma2 semaphore(%run_scoped3A : memref<!tpu.dma_semaphore, #tpu.memory_space<semaphore_mem>>) src(%dma_wait3A_97 : memref<40x128xi32, #tpu.memory_space<hbm>>) dst(%arg7 : memref<40x128xi32, #tpu.memory_space<vmem>>)
      tpu.yield
    }) : () -> ()
    %scan3A = arith.constant 0 : i32
    %scan3A_18 = arith.constant 0 : i32
    %scan3A_19 = arith.constant 20 : i32
    %scan3A_20 = arith.addi %scan3A_18, %scan3A_19 : i32
    %scan3A_21 = arith.constant 1 : i32
    scf.for %scan3A_92 = %scan3A_18 to %scan3A_20 step %scan3A_21  : i32 {
      %mul3A_93 = arith.constant 2 : i32
      %mul3A_94 = arith.muli %scan3A_92, %mul3A_93 : i32
      %add3A_95 = arith.constant 0 : i32
      %add3A_96 = arith.addi %mul3A_94, %add3A_95 : i32
      %dma_start3A = arith.constant 0 : i32
      %dma_start3A_97 = arith.constant 0 : i32
      %dma_start3A_98 = arith.constant 0 : i32
      %dma_start3A_99 = tpu.memref_slice %arg8[%dma_start3A, %dma_start3A_97, %dma_start3A_98] : memref<2x128x128xf32, #tpu.memory_space<vmem>> -> memref<1x128x128xf32, #tpu.memory_space<vmem>>
      %dma_start3A_100 = tpu.memref_squeeze %dma_start3A_99 : memref<1x128x128xf32, #tpu.memory_space<vmem>> -> memref<128x128xf32, #tpu.memory_space<vmem>>
      %dma_start3A_101 = arith.constant 0 : i32
      %dma_start3A_102 = tpu.memref_slice %arg6[%add3A_96, %dma_start3A_101] : memref<40x128xi32, #tpu.memory_space<vmem>> -> memref<1x128xi32, #tpu.memory_space<vmem>>
      %dma_start3A_103 = tpu.memref_squeeze %dma_start3A_102 : memref<1x128xi32, #tpu.memory_space<vmem>> -> memref<128xi32, #tpu.memory_space<vmem>>
      %dma_start3A_104 = arith.constant 0 : i32
      %dma_start3A_105 = arith.constant 0 : i32
      %dma_start3A_106 = tpu.memref_slice %arg4[%dma_start3A_104, %dma_start3A_105] : memref<40000x128xf32, #tpu.memory_space<hbm>> -> memref<40000x128xf32, #tpu.memory_space<hbm>>
      tpu.enqueue_indirect_dma source(%dma_start3A_106 : memref<40000x128xf32, #tpu.memory_space<hbm>>) target(%dma_start3A_100 : memref<128x128xf32, #tpu.memory_space<vmem>>) offsets(%dma_start3A_103 : memref<128xi32, #tpu.memory_space<vmem>>) semaphore(%arg10 : memref<!tpu.dma_semaphore, #tpu.memory_space<semaphore_mem>>)
      %add3A_107 = arith.constant 1 : i32
      %add3A_108 = arith.addi %mul3A_94, %add3A_107 : i32
      %dma_start3A_109 = arith.constant 1 : i32
      %dma_start3A_110 = arith.constant 0 : i32
      %dma_start3A_111 = arith.constant 0 : i32
      %dma_start3A_112 = tpu.memref_slice %arg8[%dma_start3A_109, %dma_start3A_110, %dma_start3A_111] : memref<2x128x128xf32, #tpu.memory_space<vmem>> -> memref<1x128x128xf32, #tpu.memory_space<vmem>>
      %dma_start3A_113 = tpu.memref_squeeze %dma_start3A_112 : memref<1x128x128xf32, #tpu.memory_space<vmem>> -> memref<128x128xf32, #tpu.memory_space<vmem>>
      %dma_start3A_114 = arith.constant 0 : i32
      %dma_start3A_115 = tpu.memref_slice %arg6[%add3A_108, %dma_start3A_114] : memref<40x128xi32, #tpu.memory_space<vmem>> -> memref<1x128xi32, #tpu.memory_space<vmem>>
      %dma_start3A_116 = tpu.memref_squeeze %dma_start3A_115 : memref<1x128xi32, #tpu.memory_space<vmem>> -> memref<128xi32, #tpu.memory_space<vmem>>
      %dma_start3A_117 = arith.constant 0 : i32
      %dma_start3A_118 = arith.constant 0 : i32
      %dma_start3A_119 = tpu.memref_slice %arg4[%dma_start3A_117, %dma_start3A_118] : memref<40000x128xf32, #tpu.memory_space<hbm>> -> memref<40000x128xf32, #tpu.memory_space<hbm>>
      tpu.enqueue_indirect_dma source(%dma_start3A_119 : memref<40000x128xf32, #tpu.memory_space<hbm>>) target(%dma_start3A_113 : memref<128x128xf32, #tpu.memory_space<vmem>>) offsets(%dma_start3A_116 : memref<128xi32, #tpu.memory_space<vmem>>) semaphore(%arg11 : memref<!tpu.dma_semaphore, #tpu.memory_space<semaphore_mem>>)
      %dma_wait3A = arith.constant 0 : i32
      %dma_wait3A_120 = arith.constant 0 : i32
      %dma_wait3A_121 = arith.constant 0 : i32
      %dma_wait3A_122 = tpu.memref_slice %arg8[%dma_wait3A, %dma_wait3A_120, %dma_wait3A_121] : memref<2x128x128xf32, #tpu.memory_space<vmem>> -> memref<1x128x128xf32, #tpu.memory_space<vmem>>
      %dma_wait3A_123 = tpu.memref_squeeze %dma_wait3A_122 : memref<1x128x128xf32, #tpu.memory_space<vmem>> -> memref<128x128xf32, #tpu.memory_space<vmem>>
      %dma_wait3A_124 = arith.constant 0 : i32
      %dma_wait3A_125 = tpu.memref_slice %arg6[%add3A_96, %dma_wait3A_124] : memref<40x128xi32, #tpu.memory_space<vmem>> -> memref<1x128xi32, #tpu.memory_space<vmem>>
      %dma_wait3A_126 = tpu.memref_squeeze %dma_wait3A_125 : memref<1x128xi32, #tpu.memory_space<vmem>> -> memref<128xi32, #tpu.memory_space<vmem>>
      %dma_wait3A_127 = arith.constant 0 : i32
      %dma_wait3A_128 = arith.constant 0 : i32
      %dma_wait3A_129 = tpu.memref_slice %arg4[%dma_wait3A_127, %dma_wait3A_128] : memref<40000x128xf32, #tpu.memory_space<hbm>> -> memref<40000x128xf32, #tpu.memory_space<hbm>>
      tpu.wait_indirect_dma semaphore(%arg10 : memref<!tpu.dma_semaphore, #tpu.memory_space<semaphore_mem>>) src(%dma_wait3A_129 : memref<40000x128xf32, #tpu.memory_space<hbm>>) dst(%dma_wait3A_123 : memref<128x128xf32, #tpu.memory_space<vmem>>)
      %add3A_130 = arith.constant 0 : i32
      %add3A_131 = arith.addi %mul3A_94, %add3A_130 : i32
      %run_scoped3A = arith.constant 0 : i32
      "tpu.region"() ({
        %run_scoped3A_146 = tpu.sem_alloc : memref<!tpu.dma_semaphore, #tpu.memory_space<semaphore_mem>>
        %dma_start3A_147 = arith.constant 0 : i32
        %dma_start3A_148 = arith.constant 0 : i32
        %dma_start3A_149 = tpu.memref_slice %arg8[%run_scoped3A, %dma_start3A_147, %dma_start3A_148] : memref<2x128x128xf32, #tpu.memory_space<vmem>> -> memref<1x128x128xf32, #tpu.memory_space<vmem>>
        %dma_start3A_150 = tpu.memref_squeeze %dma_start3A_149 : memref<1x128x128xf32, #tpu.memory_space<vmem>> -> memref<128x128xf32, #tpu.memory_space<vmem>>
        %dma_start3A_151 = arith.constant 0 : i32
        %dma_start3A_152 = tpu.memref_slice %arg7[%add3A_131, %dma_start3A_151] : memref<40x128xi32, #tpu.memory_space<vmem>> -> memref<1x128xi32, #tpu.memory_space<vmem>>
        %dma_start3A_153 = tpu.memref_squeeze %dma_start3A_152 : memref<1x128xi32, #tpu.memory_space<vmem>> -> memref<128xi32, #tpu.memory_space<vmem>>
        %dma_start3A_154 = arith.constant 0 : i32
        %dma_start3A_155 = arith.constant 0 : i32
        %dma_start3A_156 = tpu.memref_slice %arg9[%dma_start3A_154, %dma_start3A_155] : memref<10016x128xf32, #tpu.memory_space<vmem_shared>> -> memref<10016x128xf32, #tpu.memory_space<vmem_shared>>
        tpu.enqueue_indirect_dma source(%dma_start3A_150 : memref<128x128xf32, #tpu.memory_space<vmem>>) target(%dma_start3A_156 : memref<10016x128xf32, #tpu.memory_space<vmem_shared>>) offsets(%dma_start3A_153 : memref<128xi32, #tpu.memory_space<vmem>>) semaphore(%run_scoped3A_146 : memref<!tpu.dma_semaphore, #tpu.memory_space<semaphore_mem>>) {add = true}
        %dma_wait3A_157 = arith.constant 0 : i32
        %dma_wait3A_158 = arith.constant 0 : i32
        %dma_wait3A_159 = tpu.memref_slice %arg8[%run_scoped3A, %dma_wait3A_157, %dma_wait3A_158] : memref<2x128x128xf32, #tpu.memory_space<vmem>> -> memref<1x128x128xf32, #tpu.memory_space<vmem>>
        %dma_wait3A_160 = tpu.memref_squeeze %dma_wait3A_159 : memref<1x128x128xf32, #tpu.memory_space<vmem>> -> memref<128x128xf32, #tpu.memory_space<vmem>>
        %dma_wait3A_161 = arith.constant 0 : i32
        %dma_wait3A_162 = tpu.memref_slice %arg7[%add3A_131, %dma_wait3A_161] : memref<40x128xi32, #tpu.memory_space<vmem>> -> memref<1x128xi32, #tpu.memory_space<vmem>>
        %dma_wait3A_163 = tpu.memref_squeeze %dma_wait3A_162 : memref<1x128xi32, #tpu.memory_space<vmem>> -> memref<128xi32, #tpu.memory_space<vmem>>
        %dma_wait3A_164 = arith.constant 0 : i32
        %dma_wait3A_165 = arith.constant 0 : i32
        %dma_wait3A_166 = tpu.memref_slice %arg9[%dma_wait3A_164, %dma_wait3A_165] : memref<10016x128xf32, #tpu.memory_space<vmem_shared>> -> memref<10016x128xf32, #tpu.memory_space<vmem_shared>>
        tpu.wait_indirect_dma semaphore(%run_scoped3A_146 : memref<!tpu.dma_semaphore, #tpu.memory_space<semaphore_mem>>) src(%dma_wait3A_160 : memref<128x128xf32, #tpu.memory_space<vmem>>) dst(%dma_wait3A_166 : memref<10016x128xf32, #tpu.memory_space<vmem_shared>>)
        tpu.yield
      }) : () -> ()
      %dma_wait3A_132 = arith.constant 1 : i32
      %dma_wait3A_133 = arith.constant 0 : i32
      %dma_wait3A_134 = arith.constant 0 : i32
      %dma_wait3A_135 = tpu.memref_slice %arg8[%dma_wait3A_132, %dma_wait3A_133, %dma_wait3A_134] : memref<2x128x128xf32, #tpu.memory_space<vmem>> -> memref<1x128x128xf32, #tpu.memory_space<vmem>>
      %dma_wait3A_136 = tpu.memref_squeeze %dma_wait3A_135 : memref<1x128x128xf32, #tpu.memory_space<vmem>> -> memref<128x128xf32, #tpu.memory_space<vmem>>
      %dma_wait3A_137 = arith.constant 0 : i32
      %dma_wait3A_138 = tpu.memref_slice %arg6[%add3A_108, %dma_wait3A_137] : memref<40x128xi32, #tpu.memory_space<vmem>> -> memref<1x128xi32, #tpu.memory_space<vmem>>
      %dma_wait3A_139 = tpu.memref_squeeze %dma_wait3A_138 : memref<1x128xi32, #tpu.memory_space<vmem>> -> memref<128xi32, #tpu.memory_space<vmem>>
      %dma_wait3A_140 = arith.constant 0 : i32
      %dma_wait3A_141 = arith.constant 0 : i32
      %dma_wait3A_142 = tpu.memref_slice %arg4[%dma_wait3A_140, %dma_wait3A_141] : memref<40000x128xf32, #tpu.memory_space<hbm>> -> memref<40000x128xf32, #tpu.memory_space<hbm>>
      tpu.wait_indirect_dma semaphore(%arg11 : memref<!tpu.dma_semaphore, #tpu.memory_space<semaphore_mem>>) src(%dma_wait3A_142 : memref<40000x128xf32, #tpu.memory_space<hbm>>) dst(%dma_wait3A_136 : memref<128x128xf32, #tpu.memory_space<vmem>>)
      %add3A_143 = arith.constant 1 : i32
      %add3A_144 = arith.addi %mul3A_94, %add3A_143 : i32
      %run_scoped3A_145 = arith.constant 1 : i32
      "tpu.region"() ({
        %run_scoped3A_146 = tpu.sem_alloc : memref<!tpu.dma_semaphore, #tpu.memory_space<semaphore_mem>>
        %dma_start3A_147 = arith.constant 0 : i32
        %dma_start3A_148 = arith.constant 0 : i32
        %dma_start3A_149 = tpu.memref_slice %arg8[%run_scoped3A_145, %dma_start3A_147, %dma_start3A_148] : memref<2x128x128xf32, #tpu.memory_space<vmem>> -> memref<1x128x128xf32, #tpu.memory_space<vmem>>
        %dma_start3A_150 = tpu.memref_squeeze %dma_start3A_149 : memref<1x128x128xf32, #tpu.memory_space<vmem>> -> memref<128x128xf32, #tpu.memory_space<vmem>>
        %dma_start3A_151 = arith.constant 0 : i32
        %dma_start3A_152 = tpu.memref_slice %arg7[%add3A_144, %dma_start3A_151] : memref<40x128xi32, #tpu.memory_space<vmem>> -> memref<1x128xi32, #tpu.memory_space<vmem>>
        %dma_start3A_153 = tpu.memref_squeeze %dma_start3A_152 : memref<1x128xi32, #tpu.memory_space<vmem>> -> memref<128xi32, #tpu.memory_space<vmem>>
        %dma_start3A_154 = arith.constant 0 : i32
        %dma_start3A_155 = arith.constant 0 : i32
        %dma_start3A_156 = tpu.memref_slice %arg9[%dma_start3A_154, %dma_start3A_155] : memref<10016x128xf32, #tpu.memory_space<vmem_shared>> -> memref<10016x128xf32, #tpu.memory_space<vmem_shared>>
        tpu.enqueue_indirect_dma source(%dma_start3A_150 : memref<128x128xf32, #tpu.memory_space<vmem>>) target(%dma_start3A_156 : memref<10016x128xf32, #tpu.memory_space<vmem_shared>>) offsets(%dma_start3A_153 : memref<128xi32, #tpu.memory_space<vmem>>) semaphore(%run_scoped3A_146 : memref<!tpu.dma_semaphore, #tpu.memory_space<semaphore_mem>>) {add = true}
        %dma_wait3A_157 = arith.constant 0 : i32
        %dma_wait3A_158 = arith.constant 0 : i32
        %dma_wait3A_159 = tpu.memref_slice %arg8[%run_scoped3A_145, %dma_wait3A_157, %dma_wait3A_158] : memref<2x128x128xf32, #tpu.memory_space<vmem>> -> memref<1x128x128xf32, #tpu.memory_space<vmem>>
        %dma_wait3A_160 = tpu.memref_squeeze %dma_wait3A_159 : memref<1x128x128xf32, #tpu.memory_space<vmem>> -> memref<128x128xf32, #tpu.memory_space<vmem>>
        %dma_wait3A_161 = arith.constant 0 : i32
        %dma_wait3A_162 = tpu.memref_slice %arg7[%add3A_144, %dma_wait3A_161] : memref<40x128xi32, #tpu.memory_space<vmem>> -> memref<1x128xi32, #tpu.memory_space<vmem>>
        %dma_wait3A_163 = tpu.memref_squeeze %dma_wait3A_162 : memref<1x128xi32, #tpu.memory_space<vmem>> -> memref<128xi32, #tpu.memory_space<vmem>>
        %dma_wait3A_164 = arith.constant 0 : i32
        %dma_wait3A_165 = arith.constant 0 : i32
        %dma_wait3A_166 = tpu.memref_slice %arg9[%dma_wait3A_164, %dma_wait3A_165] : memref<10016x128xf32, #tpu.memory_space<vmem_shared>> -> memref<10016x128xf32, #tpu.memory_space<vmem_shared>>
        tpu.wait_indirect_dma semaphore(%run_scoped3A_146 : memref<!tpu.dma_semaphore, #tpu.memory_space<semaphore_mem>>) src(%dma_wait3A_160 : memref<128x128xf32, #tpu.memory_space<vmem>>) dst(%dma_wait3A_166 : memref<10016x128xf32, #tpu.memory_space<vmem_shared>>)
        tpu.yield
      }) : () -> ()
    }
    %scan3A_22 = arith.constant 20 : i32
    %mul3A_23 = arith.constant 16 : i32
    %mul3A_24 = arith.muli %add3A_3, %mul3A_23 : i32
    %add3A_25 = arith.addi %mul3A_24, %arg1 : i32
    %mul3A_26 = arith.constant 80 : i32
    %mul3A_27 = arith.muli %add3A_25, %mul3A_26 : i32
    %add3A_28 = arith.constant 40 : i32
    %add3A_29 = arith.addi %mul3A_27, %add3A_28 : i32
    "tpu.region"() ({
      %run_scoped3A = tpu.sem_alloc : memref<!tpu.dma_semaphore, #tpu.memory_space<semaphore_mem>>
      %dma_start3A = arith.constant 0 : i32
      %dma_start3A_92 = tpu.memref_slice %arg2[%add3A_29, %dma_start3A] : memref<5120x128xi32, #tpu.memory_space<hbm>> -> memref<40x128xi32, #tpu.memory_space<hbm>>
      %dma_start3A_93 = arith.constant 0 : i32
      %dma_start3A_94 = tpu.memref_slice %arg2[%add3A_29, %dma_start3A_93] : memref<5120x128xi32, #tpu.memory_space<hbm>> -> memref<40x128xi32, #tpu.memory_space<hbm>>
      tpu.enqueue_dma source(%dma_start3A_94 : memref<40x128xi32, #tpu.memory_space<hbm>>) target(%arg6 : memref<40x128xi32, #tpu.memory_space<vmem>>) target_semaphore(%run_scoped3A : memref<!tpu.dma_semaphore, #tpu.memory_space<semaphore_mem>>)
      %dma_wait3A = arith.constant 0 : i32
      %dma_wait3A_95 = tpu.memref_slice %arg2[%add3A_29, %dma_wait3A] : memref<5120x128xi32, #tpu.memory_space<hbm>> -> memref<40x128xi32, #tpu.memory_space<hbm>>
      %dma_wait3A_96 = arith.constant 0 : i32
      %dma_wait3A_97 = tpu.memref_slice %arg2[%add3A_29, %dma_wait3A_96] : memref<5120x128xi32, #tpu.memory_space<hbm>> -> memref<40x128xi32, #tpu.memory_space<hbm>>
      tpu.wait_dma2 semaphore(%run_scoped3A : memref<!tpu.dma_semaphore, #tpu.memory_space<semaphore_mem>>) src(%dma_wait3A_97 : memref<40x128xi32, #tpu.memory_space<hbm>>) dst(%arg6 : memref<40x128xi32, #tpu.memory_space<vmem>>)
      tpu.yield
    }) : () -> ()
    %mul3A_30 = arith.constant 80 : i32
    %mul3A_31 = arith.muli %arg1, %mul3A_30 : i32
    %add3A_32 = arith.constant 40 : i32
    %add3A_33 = arith.addi %mul3A_31, %add3A_32 : i32
    "tpu.region"() ({
      %run_scoped3A = tpu.sem_alloc : memref<!tpu.dma_semaphore, #tpu.memory_space<semaphore_mem>>
      %dma_start3A = arith.constant 0 : i32
      %dma_start3A_92 = tpu.memref_slice %arg3[%add3A_33, %dma_start3A] : memref<1280x128xi32, #tpu.memory_space<hbm>> -> memref<40x128xi32, #tpu.memory_space<hbm>>
      %dma_start3A_93 = arith.constant 0 : i32
      %dma_start3A_94 = tpu.memref_slice %arg3[%add3A_33, %dma_start3A_93] : memref<1280x128xi32, #tpu.memory_space<hbm>> -> memref<40x128xi32, #tpu.memory_space<hbm>>
      tpu.enqueue_dma source(%dma_start3A_94 : memref<40x128xi32, #tpu.memory_space<hbm>>) target(%arg7 : memref<40x128xi32, #tpu.memory_space<vmem>>) target_semaphore(%run_scoped3A : memref<!tpu.dma_semaphore, #tpu.memory_space<semaphore_mem>>)
      %dma_wait3A = arith.constant 0 : i32
      %dma_wait3A_95 = tpu.memref_slice %arg3[%add3A_33, %dma_wait3A] : memref<1280x128xi32, #tpu.memory_space<hbm>> -> memref<40x128xi32, #tpu.memory_space<hbm>>
      %dma_wait3A_96 = arith.constant 0 : i32
      %dma_wait3A_97 = tpu.memref_slice %arg3[%add3A_33, %dma_wait3A_96] : memref<1280x128xi32, #tpu.memory_space<hbm>> -> memref<40x128xi32, #tpu.memory_space<hbm>>
      tpu.wait_dma2 semaphore(%run_scoped3A : memref<!tpu.dma_semaphore, #tpu.memory_space<semaphore_mem>>) src(%dma_wait3A_97 : memref<40x128xi32, #tpu.memory_space<hbm>>) dst(%arg7 : memref<40x128xi32, #tpu.memory_space<vmem>>)
      tpu.yield
    }) : () -> ()
    %scan3A_34 = arith.constant 0 : i32
    %scan3A_35 = arith.constant 0 : i32
    %scan3A_36 = arith.constant 20 : i32
    %scan3A_37 = arith.addi %scan3A_35, %scan3A_36 : i32
    %scan3A_38 = arith.constant 1 : i32
    scf.for %scan3A_92 = %scan3A_35 to %scan3A_37 step %scan3A_38  : i32 {
      %mul3A_93 = arith.constant 2 : i32
      %mul3A_94 = arith.muli %scan3A_92, %mul3A_93 : i32
      %add3A_95 = arith.constant 0 : i32
      %add3A_96 = arith.addi %mul3A_94, %add3A_95 : i32
      %dma_start3A = arith.constant 0 : i32
      %dma_start3A_97 = arith.constant 0 : i32
      %dma_start3A_98 = arith.constant 0 : i32
      %dma_start3A_99 = tpu.memref_slice %arg8[%dma_start3A, %dma_start3A_97, %dma_start3A_98] : memref<2x128x128xf32, #tpu.memory_space<vmem>> -> memref<1x128x128xf32, #tpu.memory_space<vmem>>
      %dma_start3A_100 = tpu.memref_squeeze %dma_start3A_99 : memref<1x128x128xf32, #tpu.memory_space<vmem>> -> memref<128x128xf32, #tpu.memory_space<vmem>>
      %dma_start3A_101 = arith.constant 0 : i32
      %dma_start3A_102 = tpu.memref_slice %arg6[%add3A_96, %dma_start3A_101] : memref<40x128xi32, #tpu.memory_space<vmem>> -> memref<1x128xi32, #tpu.memory_space<vmem>>
      %dma_start3A_103 = tpu.memref_squeeze %dma_start3A_102 : memref<1x128xi32, #tpu.memory_space<vmem>> -> memref<128xi32, #tpu.memory_space<vmem>>
      %dma_start3A_104 = arith.constant 0 : i32
      %dma_start3A_105 = arith.constant 0 : i32
      %dma_start3A_106 = tpu.memref_slice %arg4[%dma_start3A_104, %dma_start3A_105] : memref<40000x128xf32, #tpu.memory_space<hbm>> -> memref<40000x128xf32, #tpu.memory_space<hbm>>
      tpu.enqueue_indirect_dma source(%dma_start3A_106 : memref<40000x128xf32, #tpu.memory_space<hbm>>) target(%dma_start3A_100 : memref<128x128xf32, #tpu.memory_space<vmem>>) offsets(%dma_start3A_103 : memref<128xi32, #tpu.memory_space<vmem>>) semaphore(%arg10 : memref<!tpu.dma_semaphore, #tpu.memory_space<semaphore_mem>>)
      %add3A_107 = arith.constant 1 : i32
      %add3A_108 = arith.addi %mul3A_94, %add3A_107 : i32
      %dma_start3A_109 = arith.constant 1 : i32
      %dma_start3A_110 = arith.constant 0 : i32
      %dma_start3A_111 = arith.constant 0 : i32
      %dma_start3A_112 = tpu.memref_slice %arg8[%dma_start3A_109, %dma_start3A_110, %dma_start3A_111] : memref<2x128x128xf32, #tpu.memory_space<vmem>> -> memref<1x128x128xf32, #tpu.memory_space<vmem>>
      %dma_start3A_113 = tpu.memref_squeeze %dma_start3A_112 : memref<1x128x128xf32, #tpu.memory_space<vmem>> -> memref<128x128xf32, #tpu.memory_space<vmem>>
      %dma_start3A_114 = arith.constant 0 : i32
      %dma_start3A_115 = tpu.memref_slice %arg6[%add3A_108, %dma_start3A_114] : memref<40x128xi32, #tpu.memory_space<vmem>> -> memref<1x128xi32, #tpu.memory_space<vmem>>
      %dma_start3A_116 = tpu.memref_squeeze %dma_start3A_115 : memref<1x128xi32, #tpu.memory_space<vmem>> -> memref<128xi32, #tpu.memory_space<vmem>>
      %dma_start3A_117 = arith.constant 0 : i32
      %dma_start3A_118 = arith.constant 0 : i32
      %dma_start3A_119 = tpu.memref_slice %arg4[%dma_start3A_117, %dma_start3A_118] : memref<40000x128xf32, #tpu.memory_space<hbm>> -> memref<40000x128xf32, #tpu.memory_space<hbm>>
      tpu.enqueue_indirect_dma source(%dma_start3A_119 : memref<40000x128xf32, #tpu.memory_space<hbm>>) target(%dma_start3A_113 : memref<128x128xf32, #tpu.memory_space<vmem>>) offsets(%dma_start3A_116 : memref<128xi32, #tpu.memory_space<vmem>>) semaphore(%arg11 : memref<!tpu.dma_semaphore, #tpu.memory_space<semaphore_mem>>)
      %dma_wait3A = arith.constant 0 : i32
      %dma_wait3A_120 = arith.constant 0 : i32
      %dma_wait3A_121 = arith.constant 0 : i32
      %dma_wait3A_122 = tpu.memref_slice %arg8[%dma_wait3A, %dma_wait3A_120, %dma_wait3A_121] : memref<2x128x128xf32, #tpu.memory_space<vmem>> -> memref<1x128x128xf32, #tpu.memory_space<vmem>>
      %dma_wait3A_123 = tpu.memref_squeeze %dma_wait3A_122 : memref<1x128x128xf32, #tpu.memory_space<vmem>> -> memref<128x128xf32, #tpu.memory_space<vmem>>
      %dma_wait3A_124 = arith.constant 0 : i32
      %dma_wait3A_125 = tpu.memref_slice %arg6[%add3A_96, %dma_wait3A_124] : memref<40x128xi32, #tpu.memory_space<vmem>> -> memref<1x128xi32, #tpu.memory_space<vmem>>
      %dma_wait3A_126 = tpu.memref_squeeze %dma_wait3A_125 : memref<1x128xi32, #tpu.memory_space<vmem>> -> memref<128xi32, #tpu.memory_space<vmem>>
      %dma_wait3A_127 = arith.constant 0 : i32
      %dma_wait3A_128 = arith.constant 0 : i32
      %dma_wait3A_129 = tpu.memref_slice %arg4[%dma_wait3A_127, %dma_wait3A_128] : memref<40000x128xf32, #tpu.memory_space<hbm>> -> memref<40000x128xf32, #tpu.memory_space<hbm>>
      tpu.wait_indirect_dma semaphore(%arg10 : memref<!tpu.dma_semaphore, #tpu.memory_space<semaphore_mem>>) src(%dma_wait3A_129 : memref<40000x128xf32, #tpu.memory_space<hbm>>) dst(%dma_wait3A_123 : memref<128x128xf32, #tpu.memory_space<vmem>>)
      %add3A_130 = arith.constant 0 : i32
      %add3A_131 = arith.addi %mul3A_94, %add3A_130 : i32
      %run_scoped3A = arith.constant 0 : i32
      "tpu.region"() ({
        %run_scoped3A_146 = tpu.sem_alloc : memref<!tpu.dma_semaphore, #tpu.memory_space<semaphore_mem>>
        %dma_start3A_147 = arith.constant 0 : i32
        %dma_start3A_148 = arith.constant 0 : i32
        %dma_start3A_149 = tpu.memref_slice %arg8[%run_scoped3A, %dma_start3A_147, %dma_start3A_148] : memref<2x128x128xf32, #tpu.memory_space<vmem>> -> memref<1x128x128xf32, #tpu.memory_space<vmem>>
        %dma_start3A_150 = tpu.memref_squeeze %dma_start3A_149 : memref<1x128x128xf32, #tpu.memory_space<vmem>> -> memref<128x128xf32, #tpu.memory_space<vmem>>
        %dma_start3A_151 = arith.constant 0 : i32
        %dma_start3A_152 = tpu.memref_slice %arg7[%add3A_131, %dma_start3A_151] : memref<40x128xi32, #tpu.memory_space<vmem>> -> memref<1x128xi32, #tpu.memory_space<vmem>>
        %dma_start3A_153 = tpu.memref_squeeze %dma_start3A_152 : memref<1x128xi32, #tpu.memory_space<vmem>> -> memref<128xi32, #tpu.memory_space<vmem>>
        %dma_start3A_154 = arith.constant 0 : i32
        %dma_start3A_155 = arith.constant 0 : i32
        %dma_start3A_156 = tpu.memref_slice %arg9[%dma_start3A_154, %dma_start3A_155] : memref<10016x128xf32, #tpu.memory_space<vmem_shared>> -> memref<10016x128xf32, #tpu.memory_space<vmem_shared>>
        tpu.enqueue_indirect_dma source(%dma_start3A_150 : memref<128x128xf32, #tpu.memory_space<vmem>>) target(%dma_start3A_156 : memref<10016x128xf32, #tpu.memory_space<vmem_shared>>) offsets(%dma_start3A_153 : memref<128xi32, #tpu.memory_space<vmem>>) semaphore(%run_scoped3A_146 : memref<!tpu.dma_semaphore, #tpu.memory_space<semaphore_mem>>) {add = true}
        %dma_wait3A_157 = arith.constant 0 : i32
        %dma_wait3A_158 = arith.constant 0 : i32
        %dma_wait3A_159 = tpu.memref_slice %arg8[%run_scoped3A, %dma_wait3A_157, %dma_wait3A_158] : memref<2x128x128xf32, #tpu.memory_space<vmem>> -> memref<1x128x128xf32, #tpu.memory_space<vmem>>
        %dma_wait3A_160 = tpu.memref_squeeze %dma_wait3A_159 : memref<1x128x128xf32, #tpu.memory_space<vmem>> -> memref<128x128xf32, #tpu.memory_space<vmem>>
        %dma_wait3A_161 = arith.constant 0 : i32
        %dma_wait3A_162 = tpu.memref_slice %arg7[%add3A_131, %dma_wait3A_161] : memref<40x128xi32, #tpu.memory_space<vmem>> -> memref<1x128xi32, #tpu.memory_space<vmem>>
        %dma_wait3A_163 = tpu.memref_squeeze %dma_wait3A_162 : memref<1x128xi32, #tpu.memory_space<vmem>> -> memref<128xi32, #tpu.memory_space<vmem>>
        %dma_wait3A_164 = arith.constant 0 : i32
        %dma_wait3A_165 = arith.constant 0 : i32
        %dma_wait3A_166 = tpu.memref_slice %arg9[%dma_wait3A_164, %dma_wait3A_165] : memref<10016x128xf32, #tpu.memory_space<vmem_shared>> -> memref<10016x128xf32, #tpu.memory_space<vmem_shared>>
        tpu.wait_indirect_dma semaphore(%run_scoped3A_146 : memref<!tpu.dma_semaphore, #tpu.memory_space<semaphore_mem>>) src(%dma_wait3A_160 : memref<128x128xf32, #tpu.memory_space<vmem>>) dst(%dma_wait3A_166 : memref<10016x128xf32, #tpu.memory_space<vmem_shared>>)
        tpu.yield
      }) : () -> ()
      %dma_wait3A_132 = arith.constant 1 : i32
      %dma_wait3A_133 = arith.constant 0 : i32
      %dma_wait3A_134 = arith.constant 0 : i32
      %dma_wait3A_135 = tpu.memref_slice %arg8[%dma_wait3A_132, %dma_wait3A_133, %dma_wait3A_134] : memref<2x128x128xf32, #tpu.memory_space<vmem>> -> memref<1x128x128xf32, #tpu.memory_space<vmem>>
      %dma_wait3A_136 = tpu.memref_squeeze %dma_wait3A_135 : memref<1x128x128xf32, #tpu.memory_space<vmem>> -> memref<128x128xf32, #tpu.memory_space<vmem>>
      %dma_wait3A_137 = arith.constant 0 : i32
      %dma_wait3A_138 = tpu.memref_slice %arg6[%add3A_108, %dma_wait3A_137] : memref<40x128xi32, #tpu.memory_space<vmem>> -> memref<1x128xi32, #tpu.memory_space<vmem>>
      %dma_wait3A_139 = tpu.memref_squeeze %dma_wait3A_138 : memref<1x128xi32, #tpu.memory_space<vmem>> -> memref<128xi32, #tpu.memory_space<vmem>>
      %dma_wait3A_140 = arith.constant 0 : i32
      %dma_wait3A_141 = arith.constant 0 : i32
      %dma_wait3A_142 = tpu.memref_slice %arg4[%dma_wait3A_140, %dma_wait3A_141] : memref<40000x128xf32, #tpu.memory_space<hbm>> -> memref<40000x128xf32, #tpu.memory_space<hbm>>
      tpu.wait_indirect_dma semaphore(%arg11 : memref<!tpu.dma_semaphore, #tpu.memory_space<semaphore_mem>>) src(%dma_wait3A_142 : memref<40000x128xf32, #tpu.memory_space<hbm>>) dst(%dma_wait3A_136 : memref<128x128xf32, #tpu.memory_space<vmem>>)
      %add3A_143 = arith.constant 1 : i32
      %add3A_144 = arith.addi %mul3A_94, %add3A_143 : i32
      %run_scoped3A_145 = arith.constant 1 : i32
      "tpu.region"() ({
        %run_scoped3A_146 = tpu.sem_alloc : memref<!tpu.dma_semaphore, #tpu.memory_space<semaphore_mem>>
        %dma_start3A_147 = arith.constant 0 : i32
        %dma_start3A_148 = arith.constant 0 : i32
        %dma_start3A_149 = tpu.memref_slice %arg8[%run_scoped3A_145, %dma_start3A_147, %dma_start3A_148] : memref<2x128x128xf32, #tpu.memory_space<vmem>> -> memref<1x128x128xf32, #tpu.memory_space<vmem>>
        %dma_start3A_150 = tpu.memref_squeeze %dma_start3A_149 : memref<1x128x128xf32, #tpu.memory_space<vmem>> -> memref<128x128xf32, #tpu.memory_space<vmem>>
        %dma_start3A_151 = arith.constant 0 : i32
        %dma_start3A_152 = tpu.memref_slice %arg7[%add3A_144, %dma_start3A_151] : memref<40x128xi32, #tpu.memory_space<vmem>> -> memref<1x128xi32, #tpu.memory_space<vmem>>
        %dma_start3A_153 = tpu.memref_squeeze %dma_start3A_152 : memref<1x128xi32, #tpu.memory_space<vmem>> -> memref<128xi32, #tpu.memory_space<vmem>>
        %dma_start3A_154 = arith.constant 0 : i32
        %dma_start3A_155 = arith.constant 0 : i32
        %dma_start3A_156 = tpu.memref_slice %arg9[%dma_start3A_154, %dma_start3A_155] : memref<10016x128xf32, #tpu.memory_space<vmem_shared>> -> memref<10016x128xf32, #tpu.memory_space<vmem_shared>>
        tpu.enqueue_indirect_dma source(%dma_start3A_150 : memref<128x128xf32, #tpu.memory_space<vmem>>) target(%dma_start3A_156 : memref<10016x128xf32, #tpu.memory_space<vmem_shared>>) offsets(%dma_start3A_153 : memref<128xi32, #tpu.memory_space<vmem>>) semaphore(%run_scoped3A_146 : memref<!tpu.dma_semaphore, #tpu.memory_space<semaphore_mem>>) {add = true}
        %dma_wait3A_157 = arith.constant 0 : i32
        %dma_wait3A_158 = arith.constant 0 : i32
        %dma_wait3A_159 = tpu.memref_slice %arg8[%run_scoped3A_145, %dma_wait3A_157, %dma_wait3A_158] : memref<2x128x128xf32, #tpu.memory_space<vmem>> -> memref<1x128x128xf32, #tpu.memory_space<vmem>>
        %dma_wait3A_160 = tpu.memref_squeeze %dma_wait3A_159 : memref<1x128x128xf32, #tpu.memory_space<vmem>> -> memref<128x128xf32, #tpu.memory_space<vmem>>
        %dma_wait3A_161 = arith.constant 0 : i32
        %dma_wait3A_162 = tpu.memref_slice %arg7[%add3A_144, %dma_wait3A_161] : memref<40x128xi32, #tpu.memory_space<vmem>> -> memref<1x128xi32, #tpu.memory_space<vmem>>
        %dma_wait3A_163 = tpu.memref_squeeze %dma_wait3A_162 : memref<1x128xi32, #tpu.memory_space<vmem>> -> memref<128xi32, #tpu.memory_space<vmem>>
        %dma_wait3A_164 = arith.constant 0 : i32
        %dma_wait3A_165 = arith.constant 0 : i32
        %dma_wait3A_166 = tpu.memref_slice %arg9[%dma_wait3A_164, %dma_wait3A_165] : memref<10016x128xf32, #tpu.memory_space<vmem_shared>> -> memref<10016x128xf32, #tpu.memory_space<vmem_shared>>
        tpu.wait_indirect_dma semaphore(%run_scoped3A_146 : memref<!tpu.dma_semaphore, #tpu.memory_space<semaphore_mem>>) src(%dma_wait3A_160 : memref<128x128xf32, #tpu.memory_space<vmem>>) dst(%dma_wait3A_166 : memref<10016x128xf32, #tpu.memory_space<vmem_shared>>)
        tpu.yield
      }) : () -> ()
    }
    %scan3A_39 = arith.constant 20 : i32
    %barrier3A_40 = arith.constant 0 : index
    tpu.barrier barrier_id(%barrier3A_40)
    %mul3A_41 = arith.constant 10000 : i32
    %mul3A_42 = arith.muli %add3A_3, %mul3A_41 : i32
    %add3A_43 = arith.addi %mul3A_42, %mul3A_0 : i32
    "tpu.region"() ({
      %run_scoped3A = tpu.sem_alloc : memref<!tpu.dma_semaphore, #tpu.memory_space<semaphore_mem>>
      %dma_start3A = arith.constant 0 : i32
      %dma_start3A_92 = tpu.memref_slice %arg5[%add3A_43, %dma_start3A] : memref<40000x128xf32, #tpu.memory_space<hbm>> -> memref<640x128xf32, #tpu.memory_space<hbm>>
      %dma_start3A_93 = arith.constant 0 : i32
      %dma_start3A_94 = tpu.memref_slice %arg9[%mul3A_0, %dma_start3A_93] : memref<10016x128xf32, #tpu.memory_space<vmem_shared>> -> memref<640x128xf32, #tpu.memory_space<vmem_shared>>
      tpu.enqueue_dma source(%dma_start3A_94 : memref<640x128xf32, #tpu.memory_space<vmem_shared>>) target(%dma_start3A_92 : memref<640x128xf32, #tpu.memory_space<hbm>>) target_semaphore(%run_scoped3A : memref<!tpu.dma_semaphore, #tpu.memory_space<semaphore_mem>>)
      %dma_wait3A = arith.constant 0 : i32
      %dma_wait3A_95 = tpu.memref_slice %arg5[%add3A_43, %dma_wait3A] : memref<40000x128xf32, #tpu.memory_space<hbm>> -> memref<640x128xf32, #tpu.memory_space<hbm>>
      %dma_wait3A_96 = arith.constant 0 : i32
      %dma_wait3A_97 = tpu.memref_slice %arg9[%mul3A_0, %dma_wait3A_96] : memref<10016x128xf32, #tpu.memory_space<vmem_shared>> -> memref<640x128xf32, #tpu.memory_space<vmem_shared>>
      tpu.wait_dma2 semaphore(%run_scoped3A : memref<!tpu.dma_semaphore, #tpu.memory_space<semaphore_mem>>) src(%dma_wait3A_97 : memref<640x128xf32, #tpu.memory_space<vmem_shared>>) dst(%dma_wait3A_95 : memref<640x128xf32, #tpu.memory_space<hbm>>)
      tpu.yield
    }) : () -> ()
    %barrier3A_44 = arith.constant 0 : index
    tpu.barrier barrier_id(%barrier3A_44)
    %mul3A_45 = arith.constant 2 : i32
    %mul3A_46 = arith.muli %arg0, %mul3A_45 : i32
    %add3A_47 = arith.constant 1 : i32
    %add3A_48 = arith.addi %mul3A_46, %add3A_47 : i32
    %mul3A_49 = arith.constant 10000 : i32
    %mul3A_50 = arith.muli %add3A_48, %mul3A_49 : i32
    %add3A_51 = arith.addi %mul3A_50, %mul3A_0 : i32
    "tpu.region"() ({
      %run_scoped3A = tpu.sem_alloc : memref<!tpu.dma_semaphore, #tpu.memory_space<semaphore_mem>>
      %dma_start3A = arith.constant 0 : i32
      %dma_start3A_92 = tpu.memref_slice %arg9[%mul3A_0, %dma_start3A] : memref<10016x128xf32, #tpu.memory_space<vmem_shared>> -> memref<640x128xf32, #tpu.memory_space<vmem_shared>>
      %dma_start3A_93 = arith.constant 0 : i32
      %dma_start3A_94 = tpu.memref_slice %arg4[%add3A_51, %dma_start3A_93] : memref<40000x128xf32, #tpu.memory_space<hbm>> -> memref<640x128xf32, #tpu.memory_space<hbm>>
      tpu.enqueue_dma source(%dma_start3A_94 : memref<640x128xf32, #tpu.memory_space<hbm>>) target(%dma_start3A_92 : memref<640x128xf32, #tpu.memory_space<vmem_shared>>) target_semaphore(%run_scoped3A : memref<!tpu.dma_semaphore, #tpu.memory_space<semaphore_mem>>)
      %dma_wait3A = arith.constant 0 : i32
      %dma_wait3A_95 = tpu.memref_slice %arg9[%mul3A_0, %dma_wait3A] : memref<10016x128xf32, #tpu.memory_space<vmem_shared>> -> memref<640x128xf32, #tpu.memory_space<vmem_shared>>
      %dma_wait3A_96 = arith.constant 0 : i32
      %dma_wait3A_97 = tpu.memref_slice %arg4[%add3A_51, %dma_wait3A_96] : memref<40000x128xf32, #tpu.memory_space<hbm>> -> memref<640x128xf32, #tpu.memory_space<hbm>>
      tpu.wait_dma2 semaphore(%run_scoped3A : memref<!tpu.dma_semaphore, #tpu.memory_space<semaphore_mem>>) src(%dma_wait3A_97 : memref<640x128xf32, #tpu.memory_space<hbm>>) dst(%dma_wait3A_95 : memref<640x128xf32, #tpu.memory_space<vmem_shared>>)
      tpu.yield
    }) : () -> ()
    %barrier3A_52 = arith.constant 0 : index
    tpu.barrier barrier_id(%barrier3A_52)
    %mul3A_53 = arith.constant 16 : i32
    %mul3A_54 = arith.muli %add3A_48, %mul3A_53 : i32
    %add3A_55 = arith.addi %mul3A_54, %arg1 : i32
    %mul3A_56 = arith.constant 80 : i32
    %mul3A_57 = arith.muli %add3A_55, %mul3A_56 : i32
    %add3A_58 = arith.constant 0 : i32
    %add3A_59 = arith.addi %mul3A_57, %add3A_58 : i32
    "tpu.region"() ({
      %run_scoped3A = tpu.sem_alloc : memref<!tpu.dma_semaphore, #tpu.memory_space<semaphore_mem>>
      %dma_start3A = arith.constant 0 : i32
      %dma_start3A_92 = tpu.memref_slice %arg2[%add3A_59, %dma_start3A] : memref<5120x128xi32, #tpu.memory_space<hbm>> -> memref<40x128xi32, #tpu.memory_space<hbm>>
      %dma_start3A_93 = arith.constant 0 : i32
      %dma_start3A_94 = tpu.memref_slice %arg2[%add3A_59, %dma_start3A_93] : memref<5120x128xi32, #tpu.memory_space<hbm>> -> memref<40x128xi32, #tpu.memory_space<hbm>>
      tpu.enqueue_dma source(%dma_start3A_94 : memref<40x128xi32, #tpu.memory_space<hbm>>) target(%arg6 : memref<40x128xi32, #tpu.memory_space<vmem>>) target_semaphore(%run_scoped3A : memref<!tpu.dma_semaphore, #tpu.memory_space<semaphore_mem>>)
      %dma_wait3A = arith.constant 0 : i32
      %dma_wait3A_95 = tpu.memref_slice %arg2[%add3A_59, %dma_wait3A] : memref<5120x128xi32, #tpu.memory_space<hbm>> -> memref<40x128xi32, #tpu.memory_space<hbm>>
      %dma_wait3A_96 = arith.constant 0 : i32
      %dma_wait3A_97 = tpu.memref_slice %arg2[%add3A_59, %dma_wait3A_96] : memref<5120x128xi32, #tpu.memory_space<hbm>> -> memref<40x128xi32, #tpu.memory_space<hbm>>
      tpu.wait_dma2 semaphore(%run_scoped3A : memref<!tpu.dma_semaphore, #tpu.memory_space<semaphore_mem>>) src(%dma_wait3A_97 : memref<40x128xi32, #tpu.memory_space<hbm>>) dst(%arg6 : memref<40x128xi32, #tpu.memory_space<vmem>>)
      tpu.yield
    }) : () -> ()
    %mul3A_60 = arith.constant 80 : i32
    %mul3A_61 = arith.muli %arg1, %mul3A_60 : i32
    %add3A_62 = arith.constant 0 : i32
    %add3A_63 = arith.addi %mul3A_61, %add3A_62 : i32
    "tpu.region"() ({
      %run_scoped3A = tpu.sem_alloc : memref<!tpu.dma_semaphore, #tpu.memory_space<semaphore_mem>>
      %dma_start3A = arith.constant 0 : i32
      %dma_start3A_92 = tpu.memref_slice %arg3[%add3A_63, %dma_start3A] : memref<1280x128xi32, #tpu.memory_space<hbm>> -> memref<40x128xi32, #tpu.memory_space<hbm>>
      %dma_start3A_93 = arith.constant 0 : i32
      %dma_start3A_94 = tpu.memref_slice %arg3[%add3A_63, %dma_start3A_93] : memref<1280x128xi32, #tpu.memory_space<hbm>> -> memref<40x128xi32, #tpu.memory_space<hbm>>
      tpu.enqueue_dma source(%dma_start3A_94 : memref<40x128xi32, #tpu.memory_space<hbm>>) target(%arg7 : memref<40x128xi32, #tpu.memory_space<vmem>>) target_semaphore(%run_scoped3A : memref<!tpu.dma_semaphore, #tpu.memory_space<semaphore_mem>>)
      %dma_wait3A = arith.constant 0 : i32
      %dma_wait3A_95 = tpu.memref_slice %arg3[%add3A_63, %dma_wait3A] : memref<1280x128xi32, #tpu.memory_space<hbm>> -> memref<40x128xi32, #tpu.memory_space<hbm>>
      %dma_wait3A_96 = arith.constant 0 : i32
      %dma_wait3A_97 = tpu.memref_slice %arg3[%add3A_63, %dma_wait3A_96] : memref<1280x128xi32, #tpu.memory_space<hbm>> -> memref<40x128xi32, #tpu.memory_space<hbm>>
      tpu.wait_dma2 semaphore(%run_scoped3A : memref<!tpu.dma_semaphore, #tpu.memory_space<semaphore_mem>>) src(%dma_wait3A_97 : memref<40x128xi32, #tpu.memory_space<hbm>>) dst(%arg7 : memref<40x128xi32, #tpu.memory_space<vmem>>)
      tpu.yield
    }) : () -> ()
    %scan3A_64 = arith.constant 0 : i32
    %scan3A_65 = arith.constant 0 : i32
    %scan3A_66 = arith.constant 20 : i32
    %scan3A_67 = arith.addi %scan3A_65, %scan3A_66 : i32
    %scan3A_68 = arith.constant 1 : i32
    scf.for %scan3A_92 = %scan3A_65 to %scan3A_67 step %scan3A_68  : i32 {
      %mul3A_93 = arith.constant 2 : i32
      %mul3A_94 = arith.muli %scan3A_92, %mul3A_93 : i32
      %add3A_95 = arith.constant 0 : i32
      %add3A_96 = arith.addi %mul3A_94, %add3A_95 : i32
      %dma_start3A = arith.constant 0 : i32
      %dma_start3A_97 = arith.constant 0 : i32
      %dma_start3A_98 = arith.constant 0 : i32
      %dma_start3A_99 = tpu.memref_slice %arg8[%dma_start3A, %dma_start3A_97, %dma_start3A_98] : memref<2x128x128xf32, #tpu.memory_space<vmem>> -> memref<1x128x128xf32, #tpu.memory_space<vmem>>
      %dma_start3A_100 = tpu.memref_squeeze %dma_start3A_99 : memref<1x128x128xf32, #tpu.memory_space<vmem>> -> memref<128x128xf32, #tpu.memory_space<vmem>>
      %dma_start3A_101 = arith.constant 0 : i32
      %dma_start3A_102 = tpu.memref_slice %arg6[%add3A_96, %dma_start3A_101] : memref<40x128xi32, #tpu.memory_space<vmem>> -> memref<1x128xi32, #tpu.memory_space<vmem>>
      %dma_start3A_103 = tpu.memref_squeeze %dma_start3A_102 : memref<1x128xi32, #tpu.memory_space<vmem>> -> memref<128xi32, #tpu.memory_space<vmem>>
      %dma_start3A_104 = arith.constant 0 : i32
      %dma_start3A_105 = arith.constant 0 : i32
      %dma_start3A_106 = tpu.memref_slice %arg4[%dma_start3A_104, %dma_start3A_105] : memref<40000x128xf32, #tpu.memory_space<hbm>> -> memref<40000x128xf32, #tpu.memory_space<hbm>>
      tpu.enqueue_indirect_dma source(%dma_start3A_106 : memref<40000x128xf32, #tpu.memory_space<hbm>>) target(%dma_start3A_100 : memref<128x128xf32, #tpu.memory_space<vmem>>) offsets(%dma_start3A_103 : memref<128xi32, #tpu.memory_space<vmem>>) semaphore(%arg10 : memref<!tpu.dma_semaphore, #tpu.memory_space<semaphore_mem>>)
      %add3A_107 = arith.constant 1 : i32
      %add3A_108 = arith.addi %mul3A_94, %add3A_107 : i32
      %dma_start3A_109 = arith.constant 1 : i32
      %dma_start3A_110 = arith.constant 0 : i32
      %dma_start3A_111 = arith.constant 0 : i32
      %dma_start3A_112 = tpu.memref_slice %arg8[%dma_start3A_109, %dma_start3A_110, %dma_start3A_111] : memref<2x128x128xf32, #tpu.memory_space<vmem>> -> memref<1x128x128xf32, #tpu.memory_space<vmem>>
      %dma_start3A_113 = tpu.memref_squeeze %dma_start3A_112 : memref<1x128x128xf32, #tpu.memory_space<vmem>> -> memref<128x128xf32, #tpu.memory_space<vmem>>
      %dma_start3A_114 = arith.constant 0 : i32
      %dma_start3A_115 = tpu.memref_slice %arg6[%add3A_108, %dma_start3A_114] : memref<40x128xi32, #tpu.memory_space<vmem>> -> memref<1x128xi32, #tpu.memory_space<vmem>>
      %dma_start3A_116 = tpu.memref_squeeze %dma_start3A_115 : memref<1x128xi32, #tpu.memory_space<vmem>> -> memref<128xi32, #tpu.memory_space<vmem>>
      %dma_start3A_117 = arith.constant 0 : i32
      %dma_start3A_118 = arith.constant 0 : i32
      %dma_start3A_119 = tpu.memref_slice %arg4[%dma_start3A_117, %dma_start3A_118] : memref<40000x128xf32, #tpu.memory_space<hbm>> -> memref<40000x128xf32, #tpu.memory_space<hbm>>
      tpu.enqueue_indirect_dma source(%dma_start3A_119 : memref<40000x128xf32, #tpu.memory_space<hbm>>) target(%dma_start3A_113 : memref<128x128xf32, #tpu.memory_space<vmem>>) offsets(%dma_start3A_116 : memref<128xi32, #tpu.memory_space<vmem>>) semaphore(%arg11 : memref<!tpu.dma_semaphore, #tpu.memory_space<semaphore_mem>>)
      %dma_wait3A = arith.constant 0 : i32
      %dma_wait3A_120 = arith.constant 0 : i32
      %dma_wait3A_121 = arith.constant 0 : i32
      %dma_wait3A_122 = tpu.memref_slice %arg8[%dma_wait3A, %dma_wait3A_120, %dma_wait3A_121] : memref<2x128x128xf32, #tpu.memory_space<vmem>> -> memref<1x128x128xf32, #tpu.memory_space<vmem>>
      %dma_wait3A_123 = tpu.memref_squeeze %dma_wait3A_122 : memref<1x128x128xf32, #tpu.memory_space<vmem>> -> memref<128x128xf32, #tpu.memory_space<vmem>>
      %dma_wait3A_124 = arith.constant 0 : i32
      %dma_wait3A_125 = tpu.memref_slice %arg6[%add3A_96, %dma_wait3A_124] : memref<40x128xi32, #tpu.memory_space<vmem>> -> memref<1x128xi32, #tpu.memory_space<vmem>>
      %dma_wait3A_126 = tpu.memref_squeeze %dma_wait3A_125 : memref<1x128xi32, #tpu.memory_space<vmem>> -> memref<128xi32, #tpu.memory_space<vmem>>
      %dma_wait3A_127 = arith.constant 0 : i32
      %dma_wait3A_128 = arith.constant 0 : i32
      %dma_wait3A_129 = tpu.memref_slice %arg4[%dma_wait3A_127, %dma_wait3A_128] : memref<40000x128xf32, #tpu.memory_space<hbm>> -> memref<40000x128xf32, #tpu.memory_space<hbm>>
      tpu.wait_indirect_dma semaphore(%arg10 : memref<!tpu.dma_semaphore, #tpu.memory_space<semaphore_mem>>) src(%dma_wait3A_129 : memref<40000x128xf32, #tpu.memory_space<hbm>>) dst(%dma_wait3A_123 : memref<128x128xf32, #tpu.memory_space<vmem>>)
      %add3A_130 = arith.constant 0 : i32
      %add3A_131 = arith.addi %mul3A_94, %add3A_130 : i32
      %run_scoped3A = arith.constant 0 : i32
      "tpu.region"() ({
        %run_scoped3A_146 = tpu.sem_alloc : memref<!tpu.dma_semaphore, #tpu.memory_space<semaphore_mem>>
        %dma_start3A_147 = arith.constant 0 : i32
        %dma_start3A_148 = arith.constant 0 : i32
        %dma_start3A_149 = tpu.memref_slice %arg8[%run_scoped3A, %dma_start3A_147, %dma_start3A_148] : memref<2x128x128xf32, #tpu.memory_space<vmem>> -> memref<1x128x128xf32, #tpu.memory_space<vmem>>
        %dma_start3A_150 = tpu.memref_squeeze %dma_start3A_149 : memref<1x128x128xf32, #tpu.memory_space<vmem>> -> memref<128x128xf32, #tpu.memory_space<vmem>>
        %dma_start3A_151 = arith.constant 0 : i32
        %dma_start3A_152 = tpu.memref_slice %arg7[%add3A_131, %dma_start3A_151] : memref<40x128xi32, #tpu.memory_space<vmem>> -> memref<1x128xi32, #tpu.memory_space<vmem>>
        %dma_start3A_153 = tpu.memref_squeeze %dma_start3A_152 : memref<1x128xi32, #tpu.memory_space<vmem>> -> memref<128xi32, #tpu.memory_space<vmem>>
        %dma_start3A_154 = arith.constant 0 : i32
        %dma_start3A_155 = arith.constant 0 : i32
        %dma_start3A_156 = tpu.memref_slice %arg9[%dma_start3A_154, %dma_start3A_155] : memref<10016x128xf32, #tpu.memory_space<vmem_shared>> -> memref<10016x128xf32, #tpu.memory_space<vmem_shared>>
        tpu.enqueue_indirect_dma source(%dma_start3A_150 : memref<128x128xf32, #tpu.memory_space<vmem>>) target(%dma_start3A_156 : memref<10016x128xf32, #tpu.memory_space<vmem_shared>>) offsets(%dma_start3A_153 : memref<128xi32, #tpu.memory_space<vmem>>) semaphore(%run_scoped3A_146 : memref<!tpu.dma_semaphore, #tpu.memory_space<semaphore_mem>>) {add = true}
        %dma_wait3A_157 = arith.constant 0 : i32
        %dma_wait3A_158 = arith.constant 0 : i32
        %dma_wait3A_159 = tpu.memref_slice %arg8[%run_scoped3A, %dma_wait3A_157, %dma_wait3A_158] : memref<2x128x128xf32, #tpu.memory_space<vmem>> -> memref<1x128x128xf32, #tpu.memory_space<vmem>>
        %dma_wait3A_160 = tpu.memref_squeeze %dma_wait3A_159 : memref<1x128x128xf32, #tpu.memory_space<vmem>> -> memref<128x128xf32, #tpu.memory_space<vmem>>
        %dma_wait3A_161 = arith.constant 0 : i32
        %dma_wait3A_162 = tpu.memref_slice %arg7[%add3A_131, %dma_wait3A_161] : memref<40x128xi32, #tpu.memory_space<vmem>> -> memref<1x128xi32, #tpu.memory_space<vmem>>
        %dma_wait3A_163 = tpu.memref_squeeze %dma_wait3A_162 : memref<1x128xi32, #tpu.memory_space<vmem>> -> memref<128xi32, #tpu.memory_space<vmem>>
        %dma_wait3A_164 = arith.constant 0 : i32
        %dma_wait3A_165 = arith.constant 0 : i32
        %dma_wait3A_166 = tpu.memref_slice %arg9[%dma_wait3A_164, %dma_wait3A_165] : memref<10016x128xf32, #tpu.memory_space<vmem_shared>> -> memref<10016x128xf32, #tpu.memory_space<vmem_shared>>
        tpu.wait_indirect_dma semaphore(%run_scoped3A_146 : memref<!tpu.dma_semaphore, #tpu.memory_space<semaphore_mem>>) src(%dma_wait3A_160 : memref<128x128xf32, #tpu.memory_space<vmem>>) dst(%dma_wait3A_166 : memref<10016x128xf32, #tpu.memory_space<vmem_shared>>)
        tpu.yield
      }) : () -> ()
      %dma_wait3A_132 = arith.constant 1 : i32
      %dma_wait3A_133 = arith.constant 0 : i32
      %dma_wait3A_134 = arith.constant 0 : i32
      %dma_wait3A_135 = tpu.memref_slice %arg8[%dma_wait3A_132, %dma_wait3A_133, %dma_wait3A_134] : memref<2x128x128xf32, #tpu.memory_space<vmem>> -> memref<1x128x128xf32, #tpu.memory_space<vmem>>
      %dma_wait3A_136 = tpu.memref_squeeze %dma_wait3A_135 : memref<1x128x128xf32, #tpu.memory_space<vmem>> -> memref<128x128xf32, #tpu.memory_space<vmem>>
      %dma_wait3A_137 = arith.constant 0 : i32
      %dma_wait3A_138 = tpu.memref_slice %arg6[%add3A_108, %dma_wait3A_137] : memref<40x128xi32, #tpu.memory_space<vmem>> -> memref<1x128xi32, #tpu.memory_space<vmem>>
      %dma_wait3A_139 = tpu.memref_squeeze %dma_wait3A_138 : memref<1x128xi32, #tpu.memory_space<vmem>> -> memref<128xi32, #tpu.memory_space<vmem>>
      %dma_wait3A_140 = arith.constant 0 : i32
      %dma_wait3A_141 = arith.constant 0 : i32
      %dma_wait3A_142 = tpu.memref_slice %arg4[%dma_wait3A_140, %dma_wait3A_141] : memref<40000x128xf32, #tpu.memory_space<hbm>> -> memref<40000x128xf32, #tpu.memory_space<hbm>>
      tpu.wait_indirect_dma semaphore(%arg11 : memref<!tpu.dma_semaphore, #tpu.memory_space<semaphore_mem>>) src(%dma_wait3A_142 : memref<40000x128xf32, #tpu.memory_space<hbm>>) dst(%dma_wait3A_136 : memref<128x128xf32, #tpu.memory_space<vmem>>)
      %add3A_143 = arith.constant 1 : i32
      %add3A_144 = arith.addi %mul3A_94, %add3A_143 : i32
      %run_scoped3A_145 = arith.constant 1 : i32
      "tpu.region"() ({
        %run_scoped3A_146 = tpu.sem_alloc : memref<!tpu.dma_semaphore, #tpu.memory_space<semaphore_mem>>
        %dma_start3A_147 = arith.constant 0 : i32
        %dma_start3A_148 = arith.constant 0 : i32
        %dma_start3A_149 = tpu.memref_slice %arg8[%run_scoped3A_145, %dma_start3A_147, %dma_start3A_148] : memref<2x128x128xf32, #tpu.memory_space<vmem>> -> memref<1x128x128xf32, #tpu.memory_space<vmem>>
        %dma_start3A_150 = tpu.memref_squeeze %dma_start3A_149 : memref<1x128x128xf32, #tpu.memory_space<vmem>> -> memref<128x128xf32, #tpu.memory_space<vmem>>
        %dma_start3A_151 = arith.constant 0 : i32
        %dma_start3A_152 = tpu.memref_slice %arg7[%add3A_144, %dma_start3A_151] : memref<40x128xi32, #tpu.memory_space<vmem>> -> memref<1x128xi32, #tpu.memory_space<vmem>>
        %dma_start3A_153 = tpu.memref_squeeze %dma_start3A_152 : memref<1x128xi32, #tpu.memory_space<vmem>> -> memref<128xi32, #tpu.memory_space<vmem>>
        %dma_start3A_154 = arith.constant 0 : i32
        %dma_start3A_155 = arith.constant 0 : i32
        %dma_start3A_156 = tpu.memref_slice %arg9[%dma_start3A_154, %dma_start3A_155] : memref<10016x128xf32, #tpu.memory_space<vmem_shared>> -> memref<10016x128xf32, #tpu.memory_space<vmem_shared>>
        tpu.enqueue_indirect_dma source(%dma_start3A_150 : memref<128x128xf32, #tpu.memory_space<vmem>>) target(%dma_start3A_156 : memref<10016x128xf32, #tpu.memory_space<vmem_shared>>) offsets(%dma_start3A_153 : memref<128xi32, #tpu.memory_space<vmem>>) semaphore(%run_scoped3A_146 : memref<!tpu.dma_semaphore, #tpu.memory_space<semaphore_mem>>) {add = true}
        %dma_wait3A_157 = arith.constant 0 : i32
        %dma_wait3A_158 = arith.constant 0 : i32
        %dma_wait3A_159 = tpu.memref_slice %arg8[%run_scoped3A_145, %dma_wait3A_157, %dma_wait3A_158] : memref<2x128x128xf32, #tpu.memory_space<vmem>> -> memref<1x128x128xf32, #tpu.memory_space<vmem>>
        %dma_wait3A_160 = tpu.memref_squeeze %dma_wait3A_159 : memref<1x128x128xf32, #tpu.memory_space<vmem>> -> memref<128x128xf32, #tpu.memory_space<vmem>>
        %dma_wait3A_161 = arith.constant 0 : i32
        %dma_wait3A_162 = tpu.memref_slice %arg7[%add3A_144, %dma_wait3A_161] : memref<40x128xi32, #tpu.memory_space<vmem>> -> memref<1x128xi32, #tpu.memory_space<vmem>>
        %dma_wait3A_163 = tpu.memref_squeeze %dma_wait3A_162 : memref<1x128xi32, #tpu.memory_space<vmem>> -> memref<128xi32, #tpu.memory_space<vmem>>
        %dma_wait3A_164 = arith.constant 0 : i32
        %dma_wait3A_165 = arith.constant 0 : i32
        %dma_wait3A_166 = tpu.memref_slice %arg9[%dma_wait3A_164, %dma_wait3A_165] : memref<10016x128xf32, #tpu.memory_space<vmem_shared>> -> memref<10016x128xf32, #tpu.memory_space<vmem_shared>>
        tpu.wait_indirect_dma semaphore(%run_scoped3A_146 : memref<!tpu.dma_semaphore, #tpu.memory_space<semaphore_mem>>) src(%dma_wait3A_160 : memref<128x128xf32, #tpu.memory_space<vmem>>) dst(%dma_wait3A_166 : memref<10016x128xf32, #tpu.memory_space<vmem_shared>>)
        tpu.yield
      }) : () -> ()
    }
    %scan3A_69 = arith.constant 20 : i32
    %mul3A_70 = arith.constant 16 : i32
    %mul3A_71 = arith.muli %add3A_48, %mul3A_70 : i32
    %add3A_72 = arith.addi %mul3A_71, %arg1 : i32
    %mul3A_73 = arith.constant 80 : i32
    %mul3A_74 = arith.muli %add3A_72, %mul3A_73 : i32
    %add3A_75 = arith.constant 40 : i32
    %add3A_76 = arith.addi %mul3A_74, %add3A_75 : i32
    "tpu.region"() ({
      %run_scoped3A = tpu.sem_alloc : memref<!tpu.dma_semaphore, #tpu.memory_space<semaphore_mem>>
      %dma_start3A = arith.constant 0 : i32
      %dma_start3A_92 = tpu.memref_slice %arg2[%add3A_76, %dma_start3A] : memref<5120x128xi32, #tpu.memory_space<hbm>> -> memref<40x128xi32, #tpu.memory_space<hbm>>
      %dma_start3A_93 = arith.constant 0 : i32
      %dma_start3A_94 = tpu.memref_slice %arg2[%add3A_76, %dma_start3A_93] : memref<5120x128xi32, #tpu.memory_space<hbm>> -> memref<40x128xi32, #tpu.memory_space<hbm>>
      tpu.enqueue_dma source(%dma_start3A_94 : memref<40x128xi32, #tpu.memory_space<hbm>>) target(%arg6 : memref<40x128xi32, #tpu.memory_space<vmem>>) target_semaphore(%run_scoped3A : memref<!tpu.dma_semaphore, #tpu.memory_space<semaphore_mem>>)
      %dma_wait3A = arith.constant 0 : i32
      %dma_wait3A_95 = tpu.memref_slice %arg2[%add3A_76, %dma_wait3A] : memref<5120x128xi32, #tpu.memory_space<hbm>> -> memref<40x128xi32, #tpu.memory_space<hbm>>
      %dma_wait3A_96 = arith.constant 0 : i32
      %dma_wait3A_97 = tpu.memref_slice %arg2[%add3A_76, %dma_wait3A_96] : memref<5120x128xi32, #tpu.memory_space<hbm>> -> memref<40x128xi32, #tpu.memory_space<hbm>>
      tpu.wait_dma2 semaphore(%run_scoped3A : memref<!tpu.dma_semaphore, #tpu.memory_space<semaphore_mem>>) src(%dma_wait3A_97 : memref<40x128xi32, #tpu.memory_space<hbm>>) dst(%arg6 : memref<40x128xi32, #tpu.memory_space<vmem>>)
      tpu.yield
    }) : () -> ()
    %mul3A_77 = arith.constant 80 : i32
    %mul3A_78 = arith.muli %arg1, %mul3A_77 : i32
    %add3A_79 = arith.constant 40 : i32
    %add3A_80 = arith.addi %mul3A_78, %add3A_79 : i32
    "tpu.region"() ({
      %run_scoped3A = tpu.sem_alloc : memref<!tpu.dma_semaphore, #tpu.memory_space<semaphore_mem>>
      %dma_start3A = arith.constant 0 : i32
      %dma_start3A_92 = tpu.memref_slice %arg3[%add3A_80, %dma_start3A] : memref<1280x128xi32, #tpu.memory_space<hbm>> -> memref<40x128xi32, #tpu.memory_space<hbm>>
      %dma_start3A_93 = arith.constant 0 : i32
      %dma_start3A_94 = tpu.memref_slice %arg3[%add3A_80, %dma_start3A_93] : memref<1280x128xi32, #tpu.memory_space<hbm>> -> memref<40x128xi32, #tpu.memory_space<hbm>>
      tpu.enqueue_dma source(%dma_start3A_94 : memref<40x128xi32, #tpu.memory_space<hbm>>) target(%arg7 : memref<40x128xi32, #tpu.memory_space<vmem>>) target_semaphore(%run_scoped3A : memref<!tpu.dma_semaphore, #tpu.memory_space<semaphore_mem>>)
      %dma_wait3A = arith.constant 0 : i32
      %dma_wait3A_95 = tpu.memref_slice %arg3[%add3A_80, %dma_wait3A] : memref<1280x128xi32, #tpu.memory_space<hbm>> -> memref<40x128xi32, #tpu.memory_space<hbm>>
      %dma_wait3A_96 = arith.constant 0 : i32
      %dma_wait3A_97 = tpu.memref_slice %arg3[%add3A_80, %dma_wait3A_96] : memref<1280x128xi32, #tpu.memory_space<hbm>> -> memref<40x128xi32, #tpu.memory_space<hbm>>
      tpu.wait_dma2 semaphore(%run_scoped3A : memref<!tpu.dma_semaphore, #tpu.memory_space<semaphore_mem>>) src(%dma_wait3A_97 : memref<40x128xi32, #tpu.memory_space<hbm>>) dst(%arg7 : memref<40x128xi32, #tpu.memory_space<vmem>>)
      tpu.yield
    }) : () -> ()
    %scan3A_81 = arith.constant 0 : i32
    %scan3A_82 = arith.constant 0 : i32
    %scan3A_83 = arith.constant 20 : i32
    %scan3A_84 = arith.addi %scan3A_82, %scan3A_83 : i32
    %scan3A_85 = arith.constant 1 : i32
    scf.for %scan3A_92 = %scan3A_82 to %scan3A_84 step %scan3A_85  : i32 {
      %mul3A_93 = arith.constant 2 : i32
      %mul3A_94 = arith.muli %scan3A_92, %mul3A_93 : i32
      %add3A_95 = arith.constant 0 : i32
      %add3A_96 = arith.addi %mul3A_94, %add3A_95 : i32
      %dma_start3A = arith.constant 0 : i32
      %dma_start3A_97 = arith.constant 0 : i32
      %dma_start3A_98 = arith.constant 0 : i32
      %dma_start3A_99 = tpu.memref_slice %arg8[%dma_start3A, %dma_start3A_97, %dma_start3A_98] : memref<2x128x128xf32, #tpu.memory_space<vmem>> -> memref<1x128x128xf32, #tpu.memory_space<vmem>>
      %dma_start3A_100 = tpu.memref_squeeze %dma_start3A_99 : memref<1x128x128xf32, #tpu.memory_space<vmem>> -> memref<128x128xf32, #tpu.memory_space<vmem>>
      %dma_start3A_101 = arith.constant 0 : i32
      %dma_start3A_102 = tpu.memref_slice %arg6[%add3A_96, %dma_start3A_101] : memref<40x128xi32, #tpu.memory_space<vmem>> -> memref<1x128xi32, #tpu.memory_space<vmem>>
      %dma_start3A_103 = tpu.memref_squeeze %dma_start3A_102 : memref<1x128xi32, #tpu.memory_space<vmem>> -> memref<128xi32, #tpu.memory_space<vmem>>
      %dma_start3A_104 = arith.constant 0 : i32
      %dma_start3A_105 = arith.constant 0 : i32
      %dma_start3A_106 = tpu.memref_slice %arg4[%dma_start3A_104, %dma_start3A_105] : memref<40000x128xf32, #tpu.memory_space<hbm>> -> memref<40000x128xf32, #tpu.memory_space<hbm>>
      tpu.enqueue_indirect_dma source(%dma_start3A_106 : memref<40000x128xf32, #tpu.memory_space<hbm>>) target(%dma_start3A_100 : memref<128x128xf32, #tpu.memory_space<vmem>>) offsets(%dma_start3A_103 : memref<128xi32, #tpu.memory_space<vmem>>) semaphore(%arg10 : memref<!tpu.dma_semaphore, #tpu.memory_space<semaphore_mem>>)
      %add3A_107 = arith.constant 1 : i32
      %add3A_108 = arith.addi %mul3A_94, %add3A_107 : i32
      %dma_start3A_109 = arith.constant 1 : i32
      %dma_start3A_110 = arith.constant 0 : i32
      %dma_start3A_111 = arith.constant 0 : i32
      %dma_start3A_112 = tpu.memref_slice %arg8[%dma_start3A_109, %dma_start3A_110, %dma_start3A_111] : memref<2x128x128xf32, #tpu.memory_space<vmem>> -> memref<1x128x128xf32, #tpu.memory_space<vmem>>
      %dma_start3A_113 = tpu.memref_squeeze %dma_start3A_112 : memref<1x128x128xf32, #tpu.memory_space<vmem>> -> memref<128x128xf32, #tpu.memory_space<vmem>>
      %dma_start3A_114 = arith.constant 0 : i32
      %dma_start3A_115 = tpu.memref_slice %arg6[%add3A_108, %dma_start3A_114] : memref<40x128xi32, #tpu.memory_space<vmem>> -> memref<1x128xi32, #tpu.memory_space<vmem>>
      %dma_start3A_116 = tpu.memref_squeeze %dma_start3A_115 : memref<1x128xi32, #tpu.memory_space<vmem>> -> memref<128xi32, #tpu.memory_space<vmem>>
      %dma_start3A_117 = arith.constant 0 : i32
      %dma_start3A_118 = arith.constant 0 : i32
      %dma_start3A_119 = tpu.memref_slice %arg4[%dma_start3A_117, %dma_start3A_118] : memref<40000x128xf32, #tpu.memory_space<hbm>> -> memref<40000x128xf32, #tpu.memory_space<hbm>>
      tpu.enqueue_indirect_dma source(%dma_start3A_119 : memref<40000x128xf32, #tpu.memory_space<hbm>>) target(%dma_start3A_113 : memref<128x128xf32, #tpu.memory_space<vmem>>) offsets(%dma_start3A_116 : memref<128xi32, #tpu.memory_space<vmem>>) semaphore(%arg11 : memref<!tpu.dma_semaphore, #tpu.memory_space<semaphore_mem>>)
      %dma_wait3A = arith.constant 0 : i32
      %dma_wait3A_120 = arith.constant 0 : i32
      %dma_wait3A_121 = arith.constant 0 : i32
      %dma_wait3A_122 = tpu.memref_slice %arg8[%dma_wait3A, %dma_wait3A_120, %dma_wait3A_121] : memref<2x128x128xf32, #tpu.memory_space<vmem>> -> memref<1x128x128xf32, #tpu.memory_space<vmem>>
      %dma_wait3A_123 = tpu.memref_squeeze %dma_wait3A_122 : memref<1x128x128xf32, #tpu.memory_space<vmem>> -> memref<128x128xf32, #tpu.memory_space<vmem>>
      %dma_wait3A_124 = arith.constant 0 : i32
      %dma_wait3A_125 = tpu.memref_slice %arg6[%add3A_96, %dma_wait3A_124] : memref<40x128xi32, #tpu.memory_space<vmem>> -> memref<1x128xi32, #tpu.memory_space<vmem>>
      %dma_wait3A_126 = tpu.memref_squeeze %dma_wait3A_125 : memref<1x128xi32, #tpu.memory_space<vmem>> -> memref<128xi32, #tpu.memory_space<vmem>>
      %dma_wait3A_127 = arith.constant 0 : i32
      %dma_wait3A_128 = arith.constant 0 : i32
      %dma_wait3A_129 = tpu.memref_slice %arg4[%dma_wait3A_127, %dma_wait3A_128] : memref<40000x128xf32, #tpu.memory_space<hbm>> -> memref<40000x128xf32, #tpu.memory_space<hbm>>
      tpu.wait_indirect_dma semaphore(%arg10 : memref<!tpu.dma_semaphore, #tpu.memory_space<semaphore_mem>>) src(%dma_wait3A_129 : memref<40000x128xf32, #tpu.memory_space<hbm>>) dst(%dma_wait3A_123 : memref<128x128xf32, #tpu.memory_space<vmem>>)
      %add3A_130 = arith.constant 0 : i32
      %add3A_131 = arith.addi %mul3A_94, %add3A_130 : i32
      %run_scoped3A = arith.constant 0 : i32
      "tpu.region"() ({
        %run_scoped3A_146 = tpu.sem_alloc : memref<!tpu.dma_semaphore, #tpu.memory_space<semaphore_mem>>
        %dma_start3A_147 = arith.constant 0 : i32
        %dma_start3A_148 = arith.constant 0 : i32
        %dma_start3A_149 = tpu.memref_slice %arg8[%run_scoped3A, %dma_start3A_147, %dma_start3A_148] : memref<2x128x128xf32, #tpu.memory_space<vmem>> -> memref<1x128x128xf32, #tpu.memory_space<vmem>>
        %dma_start3A_150 = tpu.memref_squeeze %dma_start3A_149 : memref<1x128x128xf32, #tpu.memory_space<vmem>> -> memref<128x128xf32, #tpu.memory_space<vmem>>
        %dma_start3A_151 = arith.constant 0 : i32
        %dma_start3A_152 = tpu.memref_slice %arg7[%add3A_131, %dma_start3A_151] : memref<40x128xi32, #tpu.memory_space<vmem>> -> memref<1x128xi32, #tpu.memory_space<vmem>>
        %dma_start3A_153 = tpu.memref_squeeze %dma_start3A_152 : memref<1x128xi32, #tpu.memory_space<vmem>> -> memref<128xi32, #tpu.memory_space<vmem>>
        %dma_start3A_154 = arith.constant 0 : i32
        %dma_start3A_155 = arith.constant 0 : i32
        %dma_start3A_156 = tpu.memref_slice %arg9[%dma_start3A_154, %dma_start3A_155] : memref<10016x128xf32, #tpu.memory_space<vmem_shared>> -> memref<10016x128xf32, #tpu.memory_space<vmem_shared>>
        tpu.enqueue_indirect_dma source(%dma_start3A_150 : memref<128x128xf32, #tpu.memory_space<vmem>>) target(%dma_start3A_156 : memref<10016x128xf32, #tpu.memory_space<vmem_shared>>) offsets(%dma_start3A_153 : memref<128xi32, #tpu.memory_space<vmem>>) semaphore(%run_scoped3A_146 : memref<!tpu.dma_semaphore, #tpu.memory_space<semaphore_mem>>) {add = true}
        %dma_wait3A_157 = arith.constant 0 : i32
        %dma_wait3A_158 = arith.constant 0 : i32
        %dma_wait3A_159 = tpu.memref_slice %arg8[%run_scoped3A, %dma_wait3A_157, %dma_wait3A_158] : memref<2x128x128xf32, #tpu.memory_space<vmem>> -> memref<1x128x128xf32, #tpu.memory_space<vmem>>
        %dma_wait3A_160 = tpu.memref_squeeze %dma_wait3A_159 : memref<1x128x128xf32, #tpu.memory_space<vmem>> -> memref<128x128xf32, #tpu.memory_space<vmem>>
        %dma_wait3A_161 = arith.constant 0 : i32
        %dma_wait3A_162 = tpu.memref_slice %arg7[%add3A_131, %dma_wait3A_161] : memref<40x128xi32, #tpu.memory_space<vmem>> -> memref<1x128xi32, #tpu.memory_space<vmem>>
        %dma_wait3A_163 = tpu.memref_squeeze %dma_wait3A_162 : memref<1x128xi32, #tpu.memory_space<vmem>> -> memref<128xi32, #tpu.memory_space<vmem>>
        %dma_wait3A_164 = arith.constant 0 : i32
        %dma_wait3A_165 = arith.constant 0 : i32
        %dma_wait3A_166 = tpu.memref_slice %arg9[%dma_wait3A_164, %dma_wait3A_165] : memref<10016x128xf32, #tpu.memory_space<vmem_shared>> -> memref<10016x128xf32, #tpu.memory_space<vmem_shared>>
        tpu.wait_indirect_dma semaphore(%run_scoped3A_146 : memref<!tpu.dma_semaphore, #tpu.memory_space<semaphore_mem>>) src(%dma_wait3A_160 : memref<128x128xf32, #tpu.memory_space<vmem>>) dst(%dma_wait3A_166 : memref<10016x128xf32, #tpu.memory_space<vmem_shared>>)
        tpu.yield
      }) : () -> ()
      %dma_wait3A_132 = arith.constant 1 : i32
      %dma_wait3A_133 = arith.constant 0 : i32
      %dma_wait3A_134 = arith.constant 0 : i32
      %dma_wait3A_135 = tpu.memref_slice %arg8[%dma_wait3A_132, %dma_wait3A_133, %dma_wait3A_134] : memref<2x128x128xf32, #tpu.memory_space<vmem>> -> memref<1x128x128xf32, #tpu.memory_space<vmem>>
      %dma_wait3A_136 = tpu.memref_squeeze %dma_wait3A_135 : memref<1x128x128xf32, #tpu.memory_space<vmem>> -> memref<128x128xf32, #tpu.memory_space<vmem>>
      %dma_wait3A_137 = arith.constant 0 : i32
      %dma_wait3A_138 = tpu.memref_slice %arg6[%add3A_108, %dma_wait3A_137] : memref<40x128xi32, #tpu.memory_space<vmem>> -> memref<1x128xi32, #tpu.memory_space<vmem>>
      %dma_wait3A_139 = tpu.memref_squeeze %dma_wait3A_138 : memref<1x128xi32, #tpu.memory_space<vmem>> -> memref<128xi32, #tpu.memory_space<vmem>>
      %dma_wait3A_140 = arith.constant 0 : i32
      %dma_wait3A_141 = arith.constant 0 : i32
      %dma_wait3A_142 = tpu.memref_slice %arg4[%dma_wait3A_140, %dma_wait3A_141] : memref<40000x128xf32, #tpu.memory_space<hbm>> -> memref<40000x128xf32, #tpu.memory_space<hbm>>
      tpu.wait_indirect_dma semaphore(%arg11 : memref<!tpu.dma_semaphore, #tpu.memory_space<semaphore_mem>>) src(%dma_wait3A_142 : memref<40000x128xf32, #tpu.memory_space<hbm>>) dst(%dma_wait3A_136 : memref<128x128xf32, #tpu.memory_space<vmem>>)
      %add3A_143 = arith.constant 1 : i32
      %add3A_144 = arith.addi %mul3A_94, %add3A_143 : i32
      %run_scoped3A_145 = arith.constant 1 : i32
      "tpu.region"() ({
        %run_scoped3A_146 = tpu.sem_alloc : memref<!tpu.dma_semaphore, #tpu.memory_space<semaphore_mem>>
        %dma_start3A_147 = arith.constant 0 : i32
        %dma_start3A_148 = arith.constant 0 : i32
        %dma_start3A_149 = tpu.memref_slice %arg8[%run_scoped3A_145, %dma_start3A_147, %dma_start3A_148] : memref<2x128x128xf32, #tpu.memory_space<vmem>> -> memref<1x128x128xf32, #tpu.memory_space<vmem>>
        %dma_start3A_150 = tpu.memref_squeeze %dma_start3A_149 : memref<1x128x128xf32, #tpu.memory_space<vmem>> -> memref<128x128xf32, #tpu.memory_space<vmem>>
        %dma_start3A_151 = arith.constant 0 : i32
        %dma_start3A_152 = tpu.memref_slice %arg7[%add3A_144, %dma_start3A_151] : memref<40x128xi32, #tpu.memory_space<vmem>> -> memref<1x128xi32, #tpu.memory_space<vmem>>
        %dma_start3A_153 = tpu.memref_squeeze %dma_start3A_152 : memref<1x128xi32, #tpu.memory_space<vmem>> -> memref<128xi32, #tpu.memory_space<vmem>>
        %dma_start3A_154 = arith.constant 0 : i32
        %dma_start3A_155 = arith.constant 0 : i32
        %dma_start3A_156 = tpu.memref_slice %arg9[%dma_start3A_154, %dma_start3A_155] : memref<10016x128xf32, #tpu.memory_space<vmem_shared>> -> memref<10016x128xf32, #tpu.memory_space<vmem_shared>>
        tpu.enqueue_indirect_dma source(%dma_start3A_150 : memref<128x128xf32, #tpu.memory_space<vmem>>) target(%dma_start3A_156 : memref<10016x128xf32, #tpu.memory_space<vmem_shared>>) offsets(%dma_start3A_153 : memref<128xi32, #tpu.memory_space<vmem>>) semaphore(%run_scoped3A_146 : memref<!tpu.dma_semaphore, #tpu.memory_space<semaphore_mem>>) {add = true}
        %dma_wait3A_157 = arith.constant 0 : i32
        %dma_wait3A_158 = arith.constant 0 : i32
        %dma_wait3A_159 = tpu.memref_slice %arg8[%run_scoped3A_145, %dma_wait3A_157, %dma_wait3A_158] : memref<2x128x128xf32, #tpu.memory_space<vmem>> -> memref<1x128x128xf32, #tpu.memory_space<vmem>>
        %dma_wait3A_160 = tpu.memref_squeeze %dma_wait3A_159 : memref<1x128x128xf32, #tpu.memory_space<vmem>> -> memref<128x128xf32, #tpu.memory_space<vmem>>
        %dma_wait3A_161 = arith.constant 0 : i32
        %dma_wait3A_162 = tpu.memref_slice %arg7[%add3A_144, %dma_wait3A_161] : memref<40x128xi32, #tpu.memory_space<vmem>> -> memref<1x128xi32, #tpu.memory_space<vmem>>
        %dma_wait3A_163 = tpu.memref_squeeze %dma_wait3A_162 : memref<1x128xi32, #tpu.memory_space<vmem>> -> memref<128xi32, #tpu.memory_space<vmem>>
        %dma_wait3A_164 = arith.constant 0 : i32
        %dma_wait3A_165 = arith.constant 0 : i32
        %dma_wait3A_166 = tpu.memref_slice %arg9[%dma_wait3A_164, %dma_wait3A_165] : memref<10016x128xf32, #tpu.memory_space<vmem_shared>> -> memref<10016x128xf32, #tpu.memory_space<vmem_shared>>
        tpu.wait_indirect_dma semaphore(%run_scoped3A_146 : memref<!tpu.dma_semaphore, #tpu.memory_space<semaphore_mem>>) src(%dma_wait3A_160 : memref<128x128xf32, #tpu.memory_space<vmem>>) dst(%dma_wait3A_166 : memref<10016x128xf32, #tpu.memory_space<vmem_shared>>)
        tpu.yield
      }) : () -> ()
    }
    %scan3A_86 = arith.constant 20 : i32
    %barrier3A_87 = arith.constant 0 : index
    tpu.barrier barrier_id(%barrier3A_87)
    %mul3A_88 = arith.constant 10000 : i32
    %mul3A_89 = arith.muli %add3A_48, %mul3A_88 : i32
    %add3A_90 = arith.addi %mul3A_89, %mul3A_0 : i32
    "tpu.region"() ({
      %run_scoped3A = tpu.sem_alloc : memref<!tpu.dma_semaphore, #tpu.memory_space<semaphore_mem>>
      %dma_start3A = arith.constant 0 : i32
      %dma_start3A_92 = tpu.memref_slice %arg5[%add3A_90, %dma_start3A] : memref<40000x128xf32, #tpu.memory_space<hbm>> -> memref<640x128xf32, #tpu.memory_space<hbm>>
      %dma_start3A_93 = arith.constant 0 : i32
      %dma_start3A_94 = tpu.memref_slice %arg9[%mul3A_0, %dma_start3A_93] : memref<10016x128xf32, #tpu.memory_space<vmem_shared>> -> memref<640x128xf32, #tpu.memory_space<vmem_shared>>
      tpu.enqueue_dma source(%dma_start3A_94 : memref<640x128xf32, #tpu.memory_space<vmem_shared>>) target(%dma_start3A_92 : memref<640x128xf32, #tpu.memory_space<hbm>>) target_semaphore(%run_scoped3A : memref<!tpu.dma_semaphore, #tpu.memory_space<semaphore_mem>>)
      %dma_wait3A = arith.constant 0 : i32
      %dma_wait3A_95 = tpu.memref_slice %arg5[%add3A_90, %dma_wait3A] : memref<40000x128xf32, #tpu.memory_space<hbm>> -> memref<640x128xf32, #tpu.memory_space<hbm>>
      %dma_wait3A_96 = arith.constant 0 : i32
      %dma_wait3A_97 = tpu.memref_slice %arg9[%mul3A_0, %dma_wait3A_96] : memref<10016x128xf32, #tpu.memory_space<vmem_shared>> -> memref<640x128xf32, #tpu.memory_space<vmem_shared>>
      tpu.wait_dma2 semaphore(%run_scoped3A : memref<!tpu.dma_semaphore, #tpu.memory_space<semaphore_mem>>) src(%dma_wait3A_97 : memref<640x128xf32, #tpu.memory_space<vmem_shared>>) dst(%dma_wait3A_95 : memref<640x128xf32, #tpu.memory_space<hbm>>)
      tpu.yield
    }) : () -> ()
    %barrier3A_91 = arith.constant 0 : index
    tpu.barrier barrier_id(%barrier3A_91)
    return
  }
}

module attributes {stable_mosaic.version = 14 : i64} {
  func.func @_pre1_body(%arg0: i32, %arg1: memref<1000x256xf32, #tpu.memory_space<vmem>>, %arg2: memref<2x1000x128xf32, #tpu.memory_space<vmem>>, %arg3: memref<256x512xf32, #tpu.memory_space<vmem>>, %arg4: memref<1x512xf32, #tpu.memory_space<vmem>>, %arg5: memref<512x512xf32, #tpu.memory_space<vmem>>, %arg6: memref<4x1000x128xf32, #tpu.memory_space<vmem>>) attributes {dimension_semantics = [#tpu.dimension_semantics<arbitrary>], iteration_bounds = array<i64: 10>, scalar_prefetch = 0 : i64, scratch_operands = 0 : i64, tpu.core_type = #tpu.core_type<tc>, window_params = [{transform_indices = @transform_0, window_bounds = array<i64: 1000, 256>}, {transform_indices = @transform_1, window_bounds = array<i64: 2, 1000, 128>}, {pipeline_mode = #tpu.pipeline_mode<synchronous>, transform_indices = @transform_2, window_bounds = array<i64: 256, 512>}, {pipeline_mode = #tpu.pipeline_mode<synchronous>, transform_indices = @transform_3, window_bounds = array<i64: 1, 512>}, {pipeline_mode = #tpu.pipeline_mode<synchronous>, transform_indices = @transform_4, window_bounds = array<i64: 512, 512>}, {transform_indices = @transform_5, window_bounds = array<i64: 4, 1000, 128>}]} {
    %get3A = arith.constant 0 : index
    %get3A_0 = arith.constant 0 : index
    %get3A_1 = vector.load %arg1[%get3A, %get3A_0] : memref<1000x256xf32, #tpu.memory_space<vmem>>, vector<1000x256xf32>
    %get3A_2 = arith.constant 0 : index
    %get3A_3 = arith.constant 0 : index
    %get3A_4 = vector.load %arg3[%get3A_2, %get3A_3] : memref<256x512xf32, #tpu.memory_space<vmem>>, vector<256x512xf32>
    %dot_general3A = arith.constant dense<0.000000e+00> : vector<1000x512xf32>
    %dot_general3A_5 = tpu.matmul %get3A_1, %get3A_4, %dot_general3A {dimension_numbers = #tpu.dot_dimension_numbers<[1], [0], [0], [1], [0, 0, 1, 1], [], []>, transpose_lhs_hint = false} : vector<1000x256xf32>, vector<256x512xf32>, vector<1000x512xf32> -> vector<1000x512xf32>
    %get3A_6 = arith.constant 0 : index
    %get3A_7 = arith.constant 0 : index
    %get3A_8 = vector.load %arg4[%get3A_6, %get3A_7] : memref<1x512xf32, #tpu.memory_space<vmem>>, vector<1x512xf32>
    %add3A = vector.broadcast %get3A_8 : vector<1x512xf32> to vector<1000x512xf32>
    %add3A_9 = arith.addf %dot_general3A_5, %add3A : vector<1000x512xf32>
    %get3A_10 = arith.constant 0 : index
    %get3A_11 = arith.constant 0 : index
    %get3A_12 = vector.load %arg5[%get3A_10, %get3A_11] : memref<512x512xf32, #tpu.memory_space<vmem>>, vector<512x512xf32>
    %dot_general3A_13 = arith.constant dense<0.000000e+00> : vector<1000x512xf32>
    %dot_general3A_14 = tpu.matmul %add3A_9, %get3A_12, %dot_general3A_13 {dimension_numbers = #tpu.dot_dimension_numbers<[1], [0], [0], [1], [0, 0, 1, 1], [], []>, transpose_lhs_hint = false} : vector<1000x512xf32>, vector<512x512xf32>, vector<1000x512xf32> -> vector<1000x512xf32>
    %get3A_15 = arith.constant 0 : index
    %get3A_16 = arith.constant 0 : index
    %get3A_17 = arith.constant 0 : index
    %get3A_18 = vector.load %arg2[%get3A_15, %get3A_16, %get3A_17] : memref<2x1000x128xf32, #tpu.memory_space<vmem>>, vector<1x1000x1xf32>
    %get3A_19 = vector.shape_cast %get3A_18 : vector<1x1000x1xf32> to vector<1000xf32>
    %get3A_20 = arith.constant 1 : index
    %get3A_21 = arith.constant 0 : index
    %get3A_22 = arith.constant 0 : index
    %get3A_23 = vector.load %arg2[%get3A_20, %get3A_21, %get3A_22] : memref<2x1000x128xf32, #tpu.memory_space<vmem>>, vector<1x1000x1xf32>
    %get3A_24 = vector.shape_cast %get3A_23 : vector<1x1000x1xf32> to vector<1000xf32>
    %add3A_25 = arith.addf %get3A_19, %get3A_24 : vector<1000xf32>
    %add3A_26 = arith.constant 1.000000e+00 : f32
    %add3A_27 = vector.broadcast %add3A_26 : f32 to vector<1000xf32>
    %add3A_28 = arith.addf %add3A_25, %add3A_27 : vector<1000xf32>
    %rsqrt3A = math.rsqrt %add3A_28 : vector<1000xf32>
    %broadcast_in_dim3A = vector.shape_cast %rsqrt3A : vector<1000xf32> to vector<1000x1xf32>
    %mul3A = vector.broadcast %broadcast_in_dim3A : vector<1000x1xf32> to vector<1000x512xf32>
    %mul3A_29 = arith.mulf %dot_general3A_14, %mul3A : vector<1000x512xf32>
    %slice3A = vector.extract_strided_slice %mul3A_29 {offsets = [0, 0], sizes = [1000, 128], strides = [1, 1]} : vector<1000x512xf32> to vector<1000x128xf32>
    %swap3A = arith.constant 0 : index
    %swap3A_30 = arith.constant 0 : index
    %swap3A_31 = arith.constant 0 : index
    %swap3A_32 = vector.load %arg6[%swap3A, %swap3A_30, %swap3A_31] : memref<4x1000x128xf32, #tpu.memory_space<vmem>>, vector<1x1000x128xf32>
    %swap3A_33 = vector.shape_cast %swap3A_32 : vector<1x1000x128xf32> to vector<1000x128xf32>
    %swap3A_34 = vector.shape_cast %slice3A : vector<1000x128xf32> to vector<1x1000x128xf32>
    tpu.vector_store %arg6[%swap3A, %swap3A_30, %swap3A_31], %swap3A_34 {strides = array<i32>} : memref<4x1000x128xf32, #tpu.memory_space<vmem>>, vector<1x1000x128xf32>,
    %slice3A_35 = vector.extract_strided_slice %mul3A_29 {offsets = [0, 128], sizes = [1000, 128], strides = [1, 1]} : vector<1000x512xf32> to vector<1000x128xf32>
    %swap3A_36 = arith.constant 1 : index
    %swap3A_37 = arith.constant 0 : index
    %swap3A_38 = arith.constant 0 : index
    %swap3A_39 = vector.load %arg6[%swap3A_36, %swap3A_37, %swap3A_38] : memref<4x1000x128xf32, #tpu.memory_space<vmem>>, vector<1x1000x128xf32>
    %swap3A_40 = vector.shape_cast %swap3A_39 : vector<1x1000x128xf32> to vector<1000x128xf32>
    %swap3A_41 = vector.shape_cast %slice3A_35 : vector<1000x128xf32> to vector<1x1000x128xf32>
    tpu.vector_store %arg6[%swap3A_36, %swap3A_37, %swap3A_38], %swap3A_41 {strides = array<i32>} : memref<4x1000x128xf32, #tpu.memory_space<vmem>>, vector<1x1000x128xf32>,
    %slice3A_42 = vector.extract_strided_slice %mul3A_29 {offsets = [0, 256], sizes = [1000, 128], strides = [1, 1]} : vector<1000x512xf32> to vector<1000x128xf32>
    %swap3A_43 = arith.constant 2 : index
    %swap3A_44 = arith.constant 0 : index
    %swap3A_45 = arith.constant 0 : index
    %swap3A_46 = vector.load %arg6[%swap3A_43, %swap3A_44, %swap3A_45] : memref<4x1000x128xf32, #tpu.memory_space<vmem>>, vector<1x1000x128xf32>
    %swap3A_47 = vector.shape_cast %swap3A_46 : vector<1x1000x128xf32> to vector<1000x128xf32>
    %swap3A_48 = vector.shape_cast %slice3A_42 : vector<1000x128xf32> to vector<1x1000x128xf32>
    tpu.vector_store %arg6[%swap3A_43, %swap3A_44, %swap3A_45], %swap3A_48 {strides = array<i32>} : memref<4x1000x128xf32, #tpu.memory_space<vmem>>, vector<1x1000x128xf32>,
    %slice3A_49 = vector.extract_strided_slice %mul3A_29 {offsets = [0, 384], sizes = [1000, 128], strides = [1, 1]} : vector<1000x512xf32> to vector<1000x128xf32>
    %swap3A_50 = arith.constant 3 : index
    %swap3A_51 = arith.constant 0 : index
    %swap3A_52 = arith.constant 0 : index
    %swap3A_53 = vector.load %arg6[%swap3A_50, %swap3A_51, %swap3A_52] : memref<4x1000x128xf32, #tpu.memory_space<vmem>>, vector<1x1000x128xf32>
    %swap3A_54 = vector.shape_cast %swap3A_53 : vector<1x1000x128xf32> to vector<1000x128xf32>
    %swap3A_55 = vector.shape_cast %slice3A_49 : vector<1000x128xf32> to vector<1x1000x128xf32>
    tpu.vector_store %arg6[%swap3A_50, %swap3A_51, %swap3A_52], %swap3A_55 {strides = array<i32>} : memref<4x1000x128xf32, #tpu.memory_space<vmem>>, vector<1x1000x128xf32>,
    return
  }
  func.func @transform_0(%arg0: i32) -> (i32, i32) {
    %c0_i32 = arith.constant 0 : i32
    %c0_i32_0 = arith.constant 0 : i32
    return %arg0, %c0_i32 : i32, i32
  }
  func.func @transform_1(%arg0: i32) -> (i32, i32, i32) {
    %c0_i32 = arith.constant 0 : i32
    %c0_i32_0 = arith.constant 0 : i32
    %c0_i32_1 = arith.constant 0 : i32
    return %c0_i32, %arg0, %c0_i32_0 : i32, i32, i32
  }
  func.func @transform_2(%arg0: i32) -> (i32, i32) {
    %c0_i32 = arith.constant 0 : i32
    %c0_i32_0 = arith.constant 0 : i32
    %c0_i32_1 = arith.constant 0 : i32
    return %c0_i32, %c0_i32_0 : i32, i32
  }
  func.func @transform_3(%arg0: i32) -> (i32, i32) {
    %c0_i32 = arith.constant 0 : i32
    %c0_i32_0 = arith.constant 0 : i32
    %c0_i32_1 = arith.constant 0 : i32
    return %c0_i32, %c0_i32_0 : i32, i32
  }
  func.func @transform_4(%arg0: i32) -> (i32, i32) {
    %c0_i32 = arith.constant 0 : i32
    %c0_i32_0 = arith.constant 0 : i32
    %c0_i32_1 = arith.constant 0 : i32
    return %c0_i32, %c0_i32_0 : i32, i32
  }
  func.func @transform_5(%arg0: i32) -> (i32, i32, i32) {
    %c0_i32 = arith.constant 0 : i32
    %c0_i32_0 = arith.constant 0 : i32
    %c0_i32_1 = arith.constant 0 : i32
    return %c0_i32, %arg0, %c0_i32_0 : i32, i32, i32
  }
}

module attributes {stable_mosaic.version = 14 : i64} {
  func.func @body(%arg0: i32, %arg1: memref<4x1000x128xf32, #tpu.memory_space<vmem>>, %arg2: memref<2x1000x128xf32, #tpu.memory_space<vmem>>, %arg3: memref<1x512xf32, #tpu.memory_space<vmem>>, %arg4: memref<1000x512xf32, #tpu.memory_space<vmem>>, %arg5: memref<2x512xf32, #tpu.memory_space<vmem>>, %arg6: memref<1x512xf32, #tpu.memory_space<vmem>>, %arg7: memref<1x512xf32, #tpu.memory_space<vmem>>) attributes {dimension_semantics = [#tpu.dimension_semantics<arbitrary>], iteration_bounds = array<i64: 10>, scalar_prefetch = 0 : i64, scratch_operands = 2 : i64, tpu.core_type = #tpu.core_type<tc>, window_params = [{transform_indices = @transform_0, window_bounds = array<i64: 4, 1000, 128>}, {transform_indices = @transform_1, window_bounds = array<i64: 2, 1000, 128>}, {pipeline_mode = #tpu.pipeline_mode<synchronous>, transform_indices = @transform_2, window_bounds = array<i64: 1, 512>}, {transform_indices = @transform_3, window_bounds = array<i64: 1000, 512>}, {pipeline_mode = #tpu.pipeline_mode<synchronous>, transform_indices = @transform_4, window_bounds = array<i64: 2, 512>}]} {
    %get3A = arith.constant 0 : index
    %get3A_0 = arith.constant 0 : index
    %get3A_1 = arith.constant 0 : index
    %get3A_2 = vector.load %arg1[%get3A, %get3A_0, %get3A_1] : memref<4x1000x128xf32, #tpu.memory_space<vmem>>, vector<1x1000x128xf32>
    %get3A_3 = vector.shape_cast %get3A_2 : vector<1x1000x128xf32> to vector<1000x128xf32>
    %get3A_4 = arith.constant 1 : index
    %get3A_5 = arith.constant 0 : index
    %get3A_6 = arith.constant 0 : index
    %get3A_7 = vector.load %arg1[%get3A_4, %get3A_5, %get3A_6] : memref<4x1000x128xf32, #tpu.memory_space<vmem>>, vector<1x1000x128xf32>
    %get3A_8 = vector.shape_cast %get3A_7 : vector<1x1000x128xf32> to vector<1000x128xf32>
    %get3A_9 = arith.constant 2 : index
    %get3A_10 = arith.constant 0 : index
    %get3A_11 = arith.constant 0 : index
    %get3A_12 = vector.load %arg1[%get3A_9, %get3A_10, %get3A_11] : memref<4x1000x128xf32, #tpu.memory_space<vmem>>, vector<1x1000x128xf32>
    %get3A_13 = vector.shape_cast %get3A_12 : vector<1x1000x128xf32> to vector<1000x128xf32>
    %get3A_14 = arith.constant 3 : index
    %get3A_15 = arith.constant 0 : index
    %get3A_16 = arith.constant 0 : index
    %get3A_17 = vector.load %arg1[%get3A_14, %get3A_15, %get3A_16] : memref<4x1000x128xf32, #tpu.memory_space<vmem>>, vector<1x1000x128xf32>
    %get3A_18 = vector.shape_cast %get3A_17 : vector<1x1000x128xf32> to vector<1000x128xf32>
    %concatenate3A = tpu.concatenate %get3A_3, %get3A_8, %get3A_13, %get3A_18 in 1 : vector<1000x128xf32>, vector<1000x128xf32>, vector<1000x128xf32>, vector<1000x128xf32> -> vector<1000x512xf32>
    %get3A_19 = arith.constant 0 : index
    %get3A_20 = arith.constant 0 : index
    %get3A_21 = arith.constant 0 : index
    %get3A_22 = vector.load %arg2[%get3A_19, %get3A_20, %get3A_21] : memref<2x1000x128xf32, #tpu.memory_space<vmem>>, vector<1x1000x1xf32>
    %get3A_23 = vector.shape_cast %get3A_22 : vector<1x1000x1xf32> to vector<1000xf32>
    %get3A_24 = arith.constant 1 : index
    %get3A_25 = arith.constant 0 : index
    %get3A_26 = arith.constant 0 : index
    %get3A_27 = vector.load %arg2[%get3A_24, %get3A_25, %get3A_26] : memref<2x1000x128xf32, #tpu.memory_space<vmem>>, vector<1x1000x1xf32>
    %get3A_28 = vector.shape_cast %get3A_27 : vector<1x1000x1xf32> to vector<1000xf32>
    %add3A = arith.addf %get3A_23, %get3A_28 : vector<1000xf32>
    %add3A_29 = arith.constant 1.000000e+00 : f32
    %add3A_30 = vector.broadcast %add3A_29 : f32 to vector<1000xf32>
    %add3A_31 = arith.addf %add3A, %add3A_30 : vector<1000xf32>
    %rsqrt3A = math.rsqrt %add3A_31 : vector<1000xf32>
    %broadcast_in_dim3A = vector.shape_cast %rsqrt3A : vector<1000xf32> to vector<1000x1xf32>
    %mul3A = vector.broadcast %broadcast_in_dim3A : vector<1000x1xf32> to vector<1000x512xf32>
    %mul3A_32 = arith.mulf %concatenate3A, %mul3A : vector<1000x512xf32>
    %get3A_33 = arith.constant 0 : index
    %get3A_34 = arith.constant 0 : index
    %get3A_35 = vector.load %arg3[%get3A_33, %get3A_34] : memref<1x512xf32, #tpu.memory_space<vmem>>, vector<1x512xf32>
    %add3A_36 = vector.broadcast %get3A_35 : vector<1x512xf32> to vector<1000x512xf32>
    %add3A_37 = arith.addf %mul3A_32, %add3A_36 : vector<1000x512xf32>
    %swap3A = arith.constant 0 : index
    %swap3A_38 = arith.constant 0 : index
    %swap3A_39 = vector.load %arg4[%swap3A, %swap3A_38] : memref<1000x512xf32, #tpu.memory_space<vmem>>, vector<1000x512xf32>
    tpu.vector_store %arg4[%swap3A, %swap3A_38], %add3A_37 {strides = array<i32>} : memref<1000x512xf32, #tpu.memory_space<vmem>>, vector<1000x512xf32>,
    %eq3A = arith.constant 0 : i32
    %eq3A_40 = arith.cmpi eq, %arg0, %eq3A : i32
    %convert_element_type3A = arith.extui %eq3A_40 : i1 to i32
    %cond3A = arith.constant 0 : i32
    %cond3A_41 = arith.cmpi ne, %convert_element_type3A, %cond3A : i32
    scf.if %cond3A_41 {
      %broadcast_in_dim3A_67 = arith.constant 0.000000e+00 : f32
      %broadcast_in_dim3A_68 = vector.broadcast %broadcast_in_dim3A_67 : f32 to vector<1x512xf32>
      %swap3A_69 = arith.constant 0 : index
      %swap3A_70 = arith.constant 0 : index
      %swap3A_71 = vector.load %arg6[%swap3A_69, %swap3A_70] : memref<1x512xf32, #tpu.memory_space<vmem>>, vector<1x512xf32>
      tpu.vector_store %arg6[%swap3A_69, %swap3A_70], %broadcast_in_dim3A_68 {strides = array<i32>} : memref<1x512xf32, #tpu.memory_space<vmem>>, vector<1x512xf32>,
      %broadcast_in_dim3A_72 = arith.constant 0.000000e+00 : f32
      %broadcast_in_dim3A_73 = vector.broadcast %broadcast_in_dim3A_72 : f32 to vector<1x512xf32>
      %swap3A_74 = arith.constant 0 : index
      %swap3A_75 = arith.constant 0 : index
      %swap3A_76 = vector.load %arg7[%swap3A_74, %swap3A_75] : memref<1x512xf32, #tpu.memory_space<vmem>>, vector<1x512xf32>
      tpu.vector_store %arg7[%swap3A_74, %swap3A_75], %broadcast_in_dim3A_73 {strides = array<i32>} : memref<1x512xf32, #tpu.memory_space<vmem>>, vector<1x512xf32>,
    } else {
    }
    %get3A_42 = arith.constant 0 : index
    %get3A_43 = arith.constant 0 : index
    %get3A_44 = vector.load %arg6[%get3A_42, %get3A_43] : memref<1x512xf32, #tpu.memory_space<vmem>>, vector<1x512xf32>
    %reduce_sum3A = arith.constant dense<0.000000e+00> : vector<512xf32>
    %reduce_sum3A_45 = vector.multi_reduction <add>, %add3A_37, %reduce_sum3A [0] : vector<1000x512xf32> to vector<512xf32>
    %broadcast_in_dim3A_46 = vector.shape_cast %reduce_sum3A_45 : vector<512xf32> to vector<1x512xf32>
    %add3A_47 = arith.addf %get3A_44, %broadcast_in_dim3A_46 : vector<1x512xf32>
    %swap3A_48 = arith.constant 0 : index
    %swap3A_49 = arith.constant 0 : index
    %swap3A_50 = vector.load %arg6[%swap3A_48, %swap3A_49] : memref<1x512xf32, #tpu.memory_space<vmem>>, vector<1x512xf32>
    tpu.vector_store %arg6[%swap3A_48, %swap3A_49], %add3A_47 {strides = array<i32>} : memref<1x512xf32, #tpu.memory_space<vmem>>, vector<1x512xf32>,
    %get3A_51 = arith.constant 0 : index
    %get3A_52 = arith.constant 0 : index
    %get3A_53 = vector.load %arg7[%get3A_51, %get3A_52] : memref<1x512xf32, #tpu.memory_space<vmem>>, vector<1x512xf32>
    %mul3A_54 = arith.mulf %add3A_37, %add3A_37 : vector<1000x512xf32>
    %reduce_sum3A_55 = arith.constant dense<0.000000e+00> : vector<512xf32>
    %reduce_sum3A_56 = vector.multi_reduction <add>, %mul3A_54, %reduce_sum3A_55 [0] : vector<1000x512xf32> to vector<512xf32>
    %broadcast_in_dim3A_57 = vector.shape_cast %reduce_sum3A_56 : vector<512xf32> to vector<1x512xf32>
    %add3A_58 = arith.addf %get3A_53, %broadcast_in_dim3A_57 : vector<1x512xf32>
    %swap3A_59 = arith.constant 0 : index
    %swap3A_60 = arith.constant 0 : index
    %swap3A_61 = vector.load %arg7[%swap3A_59, %swap3A_60] : memref<1x512xf32, #tpu.memory_space<vmem>>, vector<1x512xf32>
    tpu.vector_store %arg7[%swap3A_59, %swap3A_60], %add3A_58 {strides = array<i32>} : memref<1x512xf32, #tpu.memory_space<vmem>>, vector<1x512xf32>,
    %eq3A_62 = arith.constant 9 : i32
    %eq3A_63 = arith.cmpi eq, %arg0, %eq3A_62 : i32
    %convert_element_type3A_64 = arith.extui %eq3A_63 : i1 to i32
    %cond3A_65 = arith.constant 0 : i32
    %cond3A_66 = arith.cmpi ne, %convert_element_type3A_64, %cond3A_65 : i32
    scf.if %cond3A_66 {
      %get3A_67 = arith.constant 0 : index
      %get3A_68 = arith.constant 0 : index
      %get3A_69 = vector.load %arg6[%get3A_67, %get3A_68] : memref<1x512xf32, #tpu.memory_space<vmem>>, vector<1x512xf32>
      %swap3A_70 = arith.constant 0 : index
      %swap3A_71 = arith.constant 0 : index
      %swap3A_72 = vector.load %arg5[%swap3A_70, %swap3A_71] : memref<2x512xf32, #tpu.memory_space<vmem>>, vector<1x512xf32>
      tpu.vector_store %arg5[%swap3A_70, %swap3A_71], %get3A_69 {strides = array<i32>} : memref<2x512xf32, #tpu.memory_space<vmem>>, vector<1x512xf32>,
      %get3A_73 = arith.constant 0 : index
      %get3A_74 = arith.constant 0 : index
      %get3A_75 = vector.load %arg7[%get3A_73, %get3A_74] : memref<1x512xf32, #tpu.memory_space<vmem>>, vector<1x512xf32>
      %swap3A_76 = arith.constant 1 : index
      %swap3A_77 = arith.constant 0 : index
      %swap3A_78 = vector.load %arg5[%swap3A_76, %swap3A_77] : memref<2x512xf32, #tpu.memory_space<vmem>>, vector<1x512xf32>
      tpu.vector_store %arg5[%swap3A_76, %swap3A_77], %get3A_75 {strides = array<i32>} : memref<2x512xf32, #tpu.memory_space<vmem>>, vector<1x512xf32>,
    } else {
    }
    return
  }
  func.func @transform_0(%arg0: i32) -> (i32, i32, i32) {
    %c0_i32 = arith.constant 0 : i32
    %c0_i32_0 = arith.constant 0 : i32
    %c0_i32_1 = arith.constant 0 : i32
    return %c0_i32, %arg0, %c0_i32_0 : i32, i32, i32
  }
  func.func @transform_1(%arg0: i32) -> (i32, i32, i32) {
    %c0_i32 = arith.constant 0 : i32
    %c0_i32_0 = arith.constant 0 : i32
    %c0_i32_1 = arith.constant 0 : i32
    return %c0_i32, %arg0, %c0_i32_0 : i32, i32, i32
  }
  func.func @transform_2(%arg0: i32) -> (i32, i32) {
    %c0_i32 = arith.constant 0 : i32
    %c0_i32_0 = arith.constant 0 : i32
    %c0_i32_1 = arith.constant 0 : i32
    return %c0_i32, %c0_i32_0 : i32, i32
  }
  func.func @transform_3(%arg0: i32) -> (i32, i32) {
    %c0_i32 = arith.constant 0 : i32
    %c0_i32_0 = arith.constant 0 : i32
    return %arg0, %c0_i32 : i32, i32
  }
  func.func @transform_4(%arg0: i32) -> (i32, i32) {
    %c0_i32 = arith.constant 0 : i32
    %c0_i32_0 = arith.constant 0 : i32
    %c0_i32_1 = arith.constant 0 : i32
    return %c0_i32, %c0_i32_0 : i32, i32
  }
}

module attributes {stable_mosaic.version = 14 : i64} {
  func.func @body(%arg0: i32, %arg1: memref<1000x512xf32, #tpu.memory_space<vmem>>, %arg2: memref<2x512xf32, #tpu.memory_space<vmem>>, %arg3: memref<1x512xf32, #tpu.memory_space<vmem>>, %arg4: memref<1x512xf32, #tpu.memory_space<vmem>>, %arg5: memref<2x1000x128xf32, #tpu.memory_space<vmem>>, %arg6: memref<512x512xf32, #tpu.memory_space<vmem>>, %arg7: memref<4x1000x128xf32, #tpu.memory_space<vmem>>) attributes {dimension_semantics = [#tpu.dimension_semantics<arbitrary>], iteration_bounds = array<i64: 10>, scalar_prefetch = 0 : i64, scratch_operands = 0 : i64, tpu.core_type = #tpu.core_type<tc>, window_params = [{transform_indices = @transform_0, window_bounds = array<i64: 1000, 512>}, {pipeline_mode = #tpu.pipeline_mode<synchronous>, transform_indices = @transform_1, window_bounds = array<i64: 2, 512>}, {pipeline_mode = #tpu.pipeline_mode<synchronous>, transform_indices = @transform_2, window_bounds = array<i64: 1, 512>}, {pipeline_mode = #tpu.pipeline_mode<synchronous>, transform_indices = @transform_3, window_bounds = array<i64: 1, 512>}, {transform_indices = @transform_4, window_bounds = array<i64: 2, 1000, 128>}, {pipeline_mode = #tpu.pipeline_mode<synchronous>, transform_indices = @transform_5, window_bounds = array<i64: 512, 512>}, {transform_indices = @transform_6, window_bounds = array<i64: 4, 1000, 128>}]} {
    %get3A = arith.constant 0 : index
    %get3A_0 = arith.constant 0 : index
    %get3A_1 = vector.load %arg2[%get3A, %get3A_0] : memref<2x512xf32, #tpu.memory_space<vmem>>, vector<2x512xf32>
    %slice3A = vector.extract_strided_slice %get3A_1 {offsets = [0, 0], sizes = [1, 512], strides = [1, 1]} : vector<2x512xf32> to vector<1x512xf32>
    %mul3A = arith.constant 9.99999974E-5 : f32
    %mul3A_2 = vector.broadcast %mul3A : f32 to vector<1x512xf32>
    %mul3A_3 = arith.mulf %slice3A, %mul3A_2 : vector<1x512xf32>
    %slice3A_4 = vector.extract_strided_slice %get3A_1 {offsets = [1, 0], sizes = [1, 512], strides = [1, 1]} : vector<2x512xf32> to vector<1x512xf32>
    %mul3A_5 = arith.constant 9.99999974E-5 : f32
    %mul3A_6 = vector.broadcast %mul3A_5 : f32 to vector<1x512xf32>
    %mul3A_7 = arith.mulf %slice3A_4, %mul3A_6 : vector<1x512xf32>
    %mul3A_8 = arith.mulf %mul3A_3, %mul3A_3 : vector<1x512xf32>
    %sub3A = arith.subf %mul3A_7, %mul3A_8 : vector<1x512xf32>
    %get3A_9 = arith.constant 0 : index
    %get3A_10 = arith.constant 0 : index
    %get3A_11 = vector.load %arg3[%get3A_9, %get3A_10] : memref<1x512xf32, #tpu.memory_space<vmem>>, vector<1x512xf32>
    %add3A = arith.constant 9.99999974E-6 : f32
    %add3A_12 = vector.broadcast %add3A : f32 to vector<1x512xf32>
    %add3A_13 = arith.addf %sub3A, %add3A_12 : vector<1x512xf32>
    %rsqrt3A = math.rsqrt %add3A_13 : vector<1x512xf32>
    %mul3A_14 = arith.mulf %get3A_11, %rsqrt3A : vector<1x512xf32>
    %get3A_15 = arith.constant 0 : index
    %get3A_16 = arith.constant 0 : index
    %get3A_17 = vector.load %arg1[%get3A_15, %get3A_16] : memref<1000x512xf32, #tpu.memory_space<vmem>>, vector<1000x512xf32>
    %sub3A_18 = vector.broadcast %mul3A_3 : vector<1x512xf32> to vector<1000x512xf32>
    %sub3A_19 = arith.subf %get3A_17, %sub3A_18 : vector<1000x512xf32>
    %mul3A_20 = vector.broadcast %mul3A_14 : vector<1x512xf32> to vector<1000x512xf32>
    %mul3A_21 = arith.mulf %sub3A_19, %mul3A_20 : vector<1000x512xf32>
    %get3A_22 = arith.constant 0 : index
    %get3A_23 = arith.constant 0 : index
    %get3A_24 = vector.load %arg4[%get3A_22, %get3A_23] : memref<1x512xf32, #tpu.memory_space<vmem>>, vector<1x512xf32>
    %add3A_25 = vector.broadcast %get3A_24 : vector<1x512xf32> to vector<1000x512xf32>
    %add3A_26 = arith.addf %mul3A_21, %add3A_25 : vector<1000x512xf32>
    %max3A = arith.constant 0.000000e+00 : f32
    %max3A_27 = vector.broadcast %max3A : f32 to vector<1000x512xf32>
    %max3A_28 = arith.maximumf %add3A_26, %max3A_27 : vector<1000x512xf32>
    %get3A_29 = arith.constant 0 : index
    %get3A_30 = arith.constant 0 : index
    %get3A_31 = vector.load %arg6[%get3A_29, %get3A_30] : memref<512x512xf32, #tpu.memory_space<vmem>>, vector<512x512xf32>
    %dot_general3A = arith.constant dense<0.000000e+00> : vector<1000x512xf32>
    %dot_general3A_32 = tpu.matmul %max3A_28, %get3A_31, %dot_general3A {dimension_numbers = #tpu.dot_dimension_numbers<[1], [0], [0], [1], [0, 0, 1, 1], [], []>, transpose_lhs_hint = false} : vector<1000x512xf32>, vector<512x512xf32>, vector<1000x512xf32> -> vector<1000x512xf32>
    %get3A_33 = arith.constant 0 : index
    %get3A_34 = arith.constant 0 : index
    %get3A_35 = arith.constant 0 : index
    %get3A_36 = vector.load %arg5[%get3A_33, %get3A_34, %get3A_35] : memref<2x1000x128xf32, #tpu.memory_space<vmem>>, vector<1x1000x1xf32>
    %get3A_37 = vector.shape_cast %get3A_36 : vector<1x1000x1xf32> to vector<1000xf32>
    %get3A_38 = arith.constant 1 : index
    %get3A_39 = arith.constant 0 : index
    %get3A_40 = arith.constant 0 : index
    %get3A_41 = vector.load %arg5[%get3A_38, %get3A_39, %get3A_40] : memref<2x1000x128xf32, #tpu.memory_space<vmem>>, vector<1x1000x1xf32>
    %get3A_42 = vector.shape_cast %get3A_41 : vector<1x1000x1xf32> to vector<1000xf32>
    %add3A_43 = arith.addf %get3A_37, %get3A_42 : vector<1000xf32>
    %add3A_44 = arith.constant 1.000000e+00 : f32
    %add3A_45 = vector.broadcast %add3A_44 : f32 to vector<1000xf32>
    %add3A_46 = arith.addf %add3A_43, %add3A_45 : vector<1000xf32>
    %rsqrt3A_47 = math.rsqrt %add3A_46 : vector<1000xf32>
    %broadcast_in_dim3A = vector.shape_cast %rsqrt3A_47 : vector<1000xf32> to vector<1000x1xf32>
    %mul3A_48 = vector.broadcast %broadcast_in_dim3A : vector<1000x1xf32> to vector<1000x512xf32>
    %mul3A_49 = arith.mulf %dot_general3A_32, %mul3A_48 : vector<1000x512xf32>
    %slice3A_50 = vector.extract_strided_slice %mul3A_49 {offsets = [0, 0], sizes = [1000, 128], strides = [1, 1]} : vector<1000x512xf32> to vector<1000x128xf32>
    %swap3A = arith.constant 0 : index
    %swap3A_51 = arith.constant 0 : index
    %swap3A_52 = arith.constant 0 : index
    %swap3A_53 = vector.load %arg7[%swap3A, %swap3A_51, %swap3A_52] : memref<4x1000x128xf32, #tpu.memory_space<vmem>>, vector<1x1000x128xf32>
    %swap3A_54 = vector.shape_cast %swap3A_53 : vector<1x1000x128xf32> to vector<1000x128xf32>
    %swap3A_55 = vector.shape_cast %slice3A_50 : vector<1000x128xf32> to vector<1x1000x128xf32>
    tpu.vector_store %arg7[%swap3A, %swap3A_51, %swap3A_52], %swap3A_55 {strides = array<i32>} : memref<4x1000x128xf32, #tpu.memory_space<vmem>>, vector<1x1000x128xf32>,
    %slice3A_56 = vector.extract_strided_slice %mul3A_49 {offsets = [0, 128], sizes = [1000, 128], strides = [1, 1]} : vector<1000x512xf32> to vector<1000x128xf32>
    %swap3A_57 = arith.constant 1 : index
    %swap3A_58 = arith.constant 0 : index
    %swap3A_59 = arith.constant 0 : index
    %swap3A_60 = vector.load %arg7[%swap3A_57, %swap3A_58, %swap3A_59] : memref<4x1000x128xf32, #tpu.memory_space<vmem>>, vector<1x1000x128xf32>
    %swap3A_61 = vector.shape_cast %swap3A_60 : vector<1x1000x128xf32> to vector<1000x128xf32>
    %swap3A_62 = vector.shape_cast %slice3A_56 : vector<1000x128xf32> to vector<1x1000x128xf32>
    tpu.vector_store %arg7[%swap3A_57, %swap3A_58, %swap3A_59], %swap3A_62 {strides = array<i32>} : memref<4x1000x128xf32, #tpu.memory_space<vmem>>, vector<1x1000x128xf32>,
    %slice3A_63 = vector.extract_strided_slice %mul3A_49 {offsets = [0, 256], sizes = [1000, 128], strides = [1, 1]} : vector<1000x512xf32> to vector<1000x128xf32>
    %swap3A_64 = arith.constant 2 : index
    %swap3A_65 = arith.constant 0 : index
    %swap3A_66 = arith.constant 0 : index
    %swap3A_67 = vector.load %arg7[%swap3A_64, %swap3A_65, %swap3A_66] : memref<4x1000x128xf32, #tpu.memory_space<vmem>>, vector<1x1000x128xf32>
    %swap3A_68 = vector.shape_cast %swap3A_67 : vector<1x1000x128xf32> to vector<1000x128xf32>
    %swap3A_69 = vector.shape_cast %slice3A_63 : vector<1000x128xf32> to vector<1x1000x128xf32>
    tpu.vector_store %arg7[%swap3A_64, %swap3A_65, %swap3A_66], %swap3A_69 {strides = array<i32>} : memref<4x1000x128xf32, #tpu.memory_space<vmem>>, vector<1x1000x128xf32>,
    %slice3A_70 = vector.extract_strided_slice %mul3A_49 {offsets = [0, 384], sizes = [1000, 128], strides = [1, 1]} : vector<1000x512xf32> to vector<1000x128xf32>
    %swap3A_71 = arith.constant 3 : index
    %swap3A_72 = arith.constant 0 : index
    %swap3A_73 = arith.constant 0 : index
    %swap3A_74 = vector.load %arg7[%swap3A_71, %swap3A_72, %swap3A_73] : memref<4x1000x128xf32, #tpu.memory_space<vmem>>, vector<1x1000x128xf32>
    %swap3A_75 = vector.shape_cast %swap3A_74 : vector<1x1000x128xf32> to vector<1000x128xf32>
    %swap3A_76 = vector.shape_cast %slice3A_70 : vector<1000x128xf32> to vector<1x1000x128xf32>
    tpu.vector_store %arg7[%swap3A_71, %swap3A_72, %swap3A_73], %swap3A_76 {strides = array<i32>} : memref<4x1000x128xf32, #tpu.memory_space<vmem>>, vector<1x1000x128xf32>,
    return
  }
  func.func @transform_0(%arg0: i32) -> (i32, i32) {
    %c0_i32 = arith.constant 0 : i32
    %c0_i32_0 = arith.constant 0 : i32
    return %arg0, %c0_i32 : i32, i32
  }
  func.func @transform_1(%arg0: i32) -> (i32, i32) {
    %c0_i32 = arith.constant 0 : i32
    %c0_i32_0 = arith.constant 0 : i32
    %c0_i32_1 = arith.constant 0 : i32
    return %c0_i32, %c0_i32_0 : i32, i32
  }
  func.func @transform_2(%arg0: i32) -> (i32, i32) {
    %c0_i32 = arith.constant 0 : i32
    %c0_i32_0 = arith.constant 0 : i32
    %c0_i32_1 = arith.constant 0 : i32
    return %c0_i32, %c0_i32_0 : i32, i32
  }
  func.func @transform_3(%arg0: i32) -> (i32, i32) {
    %c0_i32 = arith.constant 0 : i32
    %c0_i32_0 = arith.constant 0 : i32
    %c0_i32_1 = arith.constant 0 : i32
    return %c0_i32, %c0_i32_0 : i32, i32
  }
  func.func @transform_4(%arg0: i32) -> (i32, i32, i32) {
    %c0_i32 = arith.constant 0 : i32
    %c0_i32_0 = arith.constant 0 : i32
    %c0_i32_1 = arith.constant 0 : i32
    return %c0_i32, %arg0, %c0_i32_0 : i32, i32, i32
  }
  func.func @transform_5(%arg0: i32) -> (i32, i32) {
    %c0_i32 = arith.constant 0 : i32
    %c0_i32_0 = arith.constant 0 : i32
    %c0_i32_1 = arith.constant 0 : i32
    return %c0_i32, %c0_i32_0 : i32, i32
  }
  func.func @transform_6(%arg0: i32) -> (i32, i32, i32) {
    %c0_i32 = arith.constant 0 : i32
    %c0_i32_0 = arith.constant 0 : i32
    %c0_i32_1 = arith.constant 0 : i32
    return %c0_i32, %arg0, %c0_i32_0 : i32, i32, i32
  }
}

module attributes {stable_mosaic.version = 14 : i64} {
  func.func @body(%arg0: i32, %arg1: memref<1000x512xf32, #tpu.memory_space<vmem>>, %arg2: memref<2x512xf32, #tpu.memory_space<vmem>>, %arg3: memref<1x512xf32, #tpu.memory_space<vmem>>, %arg4: memref<1x512xf32, #tpu.memory_space<vmem>>, %arg5: memref<2x1000x128xf32, #tpu.memory_space<vmem>>, %arg6: memref<512x256xf32, #tpu.memory_space<vmem>>, %arg7: memref<2x1000x128xf32, #tpu.memory_space<vmem>>) attributes {dimension_semantics = [#tpu.dimension_semantics<arbitrary>], iteration_bounds = array<i64: 10>, scalar_prefetch = 0 : i64, scratch_operands = 0 : i64, tpu.core_type = #tpu.core_type<tc>, window_params = [{transform_indices = @transform_0, window_bounds = array<i64: 1000, 512>}, {pipeline_mode = #tpu.pipeline_mode<synchronous>, transform_indices = @transform_1, window_bounds = array<i64: 2, 512>}, {pipeline_mode = #tpu.pipeline_mode<synchronous>, transform_indices = @transform_2, window_bounds = array<i64: 1, 512>}, {pipeline_mode = #tpu.pipeline_mode<synchronous>, transform_indices = @transform_3, window_bounds = array<i64: 1, 512>}, {transform_indices = @transform_4, window_bounds = array<i64: 2, 1000, 128>}, {pipeline_mode = #tpu.pipeline_mode<synchronous>, transform_indices = @transform_5, window_bounds = array<i64: 512, 256>}, {transform_indices = @transform_6, window_bounds = array<i64: 2, 1000, 128>}]} {
    %get3A = arith.constant 0 : index
    %get3A_0 = arith.constant 0 : index
    %get3A_1 = vector.load %arg2[%get3A, %get3A_0] : memref<2x512xf32, #tpu.memory_space<vmem>>, vector<2x512xf32>
    %slice3A = vector.extract_strided_slice %get3A_1 {offsets = [0, 0], sizes = [1, 512], strides = [1, 1]} : vector<2x512xf32> to vector<1x512xf32>
    %mul3A = arith.constant 9.99999974E-5 : f32
    %mul3A_2 = vector.broadcast %mul3A : f32 to vector<1x512xf32>
    %mul3A_3 = arith.mulf %slice3A, %mul3A_2 : vector<1x512xf32>
    %slice3A_4 = vector.extract_strided_slice %get3A_1 {offsets = [1, 0], sizes = [1, 512], strides = [1, 1]} : vector<2x512xf32> to vector<1x512xf32>
    %mul3A_5 = arith.constant 9.99999974E-5 : f32
    %mul3A_6 = vector.broadcast %mul3A_5 : f32 to vector<1x512xf32>
    %mul3A_7 = arith.mulf %slice3A_4, %mul3A_6 : vector<1x512xf32>
    %mul3A_8 = arith.mulf %mul3A_3, %mul3A_3 : vector<1x512xf32>
    %sub3A = arith.subf %mul3A_7, %mul3A_8 : vector<1x512xf32>
    %get3A_9 = arith.constant 0 : index
    %get3A_10 = arith.constant 0 : index
    %get3A_11 = vector.load %arg3[%get3A_9, %get3A_10] : memref<1x512xf32, #tpu.memory_space<vmem>>, vector<1x512xf32>
    %add3A = arith.constant 9.99999974E-6 : f32
    %add3A_12 = vector.broadcast %add3A : f32 to vector<1x512xf32>
    %add3A_13 = arith.addf %sub3A, %add3A_12 : vector<1x512xf32>
    %rsqrt3A = math.rsqrt %add3A_13 : vector<1x512xf32>
    %mul3A_14 = arith.mulf %get3A_11, %rsqrt3A : vector<1x512xf32>
    %get3A_15 = arith.constant 0 : index
    %get3A_16 = arith.constant 0 : index
    %get3A_17 = vector.load %arg1[%get3A_15, %get3A_16] : memref<1000x512xf32, #tpu.memory_space<vmem>>, vector<1000x512xf32>
    %sub3A_18 = vector.broadcast %mul3A_3 : vector<1x512xf32> to vector<1000x512xf32>
    %sub3A_19 = arith.subf %get3A_17, %sub3A_18 : vector<1000x512xf32>
    %mul3A_20 = vector.broadcast %mul3A_14 : vector<1x512xf32> to vector<1000x512xf32>
    %mul3A_21 = arith.mulf %sub3A_19, %mul3A_20 : vector<1000x512xf32>
    %get3A_22 = arith.constant 0 : index
    %get3A_23 = arith.constant 0 : index
    %get3A_24 = vector.load %arg4[%get3A_22, %get3A_23] : memref<1x512xf32, #tpu.memory_space<vmem>>, vector<1x512xf32>
    %add3A_25 = vector.broadcast %get3A_24 : vector<1x512xf32> to vector<1000x512xf32>
    %add3A_26 = arith.addf %mul3A_21, %add3A_25 : vector<1000x512xf32>
    %max3A = arith.constant 0.000000e+00 : f32
    %max3A_27 = vector.broadcast %max3A : f32 to vector<1000x512xf32>
    %max3A_28 = arith.maximumf %add3A_26, %max3A_27 : vector<1000x512xf32>
    %get3A_29 = arith.constant 0 : index
    %get3A_30 = arith.constant 0 : index
    %get3A_31 = vector.load %arg6[%get3A_29, %get3A_30] : memref<512x256xf32, #tpu.memory_space<vmem>>, vector<512x256xf32>
    %dot_general3A = arith.constant dense<0.000000e+00> : vector<1000x256xf32>
    %dot_general3A_32 = tpu.matmul %max3A_28, %get3A_31, %dot_general3A {dimension_numbers = #tpu.dot_dimension_numbers<[1], [0], [0], [1], [0, 0, 1, 1], [], []>, transpose_lhs_hint = false} : vector<1000x512xf32>, vector<512x256xf32>, vector<1000x256xf32> -> vector<1000x256xf32>
    %get3A_33 = arith.constant 0 : index
    %get3A_34 = arith.constant 0 : index
    %get3A_35 = arith.constant 0 : index
    %get3A_36 = vector.load %arg5[%get3A_33, %get3A_34, %get3A_35] : memref<2x1000x128xf32, #tpu.memory_space<vmem>>, vector<1x1000x1xf32>
    %get3A_37 = vector.shape_cast %get3A_36 : vector<1x1000x1xf32> to vector<1000xf32>
    %get3A_38 = arith.constant 1 : index
    %get3A_39 = arith.constant 0 : index
    %get3A_40 = arith.constant 0 : index
    %get3A_41 = vector.load %arg5[%get3A_38, %get3A_39, %get3A_40] : memref<2x1000x128xf32, #tpu.memory_space<vmem>>, vector<1x1000x1xf32>
    %get3A_42 = vector.shape_cast %get3A_41 : vector<1x1000x1xf32> to vector<1000xf32>
    %add3A_43 = arith.addf %get3A_37, %get3A_42 : vector<1000xf32>
    %add3A_44 = arith.constant 1.000000e+00 : f32
    %add3A_45 = vector.broadcast %add3A_44 : f32 to vector<1000xf32>
    %add3A_46 = arith.addf %add3A_43, %add3A_45 : vector<1000xf32>
    %rsqrt3A_47 = math.rsqrt %add3A_46 : vector<1000xf32>
    %broadcast_in_dim3A = vector.shape_cast %rsqrt3A_47 : vector<1000xf32> to vector<1000x1xf32>
    %mul3A_48 = vector.broadcast %broadcast_in_dim3A : vector<1000x1xf32> to vector<1000x256xf32>
    %mul3A_49 = arith.mulf %dot_general3A_32, %mul3A_48 : vector<1000x256xf32>
    %slice3A_50 = vector.extract_strided_slice %mul3A_49 {offsets = [0, 0], sizes = [1000, 128], strides = [1, 1]} : vector<1000x256xf32> to vector<1000x128xf32>
    %swap3A = arith.constant 0 : index
    %swap3A_51 = arith.constant 0 : index
    %swap3A_52 = arith.constant 0 : index
    %swap3A_53 = vector.load %arg7[%swap3A, %swap3A_51, %swap3A_52] : memref<2x1000x128xf32, #tpu.memory_space<vmem>>, vector<1x1000x128xf32>
    %swap3A_54 = vector.shape_cast %swap3A_53 : vector<1x1000x128xf32> to vector<1000x128xf32>
    %swap3A_55 = vector.shape_cast %slice3A_50 : vector<1000x128xf32> to vector<1x1000x128xf32>
    tpu.vector_store %arg7[%swap3A, %swap3A_51, %swap3A_52], %swap3A_55 {strides = array<i32>} : memref<2x1000x128xf32, #tpu.memory_space<vmem>>, vector<1x1000x128xf32>,
    %slice3A_56 = vector.extract_strided_slice %mul3A_49 {offsets = [0, 128], sizes = [1000, 128], strides = [1, 1]} : vector<1000x256xf32> to vector<1000x128xf32>
    %swap3A_57 = arith.constant 1 : index
    %swap3A_58 = arith.constant 0 : index
    %swap3A_59 = arith.constant 0 : index
    %swap3A_60 = vector.load %arg7[%swap3A_57, %swap3A_58, %swap3A_59] : memref<2x1000x128xf32, #tpu.memory_space<vmem>>, vector<1x1000x128xf32>
    %swap3A_61 = vector.shape_cast %swap3A_60 : vector<1x1000x128xf32> to vector<1000x128xf32>
    %swap3A_62 = vector.shape_cast %slice3A_56 : vector<1000x128xf32> to vector<1x1000x128xf32>
    tpu.vector_store %arg7[%swap3A_57, %swap3A_58, %swap3A_59], %swap3A_62 {strides = array<i32>} : memref<2x1000x128xf32, #tpu.memory_space<vmem>>, vector<1x1000x128xf32>,
    return
  }
  func.func @transform_0(%arg0: i32) -> (i32, i32) {
    %c0_i32 = arith.constant 0 : i32
    %c0_i32_0 = arith.constant 0 : i32
    return %arg0, %c0_i32 : i32, i32
  }
  func.func @transform_1(%arg0: i32) -> (i32, i32) {
    %c0_i32 = arith.constant 0 : i32
    %c0_i32_0 = arith.constant 0 : i32
    %c0_i32_1 = arith.constant 0 : i32
    return %c0_i32, %c0_i32_0 : i32, i32
  }
  func.func @transform_2(%arg0: i32) -> (i32, i32) {
    %c0_i32 = arith.constant 0 : i32
    %c0_i32_0 = arith.constant 0 : i32
    %c0_i32_1 = arith.constant 0 : i32
    return %c0_i32, %c0_i32_0 : i32, i32
  }
  func.func @transform_3(%arg0: i32) -> (i32, i32) {
    %c0_i32 = arith.constant 0 : i32
    %c0_i32_0 = arith.constant 0 : i32
    %c0_i32_1 = arith.constant 0 : i32
    return %c0_i32, %c0_i32_0 : i32, i32
  }
  func.func @transform_4(%arg0: i32) -> (i32, i32, i32) {
    %c0_i32 = arith.constant 0 : i32
    %c0_i32_0 = arith.constant 0 : i32
    %c0_i32_1 = arith.constant 0 : i32
    return %c0_i32, %arg0, %c0_i32_0 : i32, i32, i32
  }
  func.func @transform_5(%arg0: i32) -> (i32, i32) {
    %c0_i32 = arith.constant 0 : i32
    %c0_i32_0 = arith.constant 0 : i32
    %c0_i32_1 = arith.constant 0 : i32
    return %c0_i32, %c0_i32_0 : i32, i32
  }
  func.func @transform_6(%arg0: i32) -> (i32, i32, i32) {
    %c0_i32 = arith.constant 0 : i32
    %c0_i32_0 = arith.constant 0 : i32
    %c0_i32_1 = arith.constant 0 : i32
    return %c0_i32, %arg0, %c0_i32_0 : i32, i32, i32
  }
}

module attributes {stable_mosaic.version = 14 : i64} {
  func.func @body(%arg0: i32, %arg1: memref<2x1000x128xf32, #tpu.memory_space<vmem>>, %arg2: memref<2x1000x128xf32, #tpu.memory_space<vmem>>, %arg3: memref<1x256xf32, #tpu.memory_space<vmem>>, %arg4: memref<1000x256xf32, #tpu.memory_space<vmem>>, %arg5: memref<2x256xf32, #tpu.memory_space<vmem>>, %arg6: memref<1x256xf32, #tpu.memory_space<vmem>>, %arg7: memref<1x256xf32, #tpu.memory_space<vmem>>) attributes {dimension_semantics = [#tpu.dimension_semantics<arbitrary>], iteration_bounds = array<i64: 10>, scalar_prefetch = 0 : i64, scratch_operands = 2 : i64, tpu.core_type = #tpu.core_type<tc>, window_params = [{transform_indices = @transform_0, window_bounds = array<i64: 2, 1000, 128>}, {transform_indices = @transform_1, window_bounds = array<i64: 2, 1000, 128>}, {pipeline_mode = #tpu.pipeline_mode<synchronous>, transform_indices = @transform_2, window_bounds = array<i64: 1, 256>}, {transform_indices = @transform_3, window_bounds = array<i64: 1000, 256>}, {pipeline_mode = #tpu.pipeline_mode<synchronous>, transform_indices = @transform_4, window_bounds = array<i64: 2, 256>}]} {
    %get3A = arith.constant 0 : index
    %get3A_0 = arith.constant 0 : index
    %get3A_1 = arith.constant 0 : index
    %get3A_2 = vector.load %arg1[%get3A, %get3A_0, %get3A_1] : memref<2x1000x128xf32, #tpu.memory_space<vmem>>, vector<1x1000x128xf32>
    %get3A_3 = vector.shape_cast %get3A_2 : vector<1x1000x128xf32> to vector<1000x128xf32>
    %get3A_4 = arith.constant 1 : index
    %get3A_5 = arith.constant 0 : index
    %get3A_6 = arith.constant 0 : index
    %get3A_7 = vector.load %arg1[%get3A_4, %get3A_5, %get3A_6] : memref<2x1000x128xf32, #tpu.memory_space<vmem>>, vector<1x1000x128xf32>
    %get3A_8 = vector.shape_cast %get3A_7 : vector<1x1000x128xf32> to vector<1000x128xf32>
    %concatenate3A = tpu.concatenate %get3A_3, %get3A_8 in 1 : vector<1000x128xf32>, vector<1000x128xf32> -> vector<1000x256xf32>
    %get3A_9 = arith.constant 0 : index
    %get3A_10 = arith.constant 0 : index
    %get3A_11 = arith.constant 0 : index
    %get3A_12 = vector.load %arg2[%get3A_9, %get3A_10, %get3A_11] : memref<2x1000x128xf32, #tpu.memory_space<vmem>>, vector<1x1000x1xf32>
    %get3A_13 = vector.shape_cast %get3A_12 : vector<1x1000x1xf32> to vector<1000xf32>
    %get3A_14 = arith.constant 1 : index
    %get3A_15 = arith.constant 0 : index
    %get3A_16 = arith.constant 0 : index
    %get3A_17 = vector.load %arg2[%get3A_14, %get3A_15, %get3A_16] : memref<2x1000x128xf32, #tpu.memory_space<vmem>>, vector<1x1000x1xf32>
    %get3A_18 = vector.shape_cast %get3A_17 : vector<1x1000x1xf32> to vector<1000xf32>
    %add3A = arith.addf %get3A_13, %get3A_18 : vector<1000xf32>
    %add3A_19 = arith.constant 1.000000e+00 : f32
    %add3A_20 = vector.broadcast %add3A_19 : f32 to vector<1000xf32>
    %add3A_21 = arith.addf %add3A, %add3A_20 : vector<1000xf32>
    %rsqrt3A = math.rsqrt %add3A_21 : vector<1000xf32>
    %broadcast_in_dim3A = vector.shape_cast %rsqrt3A : vector<1000xf32> to vector<1000x1xf32>
    %mul3A = vector.broadcast %broadcast_in_dim3A : vector<1000x1xf32> to vector<1000x256xf32>
    %mul3A_22 = arith.mulf %concatenate3A, %mul3A : vector<1000x256xf32>
    %get3A_23 = arith.constant 0 : index
    %get3A_24 = arith.constant 0 : index
    %get3A_25 = vector.load %arg3[%get3A_23, %get3A_24] : memref<1x256xf32, #tpu.memory_space<vmem>>, vector<1x256xf32>
    %add3A_26 = vector.broadcast %get3A_25 : vector<1x256xf32> to vector<1000x256xf32>
    %add3A_27 = arith.addf %mul3A_22, %add3A_26 : vector<1000x256xf32>
    %swap3A = arith.constant 0 : index
    %swap3A_28 = arith.constant 0 : index
    %swap3A_29 = vector.load %arg4[%swap3A, %swap3A_28] : memref<1000x256xf32, #tpu.memory_space<vmem>>, vector<1000x256xf32>
    tpu.vector_store %arg4[%swap3A, %swap3A_28], %add3A_27 {strides = array<i32>} : memref<1000x256xf32, #tpu.memory_space<vmem>>, vector<1000x256xf32>,
    %eq3A = arith.constant 0 : i32
    %eq3A_30 = arith.cmpi eq, %arg0, %eq3A : i32
    %convert_element_type3A = arith.extui %eq3A_30 : i1 to i32
    %cond3A = arith.constant 0 : i32
    %cond3A_31 = arith.cmpi ne, %convert_element_type3A, %cond3A : i32
    scf.if %cond3A_31 {
      %broadcast_in_dim3A_57 = arith.constant 0.000000e+00 : f32
      %broadcast_in_dim3A_58 = vector.broadcast %broadcast_in_dim3A_57 : f32 to vector<1x256xf32>
      %swap3A_59 = arith.constant 0 : index
      %swap3A_60 = arith.constant 0 : index
      %swap3A_61 = vector.load %arg6[%swap3A_59, %swap3A_60] : memref<1x256xf32, #tpu.memory_space<vmem>>, vector<1x256xf32>
      tpu.vector_store %arg6[%swap3A_59, %swap3A_60], %broadcast_in_dim3A_58 {strides = array<i32>} : memref<1x256xf32, #tpu.memory_space<vmem>>, vector<1x256xf32>,
      %broadcast_in_dim3A_62 = arith.constant 0.000000e+00 : f32
      %broadcast_in_dim3A_63 = vector.broadcast %broadcast_in_dim3A_62 : f32 to vector<1x256xf32>
      %swap3A_64 = arith.constant 0 : index
      %swap3A_65 = arith.constant 0 : index
      %swap3A_66 = vector.load %arg7[%swap3A_64, %swap3A_65] : memref<1x256xf32, #tpu.memory_space<vmem>>, vector<1x256xf32>
      tpu.vector_store %arg7[%swap3A_64, %swap3A_65], %broadcast_in_dim3A_63 {strides = array<i32>} : memref<1x256xf32, #tpu.memory_space<vmem>>, vector<1x256xf32>,
    } else {
    }
    %get3A_32 = arith.constant 0 : index
    %get3A_33 = arith.constant 0 : index
    %get3A_34 = vector.load %arg6[%get3A_32, %get3A_33] : memref<1x256xf32, #tpu.memory_space<vmem>>, vector<1x256xf32>
    %reduce_sum3A = arith.constant dense<0.000000e+00> : vector<256xf32>
    %reduce_sum3A_35 = vector.multi_reduction <add>, %add3A_27, %reduce_sum3A [0] : vector<1000x256xf32> to vector<256xf32>
    %broadcast_in_dim3A_36 = vector.shape_cast %reduce_sum3A_35 : vector<256xf32> to vector<1x256xf32>
    %add3A_37 = arith.addf %get3A_34, %broadcast_in_dim3A_36 : vector<1x256xf32>
    %swap3A_38 = arith.constant 0 : index
    %swap3A_39 = arith.constant 0 : index
    %swap3A_40 = vector.load %arg6[%swap3A_38, %swap3A_39] : memref<1x256xf32, #tpu.memory_space<vmem>>, vector<1x256xf32>
    tpu.vector_store %arg6[%swap3A_38, %swap3A_39], %add3A_37 {strides = array<i32>} : memref<1x256xf32, #tpu.memory_space<vmem>>, vector<1x256xf32>,
    %get3A_41 = arith.constant 0 : index
    %get3A_42 = arith.constant 0 : index
    %get3A_43 = vector.load %arg7[%get3A_41, %get3A_42] : memref<1x256xf32, #tpu.memory_space<vmem>>, vector<1x256xf32>
    %mul3A_44 = arith.mulf %add3A_27, %add3A_27 : vector<1000x256xf32>
    %reduce_sum3A_45 = arith.constant dense<0.000000e+00> : vector<256xf32>
    %reduce_sum3A_46 = vector.multi_reduction <add>, %mul3A_44, %reduce_sum3A_45 [0] : vector<1000x256xf32> to vector<256xf32>
    %broadcast_in_dim3A_47 = vector.shape_cast %reduce_sum3A_46 : vector<256xf32> to vector<1x256xf32>
    %add3A_48 = arith.addf %get3A_43, %broadcast_in_dim3A_47 : vector<1x256xf32>
    %swap3A_49 = arith.constant 0 : index
    %swap3A_50 = arith.constant 0 : index
    %swap3A_51 = vector.load %arg7[%swap3A_49, %swap3A_50] : memref<1x256xf32, #tpu.memory_space<vmem>>, vector<1x256xf32>
    tpu.vector_store %arg7[%swap3A_49, %swap3A_50], %add3A_48 {strides = array<i32>} : memref<1x256xf32, #tpu.memory_space<vmem>>, vector<1x256xf32>,
    %eq3A_52 = arith.constant 9 : i32
    %eq3A_53 = arith.cmpi eq, %arg0, %eq3A_52 : i32
    %convert_element_type3A_54 = arith.extui %eq3A_53 : i1 to i32
    %cond3A_55 = arith.constant 0 : i32
    %cond3A_56 = arith.cmpi ne, %convert_element_type3A_54, %cond3A_55 : i32
    scf.if %cond3A_56 {
      %get3A_57 = arith.constant 0 : index
      %get3A_58 = arith.constant 0 : index
      %get3A_59 = vector.load %arg6[%get3A_57, %get3A_58] : memref<1x256xf32, #tpu.memory_space<vmem>>, vector<1x256xf32>
      %swap3A_60 = arith.constant 0 : index
      %swap3A_61 = arith.constant 0 : index
      %swap3A_62 = vector.load %arg5[%swap3A_60, %swap3A_61] : memref<2x256xf32, #tpu.memory_space<vmem>>, vector<1x256xf32>
      tpu.vector_store %arg5[%swap3A_60, %swap3A_61], %get3A_59 {strides = array<i32>} : memref<2x256xf32, #tpu.memory_space<vmem>>, vector<1x256xf32>,
      %get3A_63 = arith.constant 0 : index
      %get3A_64 = arith.constant 0 : index
      %get3A_65 = vector.load %arg7[%get3A_63, %get3A_64] : memref<1x256xf32, #tpu.memory_space<vmem>>, vector<1x256xf32>
      %swap3A_66 = arith.constant 1 : index
      %swap3A_67 = arith.constant 0 : index
      %swap3A_68 = vector.load %arg5[%swap3A_66, %swap3A_67] : memref<2x256xf32, #tpu.memory_space<vmem>>, vector<1x256xf32>
      tpu.vector_store %arg5[%swap3A_66, %swap3A_67], %get3A_65 {strides = array<i32>} : memref<2x256xf32, #tpu.memory_space<vmem>>, vector<1x256xf32>,
    } else {
    }
    return
  }
  func.func @transform_0(%arg0: i32) -> (i32, i32, i32) {
    %c0_i32 = arith.constant 0 : i32
    %c0_i32_0 = arith.constant 0 : i32
    %c0_i32_1 = arith.constant 0 : i32
    return %c0_i32, %arg0, %c0_i32_0 : i32, i32, i32
  }
  func.func @transform_1(%arg0: i32) -> (i32, i32, i32) {
    %c0_i32 = arith.constant 0 : i32
    %c0_i32_0 = arith.constant 0 : i32
    %c0_i32_1 = arith.constant 0 : i32
    return %c0_i32, %arg0, %c0_i32_0 : i32, i32, i32
  }
  func.func @transform_2(%arg0: i32) -> (i32, i32) {
    %c0_i32 = arith.constant 0 : i32
    %c0_i32_0 = arith.constant 0 : i32
    %c0_i32_1 = arith.constant 0 : i32
    return %c0_i32, %c0_i32_0 : i32, i32
  }
  func.func @transform_3(%arg0: i32) -> (i32, i32) {
    %c0_i32 = arith.constant 0 : i32
    %c0_i32_0 = arith.constant 0 : i32
    return %arg0, %c0_i32 : i32, i32
  }
  func.func @transform_4(%arg0: i32) -> (i32, i32) {
    %c0_i32 = arith.constant 0 : i32
    %c0_i32_0 = arith.constant 0 : i32
    %c0_i32_1 = arith.constant 0 : i32
    return %c0_i32, %c0_i32_0 : i32, i32
  }
}

module attributes {stable_mosaic.version = 14 : i64} {
  func.func @_final_body(%arg0: i32, %arg1: memref<1000x256xf32, #tpu.memory_space<vmem>>, %arg2: memref<2x256xf32, #tpu.memory_space<vmem>>, %arg3: memref<1x256xf32, #tpu.memory_space<vmem>>, %arg4: memref<1x256xf32, #tpu.memory_space<vmem>>, %arg5: memref<256x128xf32, #tpu.memory_space<vmem>>, %arg6: memref<1x128xf32, #tpu.memory_space<vmem>>, %arg7: memref<1x128xf32, #tpu.memory_space<vmem>>, %arg8: memref<1x1xf32, #tpu.memory_space<vmem>>, %arg9: memref<256x128xf32, #tpu.memory_space<vmem>>, %arg10: memref<1x128xf32, #tpu.memory_space<vmem>>, %arg11: memref<1x128xf32, #tpu.memory_space<vmem>>, %arg12: memref<1x1xf32, #tpu.memory_space<vmem>>, %arg13: memref<256x128xf32, #tpu.memory_space<vmem>>, %arg14: memref<1x128xf32, #tpu.memory_space<vmem>>, %arg15: memref<128x6xf32, #tpu.memory_space<vmem>>, %arg16: memref<1x6xf32, #tpu.memory_space<vmem>>, %arg17: memref<1000x256xf32, #tpu.memory_space<vmem>>, %arg18: memref<1x256xf32, #tpu.memory_space<vmem>>, %arg19: memref<1x1xf32, #tpu.memory_space<vmem>>, %arg20: memref<1x1xf32, #tpu.memory_space<vmem>>, %arg21: memref<1x6xf32, #tpu.memory_space<vmem>>, %arg22: memref<1x256xf32, #tpu.memory_space<vmem>>) attributes {dimension_semantics = [#tpu.dimension_semantics<arbitrary>], iteration_bounds = array<i64: 10>, scalar_prefetch = 0 : i64, scratch_operands = 1 : i64, tpu.core_type = #tpu.core_type<tc>, window_params = [{transform_indices = @transform_0, window_bounds = array<i64: 1000, 256>}, {pipeline_mode = #tpu.pipeline_mode<synchronous>, transform_indices = @transform_1, window_bounds = array<i64: 2, 256>}, {pipeline_mode = #tpu.pipeline_mode<synchronous>, transform_indices = @transform_2, window_bounds = array<i64: 1, 256>}, {pipeline_mode = #tpu.pipeline_mode<synchronous>, transform_indices = @transform_3, window_bounds = array<i64: 1, 256>}, {pipeline_mode = #tpu.pipeline_mode<synchronous>, transform_indices = @transform_4, window_bounds = array<i64: 256, 128>}, {pipeline_mode = #tpu.pipeline_mode<synchronous>, transform_indices = @transform_5, window_bounds = array<i64: 1, 128>}, {pipeline_mode = #tpu.pipeline_mode<synchronous>, transform_indices = @transform_6, window_bounds = array<i64: 1, 128>}, {pipeline_mode = #tpu.pipeline_mode<synchronous>, transform_indices = @transform_7, window_bounds = array<i64: 1, 1>}, {pipeline_mode = #tpu.pipeline_mode<synchronous>, transform_indices = @transform_8, window_bounds = array<i64: 256, 128>}, {pipeline_mode = #tpu.pipeline_mode<synchronous>, transform_indices = @transform_9, window_bounds = array<i64: 1, 128>}, {pipeline_mode = #tpu.pipeline_mode<synchronous>, transform_indices = @transform_10, window_bounds = array<i64: 1, 128>}, {pipeline_mode = #tpu.pipeline_mode<synchronous>, transform_indices = @transform_11, window_bounds = array<i64: 1, 1>}, {pipeline_mode = #tpu.pipeline_mode<synchronous>, transform_indices = @transform_12, window_bounds = array<i64: 256, 128>}, {pipeline_mode = #tpu.pipeline_mode<synchronous>, transform_indices = @transform_13, window_bounds = array<i64: 1, 128>}, {pipeline_mode = #tpu.pipeline_mode<synchronous>, transform_indices = @transform_14, window_bounds = array<i64: 128, 6>}, {pipeline_mode = #tpu.pipeline_mode<synchronous>, transform_indices = @transform_15, window_bounds = array<i64: 1, 6>}, {transform_indices = @transform_16, window_bounds = array<i64: 1000, 256>}, {pipeline_mode = #tpu.pipeline_mode<synchronous>, transform_indices = @transform_17, window_bounds = array<i64: 1, 256>}, {pipeline_mode = #tpu.pipeline_mode<synchronous>, transform_indices = @transform_18, window_bounds = array<i64: 1, 1>}, {pipeline_mode = #tpu.pipeline_mode<synchronous>, transform_indices = @transform_19, window_bounds = array<i64: 1, 1>}, {pipeline_mode = #tpu.pipeline_mode<synchronous>, transform_indices = @transform_20, window_bounds = array<i64: 1, 6>}]} {
    %get3A = arith.constant 0 : index
    %get3A_0 = arith.constant 0 : index
    %get3A_1 = vector.load %arg2[%get3A, %get3A_0] : memref<2x256xf32, #tpu.memory_space<vmem>>, vector<2x256xf32>
    %slice3A = vector.extract_strided_slice %get3A_1 {offsets = [0, 0], sizes = [1, 256], strides = [1, 1]} : vector<2x256xf32> to vector<1x256xf32>
    %mul3A = arith.constant 9.99999974E-5 : f32
    %mul3A_2 = vector.broadcast %mul3A : f32 to vector<1x256xf32>
    %mul3A_3 = arith.mulf %slice3A, %mul3A_2 : vector<1x256xf32>
    %slice3A_4 = vector.extract_strided_slice %get3A_1 {offsets = [1, 0], sizes = [1, 256], strides = [1, 1]} : vector<2x256xf32> to vector<1x256xf32>
    %mul3A_5 = arith.constant 9.99999974E-5 : f32
    %mul3A_6 = vector.broadcast %mul3A_5 : f32 to vector<1x256xf32>
    %mul3A_7 = arith.mulf %slice3A_4, %mul3A_6 : vector<1x256xf32>
    %mul3A_8 = arith.mulf %mul3A_3, %mul3A_3 : vector<1x256xf32>
    %sub3A = arith.subf %mul3A_7, %mul3A_8 : vector<1x256xf32>
    %get3A_9 = arith.constant 0 : index
    %get3A_10 = arith.constant 0 : index
    %get3A_11 = vector.load %arg3[%get3A_9, %get3A_10] : memref<1x256xf32, #tpu.memory_space<vmem>>, vector<1x256xf32>
    %add3A = arith.constant 9.99999974E-6 : f32
    %add3A_12 = vector.broadcast %add3A : f32 to vector<1x256xf32>
    %add3A_13 = arith.addf %sub3A, %add3A_12 : vector<1x256xf32>
    %rsqrt3A = math.rsqrt %add3A_13 : vector<1x256xf32>
    %mul3A_14 = arith.mulf %get3A_11, %rsqrt3A : vector<1x256xf32>
    %get3A_15 = arith.constant 0 : index
    %get3A_16 = arith.constant 0 : index
    %get3A_17 = vector.load %arg1[%get3A_15, %get3A_16] : memref<1000x256xf32, #tpu.memory_space<vmem>>, vector<1000x256xf32>
    %sub3A_18 = vector.broadcast %mul3A_3 : vector<1x256xf32> to vector<1000x256xf32>
    %sub3A_19 = arith.subf %get3A_17, %sub3A_18 : vector<1000x256xf32>
    %mul3A_20 = vector.broadcast %mul3A_14 : vector<1x256xf32> to vector<1000x256xf32>
    %mul3A_21 = arith.mulf %sub3A_19, %mul3A_20 : vector<1000x256xf32>
    %get3A_22 = arith.constant 0 : index
    %get3A_23 = arith.constant 0 : index
    %get3A_24 = vector.load %arg4[%get3A_22, %get3A_23] : memref<1x256xf32, #tpu.memory_space<vmem>>, vector<1x256xf32>
    %add3A_25 = vector.broadcast %get3A_24 : vector<1x256xf32> to vector<1000x256xf32>
    %add3A_26 = arith.addf %mul3A_21, %add3A_25 : vector<1000x256xf32>
    %swap3A = arith.constant 0 : index
    %swap3A_27 = arith.constant 0 : index
    %swap3A_28 = vector.load %arg17[%swap3A, %swap3A_27] : memref<1000x256xf32, #tpu.memory_space<vmem>>, vector<1000x256xf32>
    tpu.vector_store %arg17[%swap3A, %swap3A_27], %add3A_26 {strides = array<i32>} : memref<1000x256xf32, #tpu.memory_space<vmem>>, vector<1000x256xf32>,
    %eq3A = arith.constant 0 : i32
    %eq3A_29 = arith.cmpi eq, %arg0, %eq3A : i32
    %convert_element_type3A = arith.extui %eq3A_29 : i1 to i32
    %cond3A = arith.constant 0 : i32
    %cond3A_30 = arith.cmpi ne, %convert_element_type3A, %cond3A : i32
    scf.if %cond3A_30 {
      %broadcast_in_dim3A_44 = arith.constant 0.000000e+00 : f32
      %broadcast_in_dim3A_45 = vector.broadcast %broadcast_in_dim3A_44 : f32 to vector<1x256xf32>
      %swap3A_46 = arith.constant 0 : index
      %swap3A_47 = arith.constant 0 : index
      %swap3A_48 = vector.load %arg22[%swap3A_46, %swap3A_47] : memref<1x256xf32, #tpu.memory_space<vmem>>, vector<1x256xf32>
      tpu.vector_store %arg22[%swap3A_46, %swap3A_47], %broadcast_in_dim3A_45 {strides = array<i32>} : memref<1x256xf32, #tpu.memory_space<vmem>>, vector<1x256xf32>,
    } else {
    }
    %get3A_31 = arith.constant 0 : index
    %get3A_32 = arith.constant 0 : index
    %get3A_33 = vector.load %arg22[%get3A_31, %get3A_32] : memref<1x256xf32, #tpu.memory_space<vmem>>, vector<1x256xf32>
    %reduce_sum3A = arith.constant dense<0.000000e+00> : vector<256xf32>
    %reduce_sum3A_34 = vector.multi_reduction <add>, %add3A_26, %reduce_sum3A [0] : vector<1000x256xf32> to vector<256xf32>
    %broadcast_in_dim3A = vector.shape_cast %reduce_sum3A_34 : vector<256xf32> to vector<1x256xf32>
    %add3A_35 = arith.addf %get3A_33, %broadcast_in_dim3A : vector<1x256xf32>
    %swap3A_36 = arith.constant 0 : index
    %swap3A_37 = arith.constant 0 : index
    %swap3A_38 = vector.load %arg22[%swap3A_36, %swap3A_37] : memref<1x256xf32, #tpu.memory_space<vmem>>, vector<1x256xf32>
    tpu.vector_store %arg22[%swap3A_36, %swap3A_37], %add3A_35 {strides = array<i32>} : memref<1x256xf32, #tpu.memory_space<vmem>>, vector<1x256xf32>,
    %eq3A_39 = arith.constant 9 : i32
    %eq3A_40 = arith.cmpi eq, %arg0, %eq3A_39 : i32
    %convert_element_type3A_41 = arith.extui %eq3A_40 : i1 to i32
    %cond3A_42 = arith.constant 0 : i32
    %cond3A_43 = arith.cmpi ne, %convert_element_type3A_41, %cond3A_42 : i32
    scf.if %cond3A_43 {
      %get3A_44 = arith.constant 0 : index
      %get3A_45 = arith.constant 0 : index
      %get3A_46 = vector.load %arg22[%get3A_44, %get3A_45] : memref<1x256xf32, #tpu.memory_space<vmem>>, vector<1x256xf32>
      %mul3A_47 = arith.constant 9.99999974E-5 : f32
      %mul3A_48 = vector.broadcast %mul3A_47 : f32 to vector<1x256xf32>
      %mul3A_49 = arith.mulf %get3A_46, %mul3A_48 : vector<1x256xf32>
      %swap3A_50 = arith.constant 0 : index
      %swap3A_51 = arith.constant 0 : index
      %swap3A_52 = vector.load %arg18[%swap3A_50, %swap3A_51] : memref<1x256xf32, #tpu.memory_space<vmem>>, vector<1x256xf32>
      tpu.vector_store %arg18[%swap3A_50, %swap3A_51], %mul3A_49 {strides = array<i32>} : memref<1x256xf32, #tpu.memory_space<vmem>>, vector<1x256xf32>,
      %get3A_53 = arith.constant 0 : index
      %get3A_54 = arith.constant 0 : index
      %get3A_55 = vector.load %arg5[%get3A_53, %get3A_54] : memref<256x128xf32, #tpu.memory_space<vmem>>, vector<256x128xf32>
      %dot_general3A = arith.constant dense<0.000000e+00> : vector<1x128xf32>
      %dot_general3A_56 = tpu.matmul %mul3A_49, %get3A_55, %dot_general3A {dimension_numbers = #tpu.dot_dimension_numbers<[1], [0], [0], [1], [0, 0, 1, 1], [], []>, transpose_lhs_hint = false} : vector<1x256xf32>, vector<256x128xf32>, vector<1x128xf32> -> vector<1x128xf32>
      %get3A_57 = arith.constant 0 : index
      %get3A_58 = arith.constant 0 : index
      %get3A_59 = vector.load %arg6[%get3A_57, %get3A_58] : memref<1x128xf32, #tpu.memory_space<vmem>>, vector<1x128xf32>
      %add3A_60 = arith.addf %dot_general3A_56, %get3A_59 : vector<1x128xf32>
      %max3A = arith.constant 0.000000e+00 : f32
      %max3A_61 = vector.broadcast %max3A : f32 to vector<1x128xf32>
      %max3A_62 = arith.maximumf %add3A_60, %max3A_61 : vector<1x128xf32>
      %get3A_63 = arith.constant 0 : index
      %get3A_64 = arith.constant 0 : index
      %get3A_65 = vector.load %arg7[%get3A_63, %get3A_64] : memref<1x128xf32, #tpu.memory_space<vmem>>, vector<1x128xf32>
      %mul3A_66 = arith.mulf %max3A_62, %get3A_65 : vector<1x128xf32>
      %reduce_sum3A_67 = arith.constant dense<0.000000e+00> : vector<1xf32>
      %reduce_sum3A_68 = vector.multi_reduction <add>, %mul3A_66, %reduce_sum3A_67 [1] : vector<1x128xf32> to vector<1xf32>
      %broadcast_in_dim3A_69 = vector.shape_cast %reduce_sum3A_68 : vector<1xf32> to vector<1x1xf32>
      %get3A_70 = arith.constant 0 : index
      %get3A_71 = arith.constant 0 : index
      %get3A_72 = vector.load %arg8[%get3A_70, %get3A_71] : memref<1x1xf32, #tpu.memory_space<vmem>>, vector<1x1xf32>
      %add3A_73 = arith.addf %broadcast_in_dim3A_69, %get3A_72 : vector<1x1xf32>
      %logistic3A = arith.negf %add3A_73 : vector<1x1xf32>
      %logistic3A_74 = math.exp %logistic3A : vector<1x1xf32>
      %logistic3A_75 = arith.constant 1.000000e+00 : f32
      %logistic3A_76 = vector.broadcast %logistic3A_75 : f32 to vector<1x1xf32>
      %logistic3A_77 = arith.addf %logistic3A_76, %logistic3A_74 : vector<1x1xf32>
      %logistic3A_78 = arith.divf %logistic3A_76, %logistic3A_77 : vector<1x1xf32>
      %swap3A_79 = arith.constant 0 : index
      %swap3A_80 = arith.constant 0 : index
      %swap3A_81 = vector.load %arg19[%swap3A_79, %swap3A_80] : memref<1x1xf32, #tpu.memory_space<vmem>>, vector<1x1xf32>
      tpu.vector_store %arg19[%swap3A_79, %swap3A_80], %logistic3A_78 {strides = array<i32>} : memref<1x1xf32, #tpu.memory_space<vmem>>, vector<1x1xf32>,
      %get3A_82 = arith.constant 0 : index
      %get3A_83 = arith.constant 0 : index
      %get3A_84 = vector.load %arg9[%get3A_82, %get3A_83] : memref<256x128xf32, #tpu.memory_space<vmem>>, vector<256x128xf32>
      %dot_general3A_85 = arith.constant dense<0.000000e+00> : vector<1x128xf32>
      %dot_general3A_86 = tpu.matmul %mul3A_49, %get3A_84, %dot_general3A_85 {dimension_numbers = #tpu.dot_dimension_numbers<[1], [0], [0], [1], [0, 0, 1, 1], [], []>, transpose_lhs_hint = false} : vector<1x256xf32>, vector<256x128xf32>, vector<1x128xf32> -> vector<1x128xf32>
      %get3A_87 = arith.constant 0 : index
      %get3A_88 = arith.constant 0 : index
      %get3A_89 = vector.load %arg10[%get3A_87, %get3A_88] : memref<1x128xf32, #tpu.memory_space<vmem>>, vector<1x128xf32>
      %add3A_90 = arith.addf %dot_general3A_86, %get3A_89 : vector<1x128xf32>
      %max3A_91 = arith.constant 0.000000e+00 : f32
      %max3A_92 = vector.broadcast %max3A_91 : f32 to vector<1x128xf32>
      %max3A_93 = arith.maximumf %add3A_90, %max3A_92 : vector<1x128xf32>
      %get3A_94 = arith.constant 0 : index
      %get3A_95 = arith.constant 0 : index
      %get3A_96 = vector.load %arg11[%get3A_94, %get3A_95] : memref<1x128xf32, #tpu.memory_space<vmem>>, vector<1x128xf32>
      %mul3A_97 = arith.mulf %max3A_93, %get3A_96 : vector<1x128xf32>
      %reduce_sum3A_98 = arith.constant dense<0.000000e+00> : vector<1xf32>
      %reduce_sum3A_99 = vector.multi_reduction <add>, %mul3A_97, %reduce_sum3A_98 [1] : vector<1x128xf32> to vector<1xf32>
      %broadcast_in_dim3A_100 = vector.shape_cast %reduce_sum3A_99 : vector<1xf32> to vector<1x1xf32>
      %get3A_101 = arith.constant 0 : index
      %get3A_102 = arith.constant 0 : index
      %get3A_103 = vector.load %arg12[%get3A_101, %get3A_102] : memref<1x1xf32, #tpu.memory_space<vmem>>, vector<1x1xf32>
      %add3A_104 = arith.addf %broadcast_in_dim3A_100, %get3A_103 : vector<1x1xf32>
      %logistic3A_105 = arith.negf %add3A_104 : vector<1x1xf32>
      %logistic3A_106 = math.exp %logistic3A_105 : vector<1x1xf32>
      %logistic3A_107 = arith.constant 1.000000e+00 : f32
      %logistic3A_108 = vector.broadcast %logistic3A_107 : f32 to vector<1x1xf32>
      %logistic3A_109 = arith.addf %logistic3A_108, %logistic3A_106 : vector<1x1xf32>
      %logistic3A_110 = arith.divf %logistic3A_108, %logistic3A_109 : vector<1x1xf32>
      %swap3A_111 = arith.constant 0 : index
      %swap3A_112 = arith.constant 0 : index
      %swap3A_113 = vector.load %arg20[%swap3A_111, %swap3A_112] : memref<1x1xf32, #tpu.memory_space<vmem>>, vector<1x1xf32>
      tpu.vector_store %arg20[%swap3A_111, %swap3A_112], %logistic3A_110 {strides = array<i32>} : memref<1x1xf32, #tpu.memory_space<vmem>>, vector<1x1xf32>,
      %get3A_114 = arith.constant 0 : index
      %get3A_115 = arith.constant 0 : index
      %get3A_116 = vector.load %arg13[%get3A_114, %get3A_115] : memref<256x128xf32, #tpu.memory_space<vmem>>, vector<256x128xf32>
      %dot_general3A_117 = arith.constant dense<0.000000e+00> : vector<1x128xf32>
      %dot_general3A_118 = tpu.matmul %mul3A_49, %get3A_116, %dot_general3A_117 {dimension_numbers = #tpu.dot_dimension_numbers<[1], [0], [0], [1], [0, 0, 1, 1], [], []>, transpose_lhs_hint = false} : vector<1x256xf32>, vector<256x128xf32>, vector<1x128xf32> -> vector<1x128xf32>
      %get3A_119 = arith.constant 0 : index
      %get3A_120 = arith.constant 0 : index
      %get3A_121 = vector.load %arg14[%get3A_119, %get3A_120] : memref<1x128xf32, #tpu.memory_space<vmem>>, vector<1x128xf32>
      %add3A_122 = arith.addf %dot_general3A_118, %get3A_121 : vector<1x128xf32>
      %max3A_123 = arith.constant 0.000000e+00 : f32
      %max3A_124 = vector.broadcast %max3A_123 : f32 to vector<1x128xf32>
      %max3A_125 = arith.maximumf %add3A_122, %max3A_124 : vector<1x128xf32>
      %get3A_126 = arith.constant 0 : index
      %get3A_127 = arith.constant 0 : index
      %get3A_128 = vector.load %arg15[%get3A_126, %get3A_127] : memref<128x6xf32, #tpu.memory_space<vmem>>, vector<128x6xf32>
      %dot_general3A_129 = arith.constant dense<0.000000e+00> : vector<1x6xf32>
      %dot_general3A_130 = tpu.matmul %max3A_125, %get3A_128, %dot_general3A_129 {dimension_numbers = #tpu.dot_dimension_numbers<[1], [0], [0], [1], [0, 0, 1, 1], [], []>, transpose_lhs_hint = false} : vector<1x128xf32>, vector<128x6xf32>, vector<1x6xf32> -> vector<1x6xf32>
      %get3A_131 = arith.constant 0 : index
      %get3A_132 = arith.constant 0 : index
      %get3A_133 = vector.load %arg16[%get3A_131, %get3A_132] : memref<1x6xf32, #tpu.memory_space<vmem>>, vector<1x6xf32>
      %add3A_134 = arith.addf %dot_general3A_130, %get3A_133 : vector<1x6xf32>
      %swap3A_135 = arith.constant 0 : index
      %swap3A_136 = arith.constant 0 : index
      %swap3A_137 = vector.load %arg21[%swap3A_135, %swap3A_136] : memref<1x6xf32, #tpu.memory_space<vmem>>, vector<1x6xf32>
      tpu.vector_store %arg21[%swap3A_135, %swap3A_136], %add3A_134 {strides = array<i32>} : memref<1x6xf32, #tpu.memory_space<vmem>>, vector<1x6xf32>,
    } else {
    }
    return
  }
  func.func @transform_0(%arg0: i32) -> (i32, i32) {
    %c0_i32 = arith.constant 0 : i32
    %c0_i32_0 = arith.constant 0 : i32
    return %arg0, %c0_i32 : i32, i32
  }
  func.func @transform_1(%arg0: i32) -> (i32, i32) {
    %c0_i32 = arith.constant 0 : i32
    %c0_i32_0 = arith.constant 0 : i32
    %c0_i32_1 = arith.constant 0 : i32
    return %c0_i32, %c0_i32_0 : i32, i32
  }
  func.func @transform_2(%arg0: i32) -> (i32, i32) {
    %c0_i32 = arith.constant 0 : i32
    %c0_i32_0 = arith.constant 0 : i32
    %c0_i32_1 = arith.constant 0 : i32
    return %c0_i32, %c0_i32_0 : i32, i32
  }
  func.func @transform_3(%arg0: i32) -> (i32, i32) {
    %c0_i32 = arith.constant 0 : i32
    %c0_i32_0 = arith.constant 0 : i32
    %c0_i32_1 = arith.constant 0 : i32
    return %c0_i32, %c0_i32_0 : i32, i32
  }
  func.func @transform_4(%arg0: i32) -> (i32, i32) {
    %c0_i32 = arith.constant 0 : i32
    %c0_i32_0 = arith.constant 0 : i32
    %c0_i32_1 = arith.constant 0 : i32
    return %c0_i32, %c0_i32_0 : i32, i32
  }
  func.func @transform_5(%arg0: i32) -> (i32, i32) {
    %c0_i32 = arith.constant 0 : i32
    %c0_i32_0 = arith.constant 0 : i32
    %c0_i32_1 = arith.constant 0 : i32
    return %c0_i32, %c0_i32_0 : i32, i32
  }
  func.func @transform_6(%arg0: i32) -> (i32, i32) {
    %c0_i32 = arith.constant 0 : i32
    %c0_i32_0 = arith.constant 0 : i32
    %c0_i32_1 = arith.constant 0 : i32
    return %c0_i32, %c0_i32_0 : i32, i32
  }
  func.func @transform_7(%arg0: i32) -> (i32, i32) {
    %c0_i32 = arith.constant 0 : i32
    %c0_i32_0 = arith.constant 0 : i32
    %c0_i32_1 = arith.constant 0 : i32
    return %c0_i32, %c0_i32_0 : i32, i32
  }
  func.func @transform_8(%arg0: i32) -> (i32, i32) {
    %c0_i32 = arith.constant 0 : i32
    %c0_i32_0 = arith.constant 0 : i32
    %c0_i32_1 = arith.constant 0 : i32
    return %c0_i32, %c0_i32_0 : i32, i32
  }
  func.func @transform_9(%arg0: i32) -> (i32, i32) {
    %c0_i32 = arith.constant 0 : i32
    %c0_i32_0 = arith.constant 0 : i32
    %c0_i32_1 = arith.constant 0 : i32
    return %c0_i32, %c0_i32_0 : i32, i32
  }
  func.func @transform_10(%arg0: i32) -> (i32, i32) {
    %c0_i32 = arith.constant 0 : i32
    %c0_i32_0 = arith.constant 0 : i32
    %c0_i32_1 = arith.constant 0 : i32
    return %c0_i32, %c0_i32_0 : i32, i32
  }
  func.func @transform_11(%arg0: i32) -> (i32, i32) {
    %c0_i32 = arith.constant 0 : i32
    %c0_i32_0 = arith.constant 0 : i32
    %c0_i32_1 = arith.constant 0 : i32
    return %c0_i32, %c0_i32_0 : i32, i32
  }
  func.func @transform_12(%arg0: i32) -> (i32, i32) {
    %c0_i32 = arith.constant 0 : i32
    %c0_i32_0 = arith.constant 0 : i32
    %c0_i32_1 = arith.constant 0 : i32
    return %c0_i32, %c0_i32_0 : i32, i32
  }
  func.func @transform_13(%arg0: i32) -> (i32, i32) {
    %c0_i32 = arith.constant 0 : i32
    %c0_i32_0 = arith.constant 0 : i32
    %c0_i32_1 = arith.constant 0 : i32
    return %c0_i32, %c0_i32_0 : i32, i32
  }
  func.func @transform_14(%arg0: i32) -> (i32, i32) {
    %c0_i32 = arith.constant 0 : i32
    %c0_i32_0 = arith.constant 0 : i32
    %c0_i32_1 = arith.constant 0 : i32
    return %c0_i32, %c0_i32_0 : i32, i32
  }
  func.func @transform_15(%arg0: i32) -> (i32, i32) {
    %c0_i32 = arith.constant 0 : i32
    %c0_i32_0 = arith.constant 0 : i32
    %c0_i32_1 = arith.constant 0 : i32
    return %c0_i32, %c0_i32_0 : i32, i32
  }
  func.func @transform_16(%arg0: i32) -> (i32, i32) {
    %c0_i32 = arith.constant 0 : i32
    %c0_i32_0 = arith.constant 0 : i32
    return %arg0, %c0_i32 : i32, i32
  }
  func.func @transform_17(%arg0: i32) -> (i32, i32) {
    %c0_i32 = arith.constant 0 : i32
    %c0_i32_0 = arith.constant 0 : i32
    %c0_i32_1 = arith.constant 0 : i32
    return %c0_i32, %c0_i32_0 : i32, i32
  }
  func.func @transform_18(%arg0: i32) -> (i32, i32) {
    %c0_i32 = arith.constant 0 : i32
    %c0_i32_0 = arith.constant 0 : i32
    %c0_i32_1 = arith.constant 0 : i32
    return %c0_i32, %c0_i32_0 : i32, i32
  }
  func.func @transform_19(%arg0: i32) -> (i32, i32) {
    %c0_i32 = arith.constant 0 : i32
    %c0_i32_0 = arith.constant 0 : i32
    %c0_i32_1 = arith.constant 0 : i32
    return %c0_i32, %c0_i32_0 : i32, i32
  }
  func.func @transform_20(%arg0: i32) -> (i32, i32) {
    %c0_i32 = arith.constant 0 : i32
    %c0_i32_0 = arith.constant 0 : i32
    %c0_i32_1 = arith.constant 0 : i32
    return %c0_i32, %c0_i32_0 : i32, i32
  }
}

</mosaic_0001>

<sc_bundles>
// kernel: kernel.13.cloned.1.call-start
scs
__scs_entry_jumppad:
0x0: {  	(pc) =	sbr.rel $0x88, $3  }
0x1: {  	(tag) =	ssettag $0x0;
	lr =	simm.s32 $0x1  }
0x2: {  	[smem:$0x3F85] =	sst lr;
	_ =	strace $0xD0000000  }
0x3: {  	_ = 	snop  }
0x4: {  	_ = 	snop  }
0x5: {  	_ = 	snop  }
0x6: {  	_ = 	snop  }
0x7: {  	_ = 	snop  }
__scs_overlays_trampoline_lowered:
0x8: {  	[smem:$0x3F94] =	sst s0  }
0x9: {  	[smem:$0x3F95] =	sst s1  }
0xa: {  	[smem:$0x3F96] =	sst s2  }
0xb: {  	[smem:$0x3F97] =	sst s3  }
0xc: {  	[smem:$0x3F98] =	sst s4  }
0xd: {  	[smem:$0x3F99] =	sst s5  }
0xe: {  	[smem:$0x3F9A] =	sst s6  }
0xf: {  	[smem:$0x3F9B] =	sst s7  }
0x10: {  	[smem:$0x3F9C] =	sst s8  }
0x11: {  	[smem:$0x3F9D] =	sst s9;
	s0 =	simm.s32 @!p0 $0x0  }
0x12: {  	s1 =	sld [smem:$0x3F83];
	s0 =	simm.s32 @p0 $0x1  }
0x13: {  	[smem:$0x3F9E] =	sst s0;
	s0 =	simm.s32 @!p1 $0x0  }
0x14: {  	s2 =	sld [smem:$0x3F82];
	s0 =	simm.s32 @p1 $0x1  }
0x15: {  	[smem:$0x3F9F] =	sst s0;
	s0 =	simm.s32 @!p2 $0x0  }
0x16: {  	s3 =	sld [smem:$0x3FDB];
	s0 =	simm.s32 @p2 $0x1  }
0x17: {  	s4 =	simm.s32 $0x1BF5;
	[smem:$0x3FA1] =	sst s0  }
0x18: {  	s0 =	sld [smem:$0x3F84];
	_ =	swait.ge [sflag:s4], $0x0  }
0x19: {  	s7 =	sld [smem:$0x3F85]  }
0x1a: {  	s8 =	sadd.s32 $0xFFFFE003, lr  }
0x1b: {  	s9 =	sadd.s32 $0xFFFFFEF7, lr;
	s5 =	simm.s32 $0xFFFFFFFF;
	p2 =	slt.u32 s8, $0xFFFFF086  }
0x1c: {  	p1 =	slt.u32 s9, $0xF7A;
	s5 =	simm.s32 @!p2 $0x0  }
0x1d: {  	s5 =	simm.s32 @p1 $0x1;
	p0 =	seq.s32 s7, s2  }
0x1e: {  	s7 =	smul.u32 @!p0 $0xF7A, s2;
	p2 =	seq.s32 @!p0 s5, $0x0  }
0x1f: {  	s9 =	smul.u32 $0xF7A, s1;
	s8 =	simm.s32 @!p0 $0x1BF5;
	p2 =	por !p2, p0  }
0x20: {  	[sflag:s8] =	ssyncset.s32 @!p0 $0xFFFFF086;
	s6 =	sadd.s32 @!p0 s3, s7;
	s7 =	simm.s32 @!p0 $0x108  }
0x21: {  	s3 =	sadd.s32 s3, s9;
	s6 =	sadd.s32 @!p0 $0x88, s6;
	s7 =	simm.s32 @p2 $0x1082  }
0x22: {  	[simem:s7], [sflag:s8] =	dma.local @!p0 [hbm:s6], $0xF7A  }
0x23: {  	s9 =	sor.u32 $0xD0000000, s2;
	s6 =	simm.s32 $0x108;
	_ =	swait.ge @!p0 [sflag:s8], $0x0  }
0x24: {  	s3 =	sadd.s32 $0x88, s3;
	s6 =	simm.s32 @!p1 $0x1082;
	[sflag:s4] =	ssyncset.s32 $0xFFFFF086  }
0x25: {  	[simem:s6], [sflag:s4] =	dma.local [hbm:s3], $0xF7A  }
0x26: {  	[smem:$0x3F85] =	sst s1;
	(tag) =	ssettag s2;
	_ =	strace s9  }
0x27: {  	s1 =	sld [smem:$0x3F95]  }
0x28: {  	s2 =	sld [smem:$0x3F96]  }
0x29: {  	s4 =	sld [smem:$0x3F98]  }
0x2a: {  	p0 =	seq.s32 s5, $0x0;
	s5 =	sld [smem:$0x3F99]  }
0x2b: {  	s6 =	sld [smem:$0x3F9A]  }
0x2c: {  	s7 =	sld [smem:$0x3F9B]  }
0x2d: {  	s3 =	simm.s32 $0x108;
	s8 =	sld [smem:$0x3F9C]  }
0x2e: {  	s3 =	simm.s32 @!p0 $0x1082;
	s9 =	sld [smem:$0x3F9D]  }
0x2f: {  	lr =	sadd.s32 s0, s3;
	s0 =	sld [smem:$0x3F94]  }
0x30: {  	s3 =	sld [smem:$0x3F97]  }
0x31: {  	[smem:$0x3FA0] =	sst s10  }
0x32: {  	s10 =	sld [smem:$0x3F9E];
	_ =	sdelay $0x3  }
0x33: {  	p0 =	seq.s32 s10, $0x1;
	s10 =	sld [smem:$0x3FA0];
	_ =	sdelay $0x3  }
0x34: {  	[smem:$0x3FA0] =	sst s10  }
0x35: {  	s10 =	sld [smem:$0x3F9F];
	_ =	sdelay $0x3  }
0x36: {  	p1 =	seq.s32 s10, $0x1;
	s10 =	sld [smem:$0x3FA0];
	_ =	sdelay $0x3  }
0x37: {  	[smem:$0x3FA0] =	sst s10  }
0x38: {  	s10 =	sld [smem:$0x3FA1]  }
0x39: {  	_ = 	snop;
	(pc) =	sbr.ind lr, $3  }
0x3a: {  	_ = 	snop  }
0x3b: {  	_ = 	snop  }
0x3c: {  	p2 =	seq.s32 s10, $0x1;
	s10 =	sld [smem:$0x3FA0]  }
0x3d: {  	_ =	shalt  }
0x3e: {  	_ =	shalt  }
0x3f: {  	_ =	shalt  }
0x40: {  	_ =	shalt  }
0x41: {  	_ =	shalt  }
0x42: {  	_ =	shalt  }
0x43: {  	_ =	shalt  }
0x44: {  	_ =	shalt  }
0x45: {  	_ =	shalt  }
0x46: {  	_ =	shalt  }
0x47: {  	_ =	shalt  }
0x48: {  	_ =	shalt  }
0x49: {  	_ =	shalt  }
0x4a: {  	_ =	shalt  }
0x4b: {  	_ =	shalt  }
0x4c: {  	_ =	shalt  }
0x4d: {  	_ =	shalt  }
0x4e: {  	_ =	shalt  }
0x4f: {  	_ =	shalt  }
0x50: {  	_ =	shalt  }
0x51: {  	_ =	shalt  }
0x52: {  	_ =	shalt  }
0x53: {  	_ =	shalt  }
0x54: {  	_ =	shalt  }
0x55: {  	_ =	shalt  }
0x56: {  	_ =	shalt  }
0x57: {  	_ =	shalt  }
0x58: {  	_ =	shalt  }
0x59: {  	_ =	shalt  }
0x5a: {  	_ =	shalt  }
0x5b: {  	_ =	shalt  }
0x5c: {  	_ =	shalt  }
0x5d: {  	_ =	shalt  }
0x5e: {  	_ =	shalt  }
0x5f: {  	_ =	shalt  }
0x60: {  	_ =	shalt  }
0x61: {  	_ =	shalt  }
0x62: {  	_ =	shalt  }
0x63: {  	_ =	shalt  }
0x64: {  	_ =	shalt  }
0x65: {  	_ =	shalt  }
0x66: {  	_ =	shalt  }
0x67: {  	_ =	shalt  }
0x68: {  	_ =	shalt  }
0x69: {  	_ =	shalt  }
0x6a: {  	_ =	shalt  }
0x6b: {  	_ =	shalt  }
0x6c: {  	_ =	shalt  }
0x6d: {  	_ =	shalt  }
0x6e: {  	_ =	shalt  }
0x6f: {  	_ =	shalt  }
0x70: {  	_ =	shalt  }
0x71: {  	_ =	shalt  }
0x72: {  	_ =	shalt  }
0x73: {  	_ =	shalt  }
0x74: {  	_ =	shalt  }
0x75: {  	_ =	shalt  }
0x76: {  	_ =	shalt  }
0x77: {  	_ =	shalt  }
0x78: {  	_ =	shalt  }
0x79: {  	_ =	shalt  }
0x7a: {  	_ =	shalt  }
0x7b: {  	_ =	shalt  }
0x7c: {  	_ =	shalt  }
0x7d: {  	_ =	shalt  }
0x7e: {  	_ =	shalt  }
0x7f: {  	_ =	shalt  }
0x80: {  	_ =	shalt  }
0x81: {  	_ =	shalt  }
0x82: {  	_ =	shalt  }
0x83: {  	_ =	shalt  }
0x84: {  	_ =	shalt  }
0x85: {  	_ =	shalt  }
0x86: {  	_ =	shalt  }
0x87: {  	_ =	shalt  }
.Lfunc_end0:
.L_simem_size_0:
called_computation_lowered:
.L_overlay_start_0:
0x88: {  	s2 =	sld [smem:$0x3FD9]  }
0x89: {  	s3 =	sld [smem:$0x3FFE];
	_ =	sdelay $0x1  }
0x8a: {  	s1 =	srdreg.scid  }
0x8b: {  	s0 =	sand.u32 $0x1, s1  }
0x8c: {  	s16 =	sshll.u32 s0, $0xA;
	s2 =	sadd.s32 s3, s2  }
0x8d: {  	s2 =	sadd.s32 s2, s16  }
0x8e: {  	[smem:$0x3FAC] =	sst s2  }
0x8f: {  	_ = 	snop  }
0x90: {  	(tm) =	ssettm $0x1  }
0x91: {  	s17 =	sld [smem:$0x3FFB];
	_ =	sdelay $0x3  }
0x92: {  	_ =	strace s17  }
0x93: {  	s2 =	sld [smem:$0x3FFC];
	_ =	sdelay $0x3  }
0x94: {  	_ =	strace s2  }
0x95: {  	s2 =	sld [smem:$0x3FFD];
	_ =	sdelay $0x3  }
0x96: {  	_ =	strace s2  }
0x97: {  	_ =	strace $0x8FFFFFFF  }
0x98: {  	s18 =	sld [smem:$0x3FDB];
	_ =	sdelay $0x1  }
0x99: {  	s19 =	simm.s32 $_scs_section_size  }
0x9a: {  	s4 =	simm.s32 $_size__tile_overlayer_lowered;
	s5 =	simm.s32 $_tile_overlayer_lowered  }
0x9b: {  	s22 =	simm.s32 $0x1BFF;
	s21 =	sshll.u32 s5, $0x1;
	s2 =	sadd.s32 s19, s18  }
0x9c: {  	s6 =	simm.s32 $0x0;
	s20 =	sshll.u32 s4, $0x1;
	s4 =	sadd.s32 s21, s2  }
0x9d: {  	[timem:s6], [sflag:s22] =	dma.local [hbm:s4], s20  }
0x9e: {  	_ =	swait.ge [sflag:s22], s20  }
0x9f: {  	s3 =	ssub.s32 $0x0, s20;
	[sflag:s22] =	ssyncset.done $0x0  }
0xa0: {  	[sflag:s22] =	ssyncadd.s32 s3;
	_ =	sdelay $0x1  }
0xa1: {  	s23 =	simm.s32 $0x1B8B  }
0xa2: {  	_ =	swait.ge [sflag:s23], $0x1  }
0xa3: {  	[sflag:s23] =	ssyncset.done $0x0  }
0xa4: {  	s25 =	simm.s32 $0x1B8E;
	s24 =	sld [smem:$0x3FFE];
	[sflag:s23] =	ssyncadd.s32 $0xFFFFFFFF  }
0xa5: {  	s26 =	simm.s32 $execute0_lowered;
	[smem:$0x3FD2] =	sst s25  }
0xa6: {  	s4 =	sshll.u32 s26, $0x1;
	_ =	strace $0x80000046;
	[dreg:$0x1] =	wrdreg $0xFFFFFFFF  }
0xa7: {  	s28 =	simm.s32 $_size_execute0_lowered;
	s2 =	sadd.s32 s2, s4;
	[dreg:$0x0] =	wrdreg $0x0  }
0xa8: {  	s4 =	sshll.u32 s28, $0x1;
	[dreg:$0x2] =	wrdreg s2  }
0xa9: {  	[dreg:$0x3] =	wrdreg s4  }
0xaa: {  	[dreg:$0x4] =	wrdreg $0xC0  }
0xab: {  	_ =	task [dreg:s6], $0x5FFFF  }
0xac: {  	[dreg:$0x1] =	wrdreg $0xFFFFFFFF  }
0xad: {  	[dreg:$0x0] =	wrdreg $0x60  }
0xae: {  	[dreg:$0x2] =	wrdreg s24  }
0xaf: {  	[dreg:$0x3] =	wrdreg $0x40800  }
0xb0: {  	[dreg:$0x4] =	wrdreg $0x9  }
0xb1: {  	_ =	task.clear_ibuf [dreg:s6], $0x5FFFF;
	_ =	strace $0x90000046  }
0xb2: {  	s29 =	simm.s32 $0x9;
	_ =	strace $0x80000048  }
0xb3: {  	_ =	swait.ge [sflag:s29], $0x1  }
0xb4: {  	[sflag:s29] =	ssyncadd.s32 $0xFFFFFFFF  }
0xb5: {  	_ =	strace $0x90000048  }
0xb6: {  	_ =	sfence  }
0xb7: {  	s30 =	sld [smem:$0x0];
	_ =	sdelay $0x2  }
0xb8: {  	s31 =	sshll.u32 s1, $0xD;
	s1 =	sshrl.u32 s1, $0x2  }
0xb9: {  	s3 =	sand.u32 $0x4000, s31;
	s1 =	sadd.s32 s1, s30  }
0xba: {  	s0 =	sor.u32 s3, s0;
	s1 =	sshll.u32 s1, $0x11  }
0xbb: {  	s0 =	sor.u32 s1, s0  }
0xbc: {  	s0 =	sadd.s32 $0x8F2B, s0  }
0xbd: {  	[sflag:s0] =	ssyncadd.remote.s32 $0x1  }
0xbe: {  	_ =	sfence.sel $0xFFFF  }
0xbf: {  	[dreg:$0x0] =	wrdreg $0xFFFFFFFF;
	(pc) =	sbr.abs _section_cstart, $3  }
0xc0: {  	[dreg:$0x1] =	wrdreg $0xFFFFFFFF  }
0xc1: {  	_ =	task.clear_ibuf [dreg:s6], $0x2FFFF;
	_ =	strace $0x9FFFFFFF  }
0xc2: {  	(tm) =	ssettm $0x7FFFFFFF  }
0xc3: {  	_ =	shalt  }
tec
execute0_lowered:
.L_overlay_start_1:
0x0: {  	(tag) =	ssettag $0x1  }
0x1: {  	s6 =	rddreg [dreg:$0x0];
	s1 =	stileid.u32  }
0x2: {  	s0 =	srdreg.scid;
	s5 =	smul.u32 $0x2700, s1  }
0x3: {  	s2 =	rddreg [dreg:$0x1];
	s3 =	simm.s32 $0x0;
	s10 =	smul.u32 $0x4E000, s1  }
0x4: {  	s7 =	sand.u32 $0x1, s0;
	s0 =	rddreg [dreg:$0x2];
	s11 =	smul.u32 $0x280, s1  }
0x5: {  	s13 =	simm.s32 $0x0;
	[smem:$0x7FF] =	sst s3;
	s4 =	smul.u32 $0x2800, s7  }
0x6: {  	s31 =	sshll.u32 s1, $0x6;
	s8 =	smul.u32 $0x27100, s7;
	s30 =	ssub.s32 $0x2, s7  }
0x7: {  	_ =	strace $0x80000047;
	s7 =	sshrl.u32 s30, $0x1;
	s10 =	sshrl.u32 s10, $0x2  }
0x8: {  	s9 =	sadd.s32 s4, s6;
	s4 =	sadd.s32 $0xF200, s6;
	s8 =	sadd.s32 s5, s8  }
0x9: {  	s5 =	sadd.s32 $0x11A00, s6;
	s12 =	ssub.s32 s30, s7;
	s10 =	sadd.s32 s10, s2  }
0xa: {  	s8 =	sadd.s32 s8, s6;
	s6 =	sor.u32 $0x1C01, s31;
	s9 =	sadd.s32 s11, s9  }
0xb: {  	s10 =	sshrl.u32 s10, $0x3;
	s11 =	simm.s32 $0x1;
	s7 =	sadd.s32 $0x12200, s8  }
0xc: {  	s8 =	smax.u32 s12, $0x1;
	s9 =	sadd.s32 $0x5200, s9;
	s12 =	simm.s32 $0x80  }
.LBB2_1:
0xd: {  	[spmem:s10], [sflag:s6] =	dma.local [hbm:s4], $0x2800  }
0xe: {  	_ =	swait.ge [sflag:s11], $0x2800  }
0xf: {  	[sflag:s11] =	ssyncset.done $0x0  }
0x10: {  	[sflag:s11] =	ssyncadd.s32 $0xFFFFD800  }
0x11: {  	[tilespmem:s12], [sflag:$0x1] =	stream.linear.gather [hbm4b:s5+s3], $0x4000, $0x38;
	[tilespmem:$0x17980] =	vst v63  }
0x12: {  	_ =	swait.ge [sflag:s11], $0x4000  }
0x13: {  	[sflag:s11] =	ssyncset.done $0x0  }
0x14: {  	[sflag:s11] =	ssyncadd.s32 $0xFFFFC000  }
0x15: {  	s14 =	sadd.s32 $0x0, s9;
	[bflag:$0x0] =	sbarrier.arrive $0xFFFF  }
0x16: {  	[tilespmem:s3], [sflag:$0x1] =	stream.linear.gather [hbm4b:s14+s3], $0x80, $0x38;
	[tilespmem:$0x17980] =	vst v63  }
0x17: {  	_ =	swait.ge [sflag:s11], $0x80  }
0x18: {  	[sflag:s11] =	ssyncset.done $0x0  }
0x19: {  	[sflag:s11] =	ssyncadd.s32 $0xFFFFFF80  }
0x1a: {  	[spmem:s2] =	stream.indirect.scatter.add.f32 [tilespmem:s12], [sflag:$0x1], $0x80, s3, s12, $0xb8;
	[tilespmem:$0x17980] =	vst v63  }
0x1b: {  	_ =	swait.ge [sflag:s11], $0x4000  }
0x1c: {  	s15 =	simm.s32 $0x20;
	s14 =	simm.s32 $0x10;
	[sflag:s11] =	ssyncset.done $0x0  }
.LBB2_2:
0x1d: {  	s16 =	sadd.s32 s14, s9  }
0x1e: {  	[sflag:s11] =	ssyncadd.s32 $0xFFFFC000;
	s14 =	smov.u32 s15;
	s17 =	sadd.s32 $0x10, s15  }
0x1f: {  	[tilespmem:s3], [sflag:$0x1] =	stream.linear.gather [hbm4b:s16+s3], $0x80, $0x38;
	[tilespmem:$0x17980] =	vst v63  }
0x20: {  	p0 =	sne.s32 s15, $0x270;
	_ =	swait.ge [sflag:s11], $0x80  }
.Ltmp0:
0x21: {  	[sflag:s11] =	ssyncset.done $0x0;
	(pc) =	sbr.rel @p0 .LBB2_2-.Ltmp0, $4  }
0x22: {  	[sflag:s11] =	ssyncadd.s32 $0xFFFFFF80  }
0x23: {  	[spmem:s2] =	stream.indirect.scatter.add.f32 [tilespmem:s12], [sflag:$0x1], $0x80, s3, s12, $0xb8;
	[tilespmem:$0x17980] =	vst v63  }
0x24: {  	_ =	swait.ge [sflag:s11], $0x4000  }
0x25: {  	s15 =	smov.u32 s17;
	[sflag:s11] =	ssyncset.done $0x0  }
0x26: {  	s14 =	sadd.s32 s14, s9;
	[sflag:s11] =	ssyncadd.s32 $0xFFFFC000  }
0x27: {  	[tilespmem:s3], [sflag:$0x1] =	stream.linear.gather [hbm4b:s14+s3], $0x80, $0x38;
	[tilespmem:$0x17980] =	vst v63  }
0x28: {  	_ =	swait.ge [sflag:s11], $0x80  }
0x29: {  	[sflag:s11] =	ssyncset.done $0x0  }
0x2a: {  	[sflag:s11] =	ssyncadd.s32 $0xFFFFFF80  }
0x2b: {  	[spmem:s2] =	stream.indirect.scatter.add.f32 [tilespmem:s12], [sflag:$0x1], $0x80, s3, s12, $0xb8;
	[tilespmem:$0x17980] =	vst v63  }
0x2c: {  	_ =	swait.ge [sflag:s11], $0x4000  }
0x2d: {  	s13 =	sadd.s32 $0x1, s13;
	[sflag:s11] =	ssyncset.done $0x0  }
0x2e: {  	p0 =	sne.s32 s13, s8;
	[sflag:s11] =	ssyncadd.s32 $0xFFFFC000  }
.Ltmp1:
0x2f: {  	[bflag:$0x0] =	sbarrier.arrive $0xFFFF;
	(pc) =	sbr.rel @p0 .LBB2_1-.Ltmp1, $4  }
0x30: {  	[hbm:s7], [sflag:s6] =	dma.local [spmem:s10], $0x2800  }
0x31: {  	_ =	swait.ge [sflag:s11], $0x2800  }
0x32: {  	[sflag:s11] =	ssyncset.done $0x0  }
0x33: {  	[sflag:s11] =	ssyncadd.s32 $0xFFFFD800  }
0x34: {  	_ =	sfence.sel $0x180000  }
0x35: {  	[bflag:$0x0] =	sbarrier.arrive $0xFFFF  }
0x36: {  	p0 =	sne.s32 s1, $0x0;
	_ =	strace $0x90000047  }
0x37: {  	s0 =	sadd.s32 @!p0 $0x100000, s0;
	[bflag:$0x2] =	sbarrier.arrive $0xFFFF  }
0x38: {  	[sflag:s0] =	ssyncadd.tile.s32 @!p0 $0x1;
	_ =	shalt  }
.Lfunc_end2:
_tile_overlayer_lowered:
.L_overlay_start_2:
0x39: {  	(tag) =	ssettag $0x2  }
0x3a: {  	s0 =	rddreg [dreg:$0x0];
	s2 =	stileid.u32  }
0x3b: {  	s1 =	rddreg [dreg:$0x1];
	p0 =	sne.s32 s2, $0x0  }
0x3c: {  	s3 =	rddreg [dreg:$0x2];
	[bflag:$0x3] =	sbarrier.arrive $0xFFFF;
	s2 =	simm.s32 @!p0 $0x1C01  }
0x3d: {  	[timem:s3], [sflag:s2] =	dma.local @!p0 [hbm:s0], s1  }
0x3e: {  	s0 =	simm.s32 @!p0 $0x1  }
0x3f: {  	_ =	swait.ge @!p0 [sflag:s0], s1  }
0x40: {  	s1 =	ssub.s32 @!p0 $0x0, s1;
	[sflag:s0] =	ssyncset.done @!p0 $0x0  }
0x41: {  	[sflag:s0] =	ssyncadd.s32 @!p0 s1  }
0x42: {  	[bflag:$0x3] =	sbarrier.arrive $0xFFFF  }
0x43: {  	_ =	shalt  }

// kernel: kernel.16.cloned.1.call-start
scs
__scs_entry_jumppad:
0x0: {  	(pc) =	sbr.rel $0x88, $3  }
0x1: {  	(tag) =	ssettag $0x0;
	lr =	simm.s32 $0x1  }
0x2: {  	[smem:$0x3F85] =	sst lr;
	_ =	strace $0xD0000000  }
0x3: {  	_ = 	snop  }
0x4: {  	_ = 	snop  }
0x5: {  	_ = 	snop  }
0x6: {  	_ = 	snop  }
0x7: {  	_ = 	snop  }
__scs_overlays_trampoline_lowered:
0x8: {  	[smem:$0x3F94] =	sst s0  }
0x9: {  	[smem:$0x3F95] =	sst s1  }
0xa: {  	[smem:$0x3F96] =	sst s2  }
0xb: {  	[smem:$0x3F97] =	sst s3  }
0xc: {  	[smem:$0x3F98] =	sst s4  }
0xd: {  	[smem:$0x3F99] =	sst s5  }
0xe: {  	[smem:$0x3F9A] =	sst s6  }
0xf: {  	[smem:$0x3F9B] =	sst s7  }
0x10: {  	[smem:$0x3F9C] =	sst s8  }
0x11: {  	[smem:$0x3F9D] =	sst s9;
	s0 =	simm.s32 @!p0 $0x0  }
0x12: {  	s1 =	sld [smem:$0x3F83];
	s0 =	simm.s32 @p0 $0x1  }
0x13: {  	[smem:$0x3F9E] =	sst s0;
	s0 =	simm.s32 @!p1 $0x0  }
0x14: {  	s2 =	sld [smem:$0x3F82];
	s0 =	simm.s32 @p1 $0x1  }
0x15: {  	[smem:$0x3F9F] =	sst s0;
	s0 =	simm.s32 @!p2 $0x0  }
0x16: {  	s3 =	sld [smem:$0x3FDB];
	s0 =	simm.s32 @p2 $0x1  }
0x17: {  	s4 =	simm.s32 $0x1BF5;
	[smem:$0x3FA1] =	sst s0  }
0x18: {  	s0 =	sld [smem:$0x3F84];
	_ =	swait.ge [sflag:s4], $0x0  }
0x19: {  	s7 =	sld [smem:$0x3F85]  }
0x1a: {  	s8 =	sadd.s32 $0xFFFFE003, lr  }
0x1b: {  	s9 =	sadd.s32 $0xFFFFFEF7, lr;
	s5 =	simm.s32 $0xFFFFFFFF;
	p2 =	slt.u32 s8, $0xFFFFF086  }
0x1c: {  	p1 =	slt.u32 s9, $0xF7A;
	s5 =	simm.s32 @!p2 $0x0  }
0x1d: {  	s5 =	simm.s32 @p1 $0x1;
	p0 =	seq.s32 s7, s2  }
0x1e: {  	s7 =	smul.u32 @!p0 $0xF7A, s2;
	p2 =	seq.s32 @!p0 s5, $0x0  }
0x1f: {  	s9 =	smul.u32 $0xF7A, s1;
	s8 =	simm.s32 @!p0 $0x1BF5;
	p2 =	por !p2, p0  }
0x20: {  	[sflag:s8] =	ssyncset.s32 @!p0 $0xFFFFF086;
	s6 =	sadd.s32 @!p0 s3, s7;
	s7 =	simm.s32 @!p0 $0x108  }
0x21: {  	s3 =	sadd.s32 s3, s9;
	s6 =	sadd.s32 @!p0 $0x88, s6;
	s7 =	simm.s32 @p2 $0x1082  }
0x22: {  	[simem:s7], [sflag:s8] =	dma.local @!p0 [hbm:s6], $0xF7A  }
0x23: {  	s9 =	sor.u32 $0xD0000000, s2;
	s6 =	simm.s32 $0x108;
	_ =	swait.ge @!p0 [sflag:s8], $0x0  }
0x24: {  	s3 =	sadd.s32 $0x88, s3;
	s6 =	simm.s32 @!p1 $0x1082;
	[sflag:s4] =	ssyncset.s32 $0xFFFFF086  }
0x25: {  	[simem:s6], [sflag:s4] =	dma.local [hbm:s3], $0xF7A  }
0x26: {  	[smem:$0x3F85] =	sst s1;
	(tag) =	ssettag s2;
	_ =	strace s9  }
0x27: {  	s1 =	sld [smem:$0x3F95]  }
0x28: {  	s2 =	sld [smem:$0x3F96]  }
0x29: {  	s4 =	sld [smem:$0x3F98]  }
0x2a: {  	p0 =	seq.s32 s5, $0x0;
	s5 =	sld [smem:$0x3F99]  }
0x2b: {  	s6 =	sld [smem:$0x3F9A]  }
0x2c: {  	s7 =	sld [smem:$0x3F9B]  }
0x2d: {  	s3 =	simm.s32 $0x108;
	s8 =	sld [smem:$0x3F9C]  }
0x2e: {  	s3 =	simm.s32 @!p0 $0x1082;
	s9 =	sld [smem:$0x3F9D]  }
0x2f: {  	lr =	sadd.s32 s0, s3;
	s0 =	sld [smem:$0x3F94]  }
0x30: {  	s3 =	sld [smem:$0x3F97]  }
0x31: {  	[smem:$0x3FA0] =	sst s10  }
0x32: {  	s10 =	sld [smem:$0x3F9E];
	_ =	sdelay $0x3  }
0x33: {  	p0 =	seq.s32 s10, $0x1;
	s10 =	sld [smem:$0x3FA0];
	_ =	sdelay $0x3  }
0x34: {  	[smem:$0x3FA0] =	sst s10  }
0x35: {  	s10 =	sld [smem:$0x3F9F];
	_ =	sdelay $0x3  }
0x36: {  	p1 =	seq.s32 s10, $0x1;
	s10 =	sld [smem:$0x3FA0];
	_ =	sdelay $0x3  }
0x37: {  	[smem:$0x3FA0] =	sst s10  }
0x38: {  	s10 =	sld [smem:$0x3FA1]  }
0x39: {  	_ = 	snop;
	(pc) =	sbr.ind lr, $3  }
0x3a: {  	_ = 	snop  }
0x3b: {  	_ = 	snop  }
0x3c: {  	p2 =	seq.s32 s10, $0x1;
	s10 =	sld [smem:$0x3FA0]  }
0x3d: {  	_ =	shalt  }
0x3e: {  	_ =	shalt  }
0x3f: {  	_ =	shalt  }
0x40: {  	_ =	shalt  }
0x41: {  	_ =	shalt  }
0x42: {  	_ =	shalt  }
0x43: {  	_ =	shalt  }
0x44: {  	_ =	shalt  }
0x45: {  	_ =	shalt  }
0x46: {  	_ =	shalt  }
0x47: {  	_ =	shalt  }
0x48: {  	_ =	shalt  }
0x49: {  	_ =	shalt  }
0x4a: {  	_ =	shalt  }
0x4b: {  	_ =	shalt  }
0x4c: {  	_ =	shalt  }
0x4d: {  	_ =	shalt  }
0x4e: {  	_ =	shalt  }
0x4f: {  	_ =	shalt  }
0x50: {  	_ =	shalt  }
0x51: {  	_ =	shalt  }
0x52: {  	_ =	shalt  }
0x53: {  	_ =	shalt  }
0x54: {  	_ =	shalt  }
0x55: {  	_ =	shalt  }
0x56: {  	_ =	shalt  }
0x57: {  	_ =	shalt  }
0x58: {  	_ =	shalt  }
0x59: {  	_ =	shalt  }
0x5a: {  	_ =	shalt  }
0x5b: {  	_ =	shalt  }
0x5c: {  	_ =	shalt  }
0x5d: {  	_ =	shalt  }
0x5e: {  	_ =	shalt  }
0x5f: {  	_ =	shalt  }
0x60: {  	_ =	shalt  }
0x61: {  	_ =	shalt  }
0x62: {  	_ =	shalt  }
0x63: {  	_ =	shalt  }
0x64: {  	_ =	shalt  }
0x65: {  	_ =	shalt  }
0x66: {  	_ =	shalt  }
0x67: {  	_ =	shalt  }
0x68: {  	_ =	shalt  }
0x69: {  	_ =	shalt  }
0x6a: {  	_ =	shalt  }
0x6b: {  	_ =	shalt  }
0x6c: {  	_ =	shalt  }
0x6d: {  	_ =	shalt  }
0x6e: {  	_ =	shalt  }
0x6f: {  	_ =	shalt  }
0x70: {  	_ =	shalt  }
0x71: {  	_ =	shalt  }
0x72: {  	_ =	shalt  }
0x73: {  	_ =	shalt  }
0x74: {  	_ =	shalt  }
0x75: {  	_ =	shalt  }
0x76: {  	_ =	shalt  }
0x77: {  	_ =	shalt  }
0x78: {  	_ =	shalt  }
0x79: {  	_ =	shalt  }
0x7a: {  	_ =	shalt  }
0x7b: {  	_ =	shalt  }
0x7c: {  	_ =	shalt  }
0x7d: {  	_ =	shalt  }
0x7e: {  	_ =	shalt  }
0x7f: {  	_ =	shalt  }
0x80: {  	_ =	shalt  }
0x81: {  	_ =	shalt  }
0x82: {  	_ =	shalt  }
0x83: {  	_ =	shalt  }
0x84: {  	_ =	shalt  }
0x85: {  	_ =	shalt  }
0x86: {  	_ =	shalt  }
0x87: {  	_ =	shalt  }
.Lfunc_end0:
.L_simem_size_0:
called_computation.1_lowered:
.L_overlay_start_0:
0x88: {  	s2 =	sld [smem:$0x3FD9]  }
0x89: {  	s3 =	sld [smem:$0x3FFE];
	_ =	sdelay $0x1  }
0x8a: {  	s1 =	srdreg.scid  }
0x8b: {  	s0 =	sand.u32 $0x1, s1  }
0x8c: {  	s14 =	sshll.u32 s0, $0xA;
	s2 =	sadd.s32 s3, s2  }
0x8d: {  	s2 =	sadd.s32 s2, s14  }
0x8e: {  	[smem:$0x3FAC] =	sst s2  }
0x8f: {  	_ = 	snop  }
0x90: {  	s2 =	sld [smem:$0x3FD0];
	_ =	sdelay $0x2  }
0x91: {  	s15 =	simm.s32 $0xA;
	s4 =	simm.s32 $0x10  }
0x92: {  	[smem:s4], [sflag:s15] =	dma.local [hbm:s2], $0x1  }
0x93: {  	_ =	swait.eq [sflag:s15], $0x1  }
0x94: {  	[sflag:s15] =	ssyncset.done $0x0  }
0x95: {  	[sflag:s15] =	ssyncadd.s32 $0xFFFFFFFF  }
0x96: {  	s16 =	sld [smem:$0x10];
	(tm) =	ssettm $0x1  }
0x97: {  	s17 =	sld [smem:$0x3FFB];
	_ =	sdelay $0x3  }
0x98: {  	_ =	strace s17  }
0x99: {  	s3 =	sld [smem:$0x3FFC];
	_ =	sdelay $0x3  }
0x9a: {  	_ =	strace s3  }
0x9b: {  	s3 =	sld [smem:$0x3FFD];
	_ =	sdelay $0x3  }
0x9c: {  	_ =	strace s3  }
0x9d: {  	_ =	strace $0x8FFFFFFF  }
0x9e: {  	s18 =	sld [smem:$0x3FDB];
	_ =	sdelay $0x1  }
0x9f: {  	s19 =	simm.s32 $_scs_section_size  }
0xa0: {  	s5 =	simm.s32 $_size__tile_overlayer_lowered;
	s6 =	simm.s32 $_tile_overlayer_lowered  }
0xa1: {  	s22 =	simm.s32 $0x1BFF;
	s21 =	sshll.u32 s6, $0x1;
	s3 =	sadd.s32 s19, s18  }
0xa2: {  	s7 =	simm.s32 $0x0;
	s20 =	sshll.u32 s5, $0x1;
	s5 =	sadd.s32 s21, s3  }
0xa3: {  	[timem:s7], [sflag:s22] =	dma.local [hbm:s5], s20  }
0xa4: {  	_ =	swait.ge [sflag:s22], s20  }
0xa5: {  	s4 =	ssub.s32 $0x0, s20;
	[sflag:s22] =	ssyncset.done $0x0  }
0xa6: {  	[sflag:s22] =	ssyncadd.s32 s4;
	_ =	sdelay $0x1  }
0xa7: {  	s23 =	simm.s32 $0x1B8B  }
0xa8: {  	_ =	swait.ge [sflag:s23], $0x1  }
0xa9: {  	[sflag:s23] =	ssyncset.done $0x0  }
0xaa: {  	s25 =	simm.s32 $0x1B8E;
	s24 =	sld [smem:$0x3FFE];
	[sflag:s23] =	ssyncadd.s32 $0xFFFFFFFF  }
0xab: {  	s26 =	simm.s32 $execute0_lowered;
	[smem:$0x3FD2] =	sst s25  }
0xac: {  	s5 =	sshll.u32 s26, $0x1;
	_ =	strace $0x80000049;
	[dreg:$0x1] =	wrdreg $0xFFFFFFFF  }
0xad: {  	s28 =	simm.s32 $_size_execute0_lowered;
	s3 =	sadd.s32 s3, s5;
	[dreg:$0x0] =	wrdreg $0x0  }
0xae: {  	s5 =	sshll.u32 s28, $0x1;
	[dreg:$0x2] =	wrdreg s3  }
0xaf: {  	[dreg:$0x3] =	wrdreg s5  }
0xb0: {  	[dreg:$0x4] =	wrdreg $0xC0  }
0xb1: {  	_ =	task [dreg:s7], $0x5FFFF  }
0xb2: {  	[dreg:$0x1] =	wrdreg $0xFFFFFFFF  }
0xb3: {  	[dreg:$0x0] =	wrdreg $0x60  }
0xb4: {  	[dreg:$0x2] =	wrdreg s16  }
0xb5: {  	[dreg:$0x3] =	wrdreg s24  }
0xb6: {  	[dreg:$0x4] =	wrdreg $0xA8000  }
0xb7: {  	[dreg:$0x5] =	wrdreg $0x9  }
0xb8: {  	_ =	task.clear_ibuf [dreg:s7], $0x6FFFF;
	_ =	strace $0x90000049  }
0xb9: {  	s29 =	simm.s32 $0x9;
	_ =	strace $0x8000004B  }
0xba: {  	_ =	swait.ge [sflag:s29], $0x1  }
0xbb: {  	[sflag:s29] =	ssyncadd.s32 $0xFFFFFFFF  }
0xbc: {  	_ =	strace $0x9000004B  }
0xbd: {  	_ =	sfence  }
0xbe: {  	s30 =	sld [smem:$0x0];
	_ =	sdelay $0x2  }
0xbf: {  	s31 =	sshll.u32 s1, $0xD;
	s1 =	sshrl.u32 s1, $0x2  }
0xc0: {  	s3 =	sand.u32 $0x4000, s31;
	s1 =	sadd.s32 s1, s30  }
0xc1: {  	s0 =	sor.u32 s3, s0;
	s1 =	sshll.u32 s1, $0x11  }
0xc2: {  	s0 =	sor.u32 s1, s0  }
0xc3: {  	s0 =	sadd.s32 $0x8F2B, s0  }
0xc4: {  	[sflag:s0] =	ssyncadd.remote.s32 $0x1  }
0xc5: {  	_ =	sfence.sel $0xFFFF  }
0xc6: {  	[dreg:$0x0] =	wrdreg $0xFFFFFFFF;
	(pc) =	sbr.abs _section_cstart, $3  }
0xc7: {  	[dreg:$0x1] =	wrdreg $0xFFFFFFFF  }
0xc8: {  	_ =	task.clear_ibuf [dreg:s7], $0x2FFFF;
	_ =	strace $0x9FFFFFFF  }
0xc9: {  	(tm) =	ssettm $0x7FFFFFFF  }
tec
execute0_lowered:
.L_overlay_start_1:
0x0: {  	(tag) =	ssettag $0x1  }
0x1: {  	s14 =	rddreg [dreg:$0x0]  }
0x2: {  	s5 =	rddreg [dreg:$0x1]  }
0x3: {  	s1 =	rddreg [dreg:$0x2]  }
0x4: {  	s0 =	rddreg [dreg:$0x3];
	s3 =	simm.s32 $0x0  }
0x5: {  	s4 =	srdreg.scid;
	s2 =	stileid.u32;
	s20 =	simm.s32 $0x80  }
0x6: {  	s21 =	simm.s32 $0x2800;
	s22 =	simm.s32 $0x6800;
	s11 =	smul.u32 $0x270, s2  }
0x7: {  	[smem:$0x7FF] =	sst s3;
	s8 =	sand.u32 $0x1, s4;
	s7 =	smul.u32 $0x4E000, s2  }
0x8: {  	s10 =	sadd.s32 $0xA200, s5;
	s4 =	sadd.s32 $0x60400, s5;
	s13 =	smul.u32 $0x500, s2  }
0x9: {  	s15 =	sadd.s32 $0xFC800, s5;
	s29 =	sshll.u32 s2, $0x6;
	s18 =	smul.u32 $0x2800, s2  }
0xa: {  	_ =	strace $0x8000004A;
	s6 =	ssub.s32 $0x2, s8;
	s12 =	smul.u32 $0x4E20, s8  }
0xb: {  	s23 =	sshll.u32 s8, $0x5;
	s19 =	sshllo.u32 s8, $0x1;
	s9 =	sshrl.u32 s6, $0x1  }
0xc: {  	s24 =	sshrl.u32 s7, $0x2;
	s26 =	sor.u32 s2, s23;
	s8 =	sadd.s32 s10, s13  }
0xd: {  	s30 =	sshll.u32 s19, $0x4;
	s18 =	sshrl.u32 s18, $0x3;
	s19 =	smul.u32 $0x2710, s19  }
0xe: {  	s23 =	simm.s32 $0x1;
	s16 =	ssub.s32 s6, s9;
	s28 =	smul.u32 $0x500, s26  }
0xf: {  	s25 =	sadd.s32 s11, s12;
	s17 =	sadd.s32 s24, s1;
	s9 =	smul.u32 $0x2800, s26  }
0x10: {  	s6 =	sor.u32 $0x1C03, s29;
	s13 =	sor.u32 s2, s30;
	s10 =	sadd.s32 s10, s18  }
0x11: {  	s24 =	simm.s32 $0x2;
	s12 =	sshll.u32 s25, $0x4;
	s31 =	smul.u32 $0x2800, s13  }
0x12: {  	s10 =	sadd.s32 $0x280, s10;
	s19 =	sadd.s32 s11, s19;
	s13 =	smul.u32 $0x500, s13  }
0x13: {  	s16 =	smax.u32 s16, $0x1;
	s17 =	sshrl.u32 s17, $0x3;
	s25 =	simm.s32 $0x0  }
0x14: {  	s5 =	sadd.s32 s4, s12;
	s7 =	sadd.s32 s14, s28;
	s9 =	sshrl.u32 s9, $0x3  }
0x15: {  	s11 =	sadd.s32 s15, s12;
	s19 =	sshll.u32 s19, $0x4;
	s9 =	sadd.s32 s14, s9  }
0x16: {  	s18 =	sshrl.u32 s31, $0x3;
	s12 =	sadd.s32 s4, s19;
	s13 =	sadd.s32 s14, s13  }
0x17: {  	s15 =	sadd.s32 s15, s19;
	s19 =	simm.s32 $0x1400;
	s14 =	sadd.s32 s14, s18  }
0x18: {  	s9 =	sadd.s32 $0x280, s9;
	s18 =	simm.s32 $0x3;
	s14 =	sadd.s32 $0x280, s14  }
.LBB2_1:
0x19: {  	[spmem:s17], [sflag:s6] =	dma.local [hbm:s5], $0x2800  }
0x1a: {  	_ =	swait.ge [sflag:s18], $0x2800  }
0x1b: {  	[sflag:s18] =	ssyncset.done $0x0  }
0x1c: {  	[sflag:s18] =	ssyncadd.s32 $0xFFFFD800  }
0x1d: {  	[bflag:$0x0] =	sbarrier.arrive $0xFFFF  }
0x1e: {  	[tilespmem:s3], [sflag:$0x3] =	stream.linear.gather [hbm4b:s7+s3], $0x1400, $0x38;
	[tilespmem:$0x1E100] =	vst v63  }
0x1f: {  	_ =	swait.ge [sflag:s18], $0x1400  }
0x20: {  	[sflag:s18] =	ssyncset.done $0x0  }
0x21: {  	[sflag:s18] =	ssyncadd.s32 $0xFFFFEC00  }
0x22: {  	[tilespmem:s19], [sflag:$0x3] =	stream.linear.gather [hbm4b:s8+s3], $0x1400, $0x38;
	[tilespmem:$0x1E100] =	vst v63  }
0x23: {  	_ =	swait.ge [sflag:s18], $0x1400  }
0x24: {  	[sflag:s18] =	ssyncset.done $0x0  }
0x25: {  	s26 =	simm.s32 $0x0;
	[sflag:s18] =	ssyncadd.s32 $0xFFFFEC00  }
0x26: {  	[tilespmem:s21], [sflag:$0x1] =	stream.indirect.gather [hbm4b:s4+s20], $0x80, s26, s20, $0xb8;
	[tilespmem:$0x1E100] =	vst v63  }
0x27: {  	s29 =	simm.s32 $0x80  }
0x28: {  	[tilespmem:s22], [sflag:$0x2] =	stream.indirect.gather [hbm4b:s4+s20], $0x80, s29, s20, $0xb8;
	[tilespmem:$0x1E100] =	vst v63  }
0x29: {  	_ =	swait.ge [sflag:s23], $0x4000  }
0x2a: {  	[sflag:s23] =	ssyncset.done $0x0  }
0x2b: {  	s30 =	simm.s32 $0x1400;
	[sflag:s23] =	ssyncadd.s32 $0xFFFFC000  }
0x2c: {  	[spmem:s1] =	stream.indirect.scatter.add.f32 [tilespmem:s21], [sflag:$0x3], $0x80, s30, s20, $0xb8;
	[tilespmem:$0x1E100] =	vst v63  }
0x2d: {  	_ =	swait.ge [sflag:s18], $0x4000  }
0x2e: {  	[sflag:s18] =	ssyncset.done $0x0  }
0x2f: {  	[sflag:s18] =	ssyncadd.s32 $0xFFFFC000  }
0x30: {  	_ =	swait.ge [sflag:s24], $0x4000  }
0x31: {  	[sflag:s24] =	ssyncset.done $0x0  }
0x32: {  	s31 =	simm.s32 $0x1480;
	[sflag:s24] =	ssyncadd.s32 $0xFFFFC000  }
0x33: {  	[spmem:s1] =	stream.indirect.scatter.add.f32 [tilespmem:s22], [sflag:$0x3], $0x80, s31, s20, $0xb8;
	[tilespmem:$0x1E100] =	vst v63  }
0x34: {  	_ =	swait.ge [sflag:s18], $0x4000  }
0x35: {  	s28 =	simm.s32 $0x800;
	s26 =	simm.s32 $0x400;
	[sflag:s18] =	ssyncset.done $0x0  }
.LBB2_2:
0x36: {  	s29 =	sshra.s32 s26, $0x2  }
0x37: {  	[sflag:s18] =	ssyncadd.s32 $0xFFFFC000;
	s26 =	smov.u32 s28;
	s30 =	sadd.s32 $0x400, s28  }
0x38: {  	[tilespmem:s21], [sflag:$0x1] =	stream.indirect.gather [hbm4b:s4+s20], $0x80, s29, s20, $0xb8;
	[tilespmem:$0x1E100] =	vst v63  }
0x39: {  	p0 =	sne.s32 s28, $0x4C00;
	s28 =	sadd.s32 $0x80, s29  }
0x3a: {  	[tilespmem:s22], [sflag:$0x2] =	stream.indirect.gather [hbm4b:s4+s20], $0x80, s28, s20, $0xb8;
	[tilespmem:$0x1E100] =	vst v63  }
0x3b: {  	_ =	swait.ge [sflag:s23], $0x4000  }
0x3c: {  	[sflag:s23] =	ssyncset.done $0x0  }
0x3d: {  	s28 =	sadd.s32 $0x1400, s29;
	[sflag:s23] =	ssyncadd.s32 $0xFFFFC000  }
0x3e: {  	[spmem:s1] =	stream.indirect.scatter.add.f32 [tilespmem:s21], [sflag:$0x3], $0x80, s28, s20, $0xb8;
	[tilespmem:$0x1E100] =	vst v63  }
0x3f: {  	_ =	swait.ge [sflag:s18], $0x4000  }
0x40: {  	[sflag:s18] =	ssyncset.done $0x0  }
0x41: {  	[sflag:s18] =	ssyncadd.s32 $0xFFFFC000  }
0x42: {  	_ =	swait.ge [sflag:s24], $0x4000  }
.Ltmp0:
0x43: {  	[sflag:s24] =	ssyncset.done $0x0;
	(pc) =	sbr.rel @p0 .LBB2_2-.Ltmp0, $4  }
0x44: {  	s28 =	sadd.s32 $0x1480, s29;
	[sflag:s24] =	ssyncadd.s32 $0xFFFFC000  }
0x45: {  	[spmem:s1] =	stream.indirect.scatter.add.f32 [tilespmem:s22], [sflag:$0x3], $0x80, s28, s20, $0xb8;
	[tilespmem:$0x1E100] =	vst v63  }
0x46: {  	_ =	swait.ge [sflag:s18], $0x4000  }
0x47: {  	s28 =	smov.u32 s30;
	[sflag:s18] =	ssyncset.done $0x0  }
0x48: {  	s26 =	sshra.s32 s26, $0x2;
	[sflag:s18] =	ssyncadd.s32 $0xFFFFC000  }
0x49: {  	[tilespmem:s21], [sflag:$0x1] =	stream.indirect.gather [hbm4b:s4+s20], $0x80, s26, s20, $0xb8;
	[tilespmem:$0x1E100] =	vst v63  }
0x4a: {  	s28 =	sadd.s32 $0x80, s26  }
0x4b: {  	[tilespmem:s22], [sflag:$0x2] =	stream.indirect.gather [hbm4b:s4+s20], $0x80, s28, s20, $0xb8;
	[tilespmem:$0x1E100] =	vst v63  }
0x4c: {  	_ =	swait.ge [sflag:s23], $0x4000  }
0x4d: {  	[sflag:s23] =	ssyncset.done $0x0  }
0x4e: {  	s28 =	sadd.s32 $0x1400, s26;
	[sflag:s23] =	ssyncadd.s32 $0xFFFFC000  }
0x4f: {  	[spmem:s1] =	stream.indirect.scatter.add.f32 [tilespmem:s21], [sflag:$0x3], $0x80, s28, s20, $0xb8;
	[tilespmem:$0x1E100] =	vst v63  }
0x50: {  	_ =	swait.ge [sflag:s18], $0x4000  }
0x51: {  	[sflag:s18] =	ssyncset.done $0x0  }
0x52: {  	[sflag:s18] =	ssyncadd.s32 $0xFFFFC000  }
0x53: {  	_ =	swait.ge [sflag:s24], $0x4000  }
0x54: {  	[sflag:s24] =	ssyncset.done $0x0  }
0x55: {  	s26 =	sadd.s32 $0x1480, s26;
	[sflag:s24] =	ssyncadd.s32 $0xFFFFC000  }
0x56: {  	[spmem:s1] =	stream.indirect.scatter.add.f32 [tilespmem:s22], [sflag:$0x3], $0x80, s26, s20, $0xb8;
	[tilespmem:$0x1E100] =	vst v63  }
0x57: {  	_ =	swait.ge [sflag:s18], $0x4000  }
0x58: {  	[sflag:s18] =	ssyncset.done $0x0  }
0x59: {  	s30 =	simm.s32 $0x0;
	[sflag:s18] =	ssyncadd.s32 $0xFFFFC000  }
0x5a: {  	[tilespmem:s30], [sflag:$0x3] =	stream.linear.gather [hbm4b:s9+s30], $0x1400, $0x38;
	[tilespmem:$0x1E100] =	vst v63  }
0x5b: {  	_ =	swait.ge [sflag:s18], $0x1400  }
0x5c: {  	[sflag:s18] =	ssyncset.done $0x0  }
0x5d: {  	[sflag:s18] =	ssyncadd.s32 $0xFFFFEC00  }
0x5e: {  	[tilespmem:s19], [sflag:$0x3] =	stream.linear.gather [hbm4b:s10+s30], $0x1400, $0x38;
	[tilespmem:$0x1E100] =	vst v63  }
0x5f: {  	_ =	swait.ge [sflag:s18], $0x1400  }
0x60: {  	[sflag:s18] =	ssyncset.done $0x0  }
0x61: {  	s31 =	simm.s32 $0x0;
	[sflag:s18] =	ssyncadd.s32 $0xFFFFEC00  }
0x62: {  	[tilespmem:s21], [sflag:$0x1] =	stream.indirect.gather [hbm4b:s4+s20], $0x80, s31, s20, $0xb8;
	[tilespmem:$0x1E100] =	vst v63  }
0x63: {  	s29 =	simm.s32 $0x80  }
0x64: {  	[tilespmem:s22], [sflag:$0x2] =	stream.indirect.gather [hbm4b:s4+s20], $0x80, s29, s20, $0xb8;
	[tilespmem:$0x1E100] =	vst v63  }
0x65: {  	_ =	swait.ge [sflag:s23], $0x4000  }
0x66: {  	[sflag:s23] =	ssyncset.done $0x0  }
0x67: {  	s30 =	simm.s32 $0x1400;
	[sflag:s23] =	ssyncadd.s32 $0xFFFFC000  }
0x68: {  	[spmem:s1] =	stream.indirect.scatter.add.f32 [tilespmem:s21], [sflag:$0x3], $0x80, s30, s20, $0xb8;
	[tilespmem:$0x1E100] =	vst v63  }
0x69: {  	_ =	swait.ge [sflag:s18], $0x4000  }
0x6a: {  	[sflag:s18] =	ssyncset.done $0x0  }
0x6b: {  	[sflag:s18] =	ssyncadd.s32 $0xFFFFC000  }
0x6c: {  	_ =	swait.ge [sflag:s24], $0x4000  }
0x6d: {  	[sflag:s24] =	ssyncset.done $0x0  }
0x6e: {  	s31 =	simm.s32 $0x1480;
	[sflag:s24] =	ssyncadd.s32 $0xFFFFC000  }
0x6f: {  	[spmem:s1] =	stream.indirect.scatter.add.f32 [tilespmem:s22], [sflag:$0x3], $0x80, s31, s20, $0xb8;
	[tilespmem:$0x1E100] =	vst v63  }
0x70: {  	_ =	swait.ge [sflag:s18], $0x4000  }
0x71: {  	s28 =	simm.s32 $0x800;
	s26 =	simm.s32 $0x400;
	[sflag:s18] =	ssyncset.done $0x0  }
.LBB2_4:
0x72: {  	s29 =	sshra.s32 s26, $0x2  }
0x73: {  	[sflag:s18] =	ssyncadd.s32 $0xFFFFC000;
	s26 =	smov.u32 s28;
	s30 =	sadd.s32 $0x400, s28  }
0x74: {  	[tilespmem:s21], [sflag:$0x1] =	stream.indirect.gather [hbm4b:s4+s20], $0x80, s29, s20, $0xb8;
	[tilespmem:$0x1E100] =	vst v63  }
0x75: {  	p0 =	sne.s32 s28, $0x4C00;
	s28 =	sadd.s32 $0x80, s29  }
0x76: {  	[tilespmem:s22], [sflag:$0x2] =	stream.indirect.gather [hbm4b:s4+s20], $0x80, s28, s20, $0xb8;
	[tilespmem:$0x1E100] =	vst v63  }
0x77: {  	_ =	swait.ge [sflag:s23], $0x4000  }
0x78: {  	[sflag:s23] =	ssyncset.done $0x0  }
0x79: {  	s28 =	sadd.s32 $0x1400, s29;
	[sflag:s23] =	ssyncadd.s32 $0xFFFFC000  }
0x7a: {  	[spmem:s1] =	stream.indirect.scatter.add.f32 [tilespmem:s21], [sflag:$0x3], $0x80, s28, s20, $0xb8;
	[tilespmem:$0x1E100] =	vst v63  }
0x7b: {  	_ =	swait.ge [sflag:s18], $0x4000  }
0x7c: {  	[sflag:s18] =	ssyncset.done $0x0  }
0x7d: {  	[sflag:s18] =	ssyncadd.s32 $0xFFFFC000  }
0x7e: {  	_ =	swait.ge [sflag:s24], $0x4000  }
.Ltmp1:
0x7f: {  	[sflag:s24] =	ssyncset.done $0x0;
	(pc) =	sbr.rel @p0 .LBB2_4-.Ltmp1, $4  }
0x80: {  	s28 =	sadd.s32 $0x1480, s29;
	[sflag:s24] =	ssyncadd.s32 $0xFFFFC000  }
0x81: {  	[spmem:s1] =	stream.indirect.scatter.add.f32 [tilespmem:s22], [sflag:$0x3], $0x80, s28, s20, $0xb8;
	[tilespmem:$0x1E100] =	vst v63  }
0x82: {  	_ =	swait.ge [sflag:s18], $0x4000  }
0x83: {  	s28 =	smov.u32 s30;
	[sflag:s18] =	ssyncset.done $0x0  }
0x84: {  	s26 =	sshra.s32 s26, $0x2;
	[sflag:s18] =	ssyncadd.s32 $0xFFFFC000  }
0x85: {  	[tilespmem:s21], [sflag:$0x1] =	stream.indirect.gather [hbm4b:s4+s20], $0x80, s26, s20, $0xb8;
	[tilespmem:$0x1E100] =	vst v63  }
0x86: {  	s28 =	sadd.s32 $0x80, s26  }
0x87: {  	[tilespmem:s22], [sflag:$0x2] =	stream.indirect.gather [hbm4b:s4+s20], $0x80, s28, s20, $0xb8;
	[tilespmem:$0x1E100] =	vst v63  }
0x88: {  	_ =	swait.ge [sflag:s23], $0x4000  }
0x89: {  	[sflag:s23] =	ssyncset.done $0x0  }
0x8a: {  	s28 =	sadd.s32 $0x1400, s26;
	[sflag:s23] =	ssyncadd.s32 $0xFFFFC000  }
0x8b: {  	[spmem:s1] =	stream.indirect.scatter.add.f32 [tilespmem:s21], [sflag:$0x3], $0x80, s28, s20, $0xb8;
	[tilespmem:$0x1E100] =	vst v63  }
0x8c: {  	_ =	swait.ge [sflag:s18], $0x4000  }
0x8d: {  	[sflag:s18] =	ssyncset.done $0x0  }
0x8e: {  	[sflag:s18] =	ssyncadd.s32 $0xFFFFC000  }
0x8f: {  	_ =	swait.ge [sflag:s24], $0x4000  }
0x90: {  	[sflag:s24] =	ssyncset.done $0x0  }
0x91: {  	s26 =	sadd.s32 $0x1480, s26;
	[sflag:s24] =	ssyncadd.s32 $0xFFFFC000  }
0x92: {  	[spmem:s1] =	stream.indirect.scatter.add.f32 [tilespmem:s22], [sflag:$0x3], $0x80, s26, s20, $0xb8;
	[tilespmem:$0x1E100] =	vst v63  }
0x93: {  	_ =	swait.ge [sflag:s18], $0x4000  }
0x94: {  	[sflag:s18] =	ssyncset.done $0x0  }
0x95: {  	[sflag:s18] =	ssyncadd.s32 $0xFFFFC000  }
0x96: {  	[bflag:$0x0] =	sbarrier.arrive $0xFFFF  }
0x97: {  	[hbm:s11], [sflag:s6] =	dma.local [spmem:s17], $0x2800  }
0x98: {  	_ =	swait.ge [sflag:s18], $0x2800  }
0x99: {  	[sflag:s18] =	ssyncset.done $0x0  }
0x9a: {  	[sflag:s18] =	ssyncadd.s32 $0xFFFFD800  }
0x9b: {  	[bflag:$0x0] =	sbarrier.arrive $0xFFFF  }
0x9c: {  	[spmem:s17], [sflag:s6] =	dma.local [hbm:s12], $0x2800  }
0x9d: {  	_ =	swait.ge [sflag:s18], $0x2800  }
0x9e: {  	[sflag:s18] =	ssyncset.done $0x0  }
0x9f: {  	[sflag:s18] =	ssyncadd.s32 $0xFFFFD800  }
0xa0: {  	s30 =	simm.s32 $0x0;
	[bflag:$0x0] =	sbarrier.arrive $0xFFFF  }
0xa1: {  	[tilespmem:s30], [sflag:$0x3] =	stream.linear.gather [hbm4b:s13+s30], $0x1400, $0x38;
	[tilespmem:$0x1E100] =	vst v63  }
0xa2: {  	_ =	swait.ge [sflag:s18], $0x1400  }
0xa3: {  	[sflag:s18] =	ssyncset.done $0x0  }
0xa4: {  	[sflag:s18] =	ssyncadd.s32 $0xFFFFEC00  }
0xa5: {  	[tilespmem:s19], [sflag:$0x3] =	stream.linear.gather [hbm4b:s8+s30], $0x1400, $0x38;
	[tilespmem:$0x1E100] =	vst v63  }
0xa6: {  	_ =	swait.ge [sflag:s18], $0x1400  }
0xa7: {  	[sflag:s18] =	ssyncset.done $0x0  }
0xa8: {  	s31 =	simm.s32 $0x0;
	[sflag:s18] =	ssyncadd.s32 $0xFFFFEC00  }
0xa9: {  	[tilespmem:s21], [sflag:$0x1] =	stream.indirect.gather [hbm4b:s4+s20], $0x80, s31, s20, $0xb8;
	[tilespmem:$0x1E100] =	vst v63  }
0xaa: {  	s29 =	simm.s32 $0x80  }
0xab: {  	[tilespmem:s22], [sflag:$0x2] =	stream.indirect.gather [hbm4b:s4+s20], $0x80, s29, s20, $0xb8;
	[tilespmem:$0x1E100] =	vst v63  }
0xac: {  	_ =	swait.ge [sflag:s23], $0x4000  }
0xad: {  	[sflag:s23] =	ssyncset.done $0x0  }
0xae: {  	s30 =	simm.s32 $0x1400;
	[sflag:s23] =	ssyncadd.s32 $0xFFFFC000  }
0xaf: {  	[spmem:s1] =	stream.indirect.scatter.add.f32 [tilespmem:s21], [sflag:$0x3], $0x80, s30, s20, $0xb8;
	[tilespmem:$0x1E100] =	vst v63  }
0xb0: {  	_ =	swait.ge [sflag:s18], $0x4000  }
0xb1: {  	[sflag:s18] =	ssyncset.done $0x0  }
0xb2: {  	[sflag:s18] =	ssyncadd.s32 $0xFFFFC000  }
0xb3: {  	_ =	swait.ge [sflag:s24], $0x4000  }
0xb4: {  	[sflag:s24] =	ssyncset.done $0x0  }
0xb5: {  	s31 =	simm.s32 $0x1480;
	[sflag:s24] =	ssyncadd.s32 $0xFFFFC000  }
0xb6: {  	[spmem:s1] =	stream.indirect.scatter.add.f32 [tilespmem:s22], [sflag:$0x3], $0x80, s31, s20, $0xb8;
	[tilespmem:$0x1E100] =	vst v63  }
0xb7: {  	_ =	swait.ge [sflag:s18], $0x4000  }
0xb8: {  	s28 =	simm.s32 $0x800;
	s26 =	simm.s32 $0x400;
	[sflag:s18] =	ssyncset.done $0x0  }
.LBB2_6:
0xb9: {  	s29 =	sshra.s32 s26, $0x2  }
0xba: {  	[sflag:s18] =	ssyncadd.s32 $0xFFFFC000;
	s26 =	smov.u32 s28;
	s30 =	sadd.s32 $0x400, s28  }
0xbb: {  	[tilespmem:s21], [sflag:$0x1] =	stream.indirect.gather [hbm4b:s4+s20], $0x80, s29, s20, $0xb8;
	[tilespmem:$0x1E100] =	vst v63  }
0xbc: {  	p0 =	sne.s32 s28, $0x4C00;
	s28 =	sadd.s32 $0x80, s29  }
0xbd: {  	[tilespmem:s22], [sflag:$0x2] =	stream.indirect.gather [hbm4b:s4+s20], $0x80, s28, s20, $0xb8;
	[tilespmem:$0x1E100] =	vst v63  }
0xbe: {  	_ =	swait.ge [sflag:s23], $0x4000  }
0xbf: {  	[sflag:s23] =	ssyncset.done $0x0  }
0xc0: {  	s28 =	sadd.s32 $0x1400, s29;
	[sflag:s23] =	ssyncadd.s32 $0xFFFFC000  }
0xc1: {  	[spmem:s1] =	stream.indirect.scatter.add.f32 [tilespmem:s21], [sflag:$0x3], $0x80, s28, s20, $0xb8;
	[tilespmem:$0x1E100] =	vst v63  }
0xc2: {  	_ =	swait.ge [sflag:s18], $0x4000  }
0xc3: {  	[sflag:s18] =	ssyncset.done $0x0  }
0xc4: {  	[sflag:s18] =	ssyncadd.s32 $0xFFFFC000  }
0xc5: {  	_ =	swait.ge [sflag:s24], $0x4000  }
.Ltmp2:
0xc6: {  	[sflag:s24] =	ssyncset.done $0x0;
	(pc) =	sbr.rel @p0 .LBB2_6-.Ltmp2, $4  }
0xc7: {  	s28 =	sadd.s32 $0x1480, s29;
	[sflag:s24] =	ssyncadd.s32 $0xFFFFC000  }
0xc8: {  	[spmem:s1] =	stream.indirect.scatter.add.f32 [tilespmem:s22], [sflag:$0x3], $0x80, s28, s20, $0xb8;
	[tilespmem:$0x1E100] =	vst v63  }
0xc9: {  	_ =	swait.ge [sflag:s18], $0x4000  }
0xca: {  	s28 =	smov.u32 s30;
	[sflag:s18] =	ssyncset.done $0x0  }
0xcb: {  	s26 =	sshra.s32 s26, $0x2;
	[sflag:s18] =	ssyncadd.s32 $0xFFFFC000  }
0xcc: {  	[tilespmem:s21], [sflag:$0x1] =	stream.indirect.gather [hbm4b:s4+s20], $0x80, s26, s20, $0xb8;
	[tilespmem:$0x1E100] =	vst v63  }
0xcd: {  	s28 =	sadd.s32 $0x80, s26  }
0xce: {  	[tilespmem:s22], [sflag:$0x2] =	stream.indirect.gather [hbm4b:s4+s20], $0x80, s28, s20, $0xb8;
	[tilespmem:$0x1E100] =	vst v63  }
0xcf: {  	_ =	swait.ge [sflag:s23], $0x4000  }
0xd0: {  	[sflag:s23] =	ssyncset.done $0x0  }
0xd1: {  	s28 =	sadd.s32 $0x1400, s26;
	[sflag:s23] =	ssyncadd.s32 $0xFFFFC000  }
0xd2: {  	[spmem:s1] =	stream.indirect.scatter.add.f32 [tilespmem:s21], [sflag:$0x3], $0x80, s28, s20, $0xb8;
	[tilespmem:$0x1E100] =	vst v63  }
0xd3: {  	_ =	swait.ge [sflag:s18], $0x4000  }
0xd4: {  	[sflag:s18] =	ssyncset.done $0x0  }
0xd5: {  	[sflag:s18] =	ssyncadd.s32 $0xFFFFC000  }
0xd6: {  	_ =	swait.ge [sflag:s24], $0x4000  }
0xd7: {  	[sflag:s24] =	ssyncset.done $0x0  }
0xd8: {  	s26 =	sadd.s32 $0x1480, s26;
	[sflag:s24] =	ssyncadd.s32 $0xFFFFC000  }
0xd9: {  	[spmem:s1] =	stream.indirect.scatter.add.f32 [tilespmem:s22], [sflag:$0x3], $0x80, s26, s20, $0xb8;
	[tilespmem:$0x1E100] =	vst v63  }
0xda: {  	_ =	swait.ge [sflag:s18], $0x4000  }
0xdb: {  	[sflag:s18] =	ssyncset.done $0x0  }
0xdc: {  	s30 =	simm.s32 $0x0;
	[sflag:s18] =	ssyncadd.s32 $0xFFFFC000  }
0xdd: {  	[tilespmem:s30], [sflag:$0x3] =	stream.linear.gather [hbm4b:s14+s30], $0x1400, $0x38;
	[tilespmem:$0x1E100] =	vst v63  }
0xde: {  	_ =	swait.ge [sflag:s18], $0x1400  }
0xdf: {  	[sflag:s18] =	ssyncset.done $0x0  }
0xe0: {  	[sflag:s18] =	ssyncadd.s32 $0xFFFFEC00  }
0xe1: {  	[tilespmem:s19], [sflag:$0x3] =	stream.linear.gather [hbm4b:s10+s30], $0x1400, $0x38;
	[tilespmem:$0x1E100] =	vst v63  }
0xe2: {  	_ =	swait.ge [sflag:s18], $0x1400  }
0xe3: {  	[sflag:s18] =	ssyncset.done $0x0  }
0xe4: {  	s31 =	simm.s32 $0x0;
	[sflag:s18] =	ssyncadd.s32 $0xFFFFEC00  }
0xe5: {  	[tilespmem:s21], [sflag:$0x1] =	stream.indirect.gather [hbm4b:s4+s20], $0x80, s31, s20, $0xb8;
	[tilespmem:$0x1E100] =	vst v63  }
0xe6: {  	s29 =	simm.s32 $0x80  }
0xe7: {  	[tilespmem:s22], [sflag:$0x2] =	stream.indirect.gather [hbm4b:s4+s20], $0x80, s29, s20, $0xb8;
	[tilespmem:$0x1E100] =	vst v63  }
0xe8: {  	_ =	swait.ge [sflag:s23], $0x4000  }
0xe9: {  	[sflag:s23] =	ssyncset.done $0x0  }
0xea: {  	s30 =	simm.s32 $0x1400;
	[sflag:s23] =	ssyncadd.s32 $0xFFFFC000  }
0xeb: {  	[spmem:s1] =	stream.indirect.scatter.add.f32 [tilespmem:s21], [sflag:$0x3], $0x80, s30, s20, $0xb8;
	[tilespmem:$0x1E100] =	vst v63  }
0xec: {  	_ =	swait.ge [sflag:s18], $0x4000  }
0xed: {  	[sflag:s18] =	ssyncset.done $0x0  }
0xee: {  	[sflag:s18] =	ssyncadd.s32 $0xFFFFC000  }
0xef: {  	_ =	swait.ge [sflag:s24], $0x4000  }
0xf0: {  	[sflag:s24] =	ssyncset.done $0x0  }
0xf1: {  	s31 =	simm.s32 $0x1480;
	[sflag:s24] =	ssyncadd.s32 $0xFFFFC000  }
0xf2: {  	[spmem:s1] =	stream.indirect.scatter.add.f32 [tilespmem:s22], [sflag:$0x3], $0x80, s31, s20, $0xb8;
	[tilespmem:$0x1E100] =	vst v63  }
0xf3: {  	_ =	swait.ge [sflag:s18], $0x4000  }
0xf4: {  	s28 =	simm.s32 $0x800;
	s26 =	simm.s32 $0x400;
	[sflag:s18] =	ssyncset.done $0x0  }
.LBB2_8:
0xf5: {  	s29 =	sshra.s32 s26, $0x2  }
0xf6: {  	[sflag:s18] =	ssyncadd.s32 $0xFFFFC000;
	s26 =	smov.u32 s28;
	s30 =	sadd.s32 $0x400, s28  }
0xf7: {  	[tilespmem:s21], [sflag:$0x1] =	stream.indirect.gather [hbm4b:s4+s20], $0x80, s29, s20, $0xb8;
	[tilespmem:$0x1E100] =	vst v63  }
0xf8: {  	p0 =	sne.s32 s28, $0x4C00;
	s28 =	sadd.s32 $0x80, s29  }
0xf9: {  	[tilespmem:s22], [sflag:$0x2] =	stream.indirect.gather [hbm4b:s4+s20], $0x80, s28, s20, $0xb8;
	[tilespmem:$0x1E100] =	vst v63  }
0xfa: {  	_ =	swait.ge [sflag:s23], $0x4000  }
0xfb: {  	[sflag:s23] =	ssyncset.done $0x0  }
0xfc: {  	s28 =	sadd.s32 $0x1400, s29;
	[sflag:s23] =	ssyncadd.s32 $0xFFFFC000  }
0xfd: {  	[spmem:s1] =	stream.indirect.scatter.add.f32 [tilespmem:s21], [sflag:$0x3], $0x80, s28, s20, $0xb8;
	[tilespmem:$0x1E100] =	vst v63  }
0xfe: {  	_ =	swait.ge [sflag:s18], $0x4000  }
0xff: {  	[sflag:s18] =	ssyncset.done $0x0  }
0x100: {  	[sflag:s18] =	ssyncadd.s32 $0xFFFFC000  }
0x101: {  	_ =	swait.ge [sflag:s24], $0x4000  }
.Ltmp3:
0x102: {  	[sflag:s24] =	ssyncset.done $0x0;
	(pc) =	sbr.rel @p0 .LBB2_8-.Ltmp3, $4  }
0x103: {  	s28 =	sadd.s32 $0x1480, s29;
	[sflag:s24] =	ssyncadd.s32 $0xFFFFC000  }
0x104: {  	[spmem:s1] =	stream.indirect.scatter.add.f32 [tilespmem:s22], [sflag:$0x3], $0x80, s28, s20, $0xb8;
	[tilespmem:$0x1E100] =	vst v63  }
0x105: {  	_ =	swait.ge [sflag:s18], $0x4000  }
0x106: {  	s28 =	smov.u32 s30;
	[sflag:s18] =	ssyncset.done $0x0  }
0x107: {  	s26 =	sshra.s32 s26, $0x2;
	[sflag:s18] =	ssyncadd.s32 $0xFFFFC000  }
0x108: {  	[tilespmem:s21], [sflag:$0x1] =	stream.indirect.gather [hbm4b:s4+s20], $0x80, s26, s20, $0xb8;
	[tilespmem:$0x1E100] =	vst v63  }
0x109: {  	s28 =	sadd.s32 $0x80, s26  }
0x10a: {  	[tilespmem:s22], [sflag:$0x2] =	stream.indirect.gather [hbm4b:s4+s20], $0x80, s28, s20, $0xb8;
	[tilespmem:$0x1E100] =	vst v63  }
0x10b: {  	_ =	swait.ge [sflag:s23], $0x4000  }
0x10c: {  	[sflag:s23] =	ssyncset.done $0x0  }
0x10d: {  	s31 =	sadd.s32 $0x1400, s26;
	[sflag:s23] =	ssyncadd.s32 $0xFFFFC000  }
0x10e: {  	[spmem:s1] =	stream.indirect.scatter.add.f32 [tilespmem:s21], [sflag:$0x3], $0x80, s31, s20, $0xb8;
	[tilespmem:$0x1E100] =	vst v63  }
0x10f: {  	_ =	swait.ge [sflag:s18], $0x4000  }
0x110: {  	[sflag:s18] =	ssyncset.done $0x0  }
0x111: {  	[sflag:s18] =	ssyncadd.s32 $0xFFFFC000  }
0x112: {  	_ =	swait.ge [sflag:s24], $0x4000  }
0x113: {  	[sflag:s24] =	ssyncset.done $0x0  }
0x114: {  	s26 =	sadd.s32 $0x1480, s26;
	[sflag:s24] =	ssyncadd.s32 $0xFFFFC000  }
0x115: {  	[spmem:s1] =	stream.indirect.scatter.add.f32 [tilespmem:s22], [sflag:$0x3], $0x80, s26, s20, $0xb8;
	[tilespmem:$0x1E100] =	vst v63  }
0x116: {  	_ =	swait.ge [sflag:s18], $0x4000  }
0x117: {  	[sflag:s18] =	ssyncset.done $0x0  }
0x118: {  	s25 =	sadd.s32 $0x1, s25;
	[sflag:s18] =	ssyncadd.s32 $0xFFFFC000  }
0x119: {  	p0 =	sne.s32 s25, s16;
	[bflag:$0x0] =	sbarrier.arrive $0xFFFF  }
0x11a: {  	[hbm:s15], [sflag:s6] =	dma.local [spmem:s17], $0x2800  }
.Ltmp4:
0x11b: {  	_ =	swait.ge [sflag:s18], $0x2800;
	(pc) =	sbr.rel @p0 .LBB2_1-.Ltmp4, $3  }
0x11c: {  	[sflag:s18] =	ssyncset.done $0x0  }
0x11d: {  	[sflag:s18] =	ssyncadd.s32 $0xFFFFD800  }
0x11e: {  	[bflag:$0x0] =	sbarrier.arrive $0xFFFF;
	_ =	sdelay $0x1  }
0x11f: {  	_ =	sfence.sel $0x180000  }
0x120: {  	[bflag:$0x0] =	sbarrier.arrive $0xFFFF  }
0x121: {  	p0 =	sne.s32 s2, $0x0;
	_ =	strace $0x9000004A  }
0x122: {  	s0 =	sadd.s32 @!p0 $0x100000, s0;
	[bflag:$0x2] =	sbarrier.arrive $0xFFFF  }
0x123: {  	[sflag:s0] =	ssyncadd.tile.s32 @!p0 $0x1;
	_ =	shalt  }
.Lfunc_end2:
_tile_overlayer_lowered:
.L_overlay_start_2:
0x124: {  	(tag) =	ssettag $0x2  }
0x125: {  	s0 =	rddreg [dreg:$0x0];
	s2 =	stileid.u32  }
0x126: {  	s1 =	rddreg [dreg:$0x1];
	p0 =	sne.s32 s2, $0x0  }
0x127: {  	s3 =	rddreg [dreg:$0x2];
	[bflag:$0x3] =	sbarrier.arrive $0xFFFF;
	s2 =	simm.s32 @!p0 $0x1C03  }
0x128: {  	[timem:s3], [sflag:s2] =	dma.local @!p0 [hbm:s0], s1  }
0x129: {  	s0 =	simm.s32 @!p0 $0x3  }
0x12a: {  	_ =	swait.ge @!p0 [sflag:s0], s1  }
0x12b: {  	s1 =	ssub.s32 @!p0 $0x0, s1;
	[sflag:s0] =	ssyncset.done @!p0 $0x0  }
0x12c: {  	[sflag:s0] =	ssyncadd.s32 @!p0 s1  }
0x12d: {  	[bflag:$0x3] =	sbarrier.arrive $0xFFFF  }
0x12e: {  	_ =	shalt  }

// kernel: kernel.19.cloned.1.call-start
scs
__scs_entry_jumppad:
0x0: {  	(pc) =	sbr.rel $0x88, $3  }
0x1: {  	(tag) =	ssettag $0x0;
	lr =	simm.s32 $0x1  }
0x2: {  	[smem:$0x3F85] =	sst lr;
	_ =	strace $0xD0000000  }
0x3: {  	_ = 	snop  }
0x4: {  	_ = 	snop  }
0x5: {  	_ = 	snop  }
0x6: {  	_ = 	snop  }
0x7: {  	_ = 	snop  }
__scs_overlays_trampoline_lowered:
0x8: {  	[smem:$0x3F94] =	sst s0  }
0x9: {  	[smem:$0x3F95] =	sst s1  }
0xa: {  	[smem:$0x3F96] =	sst s2  }
0xb: {  	[smem:$0x3F97] =	sst s3  }
0xc: {  	[smem:$0x3F98] =	sst s4  }
0xd: {  	[smem:$0x3F99] =	sst s5  }
0xe: {  	[smem:$0x3F9A] =	sst s6  }
0xf: {  	[smem:$0x3F9B] =	sst s7  }
0x10: {  	[smem:$0x3F9C] =	sst s8  }
0x11: {  	[smem:$0x3F9D] =	sst s9;
	s0 =	simm.s32 @!p0 $0x0  }
0x12: {  	s1 =	sld [smem:$0x3F83];
	s0 =	simm.s32 @p0 $0x1  }
0x13: {  	[smem:$0x3F9E] =	sst s0;
	s0 =	simm.s32 @!p1 $0x0  }
0x14: {  	s2 =	sld [smem:$0x3F82];
	s0 =	simm.s32 @p1 $0x1  }
0x15: {  	[smem:$0x3F9F] =	sst s0;
	s0 =	simm.s32 @!p2 $0x0  }
0x16: {  	s3 =	sld [smem:$0x3FDB];
	s0 =	simm.s32 @p2 $0x1  }
0x17: {  	s4 =	simm.s32 $0x1BF5;
	[smem:$0x3FA1] =	sst s0  }
0x18: {  	s0 =	sld [smem:$0x3F84];
	_ =	swait.ge [sflag:s4], $0x0  }
0x19: {  	s7 =	sld [smem:$0x3F85]  }
0x1a: {  	s8 =	sadd.s32 $0xFFFFE003, lr  }
0x1b: {  	s9 =	sadd.s32 $0xFFFFFEF7, lr;
	s5 =	simm.s32 $0xFFFFFFFF;
	p2 =	slt.u32 s8, $0xFFFFF086  }
0x1c: {  	p1 =	slt.u32 s9, $0xF7A;
	s5 =	simm.s32 @!p2 $0x0  }
0x1d: {  	s5 =	simm.s32 @p1 $0x1;
	p0 =	seq.s32 s7, s2  }
0x1e: {  	s7 =	smul.u32 @!p0 $0xF7A, s2;
	p2 =	seq.s32 @!p0 s5, $0x0  }
0x1f: {  	s9 =	smul.u32 $0xF7A, s1;
	s8 =	simm.s32 @!p0 $0x1BF5;
	p2 =	por !p2, p0  }
0x20: {  	[sflag:s8] =	ssyncset.s32 @!p0 $0xFFFFF086;
	s6 =	sadd.s32 @!p0 s3, s7;
	s7 =	simm.s32 @!p0 $0x108  }
0x21: {  	s3 =	sadd.s32 s3, s9;
	s6 =	sadd.s32 @!p0 $0x88, s6;
	s7 =	simm.s32 @p2 $0x1082  }
0x22: {  	[simem:s7], [sflag:s8] =	dma.local @!p0 [hbm:s6], $0xF7A  }
0x23: {  	s9 =	sor.u32 $0xD0000000, s2;
	s6 =	simm.s32 $0x108;
	_ =	swait.ge @!p0 [sflag:s8], $0x0  }
0x24: {  	s3 =	sadd.s32 $0x88, s3;
	s6 =	simm.s32 @!p1 $0x1082;
	[sflag:s4] =	ssyncset.s32 $0xFFFFF086  }
0x25: {  	[simem:s6], [sflag:s4] =	dma.local [hbm:s3], $0xF7A  }
0x26: {  	[smem:$0x3F85] =	sst s1;
	(tag) =	ssettag s2;
	_ =	strace s9  }
0x27: {  	s1 =	sld [smem:$0x3F95]  }
0x28: {  	s2 =	sld [smem:$0x3F96]  }
0x29: {  	s4 =	sld [smem:$0x3F98]  }
0x2a: {  	p0 =	seq.s32 s5, $0x0;
	s5 =	sld [smem:$0x3F99]  }
0x2b: {  	s6 =	sld [smem:$0x3F9A]  }
0x2c: {  	s7 =	sld [smem:$0x3F9B]  }
0x2d: {  	s3 =	simm.s32 $0x108;
	s8 =	sld [smem:$0x3F9C]  }
0x2e: {  	s3 =	simm.s32 @!p0 $0x1082;
	s9 =	sld [smem:$0x3F9D]  }
0x2f: {  	lr =	sadd.s32 s0, s3;
	s0 =	sld [smem:$0x3F94]  }
0x30: {  	s3 =	sld [smem:$0x3F97]  }
0x31: {  	[smem:$0x3FA0] =	sst s10  }
0x32: {  	s10 =	sld [smem:$0x3F9E];
	_ =	sdelay $0x3  }
0x33: {  	p0 =	seq.s32 s10, $0x1;
	s10 =	sld [smem:$0x3FA0];
	_ =	sdelay $0x3  }
0x34: {  	[smem:$0x3FA0] =	sst s10  }
0x35: {  	s10 =	sld [smem:$0x3F9F];
	_ =	sdelay $0x3  }
0x36: {  	p1 =	seq.s32 s10, $0x1;
	s10 =	sld [smem:$0x3FA0];
	_ =	sdelay $0x3  }
0x37: {  	[smem:$0x3FA0] =	sst s10  }
0x38: {  	s10 =	sld [smem:$0x3FA1]  }
0x39: {  	_ = 	snop;
	(pc) =	sbr.ind lr, $3  }
0x3a: {  	_ = 	snop  }
0x3b: {  	_ = 	snop  }
0x3c: {  	p2 =	seq.s32 s10, $0x1;
	s10 =	sld [smem:$0x3FA0]  }
0x3d: {  	_ =	shalt  }
0x3e: {  	_ =	shalt  }
0x3f: {  	_ =	shalt  }
0x40: {  	_ =	shalt  }
0x41: {  	_ =	shalt  }
0x42: {  	_ =	shalt  }
0x43: {  	_ =	shalt  }
0x44: {  	_ =	shalt  }
0x45: {  	_ =	shalt  }
0x46: {  	_ =	shalt  }
0x47: {  	_ =	shalt  }
0x48: {  	_ =	shalt  }
0x49: {  	_ =	shalt  }
0x4a: {  	_ =	shalt  }
0x4b: {  	_ =	shalt  }
0x4c: {  	_ =	shalt  }
0x4d: {  	_ =	shalt  }
0x4e: {  	_ =	shalt  }
0x4f: {  	_ =	shalt  }
0x50: {  	_ =	shalt  }
0x51: {  	_ =	shalt  }
0x52: {  	_ =	shalt  }
0x53: {  	_ =	shalt  }
0x54: {  	_ =	shalt  }
0x55: {  	_ =	shalt  }
0x56: {  	_ =	shalt  }
0x57: {  	_ =	shalt  }
0x58: {  	_ =	shalt  }
0x59: {  	_ =	shalt  }
0x5a: {  	_ =	shalt  }
0x5b: {  	_ =	shalt  }
0x5c: {  	_ =	shalt  }
0x5d: {  	_ =	shalt  }
0x5e: {  	_ =	shalt  }
0x5f: {  	_ =	shalt  }
0x60: {  	_ =	shalt  }
0x61: {  	_ =	shalt  }
0x62: {  	_ =	shalt  }
0x63: {  	_ =	shalt  }
0x64: {  	_ =	shalt  }
0x65: {  	_ =	shalt  }
0x66: {  	_ =	shalt  }
0x67: {  	_ =	shalt  }
0x68: {  	_ =	shalt  }
0x69: {  	_ =	shalt  }
0x6a: {  	_ =	shalt  }
0x6b: {  	_ =	shalt  }
0x6c: {  	_ =	shalt  }
0x6d: {  	_ =	shalt  }
0x6e: {  	_ =	shalt  }
0x6f: {  	_ =	shalt  }
0x70: {  	_ =	shalt  }
0x71: {  	_ =	shalt  }
0x72: {  	_ =	shalt  }
0x73: {  	_ =	shalt  }
0x74: {  	_ =	shalt  }
0x75: {  	_ =	shalt  }
0x76: {  	_ =	shalt  }
0x77: {  	_ =	shalt  }
0x78: {  	_ =	shalt  }
0x79: {  	_ =	shalt  }
0x7a: {  	_ =	shalt  }
0x7b: {  	_ =	shalt  }
0x7c: {  	_ =	shalt  }
0x7d: {  	_ =	shalt  }
0x7e: {  	_ =	shalt  }
0x7f: {  	_ =	shalt  }
0x80: {  	_ =	shalt  }
0x81: {  	_ =	shalt  }
0x82: {  	_ =	shalt  }
0x83: {  	_ =	shalt  }
0x84: {  	_ =	shalt  }
0x85: {  	_ =	shalt  }
0x86: {  	_ =	shalt  }
0x87: {  	_ =	shalt  }
.Lfunc_end0:
.L_simem_size_0:
called_computation.2_lowered:
.L_overlay_start_0:
0x88: {  	s2 =	sld [smem:$0x3FD9]  }
0x89: {  	s3 =	sld [smem:$0x3FFE];
	_ =	sdelay $0x1  }
0x8a: {  	s1 =	srdreg.scid  }
0x8b: {  	s0 =	sand.u32 $0x1, s1  }
0x8c: {  	s14 =	sshll.u32 s0, $0xA;
	s2 =	sadd.s32 s3, s2  }
0x8d: {  	s2 =	sadd.s32 s2, s14  }
0x8e: {  	[smem:$0x3FAC] =	sst s2  }
0x8f: {  	_ = 	snop  }
0x90: {  	s2 =	sld [smem:$0x3FD0];
	_ =	sdelay $0x2  }
0x91: {  	s15 =	simm.s32 $0xA;
	s4 =	simm.s32 $0x10  }
0x92: {  	[smem:s4], [sflag:s15] =	dma.local [hbm:s2], $0x1  }
0x93: {  	_ =	swait.eq [sflag:s15], $0x1  }
0x94: {  	[sflag:s15] =	ssyncset.done $0x0  }
0x95: {  	[sflag:s15] =	ssyncadd.s32 $0xFFFFFFFF  }
0x96: {  	s16 =	sld [smem:$0x10];
	(tm) =	ssettm $0x1  }
0x97: {  	s17 =	sld [smem:$0x3FFB];
	_ =	sdelay $0x3  }
0x98: {  	_ =	strace s17  }
0x99: {  	s3 =	sld [smem:$0x3FFC];
	_ =	sdelay $0x3  }
0x9a: {  	_ =	strace s3  }
0x9b: {  	s3 =	sld [smem:$0x3FFD];
	_ =	sdelay $0x3  }
0x9c: {  	_ =	strace s3  }
0x9d: {  	_ =	strace $0x8FFFFFFF  }
0x9e: {  	s18 =	sld [smem:$0x3FDB];
	_ =	sdelay $0x1  }
0x9f: {  	s19 =	simm.s32 $_scs_section_size  }
0xa0: {  	s5 =	simm.s32 $_size__tile_overlayer_lowered;
	s6 =	simm.s32 $_tile_overlayer_lowered  }
0xa1: {  	s22 =	simm.s32 $0x1BFF;
	s21 =	sshll.u32 s6, $0x1;
	s3 =	sadd.s32 s19, s18  }
0xa2: {  	s7 =	simm.s32 $0x0;
	s20 =	sshll.u32 s5, $0x1;
	s5 =	sadd.s32 s21, s3  }
0xa3: {  	[timem:s7], [sflag:s22] =	dma.local [hbm:s5], s20  }
0xa4: {  	_ =	swait.ge [sflag:s22], s20  }
0xa5: {  	s4 =	ssub.s32 $0x0, s20;
	[sflag:s22] =	ssyncset.done $0x0  }
0xa6: {  	[sflag:s22] =	ssyncadd.s32 s4;
	_ =	sdelay $0x1  }
0xa7: {  	s23 =	simm.s32 $0x1B8B  }
0xa8: {  	_ =	swait.ge [sflag:s23], $0x1  }
0xa9: {  	[sflag:s23] =	ssyncset.done $0x0  }
0xaa: {  	s25 =	simm.s32 $0x1B8E;
	s24 =	sld [smem:$0x3FFE];
	[sflag:s23] =	ssyncadd.s32 $0xFFFFFFFF  }
0xab: {  	s26 =	simm.s32 $execute0_lowered;
	[smem:$0x3FD2] =	sst s25  }
0xac: {  	s5 =	sshll.u32 s26, $0x1;
	_ =	strace $0x8000004C;
	[dreg:$0x1] =	wrdreg $0xFFFFFFFF  }
0xad: {  	s28 =	simm.s32 $_size_execute0_lowered;
	s3 =	sadd.s32 s3, s5;
	[dreg:$0x0] =	wrdreg $0x0  }
0xae: {  	s5 =	sshll.u32 s28, $0x1;
	[dreg:$0x2] =	wrdreg s3  }
0xaf: {  	[dreg:$0x3] =	wrdreg s5  }
0xb0: {  	[dreg:$0x4] =	wrdreg $0xC0  }
0xb1: {  	_ =	task [dreg:s7], $0x5FFFF  }
0xb2: {  	[dreg:$0x1] =	wrdreg $0xFFFFFFFF  }
0xb3: {  	[dreg:$0x0] =	wrdreg $0x60  }
0xb4: {  	[dreg:$0x2] =	wrdreg s16  }
0xb5: {  	[dreg:$0x3] =	wrdreg s24  }
0xb6: {  	[dreg:$0x4] =	wrdreg $0xA8000  }
0xb7: {  	[dreg:$0x5] =	wrdreg $0x9  }
0xb8: {  	_ =	task.clear_ibuf [dreg:s7], $0x6FFFF;
	_ =	strace $0x9000004C  }
0xb9: {  	s29 =	simm.s32 $0x9;
	_ =	strace $0x8000004E  }
0xba: {  	_ =	swait.ge [sflag:s29], $0x1  }
0xbb: {  	[sflag:s29] =	ssyncadd.s32 $0xFFFFFFFF  }
0xbc: {  	_ =	strace $0x9000004E  }
0xbd: {  	_ =	sfence  }
0xbe: {  	s30 =	sld [smem:$0x0];
	_ =	sdelay $0x2  }
0xbf: {  	s31 =	sshll.u32 s1, $0xD;
	s1 =	sshrl.u32 s1, $0x2  }
0xc0: {  	s3 =	sand.u32 $0x4000, s31;
	s1 =	sadd.s32 s1, s30  }
0xc1: {  	s0 =	sor.u32 s3, s0;
	s1 =	sshll.u32 s1, $0x11  }
0xc2: {  	s0 =	sor.u32 s1, s0  }
0xc3: {  	s0 =	sadd.s32 $0x8F2B, s0  }
0xc4: {  	[sflag:s0] =	ssyncadd.remote.s32 $0x1  }
0xc5: {  	_ =	sfence.sel $0xFFFF  }
0xc6: {  	[dreg:$0x0] =	wrdreg $0xFFFFFFFF;
	(pc) =	sbr.abs _section_cstart, $3  }
0xc7: {  	[dreg:$0x1] =	wrdreg $0xFFFFFFFF  }
0xc8: {  	_ =	task.clear_ibuf [dreg:s7], $0x2FFFF;
	_ =	strace $0x9FFFFFFF  }
0xc9: {  	(tm) =	ssettm $0x7FFFFFFF  }
tec
execute0_lowered:
.L_overlay_start_1:
0x0: {  	(tag) =	ssettag $0x1  }
0x1: {  	s14 =	rddreg [dreg:$0x0]  }
0x2: {  	s5 =	rddreg [dreg:$0x1]  }
0x3: {  	s1 =	rddreg [dreg:$0x2]  }
0x4: {  	s0 =	rddreg [dreg:$0x3];
	s3 =	simm.s32 $0x0  }
0x5: {  	s4 =	srdreg.scid;
	s2 =	stileid.u32;
	s20 =	simm.s32 $0x80  }
0x6: {  	s21 =	simm.s32 $0x2800;
	s22 =	simm.s32 $0x6800;
	s11 =	smul.u32 $0x270, s2  }
0x7: {  	[smem:$0x7FF] =	sst s3;
	s8 =	sand.u32 $0x1, s4;
	s7 =	smul.u32 $0x4E000, s2  }
0x8: {  	s10 =	sadd.s32 $0xA200, s5;
	s4 =	sadd.s32 $0xFC800, s5;
	s13 =	smul.u32 $0x500, s2  }
0x9: {  	s15 =	sadd.s32 $0x60400, s5;
	s29 =	sshll.u32 s2, $0x6;
	s18 =	smul.u32 $0x2800, s2  }
0xa: {  	_ =	strace $0x8000004D;
	s6 =	ssub.s32 $0x2, s8;
	s12 =	smul.u32 $0x4E20, s8  }
0xb: {  	s23 =	sshll.u32 s8, $0x5;
	s19 =	sshllo.u32 s8, $0x1;
	s9 =	sshrl.u32 s6, $0x1  }
0xc: {  	s24 =	sshrl.u32 s7, $0x2;
	s26 =	sor.u32 s2, s23;
	s8 =	sadd.s32 s10, s13  }
0xd: {  	s30 =	sshll.u32 s19, $0x4;
	s18 =	sshrl.u32 s18, $0x3;
	s19 =	smul.u32 $0x2710, s19  }
0xe: {  	s23 =	simm.s32 $0x1;
	s16 =	ssub.s32 s6, s9;
	s28 =	smul.u32 $0x500, s26  }
0xf: {  	s25 =	sadd.s32 s11, s12;
	s17 =	sadd.s32 s24, s1;
	s9 =	smul.u32 $0x2800, s26  }
0x10: {  	s6 =	sor.u32 $0x1C03, s29;
	s13 =	sor.u32 s2, s30;
	s10 =	sadd.s32 s10, s18  }
0x11: {  	s24 =	simm.s32 $0x2;
	s12 =	sshll.u32 s25, $0x4;
	s31 =	smul.u32 $0x2800, s13  }
0x12: {  	s10 =	sadd.s32 $0x280, s10;
	s19 =	sadd.s32 s11, s19;
	s13 =	smul.u32 $0x500, s13  }
0x13: {  	s16 =	smax.u32 s16, $0x1;
	s17 =	sshrl.u32 s17, $0x3;
	s25 =	simm.s32 $0x0  }
0x14: {  	s5 =	sadd.s32 s4, s12;
	s7 =	sadd.s32 s14, s28;
	s9 =	sshrl.u32 s9, $0x3  }
0x15: {  	s11 =	sadd.s32 s15, s12;
	s19 =	sshll.u32 s19, $0x4;
	s9 =	sadd.s32 s14, s9  }
0x16: {  	s18 =	sshrl.u32 s31, $0x3;
	s12 =	sadd.s32 s4, s19;
	s13 =	sadd.s32 s14, s13  }
0x17: {  	s15 =	sadd.s32 s15, s19;
	s19 =	simm.s32 $0x1400;
	s14 =	sadd.s32 s14, s18  }
0x18: {  	s9 =	sadd.s32 $0x280, s9;
	s18 =	simm.s32 $0x3;
	s14 =	sadd.s32 $0x280, s14  }
.LBB2_1:
0x19: {  	[spmem:s17], [sflag:s6] =	dma.local [hbm:s5], $0x2800  }
0x1a: {  	_ =	swait.ge [sflag:s18], $0x2800  }
0x1b: {  	[sflag:s18] =	ssyncset.done $0x0  }
0x1c: {  	[sflag:s18] =	ssyncadd.s32 $0xFFFFD800  }
0x1d: {  	[bflag:$0x0] =	sbarrier.arrive $0xFFFF  }
0x1e: {  	[tilespmem:s3], [sflag:$0x3] =	stream.linear.gather [hbm4b:s7+s3], $0x1400, $0x38;
	[tilespmem:$0x1E100] =	vst v63  }
0x1f: {  	_ =	swait.ge [sflag:s18], $0x1400  }
0x20: {  	[sflag:s18] =	ssyncset.done $0x0  }
0x21: {  	[sflag:s18] =	ssyncadd.s32 $0xFFFFEC00  }
0x22: {  	[tilespmem:s19], [sflag:$0x3] =	stream.linear.gather [hbm4b:s8+s3], $0x1400, $0x38;
	[tilespmem:$0x1E100] =	vst v63  }
0x23: {  	_ =	swait.ge [sflag:s18], $0x1400  }
0x24: {  	[sflag:s18] =	ssyncset.done $0x0  }
0x25: {  	s26 =	simm.s32 $0x0;
	[sflag:s18] =	ssyncadd.s32 $0xFFFFEC00  }
0x26: {  	[tilespmem:s21], [sflag:$0x1] =	stream.indirect.gather [hbm4b:s4+s20], $0x80, s26, s20, $0xb8;
	[tilespmem:$0x1E100] =	vst v63  }
0x27: {  	s29 =	simm.s32 $0x80  }
0x28: {  	[tilespmem:s22], [sflag:$0x2] =	stream.indirect.gather [hbm4b:s4+s20], $0x80, s29, s20, $0xb8;
	[tilespmem:$0x1E100] =	vst v63  }
0x29: {  	_ =	swait.ge [sflag:s23], $0x4000  }
0x2a: {  	[sflag:s23] =	ssyncset.done $0x0  }
0x2b: {  	s30 =	simm.s32 $0x1400;
	[sflag:s23] =	ssyncadd.s32 $0xFFFFC000  }
0x2c: {  	[spmem:s1] =	stream.indirect.scatter.add.f32 [tilespmem:s21], [sflag:$0x3], $0x80, s30, s20, $0xb8;
	[tilespmem:$0x1E100] =	vst v63  }
0x2d: {  	_ =	swait.ge [sflag:s18], $0x4000  }
0x2e: {  	[sflag:s18] =	ssyncset.done $0x0  }
0x2f: {  	[sflag:s18] =	ssyncadd.s32 $0xFFFFC000  }
0x30: {  	_ =	swait.ge [sflag:s24], $0x4000  }
0x31: {  	[sflag:s24] =	ssyncset.done $0x0  }
0x32: {  	s31 =	simm.s32 $0x1480;
	[sflag:s24] =	ssyncadd.s32 $0xFFFFC000  }
0x33: {  	[spmem:s1] =	stream.indirect.scatter.add.f32 [tilespmem:s22], [sflag:$0x3], $0x80, s31, s20, $0xb8;
	[tilespmem:$0x1E100] =	vst v63  }
0x34: {  	_ =	swait.ge [sflag:s18], $0x4000  }
0x35: {  	s28 =	simm.s32 $0x800;
	s26 =	simm.s32 $0x400;
	[sflag:s18] =	ssyncset.done $0x0  }
.LBB2_2:
0x36: {  	s29 =	sshra.s32 s26, $0x2  }
0x37: {  	[sflag:s18] =	ssyncadd.s32 $0xFFFFC000;
	s26 =	smov.u32 s28;
	s30 =	sadd.s32 $0x400, s28  }
0x38: {  	[tilespmem:s21], [sflag:$0x1] =	stream.indirect.gather [hbm4b:s4+s20], $0x80, s29, s20, $0xb8;
	[tilespmem:$0x1E100] =	vst v63  }
0x39: {  	p0 =	sne.s32 s28, $0x4C00;
	s28 =	sadd.s32 $0x80, s29  }
0x3a: {  	[tilespmem:s22], [sflag:$0x2] =	stream.indirect.gather [hbm4b:s4+s20], $0x80, s28, s20, $0xb8;
	[tilespmem:$0x1E100] =	vst v63  }
0x3b: {  	_ =	swait.ge [sflag:s23], $0x4000  }
0x3c: {  	[sflag:s23] =	ssyncset.done $0x0  }
0x3d: {  	s28 =	sadd.s32 $0x1400, s29;
	[sflag:s23] =	ssyncadd.s32 $0xFFFFC000  }
0x3e: {  	[spmem:s1] =	stream.indirect.scatter.add.f32 [tilespmem:s21], [sflag:$0x3], $0x80, s28, s20, $0xb8;
	[tilespmem:$0x1E100] =	vst v63  }
0x3f: {  	_ =	swait.ge [sflag:s18], $0x4000  }
0x40: {  	[sflag:s18] =	ssyncset.done $0x0  }
0x41: {  	[sflag:s18] =	ssyncadd.s32 $0xFFFFC000  }
0x42: {  	_ =	swait.ge [sflag:s24], $0x4000  }
.Ltmp0:
0x43: {  	[sflag:s24] =	ssyncset.done $0x0;
	(pc) =	sbr.rel @p0 .LBB2_2-.Ltmp0, $4  }
0x44: {  	s28 =	sadd.s32 $0x1480, s29;
	[sflag:s24] =	ssyncadd.s32 $0xFFFFC000  }
0x45: {  	[spmem:s1] =	stream.indirect.scatter.add.f32 [tilespmem:s22], [sflag:$0x3], $0x80, s28, s20, $0xb8;
	[tilespmem:$0x1E100] =	vst v63  }
0x46: {  	_ =	swait.ge [sflag:s18], $0x4000  }
0x47: {  	s28 =	smov.u32 s30;
	[sflag:s18] =	ssyncset.done $0x0  }
0x48: {  	s26 =	sshra.s32 s26, $0x2;
	[sflag:s18] =	ssyncadd.s32 $0xFFFFC000  }
0x49: {  	[tilespmem:s21], [sflag:$0x1] =	stream.indirect.gather [hbm4b:s4+s20], $0x80, s26, s20, $0xb8;
	[tilespmem:$0x1E100] =	vst v63  }
0x4a: {  	s28 =	sadd.s32 $0x80, s26  }
0x4b: {  	[tilespmem:s22], [sflag:$0x2] =	stream.indirect.gather [hbm4b:s4+s20], $0x80, s28, s20, $0xb8;
	[tilespmem:$0x1E100] =	vst v63  }
0x4c: {  	_ =	swait.ge [sflag:s23], $0x4000  }
0x4d: {  	[sflag:s23] =	ssyncset.done $0x0  }
0x4e: {  	s28 =	sadd.s32 $0x1400, s26;
	[sflag:s23] =	ssyncadd.s32 $0xFFFFC000  }
0x4f: {  	[spmem:s1] =	stream.indirect.scatter.add.f32 [tilespmem:s21], [sflag:$0x3], $0x80, s28, s20, $0xb8;
	[tilespmem:$0x1E100] =	vst v63  }
0x50: {  	_ =	swait.ge [sflag:s18], $0x4000  }
0x51: {  	[sflag:s18] =	ssyncset.done $0x0  }
0x52: {  	[sflag:s18] =	ssyncadd.s32 $0xFFFFC000  }
0x53: {  	_ =	swait.ge [sflag:s24], $0x4000  }
0x54: {  	[sflag:s24] =	ssyncset.done $0x0  }
0x55: {  	s26 =	sadd.s32 $0x1480, s26;
	[sflag:s24] =	ssyncadd.s32 $0xFFFFC000  }
0x56: {  	[spmem:s1] =	stream.indirect.scatter.add.f32 [tilespmem:s22], [sflag:$0x3], $0x80, s26, s20, $0xb8;
	[tilespmem:$0x1E100] =	vst v63  }
0x57: {  	_ =	swait.ge [sflag:s18], $0x4000  }
0x58: {  	[sflag:s18] =	ssyncset.done $0x0  }
0x59: {  	s30 =	simm.s32 $0x0;
	[sflag:s18] =	ssyncadd.s32 $0xFFFFC000  }
0x5a: {  	[tilespmem:s30], [sflag:$0x3] =	stream.linear.gather [hbm4b:s9+s30], $0x1400, $0x38;
	[tilespmem:$0x1E100] =	vst v63  }
0x5b: {  	_ =	swait.ge [sflag:s18], $0x1400  }
0x5c: {  	[sflag:s18] =	ssyncset.done $0x0  }
0x5d: {  	[sflag:s18] =	ssyncadd.s32 $0xFFFFEC00  }
0x5e: {  	[tilespmem:s19], [sflag:$0x3] =	stream.linear.gather [hbm4b:s10+s30], $0x1400, $0x38;
	[tilespmem:$0x1E100] =	vst v63  }
0x5f: {  	_ =	swait.ge [sflag:s18], $0x1400  }
0x60: {  	[sflag:s18] =	ssyncset.done $0x0  }
0x61: {  	s31 =	simm.s32 $0x0;
	[sflag:s18] =	ssyncadd.s32 $0xFFFFEC00  }
0x62: {  	[tilespmem:s21], [sflag:$0x1] =	stream.indirect.gather [hbm4b:s4+s20], $0x80, s31, s20, $0xb8;
	[tilespmem:$0x1E100] =	vst v63  }
0x63: {  	s29 =	simm.s32 $0x80  }
0x64: {  	[tilespmem:s22], [sflag:$0x2] =	stream.indirect.gather [hbm4b:s4+s20], $0x80, s29, s20, $0xb8;
	[tilespmem:$0x1E100] =	vst v63  }
0x65: {  	_ =	swait.ge [sflag:s23], $0x4000  }
0x66: {  	[sflag:s23] =	ssyncset.done $0x0  }
0x67: {  	s30 =	simm.s32 $0x1400;
	[sflag:s23] =	ssyncadd.s32 $0xFFFFC000  }
0x68: {  	[spmem:s1] =	stream.indirect.scatter.add.f32 [tilespmem:s21], [sflag:$0x3], $0x80, s30, s20, $0xb8;
	[tilespmem:$0x1E100] =	vst v63  }
0x69: {  	_ =	swait.ge [sflag:s18], $0x4000  }
0x6a: {  	[sflag:s18] =	ssyncset.done $0x0  }
0x6b: {  	[sflag:s18] =	ssyncadd.s32 $0xFFFFC000  }
0x6c: {  	_ =	swait.ge [sflag:s24], $0x4000  }
0x6d: {  	[sflag:s24] =	ssyncset.done $0x0  }
0x6e: {  	s31 =	simm.s32 $0x1480;
	[sflag:s24] =	ssyncadd.s32 $0xFFFFC000  }
0x6f: {  	[spmem:s1] =	stream.indirect.scatter.add.f32 [tilespmem:s22], [sflag:$0x3], $0x80, s31, s20, $0xb8;
	[tilespmem:$0x1E100] =	vst v63  }
0x70: {  	_ =	swait.ge [sflag:s18], $0x4000  }
0x71: {  	s28 =	simm.s32 $0x800;
	s26 =	simm.s32 $0x400;
	[sflag:s18] =	ssyncset.done $0x0  }
.LBB2_4:
0x72: {  	s29 =	sshra.s32 s26, $0x2  }
0x73: {  	[sflag:s18] =	ssyncadd.s32 $0xFFFFC000;
	s26 =	smov.u32 s28;
	s30 =	sadd.s32 $0x400, s28  }
0x74: {  	[tilespmem:s21], [sflag:$0x1] =	stream.indirect.gather [hbm4b:s4+s20], $0x80, s29, s20, $0xb8;
	[tilespmem:$0x1E100] =	vst v63  }
0x75: {  	p0 =	sne.s32 s28, $0x4C00;
	s28 =	sadd.s32 $0x80, s29  }
0x76: {  	[tilespmem:s22], [sflag:$0x2] =	stream.indirect.gather [hbm4b:s4+s20], $0x80, s28, s20, $0xb8;
	[tilespmem:$0x1E100] =	vst v63  }
0x77: {  	_ =	swait.ge [sflag:s23], $0x4000  }
0x78: {  	[sflag:s23] =	ssyncset.done $0x0  }
0x79: {  	s28 =	sadd.s32 $0x1400, s29;
	[sflag:s23] =	ssyncadd.s32 $0xFFFFC000  }
0x7a: {  	[spmem:s1] =	stream.indirect.scatter.add.f32 [tilespmem:s21], [sflag:$0x3], $0x80, s28, s20, $0xb8;
	[tilespmem:$0x1E100] =	vst v63  }
0x7b: {  	_ =	swait.ge [sflag:s18], $0x4000  }
0x7c: {  	[sflag:s18] =	ssyncset.done $0x0  }
0x7d: {  	[sflag:s18] =	ssyncadd.s32 $0xFFFFC000  }
0x7e: {  	_ =	swait.ge [sflag:s24], $0x4000  }
.Ltmp1:
0x7f: {  	[sflag:s24] =	ssyncset.done $0x0;
	(pc) =	sbr.rel @p0 .LBB2_4-.Ltmp1, $4  }
0x80: {  	s28 =	sadd.s32 $0x1480, s29;
	[sflag:s24] =	ssyncadd.s32 $0xFFFFC000  }
0x81: {  	[spmem:s1] =	stream.indirect.scatter.add.f32 [tilespmem:s22], [sflag:$0x3], $0x80, s28, s20, $0xb8;
	[tilespmem:$0x1E100] =	vst v63  }
0x82: {  	_ =	swait.ge [sflag:s18], $0x4000  }
0x83: {  	s28 =	smov.u32 s30;
	[sflag:s18] =	ssyncset.done $0x0  }
0x84: {  	s26 =	sshra.s32 s26, $0x2;
	[sflag:s18] =	ssyncadd.s32 $0xFFFFC000  }
0x85: {  	[tilespmem:s21], [sflag:$0x1] =	stream.indirect.gather [hbm4b:s4+s20], $0x80, s26, s20, $0xb8;
	[tilespmem:$0x1E100] =	vst v63  }
0x86: {  	s28 =	sadd.s32 $0x80, s26  }
0x87: {  	[tilespmem:s22], [sflag:$0x2] =	stream.indirect.gather [hbm4b:s4+s20], $0x80, s28, s20, $0xb8;
	[tilespmem:$0x1E100] =	vst v63  }
0x88: {  	_ =	swait.ge [sflag:s23], $0x4000  }
0x89: {  	[sflag:s23] =	ssyncset.done $0x0  }
0x8a: {  	s28 =	sadd.s32 $0x1400, s26;
	[sflag:s23] =	ssyncadd.s32 $0xFFFFC000  }
0x8b: {  	[spmem:s1] =	stream.indirect.scatter.add.f32 [tilespmem:s21], [sflag:$0x3], $0x80, s28, s20, $0xb8;
	[tilespmem:$0x1E100] =	vst v63  }
0x8c: {  	_ =	swait.ge [sflag:s18], $0x4000  }
0x8d: {  	[sflag:s18] =	ssyncset.done $0x0  }
0x8e: {  	[sflag:s18] =	ssyncadd.s32 $0xFFFFC000  }
0x8f: {  	_ =	swait.ge [sflag:s24], $0x4000  }
0x90: {  	[sflag:s24] =	ssyncset.done $0x0  }
0x91: {  	s26 =	sadd.s32 $0x1480, s26;
	[sflag:s24] =	ssyncadd.s32 $0xFFFFC000  }
0x92: {  	[spmem:s1] =	stream.indirect.scatter.add.f32 [tilespmem:s22], [sflag:$0x3], $0x80, s26, s20, $0xb8;
	[tilespmem:$0x1E100] =	vst v63  }
0x93: {  	_ =	swait.ge [sflag:s18], $0x4000  }
0x94: {  	[sflag:s18] =	ssyncset.done $0x0  }
0x95: {  	[sflag:s18] =	ssyncadd.s32 $0xFFFFC000  }
0x96: {  	[bflag:$0x0] =	sbarrier.arrive $0xFFFF  }
0x97: {  	[hbm:s11], [sflag:s6] =	dma.local [spmem:s17], $0x2800  }
0x98: {  	_ =	swait.ge [sflag:s18], $0x2800  }
0x99: {  	[sflag:s18] =	ssyncset.done $0x0  }
0x9a: {  	[sflag:s18] =	ssyncadd.s32 $0xFFFFD800  }
0x9b: {  	[bflag:$0x0] =	sbarrier.arrive $0xFFFF  }
0x9c: {  	[spmem:s17], [sflag:s6] =	dma.local [hbm:s12], $0x2800  }
0x9d: {  	_ =	swait.ge [sflag:s18], $0x2800  }
0x9e: {  	[sflag:s18] =	ssyncset.done $0x0  }
0x9f: {  	[sflag:s18] =	ssyncadd.s32 $0xFFFFD800  }
0xa0: {  	s30 =	simm.s32 $0x0;
	[bflag:$0x0] =	sbarrier.arrive $0xFFFF  }
0xa1: {  	[tilespmem:s30], [sflag:$0x3] =	stream.linear.gather [hbm4b:s13+s30], $0x1400, $0x38;
	[tilespmem:$0x1E100] =	vst v63  }
0xa2: {  	_ =	swait.ge [sflag:s18], $0x1400  }
0xa3: {  	[sflag:s18] =	ssyncset.done $0x0  }
0xa4: {  	[sflag:s18] =	ssyncadd.s32 $0xFFFFEC00  }
0xa5: {  	[tilespmem:s19], [sflag:$0x3] =	stream.linear.gather [hbm4b:s8+s30], $0x1400, $0x38;
	[tilespmem:$0x1E100] =	vst v63  }
0xa6: {  	_ =	swait.ge [sflag:s18], $0x1400  }
0xa7: {  	[sflag:s18] =	ssyncset.done $0x0  }
0xa8: {  	s31 =	simm.s32 $0x0;
	[sflag:s18] =	ssyncadd.s32 $0xFFFFEC00  }
0xa9: {  	[tilespmem:s21], [sflag:$0x1] =	stream.indirect.gather [hbm4b:s4+s20], $0x80, s31, s20, $0xb8;
	[tilespmem:$0x1E100] =	vst v63  }
0xaa: {  	s29 =	simm.s32 $0x80  }
0xab: {  	[tilespmem:s22], [sflag:$0x2] =	stream.indirect.gather [hbm4b:s4+s20], $0x80, s29, s20, $0xb8;
	[tilespmem:$0x1E100] =	vst v63  }
0xac: {  	_ =	swait.ge [sflag:s23], $0x4000  }
0xad: {  	[sflag:s23] =	ssyncset.done $0x0  }
0xae: {  	s30 =	simm.s32 $0x1400;
	[sflag:s23] =	ssyncadd.s32 $0xFFFFC000  }
0xaf: {  	[spmem:s1] =	stream.indirect.scatter.add.f32 [tilespmem:s21], [sflag:$0x3], $0x80, s30, s20, $0xb8;
	[tilespmem:$0x1E100] =	vst v63  }
0xb0: {  	_ =	swait.ge [sflag:s18], $0x4000  }
0xb1: {  	[sflag:s18] =	ssyncset.done $0x0  }
0xb2: {  	[sflag:s18] =	ssyncadd.s32 $0xFFFFC000  }
0xb3: {  	_ =	swait.ge [sflag:s24], $0x4000  }
0xb4: {  	[sflag:s24] =	ssyncset.done $0x0  }
0xb5: {  	s31 =	simm.s32 $0x1480;
	[sflag:s24] =	ssyncadd.s32 $0xFFFFC000  }
0xb6: {  	[spmem:s1] =	stream.indirect.scatter.add.f32 [tilespmem:s22], [sflag:$0x3], $0x80, s31, s20, $0xb8;
	[tilespmem:$0x1E100] =	vst v63  }
0xb7: {  	_ =	swait.ge [sflag:s18], $0x4000  }
0xb8: {  	s28 =	simm.s32 $0x800;
	s26 =	simm.s32 $0x400;
	[sflag:s18] =	ssyncset.done $0x0  }
.LBB2_6:
0xb9: {  	s29 =	sshra.s32 s26, $0x2  }
0xba: {  	[sflag:s18] =	ssyncadd.s32 $0xFFFFC000;
	s26 =	smov.u32 s28;
	s30 =	sadd.s32 $0x400, s28  }
0xbb: {  	[tilespmem:s21], [sflag:$0x1] =	stream.indirect.gather [hbm4b:s4+s20], $0x80, s29, s20, $0xb8;
	[tilespmem:$0x1E100] =	vst v63  }
0xbc: {  	p0 =	sne.s32 s28, $0x4C00;
	s28 =	sadd.s32 $0x80, s29  }
0xbd: {  	[tilespmem:s22], [sflag:$0x2] =	stream.indirect.gather [hbm4b:s4+s20], $0x80, s28, s20, $0xb8;
	[tilespmem:$0x1E100] =	vst v63  }
0xbe: {  	_ =	swait.ge [sflag:s23], $0x4000  }
0xbf: {  	[sflag:s23] =	ssyncset.done $0x0  }
0xc0: {  	s28 =	sadd.s32 $0x1400, s29;
	[sflag:s23] =	ssyncadd.s32 $0xFFFFC000  }
0xc1: {  	[spmem:s1] =	stream.indirect.scatter.add.f32 [tilespmem:s21], [sflag:$0x3], $0x80, s28, s20, $0xb8;
	[tilespmem:$0x1E100] =	vst v63  }
0xc2: {  	_ =	swait.ge [sflag:s18], $0x4000  }
0xc3: {  	[sflag:s18] =	ssyncset.done $0x0  }
0xc4: {  	[sflag:s18] =	ssyncadd.s32 $0xFFFFC000  }
0xc5: {  	_ =	swait.ge [sflag:s24], $0x4000  }
.Ltmp2:
0xc6: {  	[sflag:s24] =	ssyncset.done $0x0;
	(pc) =	sbr.rel @p0 .LBB2_6-.Ltmp2, $4  }
0xc7: {  	s28 =	sadd.s32 $0x1480, s29;
	[sflag:s24] =	ssyncadd.s32 $0xFFFFC000  }
0xc8: {  	[spmem:s1] =	stream.indirect.scatter.add.f32 [tilespmem:s22], [sflag:$0x3], $0x80, s28, s20, $0xb8;
	[tilespmem:$0x1E100] =	vst v63  }
0xc9: {  	_ =	swait.ge [sflag:s18], $0x4000  }
0xca: {  	s28 =	smov.u32 s30;
	[sflag:s18] =	ssyncset.done $0x0  }
0xcb: {  	s26 =	sshra.s32 s26, $0x2;
	[sflag:s18] =	ssyncadd.s32 $0xFFFFC000  }
0xcc: {  	[tilespmem:s21], [sflag:$0x1] =	stream.indirect.gather [hbm4b:s4+s20], $0x80, s26, s20, $0xb8;
	[tilespmem:$0x1E100] =	vst v63  }
0xcd: {  	s28 =	sadd.s32 $0x80, s26  }
0xce: {  	[tilespmem:s22], [sflag:$0x2] =	stream.indirect.gather [hbm4b:s4+s20], $0x80, s28, s20, $0xb8;
	[tilespmem:$0x1E100] =	vst v63  }
0xcf: {  	_ =	swait.ge [sflag:s23], $0x4000  }
0xd0: {  	[sflag:s23] =	ssyncset.done $0x0  }
0xd1: {  	s28 =	sadd.s32 $0x1400, s26;
	[sflag:s23] =	ssyncadd.s32 $0xFFFFC000  }
0xd2: {  	[spmem:s1] =	stream.indirect.scatter.add.f32 [tilespmem:s21], [sflag:$0x3], $0x80, s28, s20, $0xb8;
	[tilespmem:$0x1E100] =	vst v63  }
0xd3: {  	_ =	swait.ge [sflag:s18], $0x4000  }
0xd4: {  	[sflag:s18] =	ssyncset.done $0x0  }
0xd5: {  	[sflag:s18] =	ssyncadd.s32 $0xFFFFC000  }
0xd6: {  	_ =	swait.ge [sflag:s24], $0x4000  }
0xd7: {  	[sflag:s24] =	ssyncset.done $0x0  }
0xd8: {  	s26 =	sadd.s32 $0x1480, s26;
	[sflag:s24] =	ssyncadd.s32 $0xFFFFC000  }
0xd9: {  	[spmem:s1] =	stream.indirect.scatter.add.f32 [tilespmem:s22], [sflag:$0x3], $0x80, s26, s20, $0xb8;
	[tilespmem:$0x1E100] =	vst v63  }
0xda: {  	_ =	swait.ge [sflag:s18], $0x4000  }
0xdb: {  	[sflag:s18] =	ssyncset.done $0x0  }
0xdc: {  	s30 =	simm.s32 $0x0;
	[sflag:s18] =	ssyncadd.s32 $0xFFFFC000  }
0xdd: {  	[tilespmem:s30], [sflag:$0x3] =	stream.linear.gather [hbm4b:s14+s30], $0x1400, $0x38;
	[tilespmem:$0x1E100] =	vst v63  }
0xde: {  	_ =	swait.ge [sflag:s18], $0x1400  }
0xdf: {  	[sflag:s18] =	ssyncset.done $0x0  }
0xe0: {  	[sflag:s18] =	ssyncadd.s32 $0xFFFFEC00  }
0xe1: {  	[tilespmem:s19], [sflag:$0x3] =	stream.linear.gather [hbm4b:s10+s30], $0x1400, $0x38;
	[tilespmem:$0x1E100] =	vst v63  }
0xe2: {  	_ =	swait.ge [sflag:s18], $0x1400  }
0xe3: {  	[sflag:s18] =	ssyncset.done $0x0  }
0xe4: {  	s31 =	simm.s32 $0x0;
	[sflag:s18] =	ssyncadd.s32 $0xFFFFEC00  }
0xe5: {  	[tilespmem:s21], [sflag:$0x1] =	stream.indirect.gather [hbm4b:s4+s20], $0x80, s31, s20, $0xb8;
	[tilespmem:$0x1E100] =	vst v63  }
0xe6: {  	s29 =	simm.s32 $0x80  }
0xe7: {  	[tilespmem:s22], [sflag:$0x2] =	stream.indirect.gather [hbm4b:s4+s20], $0x80, s29, s20, $0xb8;
	[tilespmem:$0x1E100] =	vst v63  }
0xe8: {  	_ =	swait.ge [sflag:s23], $0x4000  }
0xe9: {  	[sflag:s23] =	ssyncset.done $0x0  }
0xea: {  	s30 =	simm.s32 $0x1400;
	[sflag:s23] =	ssyncadd.s32 $0xFFFFC000  }
0xeb: {  	[spmem:s1] =	stream.indirect.scatter.add.f32 [tilespmem:s21], [sflag:$0x3], $0x80, s30, s20, $0xb8;
	[tilespmem:$0x1E100] =	vst v63  }
0xec: {  	_ =	swait.ge [sflag:s18], $0x4000  }
0xed: {  	[sflag:s18] =	ssyncset.done $0x0  }
0xee: {  	[sflag:s18] =	ssyncadd.s32 $0xFFFFC000  }
0xef: {  	_ =	swait.ge [sflag:s24], $0x4000  }
0xf0: {  	[sflag:s24] =	ssyncset.done $0x0  }
0xf1: {  	s31 =	simm.s32 $0x1480;
	[sflag:s24] =	ssyncadd.s32 $0xFFFFC000  }
0xf2: {  	[spmem:s1] =	stream.indirect.scatter.add.f32 [tilespmem:s22], [sflag:$0x3], $0x80, s31, s20, $0xb8;
	[tilespmem:$0x1E100] =	vst v63  }
0xf3: {  	_ =	swait.ge [sflag:s18], $0x4000  }
0xf4: {  	s28 =	simm.s32 $0x800;
	s26 =	simm.s32 $0x400;
	[sflag:s18] =	ssyncset.done $0x0  }
.LBB2_8:
0xf5: {  	s29 =	sshra.s32 s26, $0x2  }
0xf6: {  	[sflag:s18] =	ssyncadd.s32 $0xFFFFC000;
	s26 =	smov.u32 s28;
	s30 =	sadd.s32 $0x400, s28  }
0xf7: {  	[tilespmem:s21], [sflag:$0x1] =	stream.indirect.gather [hbm4b:s4+s20], $0x80, s29, s20, $0xb8;
	[tilespmem:$0x1E100] =	vst v63  }
0xf8: {  	p0 =	sne.s32 s28, $0x4C00;
	s28 =	sadd.s32 $0x80, s29  }
0xf9: {  	[tilespmem:s22], [sflag:$0x2] =	stream.indirect.gather [hbm4b:s4+s20], $0x80, s28, s20, $0xb8;
	[tilespmem:$0x1E100] =	vst v63  }
0xfa: {  	_ =	swait.ge [sflag:s23], $0x4000  }
0xfb: {  	[sflag:s23] =	ssyncset.done $0x0  }
0xfc: {  	s28 =	sadd.s32 $0x1400, s29;
	[sflag:s23] =	ssyncadd.s32 $0xFFFFC000  }
0xfd: {  	[spmem:s1] =	stream.indirect.scatter.add.f32 [tilespmem:s21], [sflag:$0x3], $0x80, s28, s20, $0xb8;
	[tilespmem:$0x1E100] =	vst v63  }
0xfe: {  	_ =	swait.ge [sflag:s18], $0x4000  }
0xff: {  	[sflag:s18] =	ssyncset.done $0x0  }
0x100: {  	[sflag:s18] =	ssyncadd.s32 $0xFFFFC000  }
0x101: {  	_ =	swait.ge [sflag:s24], $0x4000  }
.Ltmp3:
0x102: {  	[sflag:s24] =	ssyncset.done $0x0;
	(pc) =	sbr.rel @p0 .LBB2_8-.Ltmp3, $4  }
0x103: {  	s28 =	sadd.s32 $0x1480, s29;
	[sflag:s24] =	ssyncadd.s32 $0xFFFFC000  }
0x104: {  	[spmem:s1] =	stream.indirect.scatter.add.f32 [tilespmem:s22], [sflag:$0x3], $0x80, s28, s20, $0xb8;
	[tilespmem:$0x1E100] =	vst v63  }
0x105: {  	_ =	swait.ge [sflag:s18], $0x4000  }
0x106: {  	s28 =	smov.u32 s30;
	[sflag:s18] =	ssyncset.done $0x0  }
0x107: {  	s26 =	sshra.s32 s26, $0x2;
	[sflag:s18] =	ssyncadd.s32 $0xFFFFC000  }
0x108: {  	[tilespmem:s21], [sflag:$0x1] =	stream.indirect.gather [hbm4b:s4+s20], $0x80, s26, s20, $0xb8;
	[tilespmem:$0x1E100] =	vst v63  }
0x109: {  	s28 =	sadd.s32 $0x80, s26  }
0x10a: {  	[tilespmem:s22], [sflag:$0x2] =	stream.indirect.gather [hbm4b:s4+s20], $0x80, s28, s20, $0xb8;
	[tilespmem:$0x1E100] =	vst v63  }
0x10b: {  	_ =	swait.ge [sflag:s23], $0x4000  }
0x10c: {  	[sflag:s23] =	ssyncset.done $0x0  }
0x10d: {  	s31 =	sadd.s32 $0x1400, s26;
	[sflag:s23] =	ssyncadd.s32 $0xFFFFC000  }
0x10e: {  	[spmem:s1] =	stream.indirect.scatter.add.f32 [tilespmem:s21], [sflag:$0x3], $0x80, s31, s20, $0xb8;
	[tilespmem:$0x1E100] =	vst v63  }
0x10f: {  	_ =	swait.ge [sflag:s18], $0x4000  }
0x110: {  	[sflag:s18] =	ssyncset.done $0x0  }
0x111: {  	[sflag:s18] =	ssyncadd.s32 $0xFFFFC000  }
0x112: {  	_ =	swait.ge [sflag:s24], $0x4000  }
0x113: {  	[sflag:s24] =	ssyncset.done $0x0  }
0x114: {  	s26 =	sadd.s32 $0x1480, s26;
	[sflag:s24] =	ssyncadd.s32 $0xFFFFC000  }
0x115: {  	[spmem:s1] =	stream.indirect.scatter.add.f32 [tilespmem:s22], [sflag:$0x3], $0x80, s26, s20, $0xb8;
	[tilespmem:$0x1E100] =	vst v63  }
0x116: {  	_ =	swait.ge [sflag:s18], $0x4000  }
0x117: {  	[sflag:s18] =	ssyncset.done $0x0  }
0x118: {  	s25 =	sadd.s32 $0x1, s25;
	[sflag:s18] =	ssyncadd.s32 $0xFFFFC000  }
0x119: {  	p0 =	sne.s32 s25, s16;
	[bflag:$0x0] =	sbarrier.arrive $0xFFFF  }
0x11a: {  	[hbm:s15], [sflag:s6] =	dma.local [spmem:s17], $0x2800  }
.Ltmp4:
0x11b: {  	_ =	swait.ge [sflag:s18], $0x2800;
	(pc) =	sbr.rel @p0 .LBB2_1-.Ltmp4, $3  }
0x11c: {  	[sflag:s18] =	ssyncset.done $0x0  }
0x11d: {  	[sflag:s18] =	ssyncadd.s32 $0xFFFFD800  }
0x11e: {  	[bflag:$0x0] =	sbarrier.arrive $0xFFFF;
	_ =	sdelay $0x1  }
0x11f: {  	_ =	sfence.sel $0x180000  }
0x120: {  	[bflag:$0x0] =	sbarrier.arrive $0xFFFF  }
0x121: {  	p0 =	sne.s32 s2, $0x0;
	_ =	strace $0x9000004D  }
0x122: {  	s0 =	sadd.s32 @!p0 $0x100000, s0;
	[bflag:$0x2] =	sbarrier.arrive $0xFFFF  }
0x123: {  	[sflag:s0] =	ssyncadd.tile.s32 @!p0 $0x1;
	_ =	shalt  }
.Lfunc_end2:
_tile_overlayer_lowered:
.L_overlay_start_2:
0x124: {  	(tag) =	ssettag $0x2  }
0x125: {  	s0 =	rddreg [dreg:$0x0];
	s2 =	stileid.u32  }
0x126: {  	s1 =	rddreg [dreg:$0x1];
	p0 =	sne.s32 s2, $0x0  }
0x127: {  	s3 =	rddreg [dreg:$0x2];
	[bflag:$0x3] =	sbarrier.arrive $0xFFFF;
	s2 =	simm.s32 @!p0 $0x1C03  }
0x128: {  	[timem:s3], [sflag:s2] =	dma.local @!p0 [hbm:s0], s1  }
0x129: {  	s0 =	simm.s32 @!p0 $0x3  }
0x12a: {  	_ =	swait.ge @!p0 [sflag:s0], s1  }
0x12b: {  	s1 =	ssub.s32 @!p0 $0x0, s1;
	[sflag:s0] =	ssyncset.done @!p0 $0x0  }
0x12c: {  	[sflag:s0] =	ssyncadd.s32 @!p0 s1  }
0x12d: {  	[bflag:$0x3] =	sbarrier.arrive $0xFFFF  }
0x12e: {  	_ =	shalt  }

// kernel: kernel.22.cloned.1.call-start
scs
__scs_entry_jumppad:
0x0: {  	(pc) =	sbr.rel $0x88, $3  }
0x1: {  	(tag) =	ssettag $0x0;
	lr =	simm.s32 $0x1  }
0x2: {  	[smem:$0x3F85] =	sst lr;
	_ =	strace $0xD0000000  }
0x3: {  	_ = 	snop  }
0x4: {  	_ = 	snop  }
0x5: {  	_ = 	snop  }
0x6: {  	_ = 	snop  }
0x7: {  	_ = 	snop  }
__scs_overlays_trampoline_lowered:
0x8: {  	[smem:$0x3F94] =	sst s0  }
0x9: {  	[smem:$0x3F95] =	sst s1  }
0xa: {  	[smem:$0x3F96] =	sst s2  }
0xb: {  	[smem:$0x3F97] =	sst s3  }
0xc: {  	[smem:$0x3F98] =	sst s4  }
0xd: {  	[smem:$0x3F99] =	sst s5  }
0xe: {  	[smem:$0x3F9A] =	sst s6  }
0xf: {  	[smem:$0x3F9B] =	sst s7  }
0x10: {  	[smem:$0x3F9C] =	sst s8  }
0x11: {  	[smem:$0x3F9D] =	sst s9;
	s0 =	simm.s32 @!p0 $0x0  }
0x12: {  	s1 =	sld [smem:$0x3F83];
	s0 =	simm.s32 @p0 $0x1  }
0x13: {  	[smem:$0x3F9E] =	sst s0;
	s0 =	simm.s32 @!p1 $0x0  }
0x14: {  	s2 =	sld [smem:$0x3F82];
	s0 =	simm.s32 @p1 $0x1  }
0x15: {  	[smem:$0x3F9F] =	sst s0;
	s0 =	simm.s32 @!p2 $0x0  }
0x16: {  	s3 =	sld [smem:$0x3FDB];
	s0 =	simm.s32 @p2 $0x1  }
0x17: {  	s4 =	simm.s32 $0x1BF5;
	[smem:$0x3FA1] =	sst s0  }
0x18: {  	s0 =	sld [smem:$0x3F84];
	_ =	swait.ge [sflag:s4], $0x0  }
0x19: {  	s7 =	sld [smem:$0x3F85]  }
0x1a: {  	s8 =	sadd.s32 $0xFFFFE003, lr  }
0x1b: {  	s9 =	sadd.s32 $0xFFFFFEF7, lr;
	s5 =	simm.s32 $0xFFFFFFFF;
	p2 =	slt.u32 s8, $0xFFFFF086  }
0x1c: {  	p1 =	slt.u32 s9, $0xF7A;
	s5 =	simm.s32 @!p2 $0x0  }
0x1d: {  	s5 =	simm.s32 @p1 $0x1;
	p0 =	seq.s32 s7, s2  }
0x1e: {  	s7 =	smul.u32 @!p0 $0xF7A, s2;
	p2 =	seq.s32 @!p0 s5, $0x0  }
0x1f: {  	s9 =	smul.u32 $0xF7A, s1;
	s8 =	simm.s32 @!p0 $0x1BF5;
	p2 =	por !p2, p0  }
0x20: {  	[sflag:s8] =	ssyncset.s32 @!p0 $0xFFFFF086;
	s6 =	sadd.s32 @!p0 s3, s7;
	s7 =	simm.s32 @!p0 $0x108  }
0x21: {  	s3 =	sadd.s32 s3, s9;
	s6 =	sadd.s32 @!p0 $0x88, s6;
	s7 =	simm.s32 @p2 $0x1082  }
0x22: {  	[simem:s7], [sflag:s8] =	dma.local @!p0 [hbm:s6], $0xF7A  }
0x23: {  	s9 =	sor.u32 $0xD0000000, s2;
	s6 =	simm.s32 $0x108;
	_ =	swait.ge @!p0 [sflag:s8], $0x0  }
0x24: {  	s3 =	sadd.s32 $0x88, s3;
	s6 =	simm.s32 @!p1 $0x1082;
	[sflag:s4] =	ssyncset.s32 $0xFFFFF086  }
0x25: {  	[simem:s6], [sflag:s4] =	dma.local [hbm:s3], $0xF7A  }
0x26: {  	[smem:$0x3F85] =	sst s1;
	(tag) =	ssettag s2;
	_ =	strace s9  }
0x27: {  	s1 =	sld [smem:$0x3F95]  }
0x28: {  	s2 =	sld [smem:$0x3F96]  }
0x29: {  	s4 =	sld [smem:$0x3F98]  }
0x2a: {  	p0 =	seq.s32 s5, $0x0;
	s5 =	sld [smem:$0x3F99]  }
0x2b: {  	s6 =	sld [smem:$0x3F9A]  }
0x2c: {  	s7 =	sld [smem:$0x3F9B]  }
0x2d: {  	s3 =	simm.s32 $0x108;
	s8 =	sld [smem:$0x3F9C]  }
0x2e: {  	s3 =	simm.s32 @!p0 $0x1082;
	s9 =	sld [smem:$0x3F9D]  }
0x2f: {  	lr =	sadd.s32 s0, s3;
	s0 =	sld [smem:$0x3F94]  }
0x30: {  	s3 =	sld [smem:$0x3F97]  }
0x31: {  	[smem:$0x3FA0] =	sst s10  }
0x32: {  	s10 =	sld [smem:$0x3F9E];
	_ =	sdelay $0x3  }
0x33: {  	p0 =	seq.s32 s10, $0x1;
	s10 =	sld [smem:$0x3FA0];
	_ =	sdelay $0x3  }
0x34: {  	[smem:$0x3FA0] =	sst s10  }
0x35: {  	s10 =	sld [smem:$0x3F9F];
	_ =	sdelay $0x3  }
0x36: {  	p1 =	seq.s32 s10, $0x1;
	s10 =	sld [smem:$0x3FA0];
	_ =	sdelay $0x3  }
0x37: {  	[smem:$0x3FA0] =	sst s10  }
0x38: {  	s10 =	sld [smem:$0x3FA1]  }
0x39: {  	_ = 	snop;
	(pc) =	sbr.ind lr, $3  }
0x3a: {  	_ = 	snop  }
0x3b: {  	_ = 	snop  }
0x3c: {  	p2 =	seq.s32 s10, $0x1;
	s10 =	sld [smem:$0x3FA0]  }
0x3d: {  	_ =	shalt  }
0x3e: {  	_ =	shalt  }
0x3f: {  	_ =	shalt  }
0x40: {  	_ =	shalt  }
0x41: {  	_ =	shalt  }
0x42: {  	_ =	shalt  }
0x43: {  	_ =	shalt  }
0x44: {  	_ =	shalt  }
0x45: {  	_ =	shalt  }
0x46: {  	_ =	shalt  }
0x47: {  	_ =	shalt  }
0x48: {  	_ =	shalt  }
0x49: {  	_ =	shalt  }
0x4a: {  	_ =	shalt  }
0x4b: {  	_ =	shalt  }
0x4c: {  	_ =	shalt  }
0x4d: {  	_ =	shalt  }
0x4e: {  	_ =	shalt  }
0x4f: {  	_ =	shalt  }
0x50: {  	_ =	shalt  }
0x51: {  	_ =	shalt  }
0x52: {  	_ =	shalt  }
0x53: {  	_ =	shalt  }
0x54: {  	_ =	shalt  }
0x55: {  	_ =	shalt  }
0x56: {  	_ =	shalt  }
0x57: {  	_ =	shalt  }
0x58: {  	_ =	shalt  }
0x59: {  	_ =	shalt  }
0x5a: {  	_ =	shalt  }
0x5b: {  	_ =	shalt  }
0x5c: {  	_ =	shalt  }
0x5d: {  	_ =	shalt  }
0x5e: {  	_ =	shalt  }
0x5f: {  	_ =	shalt  }
0x60: {  	_ =	shalt  }
0x61: {  	_ =	shalt  }
0x62: {  	_ =	shalt  }
0x63: {  	_ =	shalt  }
0x64: {  	_ =	shalt  }
0x65: {  	_ =	shalt  }
0x66: {  	_ =	shalt  }
0x67: {  	_ =	shalt  }
0x68: {  	_ =	shalt  }
0x69: {  	_ =	shalt  }
0x6a: {  	_ =	shalt  }
0x6b: {  	_ =	shalt  }
0x6c: {  	_ =	shalt  }
0x6d: {  	_ =	shalt  }
0x6e: {  	_ =	shalt  }
0x6f: {  	_ =	shalt  }
0x70: {  	_ =	shalt  }
0x71: {  	_ =	shalt  }
0x72: {  	_ =	shalt  }
0x73: {  	_ =	shalt  }
0x74: {  	_ =	shalt  }
0x75: {  	_ =	shalt  }
0x76: {  	_ =	shalt  }
0x77: {  	_ =	shalt  }
0x78: {  	_ =	shalt  }
0x79: {  	_ =	shalt  }
0x7a: {  	_ =	shalt  }
0x7b: {  	_ =	shalt  }
0x7c: {  	_ =	shalt  }
0x7d: {  	_ =	shalt  }
0x7e: {  	_ =	shalt  }
0x7f: {  	_ =	shalt  }
0x80: {  	_ =	shalt  }
0x81: {  	_ =	shalt  }
0x82: {  	_ =	shalt  }
0x83: {  	_ =	shalt  }
0x84: {  	_ =	shalt  }
0x85: {  	_ =	shalt  }
0x86: {  	_ =	shalt  }
0x87: {  	_ =	shalt  }
.Lfunc_end0:
.L_simem_size_0:
called_computation.3_lowered:
.L_overlay_start_0:
0x88: {  	s2 =	sld [smem:$0x3FD9]  }
0x89: {  	s3 =	sld [smem:$0x3FFE];
	_ =	sdelay $0x1  }
0x8a: {  	s1 =	srdreg.scid  }
0x8b: {  	s0 =	sand.u32 $0x1, s1  }
0x8c: {  	s14 =	sshll.u32 s0, $0xA;
	s2 =	sadd.s32 s3, s2  }
0x8d: {  	s2 =	sadd.s32 s2, s14  }
0x8e: {  	[smem:$0x3FAC] =	sst s2  }
0x8f: {  	_ = 	snop  }
0x90: {  	s2 =	sld [smem:$0x3FD0];
	_ =	sdelay $0x2  }
0x91: {  	s15 =	simm.s32 $0xA;
	s4 =	simm.s32 $0x10  }
0x92: {  	[smem:s4], [sflag:s15] =	dma.local [hbm:s2], $0x1  }
0x93: {  	_ =	swait.eq [sflag:s15], $0x1  }
0x94: {  	[sflag:s15] =	ssyncset.done $0x0  }
0x95: {  	[sflag:s15] =	ssyncadd.s32 $0xFFFFFFFF  }
0x96: {  	s16 =	sld [smem:$0x10];
	(tm) =	ssettm $0x1  }
0x97: {  	s17 =	sld [smem:$0x3FFB];
	_ =	sdelay $0x3  }
0x98: {  	_ =	strace s17  }
0x99: {  	s3 =	sld [smem:$0x3FFC];
	_ =	sdelay $0x3  }
0x9a: {  	_ =	strace s3  }
0x9b: {  	s3 =	sld [smem:$0x3FFD];
	_ =	sdelay $0x3  }
0x9c: {  	_ =	strace s3  }
0x9d: {  	_ =	strace $0x8FFFFFFF  }
0x9e: {  	s18 =	sld [smem:$0x3FDB];
	_ =	sdelay $0x1  }
0x9f: {  	s19 =	simm.s32 $_scs_section_size  }
0xa0: {  	s5 =	simm.s32 $_size__tile_overlayer_lowered;
	s6 =	simm.s32 $_tile_overlayer_lowered  }
0xa1: {  	s22 =	simm.s32 $0x1BFF;
	s21 =	sshll.u32 s6, $0x1;
	s3 =	sadd.s32 s19, s18  }
0xa2: {  	s7 =	simm.s32 $0x0;
	s20 =	sshll.u32 s5, $0x1;
	s5 =	sadd.s32 s21, s3  }
0xa3: {  	[timem:s7], [sflag:s22] =	dma.local [hbm:s5], s20  }
0xa4: {  	_ =	swait.ge [sflag:s22], s20  }
0xa5: {  	s4 =	ssub.s32 $0x0, s20;
	[sflag:s22] =	ssyncset.done $0x0  }
0xa6: {  	[sflag:s22] =	ssyncadd.s32 s4;
	_ =	sdelay $0x1  }
0xa7: {  	s23 =	simm.s32 $0x1B8B  }
0xa8: {  	_ =	swait.ge [sflag:s23], $0x1  }
0xa9: {  	[sflag:s23] =	ssyncset.done $0x0  }
0xaa: {  	s25 =	simm.s32 $0x1B8E;
	s24 =	sld [smem:$0x3FFE];
	[sflag:s23] =	ssyncadd.s32 $0xFFFFFFFF  }
0xab: {  	s26 =	simm.s32 $execute0_lowered;
	[smem:$0x3FD2] =	sst s25  }
0xac: {  	s5 =	sshll.u32 s26, $0x1;
	_ =	strace $0x8000004F;
	[dreg:$0x1] =	wrdreg $0xFFFFFFFF  }
0xad: {  	s28 =	simm.s32 $_size_execute0_lowered;
	s3 =	sadd.s32 s3, s5;
	[dreg:$0x0] =	wrdreg $0x0  }
0xae: {  	s5 =	sshll.u32 s28, $0x1;
	[dreg:$0x2] =	wrdreg s3  }
0xaf: {  	[dreg:$0x3] =	wrdreg s5  }
0xb0: {  	[dreg:$0x4] =	wrdreg $0xC0  }
0xb1: {  	_ =	task [dreg:s7], $0x5FFFF  }
0xb2: {  	[dreg:$0x1] =	wrdreg $0xFFFFFFFF  }
0xb3: {  	[dreg:$0x0] =	wrdreg $0x60  }
0xb4: {  	[dreg:$0x2] =	wrdreg s24  }
0xb5: {  	[dreg:$0x3] =	wrdreg s16  }
0xb6: {  	[dreg:$0x4] =	wrdreg $0xA8000  }
0xb7: {  	[dreg:$0x5] =	wrdreg $0x9  }
0xb8: {  	_ =	task.clear_ibuf [dreg:s7], $0x6FFFF;
	_ =	strace $0x9000004F  }
0xb9: {  	s29 =	simm.s32 $0x9;
	_ =	strace $0x80000051  }
0xba: {  	_ =	swait.ge [sflag:s29], $0x1  }
0xbb: {  	[sflag:s29] =	ssyncadd.s32 $0xFFFFFFFF  }
0xbc: {  	_ =	strace $0x90000051  }
0xbd: {  	_ =	sfence  }
0xbe: {  	s30 =	sld [smem:$0x0];
	_ =	sdelay $0x2  }
0xbf: {  	s31 =	sshll.u32 s1, $0xD;
	s1 =	sshrl.u32 s1, $0x2  }
0xc0: {  	s3 =	sand.u32 $0x4000, s31;
	s1 =	sadd.s32 s1, s30  }
0xc1: {  	s0 =	sor.u32 s3, s0;
	s1 =	sshll.u32 s1, $0x11  }
0xc2: {  	s0 =	sor.u32 s1, s0  }
0xc3: {  	s0 =	sadd.s32 $0x8F2B, s0  }
0xc4: {  	[sflag:s0] =	ssyncadd.remote.s32 $0x1  }
0xc5: {  	_ =	sfence.sel $0xFFFF  }
0xc6: {  	[dreg:$0x0] =	wrdreg $0xFFFFFFFF;
	(pc) =	sbr.abs _section_cstart, $3  }
0xc7: {  	[dreg:$0x1] =	wrdreg $0xFFFFFFFF  }
0xc8: {  	_ =	task.clear_ibuf [dreg:s7], $0x2FFFF;
	_ =	strace $0x9FFFFFFF  }
0xc9: {  	(tm) =	ssettm $0x7FFFFFFF  }
tec
execute0_lowered:
.L_overlay_start_1:
0x0: {  	(tag) =	ssettag $0x1  }
0x1: {  	s5 =	rddreg [dreg:$0x0]  }
0x2: {  	s1 =	rddreg [dreg:$0x1]  }
0x3: {  	s2 =	rddreg [dreg:$0x2]  }
0x4: {  	s3 =	srdreg.scid;
	s0 =	rddreg [dreg:$0x3];
	s4 =	simm.s32 $0x0  }
0x5: {  	s17 =	simm.s32 $0x2800;
	s18 =	simm.s32 $0x6800;
	s19 =	simm.s32 $0x1  }
0x6: {  	s20 =	simm.s32 $0x2;
	s6 =	sand.u32 $0x1, s3;
	s3 =	stileid.u32  }
0x7: {  	s21 =	simm.s32 $0x0;
	[smem:$0x7FF] =	sst s4;
	s7 =	smul.u32 $0x2710, s6  }
0x8: {  	s9 =	sadd.s32 $0x198C00, s5;
	s10 =	sadd.s32 $0xA200, s5;
	s8 =	smul.u32 $0x270, s3  }
0x9: {  	_ =	strace $0x80000050;
	s24 =	smul.u32 $0x4E000, s3;
	s11 =	sshll.u32 s6, $0x4  }
0xa: {  	s25 =	ssub.s32 $0x2, s6;
	s30 =	sshll.u32 s3, $0x6;
	s31 =	smul.u32 $0x2800, s3  }
0xb: {  	s16 =	smul.u32 $0x500, s3;
	s26 =	sor.u32 s3, s11;
	s28 =	sshrl.u32 s25, $0x1  }
0xc: {  	s6 =	sor.u32 $0x1C03, s30;
	s7 =	sadd.s32 s8, s7;
	s13 =	smul.u32 $0x500, s26  }
0xd: {  	s8 =	sshrl.u32 s24, $0x2;
	s14 =	ssub.s32 s25, s28;
	s29 =	smul.u32 $0x2800, s26  }
0xe: {  	s11 =	sshrl.u32 s31, $0x3;
	s7 =	sshll.u32 s7, $0x4;
	s15 =	sadd.s32 s8, s2  }
0xf: {  	s12 =	sadd.s32 s7, s5;
	s5 =	sadd.s32 s1, s7;
	s8 =	sshrl.u32 s29, $0x3  }
0x10: {  	s7 =	sadd.s32 s9, s13;
	s13 =	sshrl.u32 s15, $0x3;
	s15 =	simm.s32 $0x1400  }
0x11: {  	s9 =	sadd.s32 s9, s8;
	s8 =	sadd.s32 s10, s16;
	s10 =	sadd.s32 s10, s11  }
0x12: {  	s11 =	sadd.s32 $0x60400, s12;
	s12 =	smax.u32 s14, $0x1;
	s14 =	simm.s32 $0x3  }
0x13: {  	s16 =	simm.s32 $0x80;
	s9 =	sadd.s32 $0x280, s9;
	s10 =	sadd.s32 $0x280, s10  }
.LBB2_1:
0x14: {  	[spmem:s13], [sflag:s6] =	dma.local [hbm:s5], $0x2800  }
0x15: {  	_ =	swait.ge [sflag:s14], $0x2800  }
0x16: {  	[sflag:s14] =	ssyncset.done $0x0  }
0x17: {  	[sflag:s14] =	ssyncadd.s32 $0xFFFFD800  }
0x18: {  	[bflag:$0x0] =	sbarrier.arrive $0xFFFF  }
0x19: {  	[tilespmem:s4], [sflag:$0x3] =	stream.linear.gather [hbm4b:s7+s4], $0x1400, $0x38;
	[tilespmem:$0x1E100] =	vst v63  }
0x1a: {  	_ =	swait.ge [sflag:s14], $0x1400  }
0x1b: {  	[sflag:s14] =	ssyncset.done $0x0  }
0x1c: {  	[sflag:s14] =	ssyncadd.s32 $0xFFFFEC00  }
0x1d: {  	[tilespmem:s15], [sflag:$0x3] =	stream.linear.gather [hbm4b:s8+s4], $0x1400, $0x38;
	[tilespmem:$0x1E100] =	vst v63  }
0x1e: {  	_ =	swait.ge [sflag:s14], $0x1400  }
0x1f: {  	[sflag:s14] =	ssyncset.done $0x0  }
0x20: {  	s22 =	simm.s32 $0x0;
	[sflag:s14] =	ssyncadd.s32 $0xFFFFEC00  }
0x21: {  	[tilespmem:s17], [sflag:$0x1] =	stream.indirect.gather [hbm4b:s1+s16], $0x80, s22, s16, $0xb8;
	[tilespmem:$0x1E100] =	vst v63  }
0x22: {  	s29 =	simm.s32 $0x80  }
0x23: {  	[tilespmem:s18], [sflag:$0x2] =	stream.indirect.gather [hbm4b:s1+s16], $0x80, s29, s16, $0xb8;
	[tilespmem:$0x1E100] =	vst v63  }
0x24: {  	_ =	swait.ge [sflag:s19], $0x4000  }
0x25: {  	[sflag:s19] =	ssyncset.done $0x0  }
0x26: {  	s30 =	simm.s32 $0x1400;
	[sflag:s19] =	ssyncadd.s32 $0xFFFFC000  }
0x27: {  	[spmem:s2] =	stream.indirect.scatter.add.f32 [tilespmem:s17], [sflag:$0x3], $0x80, s30, s16, $0xb8;
	[tilespmem:$0x1E100] =	vst v63  }
0x28: {  	_ =	swait.ge [sflag:s14], $0x4000  }
0x29: {  	[sflag:s14] =	ssyncset.done $0x0  }
0x2a: {  	[sflag:s14] =	ssyncadd.s32 $0xFFFFC000  }
0x2b: {  	_ =	swait.ge [sflag:s20], $0x4000  }
0x2c: {  	[sflag:s20] =	ssyncset.done $0x0  }
0x2d: {  	s31 =	simm.s32 $0x1480;
	[sflag:s20] =	ssyncadd.s32 $0xFFFFC000  }
0x2e: {  	[spmem:s2] =	stream.indirect.scatter.add.f32 [tilespmem:s18], [sflag:$0x3], $0x80, s31, s16, $0xb8;
	[tilespmem:$0x1E100] =	vst v63  }
0x2f: {  	_ =	swait.ge [sflag:s14], $0x4000  }
0x30: {  	s23 =	simm.s32 $0x800;
	s22 =	simm.s32 $0x400;
	[sflag:s14] =	ssyncset.done $0x0  }
.LBB2_2:
0x31: {  	s24 =	sshra.s32 s22, $0x2  }
0x32: {  	[sflag:s14] =	ssyncadd.s32 $0xFFFFC000;
	s22 =	smov.u32 s23;
	s25 =	sadd.s32 $0x400, s23  }
0x33: {  	[tilespmem:s17], [sflag:$0x1] =	stream.indirect.gather [hbm4b:s1+s16], $0x80, s24, s16, $0xb8;
	[tilespmem:$0x1E100] =	vst v63  }
0x34: {  	p0 =	sne.s32 s23, $0x4C00;
	s23 =	sadd.s32 $0x80, s24  }
0x35: {  	[tilespmem:s18], [sflag:$0x2] =	stream.indirect.gather [hbm4b:s1+s16], $0x80, s23, s16, $0xb8;
	[tilespmem:$0x1E100] =	vst v63  }
0x36: {  	_ =	swait.ge [sflag:s19], $0x4000  }
0x37: {  	[sflag:s19] =	ssyncset.done $0x0  }
0x38: {  	s23 =	sadd.s32 $0x1400, s24;
	[sflag:s19] =	ssyncadd.s32 $0xFFFFC000  }
0x39: {  	[spmem:s2] =	stream.indirect.scatter.add.f32 [tilespmem:s17], [sflag:$0x3], $0x80, s23, s16, $0xb8;
	[tilespmem:$0x1E100] =	vst v63  }
0x3a: {  	_ =	swait.ge [sflag:s14], $0x4000  }
0x3b: {  	[sflag:s14] =	ssyncset.done $0x0  }
0x3c: {  	[sflag:s14] =	ssyncadd.s32 $0xFFFFC000  }
0x3d: {  	_ =	swait.ge [sflag:s20], $0x4000  }
.Ltmp0:
0x3e: {  	[sflag:s20] =	ssyncset.done $0x0;
	(pc) =	sbr.rel @p0 .LBB2_2-.Ltmp0, $4  }
0x3f: {  	s23 =	sadd.s32 $0x1480, s24;
	[sflag:s20] =	ssyncadd.s32 $0xFFFFC000  }
0x40: {  	[spmem:s2] =	stream.indirect.scatter.add.f32 [tilespmem:s18], [sflag:$0x3], $0x80, s23, s16, $0xb8;
	[tilespmem:$0x1E100] =	vst v63  }
0x41: {  	_ =	swait.ge [sflag:s14], $0x4000  }
0x42: {  	s23 =	smov.u32 s25;
	[sflag:s14] =	ssyncset.done $0x0  }
0x43: {  	s22 =	sshra.s32 s22, $0x2;
	[sflag:s14] =	ssyncadd.s32 $0xFFFFC000  }
0x44: {  	[tilespmem:s17], [sflag:$0x1] =	stream.indirect.gather [hbm4b:s1+s16], $0x80, s22, s16, $0xb8;
	[tilespmem:$0x1E100] =	vst v63  }
0x45: {  	s23 =	sadd.s32 $0x80, s22  }
0x46: {  	[tilespmem:s18], [sflag:$0x2] =	stream.indirect.gather [hbm4b:s1+s16], $0x80, s23, s16, $0xb8;
	[tilespmem:$0x1E100] =	vst v63  }
0x47: {  	_ =	swait.ge [sflag:s19], $0x4000  }
0x48: {  	[sflag:s19] =	ssyncset.done $0x0  }
0x49: {  	s25 =	sadd.s32 $0x1400, s22;
	[sflag:s19] =	ssyncadd.s32 $0xFFFFC000  }
0x4a: {  	[spmem:s2] =	stream.indirect.scatter.add.f32 [tilespmem:s17], [sflag:$0x3], $0x80, s25, s16, $0xb8;
	[tilespmem:$0x1E100] =	vst v63  }
0x4b: {  	_ =	swait.ge [sflag:s14], $0x4000  }
0x4c: {  	[sflag:s14] =	ssyncset.done $0x0  }
0x4d: {  	[sflag:s14] =	ssyncadd.s32 $0xFFFFC000  }
0x4e: {  	_ =	swait.ge [sflag:s20], $0x4000  }
0x4f: {  	[sflag:s20] =	ssyncset.done $0x0  }
0x50: {  	s22 =	sadd.s32 $0x1480, s22;
	[sflag:s20] =	ssyncadd.s32 $0xFFFFC000  }
0x51: {  	[spmem:s2] =	stream.indirect.scatter.add.f32 [tilespmem:s18], [sflag:$0x3], $0x80, s22, s16, $0xb8;
	[tilespmem:$0x1E100] =	vst v63  }
0x52: {  	_ =	swait.ge [sflag:s14], $0x4000  }
0x53: {  	[sflag:s14] =	ssyncset.done $0x0  }
0x54: {  	s26 =	simm.s32 $0x0;
	[sflag:s14] =	ssyncadd.s32 $0xFFFFC000  }
0x55: {  	[tilespmem:s26], [sflag:$0x3] =	stream.linear.gather [hbm4b:s9+s26], $0x1400, $0x38;
	[tilespmem:$0x1E100] =	vst v63  }
0x56: {  	_ =	swait.ge [sflag:s14], $0x1400  }
0x57: {  	[sflag:s14] =	ssyncset.done $0x0  }
0x58: {  	[sflag:s14] =	ssyncadd.s32 $0xFFFFEC00  }
0x59: {  	[tilespmem:s15], [sflag:$0x3] =	stream.linear.gather [hbm4b:s10+s26], $0x1400, $0x38;
	[tilespmem:$0x1E100] =	vst v63  }
0x5a: {  	_ =	swait.ge [sflag:s14], $0x1400  }
0x5b: {  	[sflag:s14] =	ssyncset.done $0x0  }
0x5c: {  	s28 =	simm.s32 $0x0;
	[sflag:s14] =	ssyncadd.s32 $0xFFFFEC00  }
0x5d: {  	[tilespmem:s17], [sflag:$0x1] =	stream.indirect.gather [hbm4b:s1+s16], $0x80, s28, s16, $0xb8;
	[tilespmem:$0x1E100] =	vst v63  }
0x5e: {  	s29 =	simm.s32 $0x80  }
0x5f: {  	[tilespmem:s18], [sflag:$0x2] =	stream.indirect.gather [hbm4b:s1+s16], $0x80, s29, s16, $0xb8;
	[tilespmem:$0x1E100] =	vst v63  }
0x60: {  	_ =	swait.ge [sflag:s19], $0x4000  }
0x61: {  	[sflag:s19] =	ssyncset.done $0x0  }
0x62: {  	s30 =	simm.s32 $0x1400;
	[sflag:s19] =	ssyncadd.s32 $0xFFFFC000  }
0x63: {  	[spmem:s2] =	stream.indirect.scatter.add.f32 [tilespmem:s17], [sflag:$0x3], $0x80, s30, s16, $0xb8;
	[tilespmem:$0x1E100] =	vst v63  }
0x64: {  	_ =	swait.ge [sflag:s14], $0x4000  }
0x65: {  	[sflag:s14] =	ssyncset.done $0x0  }
0x66: {  	[sflag:s14] =	ssyncadd.s32 $0xFFFFC000  }
0x67: {  	_ =	swait.ge [sflag:s20], $0x4000  }
0x68: {  	[sflag:s20] =	ssyncset.done $0x0  }
0x69: {  	s31 =	simm.s32 $0x1480;
	[sflag:s20] =	ssyncadd.s32 $0xFFFFC000  }
0x6a: {  	[spmem:s2] =	stream.indirect.scatter.add.f32 [tilespmem:s18], [sflag:$0x3], $0x80, s31, s16, $0xb8;
	[tilespmem:$0x1E100] =	vst v63  }
0x6b: {  	_ =	swait.ge [sflag:s14], $0x4000  }
0x6c: {  	s23 =	simm.s32 $0x800;
	s22 =	simm.s32 $0x400;
	[sflag:s14] =	ssyncset.done $0x0  }
.LBB2_4:
0x6d: {  	s24 =	sshra.s32 s22, $0x2  }
0x6e: {  	[sflag:s14] =	ssyncadd.s32 $0xFFFFC000;
	s22 =	smov.u32 s23;
	s25 =	sadd.s32 $0x400, s23  }
0x6f: {  	[tilespmem:s17], [sflag:$0x1] =	stream.indirect.gather [hbm4b:s1+s16], $0x80, s24, s16, $0xb8;
	[tilespmem:$0x1E100] =	vst v63  }
0x70: {  	p0 =	sne.s32 s23, $0x4C00;
	s23 =	sadd.s32 $0x80, s24  }
0x71: {  	[tilespmem:s18], [sflag:$0x2] =	stream.indirect.gather [hbm4b:s1+s16], $0x80, s23, s16, $0xb8;
	[tilespmem:$0x1E100] =	vst v63  }
0x72: {  	_ =	swait.ge [sflag:s19], $0x4000  }
0x73: {  	[sflag:s19] =	ssyncset.done $0x0  }
0x74: {  	s23 =	sadd.s32 $0x1400, s24;
	[sflag:s19] =	ssyncadd.s32 $0xFFFFC000  }
0x75: {  	[spmem:s2] =	stream.indirect.scatter.add.f32 [tilespmem:s17], [sflag:$0x3], $0x80, s23, s16, $0xb8;
	[tilespmem:$0x1E100] =	vst v63  }
0x76: {  	_ =	swait.ge [sflag:s14], $0x4000  }
0x77: {  	[sflag:s14] =	ssyncset.done $0x0  }
0x78: {  	[sflag:s14] =	ssyncadd.s32 $0xFFFFC000  }
0x79: {  	_ =	swait.ge [sflag:s20], $0x4000  }
.Ltmp1:
0x7a: {  	[sflag:s20] =	ssyncset.done $0x0;
	(pc) =	sbr.rel @p0 .LBB2_4-.Ltmp1, $4  }
0x7b: {  	s23 =	sadd.s32 $0x1480, s24;
	[sflag:s20] =	ssyncadd.s32 $0xFFFFC000  }
0x7c: {  	[spmem:s2] =	stream.indirect.scatter.add.f32 [tilespmem:s18], [sflag:$0x3], $0x80, s23, s16, $0xb8;
	[tilespmem:$0x1E100] =	vst v63  }
0x7d: {  	_ =	swait.ge [sflag:s14], $0x4000  }
0x7e: {  	s23 =	smov.u32 s25;
	[sflag:s14] =	ssyncset.done $0x0  }
0x7f: {  	s22 =	sshra.s32 s22, $0x2;
	[sflag:s14] =	ssyncadd.s32 $0xFFFFC000  }
0x80: {  	[tilespmem:s17], [sflag:$0x1] =	stream.indirect.gather [hbm4b:s1+s16], $0x80, s22, s16, $0xb8;
	[tilespmem:$0x1E100] =	vst v63  }
0x81: {  	s23 =	sadd.s32 $0x80, s22  }
0x82: {  	[tilespmem:s18], [sflag:$0x2] =	stream.indirect.gather [hbm4b:s1+s16], $0x80, s23, s16, $0xb8;
	[tilespmem:$0x1E100] =	vst v63  }
0x83: {  	_ =	swait.ge [sflag:s19], $0x4000  }
0x84: {  	[sflag:s19] =	ssyncset.done $0x0  }
0x85: {  	s31 =	sadd.s32 $0x1400, s22;
	[sflag:s19] =	ssyncadd.s32 $0xFFFFC000  }
0x86: {  	[spmem:s2] =	stream.indirect.scatter.add.f32 [tilespmem:s17], [sflag:$0x3], $0x80, s31, s16, $0xb8;
	[tilespmem:$0x1E100] =	vst v63  }
0x87: {  	_ =	swait.ge [sflag:s14], $0x4000  }
0x88: {  	[sflag:s14] =	ssyncset.done $0x0  }
0x89: {  	[sflag:s14] =	ssyncadd.s32 $0xFFFFC000  }
0x8a: {  	_ =	swait.ge [sflag:s20], $0x4000  }
0x8b: {  	[sflag:s20] =	ssyncset.done $0x0  }
0x8c: {  	s22 =	sadd.s32 $0x1480, s22;
	[sflag:s20] =	ssyncadd.s32 $0xFFFFC000  }
0x8d: {  	[spmem:s2] =	stream.indirect.scatter.add.f32 [tilespmem:s18], [sflag:$0x3], $0x80, s22, s16, $0xb8;
	[tilespmem:$0x1E100] =	vst v63  }
0x8e: {  	_ =	swait.ge [sflag:s14], $0x4000  }
0x8f: {  	[sflag:s14] =	ssyncset.done $0x0  }
0x90: {  	s21 =	sadd.s32 $0x1, s21;
	[sflag:s14] =	ssyncadd.s32 $0xFFFFC000  }
0x91: {  	p0 =	sne.s32 s21, s12;
	[bflag:$0x0] =	sbarrier.arrive $0xFFFF  }
0x92: {  	[hbm:s11], [sflag:s6] =	dma.local [spmem:s13], $0x2800  }
.Ltmp2:
0x93: {  	_ =	swait.ge [sflag:s14], $0x2800;
	(pc) =	sbr.rel @p0 .LBB2_1-.Ltmp2, $3  }
0x94: {  	[sflag:s14] =	ssyncset.done $0x0  }
0x95: {  	[sflag:s14] =	ssyncadd.s32 $0xFFFFD800  }
0x96: {  	[bflag:$0x0] =	sbarrier.arrive $0xFFFF;
	_ =	sdelay $0x1  }
0x97: {  	_ =	sfence.sel $0x180000  }
0x98: {  	[bflag:$0x0] =	sbarrier.arrive $0xFFFF  }
0x99: {  	p0 =	sne.s32 s3, $0x0;
	_ =	strace $0x90000050  }
0x9a: {  	s0 =	sadd.s32 @!p0 $0x100000, s0;
	[bflag:$0x2] =	sbarrier.arrive $0xFFFF  }
0x9b: {  	[sflag:s0] =	ssyncadd.tile.s32 @!p0 $0x1;
	_ =	shalt  }
.Lfunc_end2:
_tile_overlayer_lowered:
.L_overlay_start_2:
0x9c: {  	(tag) =	ssettag $0x2  }
0x9d: {  	s0 =	rddreg [dreg:$0x0];
	s2 =	stileid.u32  }
0x9e: {  	s1 =	rddreg [dreg:$0x1];
	p0 =	sne.s32 s2, $0x0  }
0x9f: {  	s3 =	rddreg [dreg:$0x2];
	[bflag:$0x3] =	sbarrier.arrive $0xFFFF;
	s2 =	simm.s32 @!p0 $0x1C03  }
0xa0: {  	[timem:s3], [sflag:s2] =	dma.local @!p0 [hbm:s0], s1  }
0xa1: {  	s0 =	simm.s32 @!p0 $0x3  }
0xa2: {  	_ =	swait.ge @!p0 [sflag:s0], s1  }
0xa3: {  	s1 =	ssub.s32 @!p0 $0x0, s1;
	[sflag:s0] =	ssyncset.done @!p0 $0x0  }
0xa4: {  	[sflag:s0] =	ssyncadd.s32 @!p0 s1  }
0xa5: {  	[bflag:$0x3] =	sbarrier.arrive $0xFFFF  }
0xa6: {  	_ =	shalt  }

</sc_bundles>
